<compile_context>
chip_gen: v7x
topology: tpu7x:2x2x1
jax: 0.10.2.dev20260603
libtpu: 0.0.44.dev20260713+nightly
codegen_flags: <defaults>
</compile_context>

<pallas_src>
import functools

import jax
import jax.numpy as jnp
from jax import lax
from jax.experimental import pallas as pl
from jax.experimental.pallas import tpu as pltpu
from jax.experimental.pallas import tpu_sc as plsc

LANES = 16


def _sc_pool(x, embed_table):
    B, L = x.shape
    _, D2 = embed_table.shape
    NF = D2 // LANES

    info = plsc.get_sparse_core_info()
    NC, NS = info.num_cores, info.num_subcores
    NW = NC * NS
    b_per_w = B // NW

    mesh = plsc.VectorSubcoreMesh(core_axis_name="c", subcore_axis_name="s")
    inv_l = 1.0 / L
    CHUNK = 32
    NBUF = 8
    PAIR = 1
    LP = L * PAIR
    pairs_per_w = b_per_w // PAIR
    n_steps = pairs_per_w // NBUF

    @functools.partial(
        pl.kernel,
        mesh=mesh,
        out_type=jax.ShapeDtypeStruct((B, D2), jnp.float32),
        scratch_types=[
            pltpu.VMEM((pairs_per_w, LP), jnp.int32),
            pltpu.VMEM((NBUF, LP, D2), jnp.float32),
            pltpu.VMEM((CHUNK, D2), jnp.float32),
*([pltpu.SemaphoreType.DMA] * 8),
        ],
    )
    def k(x_hbm, table_hbm, dummy_hbm, out_hbm, idx_v, rows_v, pooled_v,
          *sems):
        wid = lax.axis_index("s") * NC + lax.axis_index("c")
        base = wid * b_per_w
        pbase = wid * pairs_per_w

        pltpu.sync_copy(x_hbm.at[pl.ds(pbase, pairs_per_w)], idx_v)

        for p in range(NBUF):
            pltpu.async_copy(table_hbm.at[idx_v.at[p]], rows_v.at[p], sems[p])

        rows_per_step = NBUF * PAIR
        steps_per_chunk = CHUNK // rows_per_step

        def step(i2, carry):
            for p in range(NBUF):
                pr = i2 * NBUF + p
                pltpu.make_async_copy(dummy_hbm, rows_v.at[p], sems[p]).wait()
                FB = 4
                UJ = 5
                for r in range(PAIR):
                    islot = lax.rem(pr * PAIR + r, CHUNK)
                    j0 = r * L
                    for fg in range(0, NF, FB):
                        def acc_body(jj, accs, p=p, j0=j0, fg=fg):
                            jb = j0 + jj * UJ
                            for u in range(UJ):
                                accs = tuple(
                                    accs[f] + rows_v[
                                        p, jb + u,
                                        pl.ds((fg + f) * LANES, LANES)]
                                    for f in range(FB))
                            return accs
                        accs = lax.fori_loop(
                            0, L // UJ, acc_body,
                            tuple(jnp.zeros((LANES,), jnp.float32)
                                  for _ in range(FB)))
                        for f in range(FB):
                            pooled_v[islot, pl.ds((fg + f) * LANES, LANES)] = (
                                accs[f] * inv_l)
                @pl.when(i2 < n_steps - 1)
                def _():
                    pltpu.async_copy(
                        table_hbm.at[idx_v.at[pr + NBUF]], rows_v.at[p], sems[p]
                    )
                if p == NBUF - 1:
                    @pl.when(lax.rem(i2, steps_per_chunk) == steps_per_chunk - 1)
                    def _():
                        cstart = pl.multiple_of(
                            base + (pr + 1) * PAIR - CHUNK, CHUNK)
                        pltpu.sync_copy(
                            pooled_v, out_hbm.at[pl.ds(cstart, CHUNK)]
                        )
            return carry

        lax.fori_loop(0, n_steps, step, 0)

    return k(x.reshape(B // PAIR, LP), embed_table,
             jnp.zeros((LP, D2), jnp.float32))


def _tc_head(pooled, w, bias):
    B, D2 = pooled.shape
    D = w.shape[0]
    BM = 2048

    def body(p_ref, w_ref, b_ref, o_ref):
        acc = lax.dot_general(
            p_ref[...], w_ref[...], (((1,), (1,)), ((), ())),
            preferred_element_type=jnp.float32)
        o_ref[...] = jnp.tanh(acc + b_ref[...])

    return pl.pallas_call(
        body,
        grid=(B // BM,),
        in_specs=[
            pl.BlockSpec((BM, D2), lambda i: (i, 0)),
            pl.BlockSpec((D, D2), lambda i: (0, 0)),
            pl.BlockSpec((D,), lambda i: (0,)),
        ],
        out_specs=pl.BlockSpec((BM, D), lambda i: (i, 0)),
        out_shape=jax.ShapeDtypeStruct((B, D), jnp.float32),
    )(pooled, w, bias)


def kernel(x, embed_table, W, b):
    x = x.astype(jnp.int32)
    pooled = _sc_pool(x, embed_table)
    return _tc_head(pooled, W, b)

# --- scband reference (transcript-rebuilt; emitter-appended) ---
"""Pipeline reference for scband-sutra-embedding-74285754352278 (READ-ONLY COPY).

The authoritative reference and input builder live on the scoring server;
editing this copy changes nothing except your own understanding.
"""

import jax, jax.numpy as jnp
import numpy as np

VOCAB = 1000000
SUTRA_DIM = 64
B = 16384
L = 50

def setup_inputs(seed: int = 0) -> dict:
    key = jax.random.key(seed)
    k1, k2, k3, k4 = jax.random.split(key, 4)
    x = jax.random.randint(k1, (B, L), 0, VOCAB, dtype=jnp.int64 if jax.config.jax_enable_x64 else jnp.int32)
    embed_table = jax.random.normal(k2, (VOCAB, SUTRA_DIM * 2), dtype=jnp.float32)
    # nn.Linear(sutra_dim*2, sutra_dim): weight [out, in], bias [out]
    lim = 1.0 / np.sqrt(SUTRA_DIM * 2)
    W = jax.random.uniform(k3, (SUTRA_DIM, SUTRA_DIM * 2), minval=-lim, maxval=lim, dtype=jnp.float32)
    b = jax.random.uniform(k4, (SUTRA_DIM,), minval=-lim, maxval=lim, dtype=jnp.float32)
    return {"x": x, "embed_table": embed_table, "W": W, "b": b}

def reference(x, embed_table, W, b):
    # embedding lookup (gather)
    embedded = jnp.take(embed_table, x, axis=0)          # [B, L, 2*D]
    pooled = embedded.mean(axis=1)                        # [B, 2*D]
    sutra_form = jnp.tanh(pooled @ W.T + b)               # [B, D]
    return sutra_form

if __name__ == "__main__":
    import jax
    _d = setup_inputs()
    print(jax.jit(kernel)(*tuple(_d.values())))

</pallas_src>

<mosaic_0001>
#map = affine_map<(d0, d1) -> (0, 0)>
module attributes {stable_mosaic.version = 14 : i64} {
  func.func @k(%arg0: i32, %arg1: i32, %arg2: memref<16384x50xi32, #tpu.memory_space<hbm>>, %arg3: memref<1000000x128xf32, #tpu.memory_space<hbm>>, %arg4: memref<50x128xf32, #tpu.memory_space<hbm>>, %arg5: memref<16384x128xf32, #tpu.memory_space<hbm>>, %arg6: memref<512x50xi32, #tpu.memory_space<vmem>>, %arg7: memref<8x50x128xf32, #tpu.memory_space<vmem>>, %arg8: memref<32x128xf32, #tpu.memory_space<vmem>>, %arg9: memref<!tpu.dma_semaphore, #tpu.memory_space<semaphore_mem>>, %arg10: memref<!tpu.dma_semaphore, #tpu.memory_space<semaphore_mem>>, %arg11: memref<!tpu.dma_semaphore, #tpu.memory_space<semaphore_mem>>, %arg12: memref<!tpu.dma_semaphore, #tpu.memory_space<semaphore_mem>>, %arg13: memref<!tpu.dma_semaphore, #tpu.memory_space<semaphore_mem>>, %arg14: memref<!tpu.dma_semaphore, #tpu.memory_space<semaphore_mem>>, %arg15: memref<!tpu.dma_semaphore, #tpu.memory_space<semaphore_mem>>, %arg16: memref<!tpu.dma_semaphore, #tpu.memory_space<semaphore_mem>>) attributes {dimension_semantics = [#tpu.dimension_semantics<core_parallel>, #tpu.dimension_semantics<subcore_parallel>], iteration_bounds = array<i64: 2, 16>, scalar_prefetch = 0 : i64, scratch_operands = 11 : i64, tpu.core_type = #tpu.core_type<sc_vector_subcore>, window_params = [{transform_indices = #map}, {transform_indices = #map}, {transform_indices = #map}, {transform_indices = #map}]} {
    %mul3A = arith.constant 2 : i32
    %mul3A_0 = arith.muli %arg1, %mul3A : i32
    %add3A = arith.addi %mul3A_0, %arg0 : i32
    %mul3A_1 = arith.constant 512 : i32
    %mul3A_2 = arith.muli %add3A, %mul3A_1 : i32
    %mul3A_3 = arith.constant 512 : i32
    %mul3A_4 = arith.muli %add3A, %mul3A_3 : i32
    "tpu.region"() ({
      %run_scoped3A = tpu.sem_alloc : memref<!tpu.dma_semaphore, #tpu.memory_space<semaphore_mem>>
      %dma_start3A_105 = arith.constant 0 : i32
      %dma_start3A_106 = tpu.memref_slice %arg2[%mul3A_4, %dma_start3A_105] : memref<16384x50xi32, #tpu.memory_space<hbm>> -> memref<512x50xi32, #tpu.memory_space<hbm>>
      %dma_start3A_107 = arith.constant 0 : i32
      %dma_start3A_108 = tpu.memref_slice %arg2[%mul3A_4, %dma_start3A_107] : memref<16384x50xi32, #tpu.memory_space<hbm>> -> memref<512x50xi32, #tpu.memory_space<hbm>>
      tpu.enqueue_dma source(%dma_start3A_108 : memref<512x50xi32, #tpu.memory_space<hbm>>) target(%arg6 : memref<512x50xi32, #tpu.memory_space<vmem>>) target_semaphore(%run_scoped3A : memref<!tpu.dma_semaphore, #tpu.memory_space<semaphore_mem>>)
      %dma_wait3A = arith.constant 0 : i32
      %dma_wait3A_109 = tpu.memref_slice %arg2[%mul3A_4, %dma_wait3A] : memref<16384x50xi32, #tpu.memory_space<hbm>> -> memref<512x50xi32, #tpu.memory_space<hbm>>
      %dma_wait3A_110 = arith.constant 0 : i32
      %dma_wait3A_111 = tpu.memref_slice %arg2[%mul3A_4, %dma_wait3A_110] : memref<16384x50xi32, #tpu.memory_space<hbm>> -> memref<512x50xi32, #tpu.memory_space<hbm>>
      tpu.wait_dma2 semaphore(%run_scoped3A : memref<!tpu.dma_semaphore, #tpu.memory_space<semaphore_mem>>) src(%dma_wait3A_111 : memref<512x50xi32, #tpu.memory_space<hbm>>) dst(%arg6 : memref<512x50xi32, #tpu.memory_space<vmem>>)
      tpu.yield
    }) : () -> ()
    %dma_start3A = arith.constant 0 : i32
    %dma_start3A_5 = arith.constant 0 : i32
    %dma_start3A_6 = arith.constant 0 : i32
    %dma_start3A_7 = arith.constant 0 : i32
    %dma_start3A_8 = tpu.memref_slice %arg7[%dma_start3A_5, %dma_start3A_6, %dma_start3A_7] : memref<8x50x128xf32, #tpu.memory_space<vmem>> -> memref<1x50x128xf32, #tpu.memory_space<vmem>>
    %dma_start3A_9 = tpu.memref_squeeze %dma_start3A_8 : memref<1x50x128xf32, #tpu.memory_space<vmem>> -> memref<50x128xf32, #tpu.memory_space<vmem>>
    %dma_start3A_10 = arith.constant 0 : i32
    %dma_start3A_11 = tpu.memref_slice %arg6[%dma_start3A, %dma_start3A_10] : memref<512x50xi32, #tpu.memory_space<vmem>> -> memref<1x50xi32, #tpu.memory_space<vmem>>
    %dma_start3A_12 = tpu.memref_squeeze %dma_start3A_11 : memref<1x50xi32, #tpu.memory_space<vmem>> -> memref<50xi32, #tpu.memory_space<vmem>>
    %dma_start3A_13 = arith.constant 0 : i32
    %dma_start3A_14 = arith.constant 0 : i32
    %dma_start3A_15 = tpu.memref_slice %arg3[%dma_start3A_13, %dma_start3A_14] : memref<1000000x128xf32, #tpu.memory_space<hbm>> -> memref<1000000x128xf32, #tpu.memory_space<hbm>>
    tpu.enqueue_indirect_dma source(%dma_start3A_15 : memref<1000000x128xf32, #tpu.memory_space<hbm>>) target(%dma_start3A_9 : memref<50x128xf32, #tpu.memory_space<vmem>>) offsets(%dma_start3A_12 : memref<50xi32, #tpu.memory_space<vmem>>) semaphore(%arg9 : memref<!tpu.dma_semaphore, #tpu.memory_space<semaphore_mem>>)
    %dma_start3A_16 = arith.constant 1 : i32
    %dma_start3A_17 = arith.constant 1 : i32
    %dma_start3A_18 = arith.constant 0 : i32
    %dma_start3A_19 = arith.constant 0 : i32
    %dma_start3A_20 = tpu.memref_slice %arg7[%dma_start3A_17, %dma_start3A_18, %dma_start3A_19] : memref<8x50x128xf32, #tpu.memory_space<vmem>> -> memref<1x50x128xf32, #tpu.memory_space<vmem>>
    %dma_start3A_21 = tpu.memref_squeeze %dma_start3A_20 : memref<1x50x128xf32, #tpu.memory_space<vmem>> -> memref<50x128xf32, #tpu.memory_space<vmem>>
    %dma_start3A_22 = arith.constant 0 : i32
    %dma_start3A_23 = tpu.memref_slice %arg6[%dma_start3A_16, %dma_start3A_22] : memref<512x50xi32, #tpu.memory_space<vmem>> -> memref<1x50xi32, #tpu.memory_space<vmem>>
    %dma_start3A_24 = tpu.memref_squeeze %dma_start3A_23 : memref<1x50xi32, #tpu.memory_space<vmem>> -> memref<50xi32, #tpu.memory_space<vmem>>
    %dma_start3A_25 = arith.constant 0 : i32
    %dma_start3A_26 = arith.constant 0 : i32
    %dma_start3A_27 = tpu.memref_slice %arg3[%dma_start3A_25, %dma_start3A_26] : memref<1000000x128xf32, #tpu.memory_space<hbm>> -> memref<1000000x128xf32, #tpu.memory_space<hbm>>
    tpu.enqueue_indirect_dma source(%dma_start3A_27 : memref<1000000x128xf32, #tpu.memory_space<hbm>>) target(%dma_start3A_21 : memref<50x128xf32, #tpu.memory_space<vmem>>) offsets(%dma_start3A_24 : memref<50xi32, #tpu.memory_space<vmem>>) semaphore(%arg10 : memref<!tpu.dma_semaphore, #tpu.memory_space<semaphore_mem>>)
    %dma_start3A_28 = arith.constant 2 : i32
    %dma_start3A_29 = arith.constant 2 : i32
    %dma_start3A_30 = arith.constant 0 : i32
    %dma_start3A_31 = arith.constant 0 : i32
    %dma_start3A_32 = tpu.memref_slice %arg7[%dma_start3A_29, %dma_start3A_30, %dma_start3A_31] : memref<8x50x128xf32, #tpu.memory_space<vmem>> -> memref<1x50x128xf32, #tpu.memory_space<vmem>>
    %dma_start3A_33 = tpu.memref_squeeze %dma_start3A_32 : memref<1x50x128xf32, #tpu.memory_space<vmem>> -> memref<50x128xf32, #tpu.memory_space<vmem>>
    %dma_start3A_34 = arith.constant 0 : i32
    %dma_start3A_35 = tpu.memref_slice %arg6[%dma_start3A_28, %dma_start3A_34] : memref<512x50xi32, #tpu.memory_space<vmem>> -> memref<1x50xi32, #tpu.memory_space<vmem>>
    %dma_start3A_36 = tpu.memref_squeeze %dma_start3A_35 : memref<1x50xi32, #tpu.memory_space<vmem>> -> memref<50xi32, #tpu.memory_space<vmem>>
    %dma_start3A_37 = arith.constant 0 : i32
    %dma_start3A_38 = arith.constant 0 : i32
    %dma_start3A_39 = tpu.memref_slice %arg3[%dma_start3A_37, %dma_start3A_38] : memref<1000000x128xf32, #tpu.memory_space<hbm>> -> memref<1000000x128xf32, #tpu.memory_space<hbm>>
    tpu.enqueue_indirect_dma source(%dma_start3A_39 : memref<1000000x128xf32, #tpu.memory_space<hbm>>) target(%dma_start3A_33 : memref<50x128xf32, #tpu.memory_space<vmem>>) offsets(%dma_start3A_36 : memref<50xi32, #tpu.memory_space<vmem>>) semaphore(%arg11 : memref<!tpu.dma_semaphore, #tpu.memory_space<semaphore_mem>>)
    %dma_start3A_40 = arith.constant 3 : i32
    %dma_start3A_41 = arith.constant 3 : i32
    %dma_start3A_42 = arith.constant 0 : i32
    %dma_start3A_43 = arith.constant 0 : i32
    %dma_start3A_44 = tpu.memref_slice %arg7[%dma_start3A_41, %dma_start3A_42, %dma_start3A_43] : memref<8x50x128xf32, #tpu.memory_space<vmem>> -> memref<1x50x128xf32, #tpu.memory_space<vmem>>
    %dma_start3A_45 = tpu.memref_squeeze %dma_start3A_44 : memref<1x50x128xf32, #tpu.memory_space<vmem>> -> memref<50x128xf32, #tpu.memory_space<vmem>>
    %dma_start3A_46 = arith.constant 0 : i32
    %dma_start3A_47 = tpu.memref_slice %arg6[%dma_start3A_40, %dma_start3A_46] : memref<512x50xi32, #tpu.memory_space<vmem>> -> memref<1x50xi32, #tpu.memory_space<vmem>>
    %dma_start3A_48 = tpu.memref_squeeze %dma_start3A_47 : memref<1x50xi32, #tpu.memory_space<vmem>> -> memref<50xi32, #tpu.memory_space<vmem>>
    %dma_start3A_49 = arith.constant 0 : i32
    %dma_start3A_50 = arith.constant 0 : i32
    %dma_start3A_51 = tpu.memref_slice %arg3[%dma_start3A_49, %dma_start3A_50] : memref<1000000x128xf32, #tpu.memory_space<hbm>> -> memref<1000000x128xf32, #tpu.memory_space<hbm>>
    tpu.enqueue_indirect_dma source(%dma_start3A_51 : memref<1000000x128xf32, #tpu.memory_space<hbm>>) target(%dma_start3A_45 : memref<50x128xf32, #tpu.memory_space<vmem>>) offsets(%dma_start3A_48 : memref<50xi32, #tpu.memory_space<vmem>>) semaphore(%arg12 : memref<!tpu.dma_semaphore, #tpu.memory_space<semaphore_mem>>)
    %dma_start3A_52 = arith.constant 4 : i32
    %dma_start3A_53 = arith.constant 4 : i32
    %dma_start3A_54 = arith.constant 0 : i32
    %dma_start3A_55 = arith.constant 0 : i32
    %dma_start3A_56 = tpu.memref_slice %arg7[%dma_start3A_53, %dma_start3A_54, %dma_start3A_55] : memref<8x50x128xf32, #tpu.memory_space<vmem>> -> memref<1x50x128xf32, #tpu.memory_space<vmem>>
    %dma_start3A_57 = tpu.memref_squeeze %dma_start3A_56 : memref<1x50x128xf32, #tpu.memory_space<vmem>> -> memref<50x128xf32, #tpu.memory_space<vmem>>
    %dma_start3A_58 = arith.constant 0 : i32
    %dma_start3A_59 = tpu.memref_slice %arg6[%dma_start3A_52, %dma_start3A_58] : memref<512x50xi32, #tpu.memory_space<vmem>> -> memref<1x50xi32, #tpu.memory_space<vmem>>
    %dma_start3A_60 = tpu.memref_squeeze %dma_start3A_59 : memref<1x50xi32, #tpu.memory_space<vmem>> -> memref<50xi32, #tpu.memory_space<vmem>>
    %dma_start3A_61 = arith.constant 0 : i32
    %dma_start3A_62 = arith.constant 0 : i32
    %dma_start3A_63 = tpu.memref_slice %arg3[%dma_start3A_61, %dma_start3A_62] : memref<1000000x128xf32, #tpu.memory_space<hbm>> -> memref<1000000x128xf32, #tpu.memory_space<hbm>>
    tpu.enqueue_indirect_dma source(%dma_start3A_63 : memref<1000000x128xf32, #tpu.memory_space<hbm>>) target(%dma_start3A_57 : memref<50x128xf32, #tpu.memory_space<vmem>>) offsets(%dma_start3A_60 : memref<50xi32, #tpu.memory_space<vmem>>) semaphore(%arg13 : memref<!tpu.dma_semaphore, #tpu.memory_space<semaphore_mem>>)
    %dma_start3A_64 = arith.constant 5 : i32
    %dma_start3A_65 = arith.constant 5 : i32
    %dma_start3A_66 = arith.constant 0 : i32
    %dma_start3A_67 = arith.constant 0 : i32
    %dma_start3A_68 = tpu.memref_slice %arg7[%dma_start3A_65, %dma_start3A_66, %dma_start3A_67] : memref<8x50x128xf32, #tpu.memory_space<vmem>> -> memref<1x50x128xf32, #tpu.memory_space<vmem>>
    %dma_start3A_69 = tpu.memref_squeeze %dma_start3A_68 : memref<1x50x128xf32, #tpu.memory_space<vmem>> -> memref<50x128xf32, #tpu.memory_space<vmem>>
    %dma_start3A_70 = arith.constant 0 : i32
    %dma_start3A_71 = tpu.memref_slice %arg6[%dma_start3A_64, %dma_start3A_70] : memref<512x50xi32, #tpu.memory_space<vmem>> -> memref<1x50xi32, #tpu.memory_space<vmem>>
    %dma_start3A_72 = tpu.memref_squeeze %dma_start3A_71 : memref<1x50xi32, #tpu.memory_space<vmem>> -> memref<50xi32, #tpu.memory_space<vmem>>
    %dma_start3A_73 = arith.constant 0 : i32
    %dma_start3A_74 = arith.constant 0 : i32
    %dma_start3A_75 = tpu.memref_slice %arg3[%dma_start3A_73, %dma_start3A_74] : memref<1000000x128xf32, #tpu.memory_space<hbm>> -> memref<1000000x128xf32, #tpu.memory_space<hbm>>
    tpu.enqueue_indirect_dma source(%dma_start3A_75 : memref<1000000x128xf32, #tpu.memory_space<hbm>>) target(%dma_start3A_69 : memref<50x128xf32, #tpu.memory_space<vmem>>) offsets(%dma_start3A_72 : memref<50xi32, #tpu.memory_space<vmem>>) semaphore(%arg14 : memref<!tpu.dma_semaphore, #tpu.memory_space<semaphore_mem>>)
    %dma_start3A_76 = arith.constant 6 : i32
    %dma_start3A_77 = arith.constant 6 : i32
    %dma_start3A_78 = arith.constant 0 : i32
    %dma_start3A_79 = arith.constant 0 : i32
    %dma_start3A_80 = tpu.memref_slice %arg7[%dma_start3A_77, %dma_start3A_78, %dma_start3A_79] : memref<8x50x128xf32, #tpu.memory_space<vmem>> -> memref<1x50x128xf32, #tpu.memory_space<vmem>>
    %dma_start3A_81 = tpu.memref_squeeze %dma_start3A_80 : memref<1x50x128xf32, #tpu.memory_space<vmem>> -> memref<50x128xf32, #tpu.memory_space<vmem>>
    %dma_start3A_82 = arith.constant 0 : i32
    %dma_start3A_83 = tpu.memref_slice %arg6[%dma_start3A_76, %dma_start3A_82] : memref<512x50xi32, #tpu.memory_space<vmem>> -> memref<1x50xi32, #tpu.memory_space<vmem>>
    %dma_start3A_84 = tpu.memref_squeeze %dma_start3A_83 : memref<1x50xi32, #tpu.memory_space<vmem>> -> memref<50xi32, #tpu.memory_space<vmem>>
    %dma_start3A_85 = arith.constant 0 : i32
    %dma_start3A_86 = arith.constant 0 : i32
    %dma_start3A_87 = tpu.memref_slice %arg3[%dma_start3A_85, %dma_start3A_86] : memref<1000000x128xf32, #tpu.memory_space<hbm>> -> memref<1000000x128xf32, #tpu.memory_space<hbm>>
    tpu.enqueue_indirect_dma source(%dma_start3A_87 : memref<1000000x128xf32, #tpu.memory_space<hbm>>) target(%dma_start3A_81 : memref<50x128xf32, #tpu.memory_space<vmem>>) offsets(%dma_start3A_84 : memref<50xi32, #tpu.memory_space<vmem>>) semaphore(%arg15 : memref<!tpu.dma_semaphore, #tpu.memory_space<semaphore_mem>>)
    %dma_start3A_88 = arith.constant 7 : i32
    %dma_start3A_89 = arith.constant 7 : i32
    %dma_start3A_90 = arith.constant 0 : i32
    %dma_start3A_91 = arith.constant 0 : i32
    %dma_start3A_92 = tpu.memref_slice %arg7[%dma_start3A_89, %dma_start3A_90, %dma_start3A_91] : memref<8x50x128xf32, #tpu.memory_space<vmem>> -> memref<1x50x128xf32, #tpu.memory_space<vmem>>
    %dma_start3A_93 = tpu.memref_squeeze %dma_start3A_92 : memref<1x50x128xf32, #tpu.memory_space<vmem>> -> memref<50x128xf32, #tpu.memory_space<vmem>>
    %dma_start3A_94 = arith.constant 0 : i32
    %dma_start3A_95 = tpu.memref_slice %arg6[%dma_start3A_88, %dma_start3A_94] : memref<512x50xi32, #tpu.memory_space<vmem>> -> memref<1x50xi32, #tpu.memory_space<vmem>>
    %dma_start3A_96 = tpu.memref_squeeze %dma_start3A_95 : memref<1x50xi32, #tpu.memory_space<vmem>> -> memref<50xi32, #tpu.memory_space<vmem>>
    %dma_start3A_97 = arith.constant 0 : i32
    %dma_start3A_98 = arith.constant 0 : i32
    %dma_start3A_99 = tpu.memref_slice %arg3[%dma_start3A_97, %dma_start3A_98] : memref<1000000x128xf32, #tpu.memory_space<hbm>> -> memref<1000000x128xf32, #tpu.memory_space<hbm>>
    tpu.enqueue_indirect_dma source(%dma_start3A_99 : memref<1000000x128xf32, #tpu.memory_space<hbm>>) target(%dma_start3A_93 : memref<50x128xf32, #tpu.memory_space<vmem>>) offsets(%dma_start3A_96 : memref<50xi32, #tpu.memory_space<vmem>>) semaphore(%arg16 : memref<!tpu.dma_semaphore, #tpu.memory_space<semaphore_mem>>)
    %scan3A = arith.constant 0 : i32
    %scan3A_100 = arith.constant 0 : i32
    %scan3A_101 = arith.constant 64 : i32
    %scan3A_102 = arith.addi %scan3A_100, %scan3A_101 : i32
    %scan3A_103 = arith.constant 1 : i32
    scf.for %scan3A_105 = %scan3A_100 to %scan3A_102 step %scan3A_103  : i32 {
      %mul3A_106 = arith.constant 8 : i32
      %mul3A_107 = arith.muli %scan3A_105, %mul3A_106 : i32
      %add3A_108 = arith.constant 0 : i32
      %add3A_109 = arith.addi %mul3A_107, %add3A_108 : i32
      %dma_wait3A = arith.constant 0 : i32
      %dma_wait3A_110 = arith.constant 0 : i32
      %dma_wait3A_111 = arith.constant 0 : i32
      %dma_wait3A_112 = tpu.memref_slice %arg7[%dma_wait3A, %dma_wait3A_110, %dma_wait3A_111] : memref<8x50x128xf32, #tpu.memory_space<vmem>> -> memref<1x50x128xf32, #tpu.memory_space<vmem>>
      %dma_wait3A_113 = tpu.memref_squeeze %dma_wait3A_112 : memref<1x50x128xf32, #tpu.memory_space<vmem>> -> memref<50x128xf32, #tpu.memory_space<vmem>>
      %dma_wait3A_114 = arith.constant 0 : i32
      %dma_wait3A_115 = arith.constant 0 : i32
      %dma_wait3A_116 = tpu.memref_slice %arg7[%dma_wait3A, %dma_wait3A_114, %dma_wait3A_115] : memref<8x50x128xf32, #tpu.memory_space<vmem>> -> memref<1x50x128xf32, #tpu.memory_space<vmem>>
      %dma_wait3A_117 = tpu.memref_squeeze %dma_wait3A_116 : memref<1x50x128xf32, #tpu.memory_space<vmem>> -> memref<50x128xf32, #tpu.memory_space<vmem>>
      tpu.wait_dma2 semaphore(%arg9 : memref<!tpu.dma_semaphore, #tpu.memory_space<semaphore_mem>>) src(%arg4 : memref<50x128xf32, #tpu.memory_space<hbm>>) dst(%dma_wait3A_117 : memref<50x128xf32, #tpu.memory_space<vmem>>)
      %mul3A_118 = arith.constant 1 : i32
      %mul3A_119 = arith.muli %add3A_109, %mul3A_118 : i32
      %add3A_120 = arith.constant 0 : i32
      %add3A_121 = arith.addi %mul3A_119, %add3A_120 : i32
      %rem3A = arith.constant 32 : i32
      %rem3A_122 = arith.remsi %add3A_121, %rem3A : i32
      %broadcast_in_dim3A = arith.constant 0.000000e+00 : f32
      %broadcast_in_dim3A_123 = vector.broadcast %broadcast_in_dim3A : f32 to vector<16xf32>
      %broadcast_in_dim3A_124 = arith.constant 0.000000e+00 : f32
      %broadcast_in_dim3A_125 = vector.broadcast %broadcast_in_dim3A_124 : f32 to vector<16xf32>
      %broadcast_in_dim3A_126 = arith.constant 0.000000e+00 : f32
      %broadcast_in_dim3A_127 = vector.broadcast %broadcast_in_dim3A_126 : f32 to vector<16xf32>
      %broadcast_in_dim3A_128 = arith.constant 0.000000e+00 : f32
      %broadcast_in_dim3A_129 = vector.broadcast %broadcast_in_dim3A_128 : f32 to vector<16xf32>
      %scan3A_130 = arith.constant 0 : i32
      %scan3A_131 = arith.constant 10 : i32
      %scan3A_132 = arith.addi %scan3A_130, %scan3A_131 : i32
      %scan3A_133 = arith.constant 1 : i32
      %scan3A_134:4 = scf.for %scan3A_1033 = %scan3A_130 to %scan3A_132 step %scan3A_133 iter_args(%scan3A_1034 = %broadcast_in_dim3A_123, %scan3A_1035 = %broadcast_in_dim3A_125, %scan3A_1036 = %broadcast_in_dim3A_127, %scan3A_1037 = %broadcast_in_dim3A_129) -> (vector<16xf32>, vector<16xf32>, vector<16xf32>, vector<16xf32>)  : i32 {
        %mul3A_1038 = arith.constant 5 : i32
        %mul3A_1039 = arith.muli %scan3A_1033, %mul3A_1038 : i32
        %add3A_1040 = arith.constant 0 : i32
        %add3A_1041 = arith.addi %add3A_1040, %mul3A_1039 : i32
        %add3A_1042 = arith.constant 0 : i32
        %add3A_1043 = arith.addi %add3A_1041, %add3A_1042 : i32
        %get3A = arith.constant 0 : i32
        %get3A_1044 = arith.index_cast %get3A : i32 to index
        %get3A_1045 = arith.index_cast %add3A_1043 : i32 to index
        %get3A_1046 = arith.constant 0 : index
        %get3A_1047 = tpu.vector_load %arg7[%get3A_1044, %get3A_1045, %get3A_1046] {strides = array<i32>} : memref<8x50x128xf32, #tpu.memory_space<vmem>>, vector<1x1x16xf32>,
        %get3A_1048 = vector.shape_cast %get3A_1047 : vector<1x1x16xf32> to vector<16xf32>
        %add3A_1049 = arith.addf %scan3A_1034, %get3A_1048 : vector<16xf32>
        %add3A_1050 = arith.constant 0 : i32
        %add3A_1051 = arith.addi %add3A_1041, %add3A_1050 : i32
        %get3A_1052 = arith.constant 0 : i32
        %get3A_1053 = arith.index_cast %get3A_1052 : i32 to index
        %get3A_1054 = arith.index_cast %add3A_1051 : i32 to index
        %get3A_1055 = arith.constant 16 : index
        %get3A_1056 = tpu.vector_load %arg7[%get3A_1053, %get3A_1054, %get3A_1055] {strides = array<i32>} : memref<8x50x128xf32, #tpu.memory_space<vmem>>, vector<1x1x16xf32>,
        %get3A_1057 = vector.shape_cast %get3A_1056 : vector<1x1x16xf32> to vector<16xf32>
        %add3A_1058 = arith.addf %scan3A_1035, %get3A_1057 : vector<16xf32>
        %add3A_1059 = arith.constant 0 : i32
        %add3A_1060 = arith.addi %add3A_1041, %add3A_1059 : i32
        %get3A_1061 = arith.constant 0 : i32
        %get3A_1062 = arith.index_cast %get3A_1061 : i32 to index
        %get3A_1063 = arith.index_cast %add3A_1060 : i32 to index
        %get3A_1064 = arith.constant 32 : index
        %get3A_1065 = tpu.vector_load %arg7[%get3A_1062, %get3A_1063, %get3A_1064] {strides = array<i32>} : memref<8x50x128xf32, #tpu.memory_space<vmem>>, vector<1x1x16xf32>,
        %get3A_1066 = vector.shape_cast %get3A_1065 : vector<1x1x16xf32> to vector<16xf32>
        %add3A_1067 = arith.addf %scan3A_1036, %get3A_1066 : vector<16xf32>
        %add3A_1068 = arith.constant 0 : i32
        %add3A_1069 = arith.addi %add3A_1041, %add3A_1068 : i32
        %get3A_1070 = arith.constant 0 : i32
        %get3A_1071 = arith.index_cast %get3A_1070 : i32 to index
        %get3A_1072 = arith.index_cast %add3A_1069 : i32 to index
        %get3A_1073 = arith.constant 48 : index
        %get3A_1074 = tpu.vector_load %arg7[%get3A_1071, %get3A_1072, %get3A_1073] {strides = array<i32>} : memref<8x50x128xf32, #tpu.memory_space<vmem>>, vector<1x1x16xf32>,
        %get3A_1075 = vector.shape_cast %get3A_1074 : vector<1x1x16xf32> to vector<16xf32>
        %add3A_1076 = arith.addf %scan3A_1037, %get3A_1075 : vector<16xf32>
        %add3A_1077 = arith.constant 1 : i32
        %add3A_1078 = arith.addi %add3A_1041, %add3A_1077 : i32
        %get3A_1079 = arith.constant 0 : i32
        %get3A_1080 = arith.index_cast %get3A_1079 : i32 to index
        %get3A_1081 = arith.index_cast %add3A_1078 : i32 to index
        %get3A_1082 = arith.constant 0 : index
        %get3A_1083 = tpu.vector_load %arg7[%get3A_1080, %get3A_1081, %get3A_1082] {strides = array<i32>} : memref<8x50x128xf32, #tpu.memory_space<vmem>>, vector<1x1x16xf32>,
        %get3A_1084 = vector.shape_cast %get3A_1083 : vector<1x1x16xf32> to vector<16xf32>
        %add3A_1085 = arith.addf %add3A_1049, %get3A_1084 : vector<16xf32>
        %add3A_1086 = arith.constant 1 : i32
        %add3A_1087 = arith.addi %add3A_1041, %add3A_1086 : i32
        %get3A_1088 = arith.constant 0 : i32
        %get3A_1089 = arith.index_cast %get3A_1088 : i32 to index
        %get3A_1090 = arith.index_cast %add3A_1087 : i32 to index
        %get3A_1091 = arith.constant 16 : index
        %get3A_1092 = tpu.vector_load %arg7[%get3A_1089, %get3A_1090, %get3A_1091] {strides = array<i32>} : memref<8x50x128xf32, #tpu.memory_space<vmem>>, vector<1x1x16xf32>,
        %get3A_1093 = vector.shape_cast %get3A_1092 : vector<1x1x16xf32> to vector<16xf32>
        %add3A_1094 = arith.addf %add3A_1058, %get3A_1093 : vector<16xf32>
        %add3A_1095 = arith.constant 1 : i32
        %add3A_1096 = arith.addi %add3A_1041, %add3A_1095 : i32
        %get3A_1097 = arith.constant 0 : i32
        %get3A_1098 = arith.index_cast %get3A_1097 : i32 to index
        %get3A_1099 = arith.index_cast %add3A_1096 : i32 to index
        %get3A_1100 = arith.constant 32 : index
        %get3A_1101 = tpu.vector_load %arg7[%get3A_1098, %get3A_1099, %get3A_1100] {strides = array<i32>} : memref<8x50x128xf32, #tpu.memory_space<vmem>>, vector<1x1x16xf32>,
        %get3A_1102 = vector.shape_cast %get3A_1101 : vector<1x1x16xf32> to vector<16xf32>
        %add3A_1103 = arith.addf %add3A_1067, %get3A_1102 : vector<16xf32>
        %add3A_1104 = arith.constant 1 : i32
        %add3A_1105 = arith.addi %add3A_1041, %add3A_1104 : i32
        %get3A_1106 = arith.constant 0 : i32
        %get3A_1107 = arith.index_cast %get3A_1106 : i32 to index
        %get3A_1108 = arith.index_cast %add3A_1105 : i32 to index
        %get3A_1109 = arith.constant 48 : index
        %get3A_1110 = tpu.vector_load %arg7[%get3A_1107, %get3A_1108, %get3A_1109] {strides = array<i32>} : memref<8x50x128xf32, #tpu.memory_space<vmem>>, vector<1x1x16xf32>,
        %get3A_1111 = vector.shape_cast %get3A_1110 : vector<1x1x16xf32> to vector<16xf32>
        %add3A_1112 = arith.addf %add3A_1076, %get3A_1111 : vector<16xf32>
        %add3A_1113 = arith.constant 2 : i32
        %add3A_1114 = arith.addi %add3A_1041, %add3A_1113 : i32
        %get3A_1115 = arith.constant 0 : i32
        %get3A_1116 = arith.index_cast %get3A_1115 : i32 to index
        %get3A_1117 = arith.index_cast %add3A_1114 : i32 to index
        %get3A_1118 = arith.constant 0 : index
        %get3A_1119 = tpu.vector_load %arg7[%get3A_1116, %get3A_1117, %get3A_1118] {strides = array<i32>} : memref<8x50x128xf32, #tpu.memory_space<vmem>>, vector<1x1x16xf32>,
        %get3A_1120 = vector.shape_cast %get3A_1119 : vector<1x1x16xf32> to vector<16xf32>
        %add3A_1121 = arith.addf %add3A_1085, %get3A_1120 : vector<16xf32>
        %add3A_1122 = arith.constant 2 : i32
        %add3A_1123 = arith.addi %add3A_1041, %add3A_1122 : i32
        %get3A_1124 = arith.constant 0 : i32
        %get3A_1125 = arith.index_cast %get3A_1124 : i32 to index
        %get3A_1126 = arith.index_cast %add3A_1123 : i32 to index
        %get3A_1127 = arith.constant 16 : index
        %get3A_1128 = tpu.vector_load %arg7[%get3A_1125, %get3A_1126, %get3A_1127] {strides = array<i32>} : memref<8x50x128xf32, #tpu.memory_space<vmem>>, vector<1x1x16xf32>,
        %get3A_1129 = vector.shape_cast %get3A_1128 : vector<1x1x16xf32> to vector<16xf32>
        %add3A_1130 = arith.addf %add3A_1094, %get3A_1129 : vector<16xf32>
        %add3A_1131 = arith.constant 2 : i32
        %add3A_1132 = arith.addi %add3A_1041, %add3A_1131 : i32
        %get3A_1133 = arith.constant 0 : i32
        %get3A_1134 = arith.index_cast %get3A_1133 : i32 to index
        %get3A_1135 = arith.index_cast %add3A_1132 : i32 to index
        %get3A_1136 = arith.constant 32 : index
        %get3A_1137 = tpu.vector_load %arg7[%get3A_1134, %get3A_1135, %get3A_1136] {strides = array<i32>} : memref<8x50x128xf32, #tpu.memory_space<vmem>>, vector<1x1x16xf32>,
        %get3A_1138 = vector.shape_cast %get3A_1137 : vector<1x1x16xf32> to vector<16xf32>
        %add3A_1139 = arith.addf %add3A_1103, %get3A_1138 : vector<16xf32>
        %add3A_1140 = arith.constant 2 : i32
        %add3A_1141 = arith.addi %add3A_1041, %add3A_1140 : i32
        %get3A_1142 = arith.constant 0 : i32
        %get3A_1143 = arith.index_cast %get3A_1142 : i32 to index
        %get3A_1144 = arith.index_cast %add3A_1141 : i32 to index
        %get3A_1145 = arith.constant 48 : index
        %get3A_1146 = tpu.vector_load %arg7[%get3A_1143, %get3A_1144, %get3A_1145] {strides = array<i32>} : memref<8x50x128xf32, #tpu.memory_space<vmem>>, vector<1x1x16xf32>,
        %get3A_1147 = vector.shape_cast %get3A_1146 : vector<1x1x16xf32> to vector<16xf32>
        %add3A_1148 = arith.addf %add3A_1112, %get3A_1147 : vector<16xf32>
        %add3A_1149 = arith.constant 3 : i32
        %add3A_1150 = arith.addi %add3A_1041, %add3A_1149 : i32
        %get3A_1151 = arith.constant 0 : i32
        %get3A_1152 = arith.index_cast %get3A_1151 : i32 to index
        %get3A_1153 = arith.index_cast %add3A_1150 : i32 to index
        %get3A_1154 = arith.constant 0 : index
        %get3A_1155 = tpu.vector_load %arg7[%get3A_1152, %get3A_1153, %get3A_1154] {strides = array<i32>} : memref<8x50x128xf32, #tpu.memory_space<vmem>>, vector<1x1x16xf32>,
        %get3A_1156 = vector.shape_cast %get3A_1155 : vector<1x1x16xf32> to vector<16xf32>
        %add3A_1157 = arith.addf %add3A_1121, %get3A_1156 : vector<16xf32>
        %add3A_1158 = arith.constant 3 : i32
        %add3A_1159 = arith.addi %add3A_1041, %add3A_1158 : i32
        %get3A_1160 = arith.constant 0 : i32
        %get3A_1161 = arith.index_cast %get3A_1160 : i32 to index
        %get3A_1162 = arith.index_cast %add3A_1159 : i32 to index
        %get3A_1163 = arith.constant 16 : index
        %get3A_1164 = tpu.vector_load %arg7[%get3A_1161, %get3A_1162, %get3A_1163] {strides = array<i32>} : memref<8x50x128xf32, #tpu.memory_space<vmem>>, vector<1x1x16xf32>,
        %get3A_1165 = vector.shape_cast %get3A_1164 : vector<1x1x16xf32> to vector<16xf32>
        %add3A_1166 = arith.addf %add3A_1130, %get3A_1165 : vector<16xf32>
        %add3A_1167 = arith.constant 3 : i32
        %add3A_1168 = arith.addi %add3A_1041, %add3A_1167 : i32
        %get3A_1169 = arith.constant 0 : i32
        %get3A_1170 = arith.index_cast %get3A_1169 : i32 to index
        %get3A_1171 = arith.index_cast %add3A_1168 : i32 to index
        %get3A_1172 = arith.constant 32 : index
        %get3A_1173 = tpu.vector_load %arg7[%get3A_1170, %get3A_1171, %get3A_1172] {strides = array<i32>} : memref<8x50x128xf32, #tpu.memory_space<vmem>>, vector<1x1x16xf32>,
        %get3A_1174 = vector.shape_cast %get3A_1173 : vector<1x1x16xf32> to vector<16xf32>
        %add3A_1175 = arith.addf %add3A_1139, %get3A_1174 : vector<16xf32>
        %add3A_1176 = arith.constant 3 : i32
        %add3A_1177 = arith.addi %add3A_1041, %add3A_1176 : i32
        %get3A_1178 = arith.constant 0 : i32
        %get3A_1179 = arith.index_cast %get3A_1178 : i32 to index
        %get3A_1180 = arith.index_cast %add3A_1177 : i32 to index
        %get3A_1181 = arith.constant 48 : index
        %get3A_1182 = tpu.vector_load %arg7[%get3A_1179, %get3A_1180, %get3A_1181] {strides = array<i32>} : memref<8x50x128xf32, #tpu.memory_space<vmem>>, vector<1x1x16xf32>,
        %get3A_1183 = vector.shape_cast %get3A_1182 : vector<1x1x16xf32> to vector<16xf32>
        %add3A_1184 = arith.addf %add3A_1148, %get3A_1183 : vector<16xf32>
        %add3A_1185 = arith.constant 4 : i32
        %add3A_1186 = arith.addi %add3A_1041, %add3A_1185 : i32
        %get3A_1187 = arith.constant 0 : i32
        %get3A_1188 = arith.index_cast %get3A_1187 : i32 to index
        %get3A_1189 = arith.index_cast %add3A_1186 : i32 to index
        %get3A_1190 = arith.constant 0 : index
        %get3A_1191 = tpu.vector_load %arg7[%get3A_1188, %get3A_1189, %get3A_1190] {strides = array<i32>} : memref<8x50x128xf32, #tpu.memory_space<vmem>>, vector<1x1x16xf32>,
        %get3A_1192 = vector.shape_cast %get3A_1191 : vector<1x1x16xf32> to vector<16xf32>
        %add3A_1193 = arith.addf %add3A_1157, %get3A_1192 : vector<16xf32>
        %add3A_1194 = arith.constant 4 : i32
        %add3A_1195 = arith.addi %add3A_1041, %add3A_1194 : i32
        %get3A_1196 = arith.constant 0 : i32
        %get3A_1197 = arith.index_cast %get3A_1196 : i32 to index
        %get3A_1198 = arith.index_cast %add3A_1195 : i32 to index
        %get3A_1199 = arith.constant 16 : index
        %get3A_1200 = tpu.vector_load %arg7[%get3A_1197, %get3A_1198, %get3A_1199] {strides = array<i32>} : memref<8x50x128xf32, #tpu.memory_space<vmem>>, vector<1x1x16xf32>,
        %get3A_1201 = vector.shape_cast %get3A_1200 : vector<1x1x16xf32> to vector<16xf32>
        %add3A_1202 = arith.addf %add3A_1166, %get3A_1201 : vector<16xf32>
        %add3A_1203 = arith.constant 4 : i32
        %add3A_1204 = arith.addi %add3A_1041, %add3A_1203 : i32
        %get3A_1205 = arith.constant 0 : i32
        %get3A_1206 = arith.index_cast %get3A_1205 : i32 to index
        %get3A_1207 = arith.index_cast %add3A_1204 : i32 to index
        %get3A_1208 = arith.constant 32 : index
        %get3A_1209 = tpu.vector_load %arg7[%get3A_1206, %get3A_1207, %get3A_1208] {strides = array<i32>} : memref<8x50x128xf32, #tpu.memory_space<vmem>>, vector<1x1x16xf32>,
        %get3A_1210 = vector.shape_cast %get3A_1209 : vector<1x1x16xf32> to vector<16xf32>
        %add3A_1211 = arith.addf %add3A_1175, %get3A_1210 : vector<16xf32>
        %add3A_1212 = arith.constant 4 : i32
        %add3A_1213 = arith.addi %add3A_1041, %add3A_1212 : i32
        %get3A_1214 = arith.constant 0 : i32
        %get3A_1215 = arith.index_cast %get3A_1214 : i32 to index
        %get3A_1216 = arith.index_cast %add3A_1213 : i32 to index
        %get3A_1217 = arith.constant 48 : index
        %get3A_1218 = tpu.vector_load %arg7[%get3A_1215, %get3A_1216, %get3A_1217] {strides = array<i32>} : memref<8x50x128xf32, #tpu.memory_space<vmem>>, vector<1x1x16xf32>,
        %get3A_1219 = vector.shape_cast %get3A_1218 : vector<1x1x16xf32> to vector<16xf32>
        %add3A_1220 = arith.addf %add3A_1184, %get3A_1219 : vector<16xf32>
        scf.yield %add3A_1193, %add3A_1202, %add3A_1211, %add3A_1220 : vector<16xf32>, vector<16xf32>, vector<16xf32>, vector<16xf32>
      }
      %scan3A_135 = arith.constant 10 : i32
      %mul3A_136 = arith.constant 2.000000e-02 : f32
      %mul3A_137 = vector.broadcast %mul3A_136 : f32 to vector<16xf32>
      %mul3A_138 = arith.mulf %scan3A_134#0, %mul3A_137 : vector<16xf32>
      %swap3A = arith.index_cast %rem3A_122 : i32 to index
      %swap3A_139 = arith.constant 0 : index
      %swap3A_140 = tpu.vector_load %arg8[%swap3A, %swap3A_139] {strides = array<i32>} : memref<32x128xf32, #tpu.memory_space<vmem>>, vector<1x16xf32>,
      %swap3A_141 = vector.shape_cast %swap3A_140 : vector<1x16xf32> to vector<16xf32>
      %swap3A_142 = vector.shape_cast %mul3A_138 : vector<16xf32> to vector<1x16xf32>
      tpu.vector_store %arg8[%swap3A, %swap3A_139], %swap3A_142 {strides = array<i32>} : memref<32x128xf32, #tpu.memory_space<vmem>>, vector<1x16xf32>,
      %mul3A_143 = arith.constant 2.000000e-02 : f32
      %mul3A_144 = vector.broadcast %mul3A_143 : f32 to vector<16xf32>
      %mul3A_145 = arith.mulf %scan3A_134#1, %mul3A_144 : vector<16xf32>
      %swap3A_146 = arith.index_cast %rem3A_122 : i32 to index
      %swap3A_147 = arith.constant 16 : index
      %swap3A_148 = tpu.vector_load %arg8[%swap3A_146, %swap3A_147] {strides = array<i32>} : memref<32x128xf32, #tpu.memory_space<vmem>>, vector<1x16xf32>,
      %swap3A_149 = vector.shape_cast %swap3A_148 : vector<1x16xf32> to vector<16xf32>
      %swap3A_150 = vector.shape_cast %mul3A_145 : vector<16xf32> to vector<1x16xf32>
      tpu.vector_store %arg8[%swap3A_146, %swap3A_147], %swap3A_150 {strides = array<i32>} : memref<32x128xf32, #tpu.memory_space<vmem>>, vector<1x16xf32>,
      %mul3A_151 = arith.constant 2.000000e-02 : f32
      %mul3A_152 = vector.broadcast %mul3A_151 : f32 to vector<16xf32>
      %mul3A_153 = arith.mulf %scan3A_134#2, %mul3A_152 : vector<16xf32>
      %swap3A_154 = arith.index_cast %rem3A_122 : i32 to index
      %swap3A_155 = arith.constant 32 : index
      %swap3A_156 = tpu.vector_load %arg8[%swap3A_154, %swap3A_155] {strides = array<i32>} : memref<32x128xf32, #tpu.memory_space<vmem>>, vector<1x16xf32>,
      %swap3A_157 = vector.shape_cast %swap3A_156 : vector<1x16xf32> to vector<16xf32>
      %swap3A_158 = vector.shape_cast %mul3A_153 : vector<16xf32> to vector<1x16xf32>
      tpu.vector_store %arg8[%swap3A_154, %swap3A_155], %swap3A_158 {strides = array<i32>} : memref<32x128xf32, #tpu.memory_space<vmem>>, vector<1x16xf32>,
      %mul3A_159 = arith.constant 2.000000e-02 : f32
      %mul3A_160 = vector.broadcast %mul3A_159 : f32 to vector<16xf32>
      %mul3A_161 = arith.mulf %scan3A_134#3, %mul3A_160 : vector<16xf32>
      %swap3A_162 = arith.index_cast %rem3A_122 : i32 to index
      %swap3A_163 = arith.constant 48 : index
      %swap3A_164 = tpu.vector_load %arg8[%swap3A_162, %swap3A_163] {strides = array<i32>} : memref<32x128xf32, #tpu.memory_space<vmem>>, vector<1x16xf32>,
      %swap3A_165 = vector.shape_cast %swap3A_164 : vector<1x16xf32> to vector<16xf32>
      %swap3A_166 = vector.shape_cast %mul3A_161 : vector<16xf32> to vector<1x16xf32>
      tpu.vector_store %arg8[%swap3A_162, %swap3A_163], %swap3A_166 {strides = array<i32>} : memref<32x128xf32, #tpu.memory_space<vmem>>, vector<1x16xf32>,
      %broadcast_in_dim3A_167 = arith.constant 0.000000e+00 : f32
      %broadcast_in_dim3A_168 = vector.broadcast %broadcast_in_dim3A_167 : f32 to vector<16xf32>
      %broadcast_in_dim3A_169 = arith.constant 0.000000e+00 : f32
      %broadcast_in_dim3A_170 = vector.broadcast %broadcast_in_dim3A_169 : f32 to vector<16xf32>
      %broadcast_in_dim3A_171 = arith.constant 0.000000e+00 : f32
      %broadcast_in_dim3A_172 = vector.broadcast %broadcast_in_dim3A_171 : f32 to vector<16xf32>
      %broadcast_in_dim3A_173 = arith.constant 0.000000e+00 : f32
      %broadcast_in_dim3A_174 = vector.broadcast %broadcast_in_dim3A_173 : f32 to vector<16xf32>
      %scan3A_175 = arith.constant 0 : i32
      %scan3A_176 = arith.constant 10 : i32
      %scan3A_177 = arith.addi %scan3A_175, %scan3A_176 : i32
      %scan3A_178 = arith.constant 1 : i32
      %scan3A_179:4 = scf.for %scan3A_1033 = %scan3A_175 to %scan3A_177 step %scan3A_178 iter_args(%scan3A_1034 = %broadcast_in_dim3A_168, %scan3A_1035 = %broadcast_in_dim3A_170, %scan3A_1036 = %broadcast_in_dim3A_172, %scan3A_1037 = %broadcast_in_dim3A_174) -> (vector<16xf32>, vector<16xf32>, vector<16xf32>, vector<16xf32>)  : i32 {
        %mul3A_1038 = arith.constant 5 : i32
        %mul3A_1039 = arith.muli %scan3A_1033, %mul3A_1038 : i32
        %add3A_1040 = arith.constant 0 : i32
        %add3A_1041 = arith.addi %add3A_1040, %mul3A_1039 : i32
        %add3A_1042 = arith.constant 0 : i32
        %add3A_1043 = arith.addi %add3A_1041, %add3A_1042 : i32
        %get3A = arith.constant 0 : i32
        %get3A_1044 = arith.index_cast %get3A : i32 to index
        %get3A_1045 = arith.index_cast %add3A_1043 : i32 to index
        %get3A_1046 = arith.constant 64 : index
        %get3A_1047 = tpu.vector_load %arg7[%get3A_1044, %get3A_1045, %get3A_1046] {strides = array<i32>} : memref<8x50x128xf32, #tpu.memory_space<vmem>>, vector<1x1x16xf32>,
        %get3A_1048 = vector.shape_cast %get3A_1047 : vector<1x1x16xf32> to vector<16xf32>
        %add3A_1049 = arith.addf %scan3A_1034, %get3A_1048 : vector<16xf32>
        %add3A_1050 = arith.constant 0 : i32
        %add3A_1051 = arith.addi %add3A_1041, %add3A_1050 : i32
        %get3A_1052 = arith.constant 0 : i32
        %get3A_1053 = arith.index_cast %get3A_1052 : i32 to index
        %get3A_1054 = arith.index_cast %add3A_1051 : i32 to index
        %get3A_1055 = arith.constant 80 : index
        %get3A_1056 = tpu.vector_load %arg7[%get3A_1053, %get3A_1054, %get3A_1055] {strides = array<i32>} : memref<8x50x128xf32, #tpu.memory_space<vmem>>, vector<1x1x16xf32>,
        %get3A_1057 = vector.shape_cast %get3A_1056 : vector<1x1x16xf32> to vector<16xf32>
        %add3A_1058 = arith.addf %scan3A_1035, %get3A_1057 : vector<16xf32>
        %add3A_1059 = arith.constant 0 : i32
        %add3A_1060 = arith.addi %add3A_1041, %add3A_1059 : i32
        %get3A_1061 = arith.constant 0 : i32
        %get3A_1062 = arith.index_cast %get3A_1061 : i32 to index
        %get3A_1063 = arith.index_cast %add3A_1060 : i32 to index
        %get3A_1064 = arith.constant 96 : index
        %get3A_1065 = tpu.vector_load %arg7[%get3A_1062, %get3A_1063, %get3A_1064] {strides = array<i32>} : memref<8x50x128xf32, #tpu.memory_space<vmem>>, vector<1x1x16xf32>,
        %get3A_1066 = vector.shape_cast %get3A_1065 : vector<1x1x16xf32> to vector<16xf32>
        %add3A_1067 = arith.addf %scan3A_1036, %get3A_1066 : vector<16xf32>
        %add3A_1068 = arith.constant 0 : i32
        %add3A_1069 = arith.addi %add3A_1041, %add3A_1068 : i32
        %get3A_1070 = arith.constant 0 : i32
        %get3A_1071 = arith.index_cast %get3A_1070 : i32 to index
        %get3A_1072 = arith.index_cast %add3A_1069 : i32 to index
        %get3A_1073 = arith.constant 112 : index
        %get3A_1074 = tpu.vector_load %arg7[%get3A_1071, %get3A_1072, %get3A_1073] {strides = array<i32>} : memref<8x50x128xf32, #tpu.memory_space<vmem>>, vector<1x1x16xf32>,
        %get3A_1075 = vector.shape_cast %get3A_1074 : vector<1x1x16xf32> to vector<16xf32>
        %add3A_1076 = arith.addf %scan3A_1037, %get3A_1075 : vector<16xf32>
        %add3A_1077 = arith.constant 1 : i32
        %add3A_1078 = arith.addi %add3A_1041, %add3A_1077 : i32
        %get3A_1079 = arith.constant 0 : i32
        %get3A_1080 = arith.index_cast %get3A_1079 : i32 to index
        %get3A_1081 = arith.index_cast %add3A_1078 : i32 to index
        %get3A_1082 = arith.constant 64 : index
        %get3A_1083 = tpu.vector_load %arg7[%get3A_1080, %get3A_1081, %get3A_1082] {strides = array<i32>} : memref<8x50x128xf32, #tpu.memory_space<vmem>>, vector<1x1x16xf32>,
        %get3A_1084 = vector.shape_cast %get3A_1083 : vector<1x1x16xf32> to vector<16xf32>
        %add3A_1085 = arith.addf %add3A_1049, %get3A_1084 : vector<16xf32>
        %add3A_1086 = arith.constant 1 : i32
        %add3A_1087 = arith.addi %add3A_1041, %add3A_1086 : i32
        %get3A_1088 = arith.constant 0 : i32
        %get3A_1089 = arith.index_cast %get3A_1088 : i32 to index
        %get3A_1090 = arith.index_cast %add3A_1087 : i32 to index
        %get3A_1091 = arith.constant 80 : index
        %get3A_1092 = tpu.vector_load %arg7[%get3A_1089, %get3A_1090, %get3A_1091] {strides = array<i32>} : memref<8x50x128xf32, #tpu.memory_space<vmem>>, vector<1x1x16xf32>,
        %get3A_1093 = vector.shape_cast %get3A_1092 : vector<1x1x16xf32> to vector<16xf32>
        %add3A_1094 = arith.addf %add3A_1058, %get3A_1093 : vector<16xf32>
        %add3A_1095 = arith.constant 1 : i32
        %add3A_1096 = arith.addi %add3A_1041, %add3A_1095 : i32
        %get3A_1097 = arith.constant 0 : i32
        %get3A_1098 = arith.index_cast %get3A_1097 : i32 to index
        %get3A_1099 = arith.index_cast %add3A_1096 : i32 to index
        %get3A_1100 = arith.constant 96 : index
        %get3A_1101 = tpu.vector_load %arg7[%get3A_1098, %get3A_1099, %get3A_1100] {strides = array<i32>} : memref<8x50x128xf32, #tpu.memory_space<vmem>>, vector<1x1x16xf32>,
        %get3A_1102 = vector.shape_cast %get3A_1101 : vector<1x1x16xf32> to vector<16xf32>
        %add3A_1103 = arith.addf %add3A_1067, %get3A_1102 : vector<16xf32>
        %add3A_1104 = arith.constant 1 : i32
        %add3A_1105 = arith.addi %add3A_1041, %add3A_1104 : i32
        %get3A_1106 = arith.constant 0 : i32
        %get3A_1107 = arith.index_cast %get3A_1106 : i32 to index
        %get3A_1108 = arith.index_cast %add3A_1105 : i32 to index
        %get3A_1109 = arith.constant 112 : index
        %get3A_1110 = tpu.vector_load %arg7[%get3A_1107, %get3A_1108, %get3A_1109] {strides = array<i32>} : memref<8x50x128xf32, #tpu.memory_space<vmem>>, vector<1x1x16xf32>,
        %get3A_1111 = vector.shape_cast %get3A_1110 : vector<1x1x16xf32> to vector<16xf32>
        %add3A_1112 = arith.addf %add3A_1076, %get3A_1111 : vector<16xf32>
        %add3A_1113 = arith.constant 2 : i32
        %add3A_1114 = arith.addi %add3A_1041, %add3A_1113 : i32
        %get3A_1115 = arith.constant 0 : i32
        %get3A_1116 = arith.index_cast %get3A_1115 : i32 to index
        %get3A_1117 = arith.index_cast %add3A_1114 : i32 to index
        %get3A_1118 = arith.constant 64 : index
        %get3A_1119 = tpu.vector_load %arg7[%get3A_1116, %get3A_1117, %get3A_1118] {strides = array<i32>} : memref<8x50x128xf32, #tpu.memory_space<vmem>>, vector<1x1x16xf32>,
        %get3A_1120 = vector.shape_cast %get3A_1119 : vector<1x1x16xf32> to vector<16xf32>
        %add3A_1121 = arith.addf %add3A_1085, %get3A_1120 : vector<16xf32>
        %add3A_1122 = arith.constant 2 : i32
        %add3A_1123 = arith.addi %add3A_1041, %add3A_1122 : i32
        %get3A_1124 = arith.constant 0 : i32
        %get3A_1125 = arith.index_cast %get3A_1124 : i32 to index
        %get3A_1126 = arith.index_cast %add3A_1123 : i32 to index
        %get3A_1127 = arith.constant 80 : index
        %get3A_1128 = tpu.vector_load %arg7[%get3A_1125, %get3A_1126, %get3A_1127] {strides = array<i32>} : memref<8x50x128xf32, #tpu.memory_space<vmem>>, vector<1x1x16xf32>,
        %get3A_1129 = vector.shape_cast %get3A_1128 : vector<1x1x16xf32> to vector<16xf32>
        %add3A_1130 = arith.addf %add3A_1094, %get3A_1129 : vector<16xf32>
        %add3A_1131 = arith.constant 2 : i32
        %add3A_1132 = arith.addi %add3A_1041, %add3A_1131 : i32
        %get3A_1133 = arith.constant 0 : i32
        %get3A_1134 = arith.index_cast %get3A_1133 : i32 to index
        %get3A_1135 = arith.index_cast %add3A_1132 : i32 to index
        %get3A_1136 = arith.constant 96 : index
        %get3A_1137 = tpu.vector_load %arg7[%get3A_1134, %get3A_1135, %get3A_1136] {strides = array<i32>} : memref<8x50x128xf32, #tpu.memory_space<vmem>>, vector<1x1x16xf32>,
        %get3A_1138 = vector.shape_cast %get3A_1137 : vector<1x1x16xf32> to vector<16xf32>
        %add3A_1139 = arith.addf %add3A_1103, %get3A_1138 : vector<16xf32>
        %add3A_1140 = arith.constant 2 : i32
        %add3A_1141 = arith.addi %add3A_1041, %add3A_1140 : i32
        %get3A_1142 = arith.constant 0 : i32
        %get3A_1143 = arith.index_cast %get3A_1142 : i32 to index
        %get3A_1144 = arith.index_cast %add3A_1141 : i32 to index
        %get3A_1145 = arith.constant 112 : index
        %get3A_1146 = tpu.vector_load %arg7[%get3A_1143, %get3A_1144, %get3A_1145] {strides = array<i32>} : memref<8x50x128xf32, #tpu.memory_space<vmem>>, vector<1x1x16xf32>,
        %get3A_1147 = vector.shape_cast %get3A_1146 : vector<1x1x16xf32> to vector<16xf32>
        %add3A_1148 = arith.addf %add3A_1112, %get3A_1147 : vector<16xf32>
        %add3A_1149 = arith.constant 3 : i32
        %add3A_1150 = arith.addi %add3A_1041, %add3A_1149 : i32
        %get3A_1151 = arith.constant 0 : i32
        %get3A_1152 = arith.index_cast %get3A_1151 : i32 to index
        %get3A_1153 = arith.index_cast %add3A_1150 : i32 to index
        %get3A_1154 = arith.constant 64 : index
        %get3A_1155 = tpu.vector_load %arg7[%get3A_1152, %get3A_1153, %get3A_1154] {strides = array<i32>} : memref<8x50x128xf32, #tpu.memory_space<vmem>>, vector<1x1x16xf32>,
        %get3A_1156 = vector.shape_cast %get3A_1155 : vector<1x1x16xf32> to vector<16xf32>
        %add3A_1157 = arith.addf %add3A_1121, %get3A_1156 : vector<16xf32>
        %add3A_1158 = arith.constant 3 : i32
        %add3A_1159 = arith.addi %add3A_1041, %add3A_1158 : i32
        %get3A_1160 = arith.constant 0 : i32
        %get3A_1161 = arith.index_cast %get3A_1160 : i32 to index
        %get3A_1162 = arith.index_cast %add3A_1159 : i32 to index
        %get3A_1163 = arith.constant 80 : index
        %get3A_1164 = tpu.vector_load %arg7[%get3A_1161, %get3A_1162, %get3A_1163] {strides = array<i32>} : memref<8x50x128xf32, #tpu.memory_space<vmem>>, vector<1x1x16xf32>,
        %get3A_1165 = vector.shape_cast %get3A_1164 : vector<1x1x16xf32> to vector<16xf32>
        %add3A_1166 = arith.addf %add3A_1130, %get3A_1165 : vector<16xf32>
        %add3A_1167 = arith.constant 3 : i32
        %add3A_1168 = arith.addi %add3A_1041, %add3A_1167 : i32
        %get3A_1169 = arith.constant 0 : i32
        %get3A_1170 = arith.index_cast %get3A_1169 : i32 to index
        %get3A_1171 = arith.index_cast %add3A_1168 : i32 to index
        %get3A_1172 = arith.constant 96 : index
        %get3A_1173 = tpu.vector_load %arg7[%get3A_1170, %get3A_1171, %get3A_1172] {strides = array<i32>} : memref<8x50x128xf32, #tpu.memory_space<vmem>>, vector<1x1x16xf32>,
        %get3A_1174 = vector.shape_cast %get3A_1173 : vector<1x1x16xf32> to vector<16xf32>
        %add3A_1175 = arith.addf %add3A_1139, %get3A_1174 : vector<16xf32>
        %add3A_1176 = arith.constant 3 : i32
        %add3A_1177 = arith.addi %add3A_1041, %add3A_1176 : i32
        %get3A_1178 = arith.constant 0 : i32
        %get3A_1179 = arith.index_cast %get3A_1178 : i32 to index
        %get3A_1180 = arith.index_cast %add3A_1177 : i32 to index
        %get3A_1181 = arith.constant 112 : index
        %get3A_1182 = tpu.vector_load %arg7[%get3A_1179, %get3A_1180, %get3A_1181] {strides = array<i32>} : memref<8x50x128xf32, #tpu.memory_space<vmem>>, vector<1x1x16xf32>,
        %get3A_1183 = vector.shape_cast %get3A_1182 : vector<1x1x16xf32> to vector<16xf32>
        %add3A_1184 = arith.addf %add3A_1148, %get3A_1183 : vector<16xf32>
        %add3A_1185 = arith.constant 4 : i32
        %add3A_1186 = arith.addi %add3A_1041, %add3A_1185 : i32
        %get3A_1187 = arith.constant 0 : i32
        %get3A_1188 = arith.index_cast %get3A_1187 : i32 to index
        %get3A_1189 = arith.index_cast %add3A_1186 : i32 to index
        %get3A_1190 = arith.constant 64 : index
        %get3A_1191 = tpu.vector_load %arg7[%get3A_1188, %get3A_1189, %get3A_1190] {strides = array<i32>} : memref<8x50x128xf32, #tpu.memory_space<vmem>>, vector<1x1x16xf32>,
        %get3A_1192 = vector.shape_cast %get3A_1191 : vector<1x1x16xf32> to vector<16xf32>
        %add3A_1193 = arith.addf %add3A_1157, %get3A_1192 : vector<16xf32>
        %add3A_1194 = arith.constant 4 : i32
        %add3A_1195 = arith.addi %add3A_1041, %add3A_1194 : i32
        %get3A_1196 = arith.constant 0 : i32
        %get3A_1197 = arith.index_cast %get3A_1196 : i32 to index
        %get3A_1198 = arith.index_cast %add3A_1195 : i32 to index
        %get3A_1199 = arith.constant 80 : index
        %get3A_1200 = tpu.vector_load %arg7[%get3A_1197, %get3A_1198, %get3A_1199] {strides = array<i32>} : memref<8x50x128xf32, #tpu.memory_space<vmem>>, vector<1x1x16xf32>,
        %get3A_1201 = vector.shape_cast %get3A_1200 : vector<1x1x16xf32> to vector<16xf32>
        %add3A_1202 = arith.addf %add3A_1166, %get3A_1201 : vector<16xf32>
        %add3A_1203 = arith.constant 4 : i32
        %add3A_1204 = arith.addi %add3A_1041, %add3A_1203 : i32
        %get3A_1205 = arith.constant 0 : i32
        %get3A_1206 = arith.index_cast %get3A_1205 : i32 to index
        %get3A_1207 = arith.index_cast %add3A_1204 : i32 to index
        %get3A_1208 = arith.constant 96 : index
        %get3A_1209 = tpu.vector_load %arg7[%get3A_1206, %get3A_1207, %get3A_1208] {strides = array<i32>} : memref<8x50x128xf32, #tpu.memory_space<vmem>>, vector<1x1x16xf32>,
        %get3A_1210 = vector.shape_cast %get3A_1209 : vector<1x1x16xf32> to vector<16xf32>
        %add3A_1211 = arith.addf %add3A_1175, %get3A_1210 : vector<16xf32>
        %add3A_1212 = arith.constant 4 : i32
        %add3A_1213 = arith.addi %add3A_1041, %add3A_1212 : i32
        %get3A_1214 = arith.constant 0 : i32
        %get3A_1215 = arith.index_cast %get3A_1214 : i32 to index
        %get3A_1216 = arith.index_cast %add3A_1213 : i32 to index
        %get3A_1217 = arith.constant 112 : index
        %get3A_1218 = tpu.vector_load %arg7[%get3A_1215, %get3A_1216, %get3A_1217] {strides = array<i32>} : memref<8x50x128xf32, #tpu.memory_space<vmem>>, vector<1x1x16xf32>,
        %get3A_1219 = vector.shape_cast %get3A_1218 : vector<1x1x16xf32> to vector<16xf32>
        %add3A_1220 = arith.addf %add3A_1184, %get3A_1219 : vector<16xf32>
        scf.yield %add3A_1193, %add3A_1202, %add3A_1211, %add3A_1220 : vector<16xf32>, vector<16xf32>, vector<16xf32>, vector<16xf32>
      }
      %scan3A_180 = arith.constant 10 : i32
      %mul3A_181 = arith.constant 2.000000e-02 : f32
      %mul3A_182 = vector.broadcast %mul3A_181 : f32 to vector<16xf32>
      %mul3A_183 = arith.mulf %scan3A_179#0, %mul3A_182 : vector<16xf32>
      %swap3A_184 = arith.index_cast %rem3A_122 : i32 to index
      %swap3A_185 = arith.constant 64 : index
      %swap3A_186 = tpu.vector_load %arg8[%swap3A_184, %swap3A_185] {strides = array<i32>} : memref<32x128xf32, #tpu.memory_space<vmem>>, vector<1x16xf32>,
      %swap3A_187 = vector.shape_cast %swap3A_186 : vector<1x16xf32> to vector<16xf32>
      %swap3A_188 = vector.shape_cast %mul3A_183 : vector<16xf32> to vector<1x16xf32>
      tpu.vector_store %arg8[%swap3A_184, %swap3A_185], %swap3A_188 {strides = array<i32>} : memref<32x128xf32, #tpu.memory_space<vmem>>, vector<1x16xf32>,
      %mul3A_189 = arith.constant 2.000000e-02 : f32
      %mul3A_190 = vector.broadcast %mul3A_189 : f32 to vector<16xf32>
      %mul3A_191 = arith.mulf %scan3A_179#1, %mul3A_190 : vector<16xf32>
      %swap3A_192 = arith.index_cast %rem3A_122 : i32 to index
      %swap3A_193 = arith.constant 80 : index
      %swap3A_194 = tpu.vector_load %arg8[%swap3A_192, %swap3A_193] {strides = array<i32>} : memref<32x128xf32, #tpu.memory_space<vmem>>, vector<1x16xf32>,
      %swap3A_195 = vector.shape_cast %swap3A_194 : vector<1x16xf32> to vector<16xf32>
      %swap3A_196 = vector.shape_cast %mul3A_191 : vector<16xf32> to vector<1x16xf32>
      tpu.vector_store %arg8[%swap3A_192, %swap3A_193], %swap3A_196 {strides = array<i32>} : memref<32x128xf32, #tpu.memory_space<vmem>>, vector<1x16xf32>,
      %mul3A_197 = arith.constant 2.000000e-02 : f32
      %mul3A_198 = vector.broadcast %mul3A_197 : f32 to vector<16xf32>
      %mul3A_199 = arith.mulf %scan3A_179#2, %mul3A_198 : vector<16xf32>
      %swap3A_200 = arith.index_cast %rem3A_122 : i32 to index
      %swap3A_201 = arith.constant 96 : index
      %swap3A_202 = tpu.vector_load %arg8[%swap3A_200, %swap3A_201] {strides = array<i32>} : memref<32x128xf32, #tpu.memory_space<vmem>>, vector<1x16xf32>,
      %swap3A_203 = vector.shape_cast %swap3A_202 : vector<1x16xf32> to vector<16xf32>
      %swap3A_204 = vector.shape_cast %mul3A_199 : vector<16xf32> to vector<1x16xf32>
      tpu.vector_store %arg8[%swap3A_200, %swap3A_201], %swap3A_204 {strides = array<i32>} : memref<32x128xf32, #tpu.memory_space<vmem>>, vector<1x16xf32>,
      %mul3A_205 = arith.constant 2.000000e-02 : f32
      %mul3A_206 = vector.broadcast %mul3A_205 : f32 to vector<16xf32>
      %mul3A_207 = arith.mulf %scan3A_179#3, %mul3A_206 : vector<16xf32>
      %swap3A_208 = arith.index_cast %rem3A_122 : i32 to index
      %swap3A_209 = arith.constant 112 : index
      %swap3A_210 = tpu.vector_load %arg8[%swap3A_208, %swap3A_209] {strides = array<i32>} : memref<32x128xf32, #tpu.memory_space<vmem>>, vector<1x16xf32>,
      %swap3A_211 = vector.shape_cast %swap3A_210 : vector<1x16xf32> to vector<16xf32>
      %swap3A_212 = vector.shape_cast %mul3A_207 : vector<16xf32> to vector<1x16xf32>
      tpu.vector_store %arg8[%swap3A_208, %swap3A_209], %swap3A_212 {strides = array<i32>} : memref<32x128xf32, #tpu.memory_space<vmem>>, vector<1x16xf32>,
      %lt3A = arith.constant 63 : i32
      %lt3A_213 = arith.cmpi slt, %scan3A_105, %lt3A : i32
      %convert_element_type3A = arith.extui %lt3A_213 : i1 to i32
      %cond3A = arith.constant 0 : i32
      %cond3A_214 = arith.cmpi ne, %convert_element_type3A, %cond3A : i32
      scf.if %cond3A_214 {
        %add3A_1033 = arith.constant 8 : i32
        %add3A_1034 = arith.addi %add3A_109, %add3A_1033 : i32
        %dma_start3A_1035 = arith.constant 0 : i32
        %dma_start3A_1036 = arith.constant 0 : i32
        %dma_start3A_1037 = arith.constant 0 : i32
        %dma_start3A_1038 = tpu.memref_slice %arg7[%dma_start3A_1035, %dma_start3A_1036, %dma_start3A_1037] : memref<8x50x128xf32, #tpu.memory_space<vmem>> -> memref<1x50x128xf32, #tpu.memory_space<vmem>>
        %dma_start3A_1039 = tpu.memref_squeeze %dma_start3A_1038 : memref<1x50x128xf32, #tpu.memory_space<vmem>> -> memref<50x128xf32, #tpu.memory_space<vmem>>
        %dma_start3A_1040 = arith.constant 0 : i32
        %dma_start3A_1041 = tpu.memref_slice %arg6[%add3A_1034, %dma_start3A_1040] : memref<512x50xi32, #tpu.memory_space<vmem>> -> memref<1x50xi32, #tpu.memory_space<vmem>>
        %dma_start3A_1042 = tpu.memref_squeeze %dma_start3A_1041 : memref<1x50xi32, #tpu.memory_space<vmem>> -> memref<50xi32, #tpu.memory_space<vmem>>
        %dma_start3A_1043 = arith.constant 0 : i32
        %dma_start3A_1044 = arith.constant 0 : i32
        %dma_start3A_1045 = tpu.memref_slice %arg3[%dma_start3A_1043, %dma_start3A_1044] : memref<1000000x128xf32, #tpu.memory_space<hbm>> -> memref<1000000x128xf32, #tpu.memory_space<hbm>>
        tpu.enqueue_indirect_dma source(%dma_start3A_1045 : memref<1000000x128xf32, #tpu.memory_space<hbm>>) target(%dma_start3A_1039 : memref<50x128xf32, #tpu.memory_space<vmem>>) offsets(%dma_start3A_1042 : memref<50xi32, #tpu.memory_space<vmem>>) semaphore(%arg9 : memref<!tpu.dma_semaphore, #tpu.memory_space<semaphore_mem>>)
      } else {
      }
      %mul3A_215 = arith.constant 8 : i32
      %mul3A_216 = arith.muli %scan3A_105, %mul3A_215 : i32
      %add3A_217 = arith.constant 1 : i32
      %add3A_218 = arith.addi %mul3A_216, %add3A_217 : i32
      %dma_wait3A_219 = arith.constant 1 : i32
      %dma_wait3A_220 = arith.constant 0 : i32
      %dma_wait3A_221 = arith.constant 0 : i32
      %dma_wait3A_222 = tpu.memref_slice %arg7[%dma_wait3A_219, %dma_wait3A_220, %dma_wait3A_221] : memref<8x50x128xf32, #tpu.memory_space<vmem>> -> memref<1x50x128xf32, #tpu.memory_space<vmem>>
      %dma_wait3A_223 = tpu.memref_squeeze %dma_wait3A_222 : memref<1x50x128xf32, #tpu.memory_space<vmem>> -> memref<50x128xf32, #tpu.memory_space<vmem>>
      %dma_wait3A_224 = arith.constant 0 : i32
      %dma_wait3A_225 = arith.constant 0 : i32
      %dma_wait3A_226 = tpu.memref_slice %arg7[%dma_wait3A_219, %dma_wait3A_224, %dma_wait3A_225] : memref<8x50x128xf32, #tpu.memory_space<vmem>> -> memref<1x50x128xf32, #tpu.memory_space<vmem>>
      %dma_wait3A_227 = tpu.memref_squeeze %dma_wait3A_226 : memref<1x50x128xf32, #tpu.memory_space<vmem>> -> memref<50x128xf32, #tpu.memory_space<vmem>>
      tpu.wait_dma2 semaphore(%arg10 : memref<!tpu.dma_semaphore, #tpu.memory_space<semaphore_mem>>) src(%arg4 : memref<50x128xf32, #tpu.memory_space<hbm>>) dst(%dma_wait3A_227 : memref<50x128xf32, #tpu.memory_space<vmem>>)
      %mul3A_228 = arith.constant 1 : i32
      %mul3A_229 = arith.muli %add3A_218, %mul3A_228 : i32
      %add3A_230 = arith.constant 0 : i32
      %add3A_231 = arith.addi %mul3A_229, %add3A_230 : i32
      %rem3A_232 = arith.constant 32 : i32
      %rem3A_233 = arith.remsi %add3A_231, %rem3A_232 : i32
      %broadcast_in_dim3A_234 = arith.constant 0.000000e+00 : f32
      %broadcast_in_dim3A_235 = vector.broadcast %broadcast_in_dim3A_234 : f32 to vector<16xf32>
      %broadcast_in_dim3A_236 = arith.constant 0.000000e+00 : f32
      %broadcast_in_dim3A_237 = vector.broadcast %broadcast_in_dim3A_236 : f32 to vector<16xf32>
      %broadcast_in_dim3A_238 = arith.constant 0.000000e+00 : f32
      %broadcast_in_dim3A_239 = vector.broadcast %broadcast_in_dim3A_238 : f32 to vector<16xf32>
      %broadcast_in_dim3A_240 = arith.constant 0.000000e+00 : f32
      %broadcast_in_dim3A_241 = vector.broadcast %broadcast_in_dim3A_240 : f32 to vector<16xf32>
      %scan3A_242 = arith.constant 0 : i32
      %scan3A_243 = arith.constant 10 : i32
      %scan3A_244 = arith.addi %scan3A_242, %scan3A_243 : i32
      %scan3A_245 = arith.constant 1 : i32
      %scan3A_246:4 = scf.for %scan3A_1033 = %scan3A_242 to %scan3A_244 step %scan3A_245 iter_args(%scan3A_1034 = %broadcast_in_dim3A_235, %scan3A_1035 = %broadcast_in_dim3A_237, %scan3A_1036 = %broadcast_in_dim3A_239, %scan3A_1037 = %broadcast_in_dim3A_241) -> (vector<16xf32>, vector<16xf32>, vector<16xf32>, vector<16xf32>)  : i32 {
        %mul3A_1038 = arith.constant 5 : i32
        %mul3A_1039 = arith.muli %scan3A_1033, %mul3A_1038 : i32
        %add3A_1040 = arith.constant 0 : i32
        %add3A_1041 = arith.addi %add3A_1040, %mul3A_1039 : i32
        %add3A_1042 = arith.constant 0 : i32
        %add3A_1043 = arith.addi %add3A_1041, %add3A_1042 : i32
        %get3A = arith.constant 1 : i32
        %get3A_1044 = arith.index_cast %get3A : i32 to index
        %get3A_1045 = arith.index_cast %add3A_1043 : i32 to index
        %get3A_1046 = arith.constant 0 : index
        %get3A_1047 = tpu.vector_load %arg7[%get3A_1044, %get3A_1045, %get3A_1046] {strides = array<i32>} : memref<8x50x128xf32, #tpu.memory_space<vmem>>, vector<1x1x16xf32>,
        %get3A_1048 = vector.shape_cast %get3A_1047 : vector<1x1x16xf32> to vector<16xf32>
        %add3A_1049 = arith.addf %scan3A_1034, %get3A_1048 : vector<16xf32>
        %add3A_1050 = arith.constant 0 : i32
        %add3A_1051 = arith.addi %add3A_1041, %add3A_1050 : i32
        %get3A_1052 = arith.constant 1 : i32
        %get3A_1053 = arith.index_cast %get3A_1052 : i32 to index
        %get3A_1054 = arith.index_cast %add3A_1051 : i32 to index
        %get3A_1055 = arith.constant 16 : index
        %get3A_1056 = tpu.vector_load %arg7[%get3A_1053, %get3A_1054, %get3A_1055] {strides = array<i32>} : memref<8x50x128xf32, #tpu.memory_space<vmem>>, vector<1x1x16xf32>,
        %get3A_1057 = vector.shape_cast %get3A_1056 : vector<1x1x16xf32> to vector<16xf32>
        %add3A_1058 = arith.addf %scan3A_1035, %get3A_1057 : vector<16xf32>
        %add3A_1059 = arith.constant 0 : i32
        %add3A_1060 = arith.addi %add3A_1041, %add3A_1059 : i32
        %get3A_1061 = arith.constant 1 : i32
        %get3A_1062 = arith.index_cast %get3A_1061 : i32 to index
        %get3A_1063 = arith.index_cast %add3A_1060 : i32 to index
        %get3A_1064 = arith.constant 32 : index
        %get3A_1065 = tpu.vector_load %arg7[%get3A_1062, %get3A_1063, %get3A_1064] {strides = array<i32>} : memref<8x50x128xf32, #tpu.memory_space<vmem>>, vector<1x1x16xf32>,
        %get3A_1066 = vector.shape_cast %get3A_1065 : vector<1x1x16xf32> to vector<16xf32>
        %add3A_1067 = arith.addf %scan3A_1036, %get3A_1066 : vector<16xf32>
        %add3A_1068 = arith.constant 0 : i32
        %add3A_1069 = arith.addi %add3A_1041, %add3A_1068 : i32
        %get3A_1070 = arith.constant 1 : i32
        %get3A_1071 = arith.index_cast %get3A_1070 : i32 to index
        %get3A_1072 = arith.index_cast %add3A_1069 : i32 to index
        %get3A_1073 = arith.constant 48 : index
        %get3A_1074 = tpu.vector_load %arg7[%get3A_1071, %get3A_1072, %get3A_1073] {strides = array<i32>} : memref<8x50x128xf32, #tpu.memory_space<vmem>>, vector<1x1x16xf32>,
        %get3A_1075 = vector.shape_cast %get3A_1074 : vector<1x1x16xf32> to vector<16xf32>
        %add3A_1076 = arith.addf %scan3A_1037, %get3A_1075 : vector<16xf32>
        %add3A_1077 = arith.constant 1 : i32
        %add3A_1078 = arith.addi %add3A_1041, %add3A_1077 : i32
        %get3A_1079 = arith.constant 1 : i32
        %get3A_1080 = arith.index_cast %get3A_1079 : i32 to index
        %get3A_1081 = arith.index_cast %add3A_1078 : i32 to index
        %get3A_1082 = arith.constant 0 : index
        %get3A_1083 = tpu.vector_load %arg7[%get3A_1080, %get3A_1081, %get3A_1082] {strides = array<i32>} : memref<8x50x128xf32, #tpu.memory_space<vmem>>, vector<1x1x16xf32>,
        %get3A_1084 = vector.shape_cast %get3A_1083 : vector<1x1x16xf32> to vector<16xf32>
        %add3A_1085 = arith.addf %add3A_1049, %get3A_1084 : vector<16xf32>
        %add3A_1086 = arith.constant 1 : i32
        %add3A_1087 = arith.addi %add3A_1041, %add3A_1086 : i32
        %get3A_1088 = arith.constant 1 : i32
        %get3A_1089 = arith.index_cast %get3A_1088 : i32 to index
        %get3A_1090 = arith.index_cast %add3A_1087 : i32 to index
        %get3A_1091 = arith.constant 16 : index
        %get3A_1092 = tpu.vector_load %arg7[%get3A_1089, %get3A_1090, %get3A_1091] {strides = array<i32>} : memref<8x50x128xf32, #tpu.memory_space<vmem>>, vector<1x1x16xf32>,
        %get3A_1093 = vector.shape_cast %get3A_1092 : vector<1x1x16xf32> to vector<16xf32>
        %add3A_1094 = arith.addf %add3A_1058, %get3A_1093 : vector<16xf32>
        %add3A_1095 = arith.constant 1 : i32
        %add3A_1096 = arith.addi %add3A_1041, %add3A_1095 : i32
        %get3A_1097 = arith.constant 1 : i32
        %get3A_1098 = arith.index_cast %get3A_1097 : i32 to index
        %get3A_1099 = arith.index_cast %add3A_1096 : i32 to index
        %get3A_1100 = arith.constant 32 : index
        %get3A_1101 = tpu.vector_load %arg7[%get3A_1098, %get3A_1099, %get3A_1100] {strides = array<i32>} : memref<8x50x128xf32, #tpu.memory_space<vmem>>, vector<1x1x16xf32>,
        %get3A_1102 = vector.shape_cast %get3A_1101 : vector<1x1x16xf32> to vector<16xf32>
        %add3A_1103 = arith.addf %add3A_1067, %get3A_1102 : vector<16xf32>
        %add3A_1104 = arith.constant 1 : i32
        %add3A_1105 = arith.addi %add3A_1041, %add3A_1104 : i32
        %get3A_1106 = arith.constant 1 : i32
        %get3A_1107 = arith.index_cast %get3A_1106 : i32 to index
        %get3A_1108 = arith.index_cast %add3A_1105 : i32 to index
        %get3A_1109 = arith.constant 48 : index
        %get3A_1110 = tpu.vector_load %arg7[%get3A_1107, %get3A_1108, %get3A_1109] {strides = array<i32>} : memref<8x50x128xf32, #tpu.memory_space<vmem>>, vector<1x1x16xf32>,
        %get3A_1111 = vector.shape_cast %get3A_1110 : vector<1x1x16xf32> to vector<16xf32>
        %add3A_1112 = arith.addf %add3A_1076, %get3A_1111 : vector<16xf32>
        %add3A_1113 = arith.constant 2 : i32
        %add3A_1114 = arith.addi %add3A_1041, %add3A_1113 : i32
        %get3A_1115 = arith.constant 1 : i32
        %get3A_1116 = arith.index_cast %get3A_1115 : i32 to index
        %get3A_1117 = arith.index_cast %add3A_1114 : i32 to index
        %get3A_1118 = arith.constant 0 : index
        %get3A_1119 = tpu.vector_load %arg7[%get3A_1116, %get3A_1117, %get3A_1118] {strides = array<i32>} : memref<8x50x128xf32, #tpu.memory_space<vmem>>, vector<1x1x16xf32>,
        %get3A_1120 = vector.shape_cast %get3A_1119 : vector<1x1x16xf32> to vector<16xf32>
        %add3A_1121 = arith.addf %add3A_1085, %get3A_1120 : vector<16xf32>
        %add3A_1122 = arith.constant 2 : i32
        %add3A_1123 = arith.addi %add3A_1041, %add3A_1122 : i32
        %get3A_1124 = arith.constant 1 : i32
        %get3A_1125 = arith.index_cast %get3A_1124 : i32 to index
        %get3A_1126 = arith.index_cast %add3A_1123 : i32 to index
        %get3A_1127 = arith.constant 16 : index
        %get3A_1128 = tpu.vector_load %arg7[%get3A_1125, %get3A_1126, %get3A_1127] {strides = array<i32>} : memref<8x50x128xf32, #tpu.memory_space<vmem>>, vector<1x1x16xf32>,
        %get3A_1129 = vector.shape_cast %get3A_1128 : vector<1x1x16xf32> to vector<16xf32>
        %add3A_1130 = arith.addf %add3A_1094, %get3A_1129 : vector<16xf32>
        %add3A_1131 = arith.constant 2 : i32
        %add3A_1132 = arith.addi %add3A_1041, %add3A_1131 : i32
        %get3A_1133 = arith.constant 1 : i32
        %get3A_1134 = arith.index_cast %get3A_1133 : i32 to index
        %get3A_1135 = arith.index_cast %add3A_1132 : i32 to index
        %get3A_1136 = arith.constant 32 : index
        %get3A_1137 = tpu.vector_load %arg7[%get3A_1134, %get3A_1135, %get3A_1136] {strides = array<i32>} : memref<8x50x128xf32, #tpu.memory_space<vmem>>, vector<1x1x16xf32>,
        %get3A_1138 = vector.shape_cast %get3A_1137 : vector<1x1x16xf32> to vector<16xf32>
        %add3A_1139 = arith.addf %add3A_1103, %get3A_1138 : vector<16xf32>
        %add3A_1140 = arith.constant 2 : i32
        %add3A_1141 = arith.addi %add3A_1041, %add3A_1140 : i32
        %get3A_1142 = arith.constant 1 : i32
        %get3A_1143 = arith.index_cast %get3A_1142 : i32 to index
        %get3A_1144 = arith.index_cast %add3A_1141 : i32 to index
        %get3A_1145 = arith.constant 48 : index
        %get3A_1146 = tpu.vector_load %arg7[%get3A_1143, %get3A_1144, %get3A_1145] {strides = array<i32>} : memref<8x50x128xf32, #tpu.memory_space<vmem>>, vector<1x1x16xf32>,
        %get3A_1147 = vector.shape_cast %get3A_1146 : vector<1x1x16xf32> to vector<16xf32>
        %add3A_1148 = arith.addf %add3A_1112, %get3A_1147 : vector<16xf32>
        %add3A_1149 = arith.constant 3 : i32
        %add3A_1150 = arith.addi %add3A_1041, %add3A_1149 : i32
        %get3A_1151 = arith.constant 1 : i32
        %get3A_1152 = arith.index_cast %get3A_1151 : i32 to index
        %get3A_1153 = arith.index_cast %add3A_1150 : i32 to index
        %get3A_1154 = arith.constant 0 : index
        %get3A_1155 = tpu.vector_load %arg7[%get3A_1152, %get3A_1153, %get3A_1154] {strides = array<i32>} : memref<8x50x128xf32, #tpu.memory_space<vmem>>, vector<1x1x16xf32>,
        %get3A_1156 = vector.shape_cast %get3A_1155 : vector<1x1x16xf32> to vector<16xf32>
        %add3A_1157 = arith.addf %add3A_1121, %get3A_1156 : vector<16xf32>
        %add3A_1158 = arith.constant 3 : i32
        %add3A_1159 = arith.addi %add3A_1041, %add3A_1158 : i32
        %get3A_1160 = arith.constant 1 : i32
        %get3A_1161 = arith.index_cast %get3A_1160 : i32 to index
        %get3A_1162 = arith.index_cast %add3A_1159 : i32 to index
        %get3A_1163 = arith.constant 16 : index
        %get3A_1164 = tpu.vector_load %arg7[%get3A_1161, %get3A_1162, %get3A_1163] {strides = array<i32>} : memref<8x50x128xf32, #tpu.memory_space<vmem>>, vector<1x1x16xf32>,
        %get3A_1165 = vector.shape_cast %get3A_1164 : vector<1x1x16xf32> to vector<16xf32>
        %add3A_1166 = arith.addf %add3A_1130, %get3A_1165 : vector<16xf32>
        %add3A_1167 = arith.constant 3 : i32
        %add3A_1168 = arith.addi %add3A_1041, %add3A_1167 : i32
        %get3A_1169 = arith.constant 1 : i32
        %get3A_1170 = arith.index_cast %get3A_1169 : i32 to index
        %get3A_1171 = arith.index_cast %add3A_1168 : i32 to index
        %get3A_1172 = arith.constant 32 : index
        %get3A_1173 = tpu.vector_load %arg7[%get3A_1170, %get3A_1171, %get3A_1172] {strides = array<i32>} : memref<8x50x128xf32, #tpu.memory_space<vmem>>, vector<1x1x16xf32>,
        %get3A_1174 = vector.shape_cast %get3A_1173 : vector<1x1x16xf32> to vector<16xf32>
        %add3A_1175 = arith.addf %add3A_1139, %get3A_1174 : vector<16xf32>
        %add3A_1176 = arith.constant 3 : i32
        %add3A_1177 = arith.addi %add3A_1041, %add3A_1176 : i32
        %get3A_1178 = arith.constant 1 : i32
        %get3A_1179 = arith.index_cast %get3A_1178 : i32 to index
        %get3A_1180 = arith.index_cast %add3A_1177 : i32 to index
        %get3A_1181 = arith.constant 48 : index
        %get3A_1182 = tpu.vector_load %arg7[%get3A_1179, %get3A_1180, %get3A_1181] {strides = array<i32>} : memref<8x50x128xf32, #tpu.memory_space<vmem>>, vector<1x1x16xf32>,
        %get3A_1183 = vector.shape_cast %get3A_1182 : vector<1x1x16xf32> to vector<16xf32>
        %add3A_1184 = arith.addf %add3A_1148, %get3A_1183 : vector<16xf32>
        %add3A_1185 = arith.constant 4 : i32
        %add3A_1186 = arith.addi %add3A_1041, %add3A_1185 : i32
        %get3A_1187 = arith.constant 1 : i32
        %get3A_1188 = arith.index_cast %get3A_1187 : i32 to index
        %get3A_1189 = arith.index_cast %add3A_1186 : i32 to index
        %get3A_1190 = arith.constant 0 : index
        %get3A_1191 = tpu.vector_load %arg7[%get3A_1188, %get3A_1189, %get3A_1190] {strides = array<i32>} : memref<8x50x128xf32, #tpu.memory_space<vmem>>, vector<1x1x16xf32>,
        %get3A_1192 = vector.shape_cast %get3A_1191 : vector<1x1x16xf32> to vector<16xf32>
        %add3A_1193 = arith.addf %add3A_1157, %get3A_1192 : vector<16xf32>
        %add3A_1194 = arith.constant 4 : i32
        %add3A_1195 = arith.addi %add3A_1041, %add3A_1194 : i32
        %get3A_1196 = arith.constant 1 : i32
        %get3A_1197 = arith.index_cast %get3A_1196 : i32 to index
        %get3A_1198 = arith.index_cast %add3A_1195 : i32 to index
        %get3A_1199 = arith.constant 16 : index
        %get3A_1200 = tpu.vector_load %arg7[%get3A_1197, %get3A_1198, %get3A_1199] {strides = array<i32>} : memref<8x50x128xf32, #tpu.memory_space<vmem>>, vector<1x1x16xf32>,
        %get3A_1201 = vector.shape_cast %get3A_1200 : vector<1x1x16xf32> to vector<16xf32>
        %add3A_1202 = arith.addf %add3A_1166, %get3A_1201 : vector<16xf32>
        %add3A_1203 = arith.constant 4 : i32
        %add3A_1204 = arith.addi %add3A_1041, %add3A_1203 : i32
        %get3A_1205 = arith.constant 1 : i32
        %get3A_1206 = arith.index_cast %get3A_1205 : i32 to index
        %get3A_1207 = arith.index_cast %add3A_1204 : i32 to index
        %get3A_1208 = arith.constant 32 : index
        %get3A_1209 = tpu.vector_load %arg7[%get3A_1206, %get3A_1207, %get3A_1208] {strides = array<i32>} : memref<8x50x128xf32, #tpu.memory_space<vmem>>, vector<1x1x16xf32>,
        %get3A_1210 = vector.shape_cast %get3A_1209 : vector<1x1x16xf32> to vector<16xf32>
        %add3A_1211 = arith.addf %add3A_1175, %get3A_1210 : vector<16xf32>
        %add3A_1212 = arith.constant 4 : i32
        %add3A_1213 = arith.addi %add3A_1041, %add3A_1212 : i32
        %get3A_1214 = arith.constant 1 : i32
        %get3A_1215 = arith.index_cast %get3A_1214 : i32 to index
        %get3A_1216 = arith.index_cast %add3A_1213 : i32 to index
        %get3A_1217 = arith.constant 48 : index
        %get3A_1218 = tpu.vector_load %arg7[%get3A_1215, %get3A_1216, %get3A_1217] {strides = array<i32>} : memref<8x50x128xf32, #tpu.memory_space<vmem>>, vector<1x1x16xf32>,
        %get3A_1219 = vector.shape_cast %get3A_1218 : vector<1x1x16xf32> to vector<16xf32>
        %add3A_1220 = arith.addf %add3A_1184, %get3A_1219 : vector<16xf32>
        scf.yield %add3A_1193, %add3A_1202, %add3A_1211, %add3A_1220 : vector<16xf32>, vector<16xf32>, vector<16xf32>, vector<16xf32>
      }
      %scan3A_247 = arith.constant 10 : i32
      %mul3A_248 = arith.constant 2.000000e-02 : f32
      %mul3A_249 = vector.broadcast %mul3A_248 : f32 to vector<16xf32>
      %mul3A_250 = arith.mulf %scan3A_246#0, %mul3A_249 : vector<16xf32>
      %swap3A_251 = arith.index_cast %rem3A_233 : i32 to index
      %swap3A_252 = arith.constant 0 : index
      %swap3A_253 = tpu.vector_load %arg8[%swap3A_251, %swap3A_252] {strides = array<i32>} : memref<32x128xf32, #tpu.memory_space<vmem>>, vector<1x16xf32>,
      %swap3A_254 = vector.shape_cast %swap3A_253 : vector<1x16xf32> to vector<16xf32>
      %swap3A_255 = vector.shape_cast %mul3A_250 : vector<16xf32> to vector<1x16xf32>
      tpu.vector_store %arg8[%swap3A_251, %swap3A_252], %swap3A_255 {strides = array<i32>} : memref<32x128xf32, #tpu.memory_space<vmem>>, vector<1x16xf32>,
      %mul3A_256 = arith.constant 2.000000e-02 : f32
      %mul3A_257 = vector.broadcast %mul3A_256 : f32 to vector<16xf32>
      %mul3A_258 = arith.mulf %scan3A_246#1, %mul3A_257 : vector<16xf32>
      %swap3A_259 = arith.index_cast %rem3A_233 : i32 to index
      %swap3A_260 = arith.constant 16 : index
      %swap3A_261 = tpu.vector_load %arg8[%swap3A_259, %swap3A_260] {strides = array<i32>} : memref<32x128xf32, #tpu.memory_space<vmem>>, vector<1x16xf32>,
      %swap3A_262 = vector.shape_cast %swap3A_261 : vector<1x16xf32> to vector<16xf32>
      %swap3A_263 = vector.shape_cast %mul3A_258 : vector<16xf32> to vector<1x16xf32>
      tpu.vector_store %arg8[%swap3A_259, %swap3A_260], %swap3A_263 {strides = array<i32>} : memref<32x128xf32, #tpu.memory_space<vmem>>, vector<1x16xf32>,
      %mul3A_264 = arith.constant 2.000000e-02 : f32
      %mul3A_265 = vector.broadcast %mul3A_264 : f32 to vector<16xf32>
      %mul3A_266 = arith.mulf %scan3A_246#2, %mul3A_265 : vector<16xf32>
      %swap3A_267 = arith.index_cast %rem3A_233 : i32 to index
      %swap3A_268 = arith.constant 32 : index
      %swap3A_269 = tpu.vector_load %arg8[%swap3A_267, %swap3A_268] {strides = array<i32>} : memref<32x128xf32, #tpu.memory_space<vmem>>, vector<1x16xf32>,
      %swap3A_270 = vector.shape_cast %swap3A_269 : vector<1x16xf32> to vector<16xf32>
      %swap3A_271 = vector.shape_cast %mul3A_266 : vector<16xf32> to vector<1x16xf32>
      tpu.vector_store %arg8[%swap3A_267, %swap3A_268], %swap3A_271 {strides = array<i32>} : memref<32x128xf32, #tpu.memory_space<vmem>>, vector<1x16xf32>,
      %mul3A_272 = arith.constant 2.000000e-02 : f32
      %mul3A_273 = vector.broadcast %mul3A_272 : f32 to vector<16xf32>
      %mul3A_274 = arith.mulf %scan3A_246#3, %mul3A_273 : vector<16xf32>
      %swap3A_275 = arith.index_cast %rem3A_233 : i32 to index
      %swap3A_276 = arith.constant 48 : index
      %swap3A_277 = tpu.vector_load %arg8[%swap3A_275, %swap3A_276] {strides = array<i32>} : memref<32x128xf32, #tpu.memory_space<vmem>>, vector<1x16xf32>,
      %swap3A_278 = vector.shape_cast %swap3A_277 : vector<1x16xf32> to vector<16xf32>
      %swap3A_279 = vector.shape_cast %mul3A_274 : vector<16xf32> to vector<1x16xf32>
      tpu.vector_store %arg8[%swap3A_275, %swap3A_276], %swap3A_279 {strides = array<i32>} : memref<32x128xf32, #tpu.memory_space<vmem>>, vector<1x16xf32>,
      %broadcast_in_dim3A_280 = arith.constant 0.000000e+00 : f32
      %broadcast_in_dim3A_281 = vector.broadcast %broadcast_in_dim3A_280 : f32 to vector<16xf32>
      %broadcast_in_dim3A_282 = arith.constant 0.000000e+00 : f32
      %broadcast_in_dim3A_283 = vector.broadcast %broadcast_in_dim3A_282 : f32 to vector<16xf32>
      %broadcast_in_dim3A_284 = arith.constant 0.000000e+00 : f32
      %broadcast_in_dim3A_285 = vector.broadcast %broadcast_in_dim3A_284 : f32 to vector<16xf32>
      %broadcast_in_dim3A_286 = arith.constant 0.000000e+00 : f32
      %broadcast_in_dim3A_287 = vector.broadcast %broadcast_in_dim3A_286 : f32 to vector<16xf32>
      %scan3A_288 = arith.constant 0 : i32
      %scan3A_289 = arith.constant 10 : i32
      %scan3A_290 = arith.addi %scan3A_288, %scan3A_289 : i32
      %scan3A_291 = arith.constant 1 : i32
      %scan3A_292:4 = scf.for %scan3A_1033 = %scan3A_288 to %scan3A_290 step %scan3A_291 iter_args(%scan3A_1034 = %broadcast_in_dim3A_281, %scan3A_1035 = %broadcast_in_dim3A_283, %scan3A_1036 = %broadcast_in_dim3A_285, %scan3A_1037 = %broadcast_in_dim3A_287) -> (vector<16xf32>, vector<16xf32>, vector<16xf32>, vector<16xf32>)  : i32 {
        %mul3A_1038 = arith.constant 5 : i32
        %mul3A_1039 = arith.muli %scan3A_1033, %mul3A_1038 : i32
        %add3A_1040 = arith.constant 0 : i32
        %add3A_1041 = arith.addi %add3A_1040, %mul3A_1039 : i32
        %add3A_1042 = arith.constant 0 : i32
        %add3A_1043 = arith.addi %add3A_1041, %add3A_1042 : i32
        %get3A = arith.constant 1 : i32
        %get3A_1044 = arith.index_cast %get3A : i32 to index
        %get3A_1045 = arith.index_cast %add3A_1043 : i32 to index
        %get3A_1046 = arith.constant 64 : index
        %get3A_1047 = tpu.vector_load %arg7[%get3A_1044, %get3A_1045, %get3A_1046] {strides = array<i32>} : memref<8x50x128xf32, #tpu.memory_space<vmem>>, vector<1x1x16xf32>,
        %get3A_1048 = vector.shape_cast %get3A_1047 : vector<1x1x16xf32> to vector<16xf32>
        %add3A_1049 = arith.addf %scan3A_1034, %get3A_1048 : vector<16xf32>
        %add3A_1050 = arith.constant 0 : i32
        %add3A_1051 = arith.addi %add3A_1041, %add3A_1050 : i32
        %get3A_1052 = arith.constant 1 : i32
        %get3A_1053 = arith.index_cast %get3A_1052 : i32 to index
        %get3A_1054 = arith.index_cast %add3A_1051 : i32 to index
        %get3A_1055 = arith.constant 80 : index
        %get3A_1056 = tpu.vector_load %arg7[%get3A_1053, %get3A_1054, %get3A_1055] {strides = array<i32>} : memref<8x50x128xf32, #tpu.memory_space<vmem>>, vector<1x1x16xf32>,
        %get3A_1057 = vector.shape_cast %get3A_1056 : vector<1x1x16xf32> to vector<16xf32>
        %add3A_1058 = arith.addf %scan3A_1035, %get3A_1057 : vector<16xf32>
        %add3A_1059 = arith.constant 0 : i32
        %add3A_1060 = arith.addi %add3A_1041, %add3A_1059 : i32
        %get3A_1061 = arith.constant 1 : i32
        %get3A_1062 = arith.index_cast %get3A_1061 : i32 to index
        %get3A_1063 = arith.index_cast %add3A_1060 : i32 to index
        %get3A_1064 = arith.constant 96 : index
        %get3A_1065 = tpu.vector_load %arg7[%get3A_1062, %get3A_1063, %get3A_1064] {strides = array<i32>} : memref<8x50x128xf32, #tpu.memory_space<vmem>>, vector<1x1x16xf32>,
        %get3A_1066 = vector.shape_cast %get3A_1065 : vector<1x1x16xf32> to vector<16xf32>
        %add3A_1067 = arith.addf %scan3A_1036, %get3A_1066 : vector<16xf32>
        %add3A_1068 = arith.constant 0 : i32
        %add3A_1069 = arith.addi %add3A_1041, %add3A_1068 : i32
        %get3A_1070 = arith.constant 1 : i32
        %get3A_1071 = arith.index_cast %get3A_1070 : i32 to index
        %get3A_1072 = arith.index_cast %add3A_1069 : i32 to index
        %get3A_1073 = arith.constant 112 : index
        %get3A_1074 = tpu.vector_load %arg7[%get3A_1071, %get3A_1072, %get3A_1073] {strides = array<i32>} : memref<8x50x128xf32, #tpu.memory_space<vmem>>, vector<1x1x16xf32>,
        %get3A_1075 = vector.shape_cast %get3A_1074 : vector<1x1x16xf32> to vector<16xf32>
        %add3A_1076 = arith.addf %scan3A_1037, %get3A_1075 : vector<16xf32>
        %add3A_1077 = arith.constant 1 : i32
        %add3A_1078 = arith.addi %add3A_1041, %add3A_1077 : i32
        %get3A_1079 = arith.constant 1 : i32
        %get3A_1080 = arith.index_cast %get3A_1079 : i32 to index
        %get3A_1081 = arith.index_cast %add3A_1078 : i32 to index
        %get3A_1082 = arith.constant 64 : index
        %get3A_1083 = tpu.vector_load %arg7[%get3A_1080, %get3A_1081, %get3A_1082] {strides = array<i32>} : memref<8x50x128xf32, #tpu.memory_space<vmem>>, vector<1x1x16xf32>,
        %get3A_1084 = vector.shape_cast %get3A_1083 : vector<1x1x16xf32> to vector<16xf32>
        %add3A_1085 = arith.addf %add3A_1049, %get3A_1084 : vector<16xf32>
        %add3A_1086 = arith.constant 1 : i32
        %add3A_1087 = arith.addi %add3A_1041, %add3A_1086 : i32
        %get3A_1088 = arith.constant 1 : i32
        %get3A_1089 = arith.index_cast %get3A_1088 : i32 to index
        %get3A_1090 = arith.index_cast %add3A_1087 : i32 to index
        %get3A_1091 = arith.constant 80 : index
        %get3A_1092 = tpu.vector_load %arg7[%get3A_1089, %get3A_1090, %get3A_1091] {strides = array<i32>} : memref<8x50x128xf32, #tpu.memory_space<vmem>>, vector<1x1x16xf32>,
        %get3A_1093 = vector.shape_cast %get3A_1092 : vector<1x1x16xf32> to vector<16xf32>
        %add3A_1094 = arith.addf %add3A_1058, %get3A_1093 : vector<16xf32>
        %add3A_1095 = arith.constant 1 : i32
        %add3A_1096 = arith.addi %add3A_1041, %add3A_1095 : i32
        %get3A_1097 = arith.constant 1 : i32
        %get3A_1098 = arith.index_cast %get3A_1097 : i32 to index
        %get3A_1099 = arith.index_cast %add3A_1096 : i32 to index
        %get3A_1100 = arith.constant 96 : index
        %get3A_1101 = tpu.vector_load %arg7[%get3A_1098, %get3A_1099, %get3A_1100] {strides = array<i32>} : memref<8x50x128xf32, #tpu.memory_space<vmem>>, vector<1x1x16xf32>,
        %get3A_1102 = vector.shape_cast %get3A_1101 : vector<1x1x16xf32> to vector<16xf32>
        %add3A_1103 = arith.addf %add3A_1067, %get3A_1102 : vector<16xf32>
        %add3A_1104 = arith.constant 1 : i32
        %add3A_1105 = arith.addi %add3A_1041, %add3A_1104 : i32
        %get3A_1106 = arith.constant 1 : i32
        %get3A_1107 = arith.index_cast %get3A_1106 : i32 to index
        %get3A_1108 = arith.index_cast %add3A_1105 : i32 to index
        %get3A_1109 = arith.constant 112 : index
        %get3A_1110 = tpu.vector_load %arg7[%get3A_1107, %get3A_1108, %get3A_1109] {strides = array<i32>} : memref<8x50x128xf32, #tpu.memory_space<vmem>>, vector<1x1x16xf32>,
        %get3A_1111 = vector.shape_cast %get3A_1110 : vector<1x1x16xf32> to vector<16xf32>
        %add3A_1112 = arith.addf %add3A_1076, %get3A_1111 : vector<16xf32>
        %add3A_1113 = arith.constant 2 : i32
        %add3A_1114 = arith.addi %add3A_1041, %add3A_1113 : i32
        %get3A_1115 = arith.constant 1 : i32
        %get3A_1116 = arith.index_cast %get3A_1115 : i32 to index
        %get3A_1117 = arith.index_cast %add3A_1114 : i32 to index
        %get3A_1118 = arith.constant 64 : index
        %get3A_1119 = tpu.vector_load %arg7[%get3A_1116, %get3A_1117, %get3A_1118] {strides = array<i32>} : memref<8x50x128xf32, #tpu.memory_space<vmem>>, vector<1x1x16xf32>,
        %get3A_1120 = vector.shape_cast %get3A_1119 : vector<1x1x16xf32> to vector<16xf32>
        %add3A_1121 = arith.addf %add3A_1085, %get3A_1120 : vector<16xf32>
        %add3A_1122 = arith.constant 2 : i32
        %add3A_1123 = arith.addi %add3A_1041, %add3A_1122 : i32
        %get3A_1124 = arith.constant 1 : i32
        %get3A_1125 = arith.index_cast %get3A_1124 : i32 to index
        %get3A_1126 = arith.index_cast %add3A_1123 : i32 to index
        %get3A_1127 = arith.constant 80 : index
        %get3A_1128 = tpu.vector_load %arg7[%get3A_1125, %get3A_1126, %get3A_1127] {strides = array<i32>} : memref<8x50x128xf32, #tpu.memory_space<vmem>>, vector<1x1x16xf32>,
        %get3A_1129 = vector.shape_cast %get3A_1128 : vector<1x1x16xf32> to vector<16xf32>
        %add3A_1130 = arith.addf %add3A_1094, %get3A_1129 : vector<16xf32>
        %add3A_1131 = arith.constant 2 : i32
        %add3A_1132 = arith.addi %add3A_1041, %add3A_1131 : i32
        %get3A_1133 = arith.constant 1 : i32
        %get3A_1134 = arith.index_cast %get3A_1133 : i32 to index
        %get3A_1135 = arith.index_cast %add3A_1132 : i32 to index
        %get3A_1136 = arith.constant 96 : index
        %get3A_1137 = tpu.vector_load %arg7[%get3A_1134, %get3A_1135, %get3A_1136] {strides = array<i32>} : memref<8x50x128xf32, #tpu.memory_space<vmem>>, vector<1x1x16xf32>,
        %get3A_1138 = vector.shape_cast %get3A_1137 : vector<1x1x16xf32> to vector<16xf32>
        %add3A_1139 = arith.addf %add3A_1103, %get3A_1138 : vector<16xf32>
        %add3A_1140 = arith.constant 2 : i32
        %add3A_1141 = arith.addi %add3A_1041, %add3A_1140 : i32
        %get3A_1142 = arith.constant 1 : i32
        %get3A_1143 = arith.index_cast %get3A_1142 : i32 to index
        %get3A_1144 = arith.index_cast %add3A_1141 : i32 to index
        %get3A_1145 = arith.constant 112 : index
        %get3A_1146 = tpu.vector_load %arg7[%get3A_1143, %get3A_1144, %get3A_1145] {strides = array<i32>} : memref<8x50x128xf32, #tpu.memory_space<vmem>>, vector<1x1x16xf32>,
        %get3A_1147 = vector.shape_cast %get3A_1146 : vector<1x1x16xf32> to vector<16xf32>
        %add3A_1148 = arith.addf %add3A_1112, %get3A_1147 : vector<16xf32>
        %add3A_1149 = arith.constant 3 : i32
        %add3A_1150 = arith.addi %add3A_1041, %add3A_1149 : i32
        %get3A_1151 = arith.constant 1 : i32
        %get3A_1152 = arith.index_cast %get3A_1151 : i32 to index
        %get3A_1153 = arith.index_cast %add3A_1150 : i32 to index
        %get3A_1154 = arith.constant 64 : index
        %get3A_1155 = tpu.vector_load %arg7[%get3A_1152, %get3A_1153, %get3A_1154] {strides = array<i32>} : memref<8x50x128xf32, #tpu.memory_space<vmem>>, vector<1x1x16xf32>,
        %get3A_1156 = vector.shape_cast %get3A_1155 : vector<1x1x16xf32> to vector<16xf32>
        %add3A_1157 = arith.addf %add3A_1121, %get3A_1156 : vector<16xf32>
        %add3A_1158 = arith.constant 3 : i32
        %add3A_1159 = arith.addi %add3A_1041, %add3A_1158 : i32
        %get3A_1160 = arith.constant 1 : i32
        %get3A_1161 = arith.index_cast %get3A_1160 : i32 to index
        %get3A_1162 = arith.index_cast %add3A_1159 : i32 to index
        %get3A_1163 = arith.constant 80 : index
        %get3A_1164 = tpu.vector_load %arg7[%get3A_1161, %get3A_1162, %get3A_1163] {strides = array<i32>} : memref<8x50x128xf32, #tpu.memory_space<vmem>>, vector<1x1x16xf32>,
        %get3A_1165 = vector.shape_cast %get3A_1164 : vector<1x1x16xf32> to vector<16xf32>
        %add3A_1166 = arith.addf %add3A_1130, %get3A_1165 : vector<16xf32>
        %add3A_1167 = arith.constant 3 : i32
        %add3A_1168 = arith.addi %add3A_1041, %add3A_1167 : i32
        %get3A_1169 = arith.constant 1 : i32
        %get3A_1170 = arith.index_cast %get3A_1169 : i32 to index
        %get3A_1171 = arith.index_cast %add3A_1168 : i32 to index
        %get3A_1172 = arith.constant 96 : index
        %get3A_1173 = tpu.vector_load %arg7[%get3A_1170, %get3A_1171, %get3A_1172] {strides = array<i32>} : memref<8x50x128xf32, #tpu.memory_space<vmem>>, vector<1x1x16xf32>,
        %get3A_1174 = vector.shape_cast %get3A_1173 : vector<1x1x16xf32> to vector<16xf32>
        %add3A_1175 = arith.addf %add3A_1139, %get3A_1174 : vector<16xf32>
        %add3A_1176 = arith.constant 3 : i32
        %add3A_1177 = arith.addi %add3A_1041, %add3A_1176 : i32
        %get3A_1178 = arith.constant 1 : i32
        %get3A_1179 = arith.index_cast %get3A_1178 : i32 to index
        %get3A_1180 = arith.index_cast %add3A_1177 : i32 to index
        %get3A_1181 = arith.constant 112 : index
        %get3A_1182 = tpu.vector_load %arg7[%get3A_1179, %get3A_1180, %get3A_1181] {strides = array<i32>} : memref<8x50x128xf32, #tpu.memory_space<vmem>>, vector<1x1x16xf32>,
        %get3A_1183 = vector.shape_cast %get3A_1182 : vector<1x1x16xf32> to vector<16xf32>
        %add3A_1184 = arith.addf %add3A_1148, %get3A_1183 : vector<16xf32>
        %add3A_1185 = arith.constant 4 : i32
        %add3A_1186 = arith.addi %add3A_1041, %add3A_1185 : i32
        %get3A_1187 = arith.constant 1 : i32
        %get3A_1188 = arith.index_cast %get3A_1187 : i32 to index
        %get3A_1189 = arith.index_cast %add3A_1186 : i32 to index
        %get3A_1190 = arith.constant 64 : index
        %get3A_1191 = tpu.vector_load %arg7[%get3A_1188, %get3A_1189, %get3A_1190] {strides = array<i32>} : memref<8x50x128xf32, #tpu.memory_space<vmem>>, vector<1x1x16xf32>,
        %get3A_1192 = vector.shape_cast %get3A_1191 : vector<1x1x16xf32> to vector<16xf32>
        %add3A_1193 = arith.addf %add3A_1157, %get3A_1192 : vector<16xf32>
        %add3A_1194 = arith.constant 4 : i32
        %add3A_1195 = arith.addi %add3A_1041, %add3A_1194 : i32
        %get3A_1196 = arith.constant 1 : i32
        %get3A_1197 = arith.index_cast %get3A_1196 : i32 to index
        %get3A_1198 = arith.index_cast %add3A_1195 : i32 to index
        %get3A_1199 = arith.constant 80 : index
        %get3A_1200 = tpu.vector_load %arg7[%get3A_1197, %get3A_1198, %get3A_1199] {strides = array<i32>} : memref<8x50x128xf32, #tpu.memory_space<vmem>>, vector<1x1x16xf32>,
        %get3A_1201 = vector.shape_cast %get3A_1200 : vector<1x1x16xf32> to vector<16xf32>
        %add3A_1202 = arith.addf %add3A_1166, %get3A_1201 : vector<16xf32>
        %add3A_1203 = arith.constant 4 : i32
        %add3A_1204 = arith.addi %add3A_1041, %add3A_1203 : i32
        %get3A_1205 = arith.constant 1 : i32
        %get3A_1206 = arith.index_cast %get3A_1205 : i32 to index
        %get3A_1207 = arith.index_cast %add3A_1204 : i32 to index
        %get3A_1208 = arith.constant 96 : index
        %get3A_1209 = tpu.vector_load %arg7[%get3A_1206, %get3A_1207, %get3A_1208] {strides = array<i32>} : memref<8x50x128xf32, #tpu.memory_space<vmem>>, vector<1x1x16xf32>,
        %get3A_1210 = vector.shape_cast %get3A_1209 : vector<1x1x16xf32> to vector<16xf32>
        %add3A_1211 = arith.addf %add3A_1175, %get3A_1210 : vector<16xf32>
        %add3A_1212 = arith.constant 4 : i32
        %add3A_1213 = arith.addi %add3A_1041, %add3A_1212 : i32
        %get3A_1214 = arith.constant 1 : i32
        %get3A_1215 = arith.index_cast %get3A_1214 : i32 to index
        %get3A_1216 = arith.index_cast %add3A_1213 : i32 to index
        %get3A_1217 = arith.constant 112 : index
        %get3A_1218 = tpu.vector_load %arg7[%get3A_1215, %get3A_1216, %get3A_1217] {strides = array<i32>} : memref<8x50x128xf32, #tpu.memory_space<vmem>>, vector<1x1x16xf32>,
        %get3A_1219 = vector.shape_cast %get3A_1218 : vector<1x1x16xf32> to vector<16xf32>
        %add3A_1220 = arith.addf %add3A_1184, %get3A_1219 : vector<16xf32>
        scf.yield %add3A_1193, %add3A_1202, %add3A_1211, %add3A_1220 : vector<16xf32>, vector<16xf32>, vector<16xf32>, vector<16xf32>
      }
      %scan3A_293 = arith.constant 10 : i32
      %mul3A_294 = arith.constant 2.000000e-02 : f32
      %mul3A_295 = vector.broadcast %mul3A_294 : f32 to vector<16xf32>
      %mul3A_296 = arith.mulf %scan3A_292#0, %mul3A_295 : vector<16xf32>
      %swap3A_297 = arith.index_cast %rem3A_233 : i32 to index
      %swap3A_298 = arith.constant 64 : index
      %swap3A_299 = tpu.vector_load %arg8[%swap3A_297, %swap3A_298] {strides = array<i32>} : memref<32x128xf32, #tpu.memory_space<vmem>>, vector<1x16xf32>,
      %swap3A_300 = vector.shape_cast %swap3A_299 : vector<1x16xf32> to vector<16xf32>
      %swap3A_301 = vector.shape_cast %mul3A_296 : vector<16xf32> to vector<1x16xf32>
      tpu.vector_store %arg8[%swap3A_297, %swap3A_298], %swap3A_301 {strides = array<i32>} : memref<32x128xf32, #tpu.memory_space<vmem>>, vector<1x16xf32>,
      %mul3A_302 = arith.constant 2.000000e-02 : f32
      %mul3A_303 = vector.broadcast %mul3A_302 : f32 to vector<16xf32>
      %mul3A_304 = arith.mulf %scan3A_292#1, %mul3A_303 : vector<16xf32>
      %swap3A_305 = arith.index_cast %rem3A_233 : i32 to index
      %swap3A_306 = arith.constant 80 : index
      %swap3A_307 = tpu.vector_load %arg8[%swap3A_305, %swap3A_306] {strides = array<i32>} : memref<32x128xf32, #tpu.memory_space<vmem>>, vector<1x16xf32>,
      %swap3A_308 = vector.shape_cast %swap3A_307 : vector<1x16xf32> to vector<16xf32>
      %swap3A_309 = vector.shape_cast %mul3A_304 : vector<16xf32> to vector<1x16xf32>
      tpu.vector_store %arg8[%swap3A_305, %swap3A_306], %swap3A_309 {strides = array<i32>} : memref<32x128xf32, #tpu.memory_space<vmem>>, vector<1x16xf32>,
      %mul3A_310 = arith.constant 2.000000e-02 : f32
      %mul3A_311 = vector.broadcast %mul3A_310 : f32 to vector<16xf32>
      %mul3A_312 = arith.mulf %scan3A_292#2, %mul3A_311 : vector<16xf32>
      %swap3A_313 = arith.index_cast %rem3A_233 : i32 to index
      %swap3A_314 = arith.constant 96 : index
      %swap3A_315 = tpu.vector_load %arg8[%swap3A_313, %swap3A_314] {strides = array<i32>} : memref<32x128xf32, #tpu.memory_space<vmem>>, vector<1x16xf32>,
      %swap3A_316 = vector.shape_cast %swap3A_315 : vector<1x16xf32> to vector<16xf32>
      %swap3A_317 = vector.shape_cast %mul3A_312 : vector<16xf32> to vector<1x16xf32>
      tpu.vector_store %arg8[%swap3A_313, %swap3A_314], %swap3A_317 {strides = array<i32>} : memref<32x128xf32, #tpu.memory_space<vmem>>, vector<1x16xf32>,
      %mul3A_318 = arith.constant 2.000000e-02 : f32
      %mul3A_319 = vector.broadcast %mul3A_318 : f32 to vector<16xf32>
      %mul3A_320 = arith.mulf %scan3A_292#3, %mul3A_319 : vector<16xf32>
      %swap3A_321 = arith.index_cast %rem3A_233 : i32 to index
      %swap3A_322 = arith.constant 112 : index
      %swap3A_323 = tpu.vector_load %arg8[%swap3A_321, %swap3A_322] {strides = array<i32>} : memref<32x128xf32, #tpu.memory_space<vmem>>, vector<1x16xf32>,
      %swap3A_324 = vector.shape_cast %swap3A_323 : vector<1x16xf32> to vector<16xf32>
      %swap3A_325 = vector.shape_cast %mul3A_320 : vector<16xf32> to vector<1x16xf32>
      tpu.vector_store %arg8[%swap3A_321, %swap3A_322], %swap3A_325 {strides = array<i32>} : memref<32x128xf32, #tpu.memory_space<vmem>>, vector<1x16xf32>,
      %lt3A_326 = arith.constant 63 : i32
      %lt3A_327 = arith.cmpi slt, %scan3A_105, %lt3A_326 : i32
      %convert_element_type3A_328 = arith.extui %lt3A_327 : i1 to i32
      %cond3A_329 = arith.constant 0 : i32
      %cond3A_330 = arith.cmpi ne, %convert_element_type3A_328, %cond3A_329 : i32
      scf.if %cond3A_330 {
        %add3A_1033 = arith.constant 8 : i32
        %add3A_1034 = arith.addi %add3A_218, %add3A_1033 : i32
        %dma_start3A_1035 = arith.constant 1 : i32
        %dma_start3A_1036 = arith.constant 0 : i32
        %dma_start3A_1037 = arith.constant 0 : i32
        %dma_start3A_1038 = tpu.memref_slice %arg7[%dma_start3A_1035, %dma_start3A_1036, %dma_start3A_1037] : memref<8x50x128xf32, #tpu.memory_space<vmem>> -> memref<1x50x128xf32, #tpu.memory_space<vmem>>
        %dma_start3A_1039 = tpu.memref_squeeze %dma_start3A_1038 : memref<1x50x128xf32, #tpu.memory_space<vmem>> -> memref<50x128xf32, #tpu.memory_space<vmem>>
        %dma_start3A_1040 = arith.constant 0 : i32
        %dma_start3A_1041 = tpu.memref_slice %arg6[%add3A_1034, %dma_start3A_1040] : memref<512x50xi32, #tpu.memory_space<vmem>> -> memref<1x50xi32, #tpu.memory_space<vmem>>
        %dma_start3A_1042 = tpu.memref_squeeze %dma_start3A_1041 : memref<1x50xi32, #tpu.memory_space<vmem>> -> memref<50xi32, #tpu.memory_space<vmem>>
        %dma_start3A_1043 = arith.constant 0 : i32
        %dma_start3A_1044 = arith.constant 0 : i32
        %dma_start3A_1045 = tpu.memref_slice %arg3[%dma_start3A_1043, %dma_start3A_1044] : memref<1000000x128xf32, #tpu.memory_space<hbm>> -> memref<1000000x128xf32, #tpu.memory_space<hbm>>
        tpu.enqueue_indirect_dma source(%dma_start3A_1045 : memref<1000000x128xf32, #tpu.memory_space<hbm>>) target(%dma_start3A_1039 : memref<50x128xf32, #tpu.memory_space<vmem>>) offsets(%dma_start3A_1042 : memref<50xi32, #tpu.memory_space<vmem>>) semaphore(%arg10 : memref<!tpu.dma_semaphore, #tpu.memory_space<semaphore_mem>>)
      } else {
      }
      %mul3A_331 = arith.constant 8 : i32
      %mul3A_332 = arith.muli %scan3A_105, %mul3A_331 : i32
      %add3A_333 = arith.constant 2 : i32
      %add3A_334 = arith.addi %mul3A_332, %add3A_333 : i32
      %dma_wait3A_335 = arith.constant 2 : i32
      %dma_wait3A_336 = arith.constant 0 : i32
      %dma_wait3A_337 = arith.constant 0 : i32
      %dma_wait3A_338 = tpu.memref_slice %arg7[%dma_wait3A_335, %dma_wait3A_336, %dma_wait3A_337] : memref<8x50x128xf32, #tpu.memory_space<vmem>> -> memref<1x50x128xf32, #tpu.memory_space<vmem>>
      %dma_wait3A_339 = tpu.memref_squeeze %dma_wait3A_338 : memref<1x50x128xf32, #tpu.memory_space<vmem>> -> memref<50x128xf32, #tpu.memory_space<vmem>>
      %dma_wait3A_340 = arith.constant 0 : i32
      %dma_wait3A_341 = arith.constant 0 : i32
      %dma_wait3A_342 = tpu.memref_slice %arg7[%dma_wait3A_335, %dma_wait3A_340, %dma_wait3A_341] : memref<8x50x128xf32, #tpu.memory_space<vmem>> -> memref<1x50x128xf32, #tpu.memory_space<vmem>>
      %dma_wait3A_343 = tpu.memref_squeeze %dma_wait3A_342 : memref<1x50x128xf32, #tpu.memory_space<vmem>> -> memref<50x128xf32, #tpu.memory_space<vmem>>
      tpu.wait_dma2 semaphore(%arg11 : memref<!tpu.dma_semaphore, #tpu.memory_space<semaphore_mem>>) src(%arg4 : memref<50x128xf32, #tpu.memory_space<hbm>>) dst(%dma_wait3A_343 : memref<50x128xf32, #tpu.memory_space<vmem>>)
      %mul3A_344 = arith.constant 1 : i32
      %mul3A_345 = arith.muli %add3A_334, %mul3A_344 : i32
      %add3A_346 = arith.constant 0 : i32
      %add3A_347 = arith.addi %mul3A_345, %add3A_346 : i32
      %rem3A_348 = arith.constant 32 : i32
      %rem3A_349 = arith.remsi %add3A_347, %rem3A_348 : i32
      %broadcast_in_dim3A_350 = arith.constant 0.000000e+00 : f32
      %broadcast_in_dim3A_351 = vector.broadcast %broadcast_in_dim3A_350 : f32 to vector<16xf32>
      %broadcast_in_dim3A_352 = arith.constant 0.000000e+00 : f32
      %broadcast_in_dim3A_353 = vector.broadcast %broadcast_in_dim3A_352 : f32 to vector<16xf32>
      %broadcast_in_dim3A_354 = arith.constant 0.000000e+00 : f32
      %broadcast_in_dim3A_355 = vector.broadcast %broadcast_in_dim3A_354 : f32 to vector<16xf32>
      %broadcast_in_dim3A_356 = arith.constant 0.000000e+00 : f32
      %broadcast_in_dim3A_357 = vector.broadcast %broadcast_in_dim3A_356 : f32 to vector<16xf32>
      %scan3A_358 = arith.constant 0 : i32
      %scan3A_359 = arith.constant 10 : i32
      %scan3A_360 = arith.addi %scan3A_358, %scan3A_359 : i32
      %scan3A_361 = arith.constant 1 : i32
      %scan3A_362:4 = scf.for %scan3A_1033 = %scan3A_358 to %scan3A_360 step %scan3A_361 iter_args(%scan3A_1034 = %broadcast_in_dim3A_351, %scan3A_1035 = %broadcast_in_dim3A_353, %scan3A_1036 = %broadcast_in_dim3A_355, %scan3A_1037 = %broadcast_in_dim3A_357) -> (vector<16xf32>, vector<16xf32>, vector<16xf32>, vector<16xf32>)  : i32 {
        %mul3A_1038 = arith.constant 5 : i32
        %mul3A_1039 = arith.muli %scan3A_1033, %mul3A_1038 : i32
        %add3A_1040 = arith.constant 0 : i32
        %add3A_1041 = arith.addi %add3A_1040, %mul3A_1039 : i32
        %add3A_1042 = arith.constant 0 : i32
        %add3A_1043 = arith.addi %add3A_1041, %add3A_1042 : i32
        %get3A = arith.constant 2 : i32
        %get3A_1044 = arith.index_cast %get3A : i32 to index
        %get3A_1045 = arith.index_cast %add3A_1043 : i32 to index
        %get3A_1046 = arith.constant 0 : index
        %get3A_1047 = tpu.vector_load %arg7[%get3A_1044, %get3A_1045, %get3A_1046] {strides = array<i32>} : memref<8x50x128xf32, #tpu.memory_space<vmem>>, vector<1x1x16xf32>,
        %get3A_1048 = vector.shape_cast %get3A_1047 : vector<1x1x16xf32> to vector<16xf32>
        %add3A_1049 = arith.addf %scan3A_1034, %get3A_1048 : vector<16xf32>
        %add3A_1050 = arith.constant 0 : i32
        %add3A_1051 = arith.addi %add3A_1041, %add3A_1050 : i32
        %get3A_1052 = arith.constant 2 : i32
        %get3A_1053 = arith.index_cast %get3A_1052 : i32 to index
        %get3A_1054 = arith.index_cast %add3A_1051 : i32 to index
        %get3A_1055 = arith.constant 16 : index
        %get3A_1056 = tpu.vector_load %arg7[%get3A_1053, %get3A_1054, %get3A_1055] {strides = array<i32>} : memref<8x50x128xf32, #tpu.memory_space<vmem>>, vector<1x1x16xf32>,
        %get3A_1057 = vector.shape_cast %get3A_1056 : vector<1x1x16xf32> to vector<16xf32>
        %add3A_1058 = arith.addf %scan3A_1035, %get3A_1057 : vector<16xf32>
        %add3A_1059 = arith.constant 0 : i32
        %add3A_1060 = arith.addi %add3A_1041, %add3A_1059 : i32
        %get3A_1061 = arith.constant 2 : i32
        %get3A_1062 = arith.index_cast %get3A_1061 : i32 to index
        %get3A_1063 = arith.index_cast %add3A_1060 : i32 to index
        %get3A_1064 = arith.constant 32 : index
        %get3A_1065 = tpu.vector_load %arg7[%get3A_1062, %get3A_1063, %get3A_1064] {strides = array<i32>} : memref<8x50x128xf32, #tpu.memory_space<vmem>>, vector<1x1x16xf32>,
        %get3A_1066 = vector.shape_cast %get3A_1065 : vector<1x1x16xf32> to vector<16xf32>
        %add3A_1067 = arith.addf %scan3A_1036, %get3A_1066 : vector<16xf32>
        %add3A_1068 = arith.constant 0 : i32
        %add3A_1069 = arith.addi %add3A_1041, %add3A_1068 : i32
        %get3A_1070 = arith.constant 2 : i32
        %get3A_1071 = arith.index_cast %get3A_1070 : i32 to index
        %get3A_1072 = arith.index_cast %add3A_1069 : i32 to index
        %get3A_1073 = arith.constant 48 : index
        %get3A_1074 = tpu.vector_load %arg7[%get3A_1071, %get3A_1072, %get3A_1073] {strides = array<i32>} : memref<8x50x128xf32, #tpu.memory_space<vmem>>, vector<1x1x16xf32>,
        %get3A_1075 = vector.shape_cast %get3A_1074 : vector<1x1x16xf32> to vector<16xf32>
        %add3A_1076 = arith.addf %scan3A_1037, %get3A_1075 : vector<16xf32>
        %add3A_1077 = arith.constant 1 : i32
        %add3A_1078 = arith.addi %add3A_1041, %add3A_1077 : i32
        %get3A_1079 = arith.constant 2 : i32
        %get3A_1080 = arith.index_cast %get3A_1079 : i32 to index
        %get3A_1081 = arith.index_cast %add3A_1078 : i32 to index
        %get3A_1082 = arith.constant 0 : index
        %get3A_1083 = tpu.vector_load %arg7[%get3A_1080, %get3A_1081, %get3A_1082] {strides = array<i32>} : memref<8x50x128xf32, #tpu.memory_space<vmem>>, vector<1x1x16xf32>,
        %get3A_1084 = vector.shape_cast %get3A_1083 : vector<1x1x16xf32> to vector<16xf32>
        %add3A_1085 = arith.addf %add3A_1049, %get3A_1084 : vector<16xf32>
        %add3A_1086 = arith.constant 1 : i32
        %add3A_1087 = arith.addi %add3A_1041, %add3A_1086 : i32
        %get3A_1088 = arith.constant 2 : i32
        %get3A_1089 = arith.index_cast %get3A_1088 : i32 to index
        %get3A_1090 = arith.index_cast %add3A_1087 : i32 to index
        %get3A_1091 = arith.constant 16 : index
        %get3A_1092 = tpu.vector_load %arg7[%get3A_1089, %get3A_1090, %get3A_1091] {strides = array<i32>} : memref<8x50x128xf32, #tpu.memory_space<vmem>>, vector<1x1x16xf32>,
        %get3A_1093 = vector.shape_cast %get3A_1092 : vector<1x1x16xf32> to vector<16xf32>
        %add3A_1094 = arith.addf %add3A_1058, %get3A_1093 : vector<16xf32>
        %add3A_1095 = arith.constant 1 : i32
        %add3A_1096 = arith.addi %add3A_1041, %add3A_1095 : i32
        %get3A_1097 = arith.constant 2 : i32
        %get3A_1098 = arith.index_cast %get3A_1097 : i32 to index
        %get3A_1099 = arith.index_cast %add3A_1096 : i32 to index
        %get3A_1100 = arith.constant 32 : index
        %get3A_1101 = tpu.vector_load %arg7[%get3A_1098, %get3A_1099, %get3A_1100] {strides = array<i32>} : memref<8x50x128xf32, #tpu.memory_space<vmem>>, vector<1x1x16xf32>,
        %get3A_1102 = vector.shape_cast %get3A_1101 : vector<1x1x16xf32> to vector<16xf32>
        %add3A_1103 = arith.addf %add3A_1067, %get3A_1102 : vector<16xf32>
        %add3A_1104 = arith.constant 1 : i32
        %add3A_1105 = arith.addi %add3A_1041, %add3A_1104 : i32
        %get3A_1106 = arith.constant 2 : i32
        %get3A_1107 = arith.index_cast %get3A_1106 : i32 to index
        %get3A_1108 = arith.index_cast %add3A_1105 : i32 to index
        %get3A_1109 = arith.constant 48 : index
        %get3A_1110 = tpu.vector_load %arg7[%get3A_1107, %get3A_1108, %get3A_1109] {strides = array<i32>} : memref<8x50x128xf32, #tpu.memory_space<vmem>>, vector<1x1x16xf32>,
        %get3A_1111 = vector.shape_cast %get3A_1110 : vector<1x1x16xf32> to vector<16xf32>
        %add3A_1112 = arith.addf %add3A_1076, %get3A_1111 : vector<16xf32>
        %add3A_1113 = arith.constant 2 : i32
        %add3A_1114 = arith.addi %add3A_1041, %add3A_1113 : i32
        %get3A_1115 = arith.constant 2 : i32
        %get3A_1116 = arith.index_cast %get3A_1115 : i32 to index
        %get3A_1117 = arith.index_cast %add3A_1114 : i32 to index
        %get3A_1118 = arith.constant 0 : index
        %get3A_1119 = tpu.vector_load %arg7[%get3A_1116, %get3A_1117, %get3A_1118] {strides = array<i32>} : memref<8x50x128xf32, #tpu.memory_space<vmem>>, vector<1x1x16xf32>,
        %get3A_1120 = vector.shape_cast %get3A_1119 : vector<1x1x16xf32> to vector<16xf32>
        %add3A_1121 = arith.addf %add3A_1085, %get3A_1120 : vector<16xf32>
        %add3A_1122 = arith.constant 2 : i32
        %add3A_1123 = arith.addi %add3A_1041, %add3A_1122 : i32
        %get3A_1124 = arith.constant 2 : i32
        %get3A_1125 = arith.index_cast %get3A_1124 : i32 to index
        %get3A_1126 = arith.index_cast %add3A_1123 : i32 to index
        %get3A_1127 = arith.constant 16 : index
        %get3A_1128 = tpu.vector_load %arg7[%get3A_1125, %get3A_1126, %get3A_1127] {strides = array<i32>} : memref<8x50x128xf32, #tpu.memory_space<vmem>>, vector<1x1x16xf32>,
        %get3A_1129 = vector.shape_cast %get3A_1128 : vector<1x1x16xf32> to vector<16xf32>
        %add3A_1130 = arith.addf %add3A_1094, %get3A_1129 : vector<16xf32>
        %add3A_1131 = arith.constant 2 : i32
        %add3A_1132 = arith.addi %add3A_1041, %add3A_1131 : i32
        %get3A_1133 = arith.constant 2 : i32
        %get3A_1134 = arith.index_cast %get3A_1133 : i32 to index
        %get3A_1135 = arith.index_cast %add3A_1132 : i32 to index
        %get3A_1136 = arith.constant 32 : index
        %get3A_1137 = tpu.vector_load %arg7[%get3A_1134, %get3A_1135, %get3A_1136] {strides = array<i32>} : memref<8x50x128xf32, #tpu.memory_space<vmem>>, vector<1x1x16xf32>,
        %get3A_1138 = vector.shape_cast %get3A_1137 : vector<1x1x16xf32> to vector<16xf32>
        %add3A_1139 = arith.addf %add3A_1103, %get3A_1138 : vector<16xf32>
        %add3A_1140 = arith.constant 2 : i32
        %add3A_1141 = arith.addi %add3A_1041, %add3A_1140 : i32
        %get3A_1142 = arith.constant 2 : i32
        %get3A_1143 = arith.index_cast %get3A_1142 : i32 to index
        %get3A_1144 = arith.index_cast %add3A_1141 : i32 to index
        %get3A_1145 = arith.constant 48 : index
        %get3A_1146 = tpu.vector_load %arg7[%get3A_1143, %get3A_1144, %get3A_1145] {strides = array<i32>} : memref<8x50x128xf32, #tpu.memory_space<vmem>>, vector<1x1x16xf32>,
        %get3A_1147 = vector.shape_cast %get3A_1146 : vector<1x1x16xf32> to vector<16xf32>
        %add3A_1148 = arith.addf %add3A_1112, %get3A_1147 : vector<16xf32>
        %add3A_1149 = arith.constant 3 : i32
        %add3A_1150 = arith.addi %add3A_1041, %add3A_1149 : i32
        %get3A_1151 = arith.constant 2 : i32
        %get3A_1152 = arith.index_cast %get3A_1151 : i32 to index
        %get3A_1153 = arith.index_cast %add3A_1150 : i32 to index
        %get3A_1154 = arith.constant 0 : index
        %get3A_1155 = tpu.vector_load %arg7[%get3A_1152, %get3A_1153, %get3A_1154] {strides = array<i32>} : memref<8x50x128xf32, #tpu.memory_space<vmem>>, vector<1x1x16xf32>,
        %get3A_1156 = vector.shape_cast %get3A_1155 : vector<1x1x16xf32> to vector<16xf32>
        %add3A_1157 = arith.addf %add3A_1121, %get3A_1156 : vector<16xf32>
        %add3A_1158 = arith.constant 3 : i32
        %add3A_1159 = arith.addi %add3A_1041, %add3A_1158 : i32
        %get3A_1160 = arith.constant 2 : i32
        %get3A_1161 = arith.index_cast %get3A_1160 : i32 to index
        %get3A_1162 = arith.index_cast %add3A_1159 : i32 to index
        %get3A_1163 = arith.constant 16 : index
        %get3A_1164 = tpu.vector_load %arg7[%get3A_1161, %get3A_1162, %get3A_1163] {strides = array<i32>} : memref<8x50x128xf32, #tpu.memory_space<vmem>>, vector<1x1x16xf32>,
        %get3A_1165 = vector.shape_cast %get3A_1164 : vector<1x1x16xf32> to vector<16xf32>
        %add3A_1166 = arith.addf %add3A_1130, %get3A_1165 : vector<16xf32>
        %add3A_1167 = arith.constant 3 : i32
        %add3A_1168 = arith.addi %add3A_1041, %add3A_1167 : i32
        %get3A_1169 = arith.constant 2 : i32
        %get3A_1170 = arith.index_cast %get3A_1169 : i32 to index
        %get3A_1171 = arith.index_cast %add3A_1168 : i32 to index
        %get3A_1172 = arith.constant 32 : index
        %get3A_1173 = tpu.vector_load %arg7[%get3A_1170, %get3A_1171, %get3A_1172] {strides = array<i32>} : memref<8x50x128xf32, #tpu.memory_space<vmem>>, vector<1x1x16xf32>,
        %get3A_1174 = vector.shape_cast %get3A_1173 : vector<1x1x16xf32> to vector<16xf32>
        %add3A_1175 = arith.addf %add3A_1139, %get3A_1174 : vector<16xf32>
        %add3A_1176 = arith.constant 3 : i32
        %add3A_1177 = arith.addi %add3A_1041, %add3A_1176 : i32
        %get3A_1178 = arith.constant 2 : i32
        %get3A_1179 = arith.index_cast %get3A_1178 : i32 to index
        %get3A_1180 = arith.index_cast %add3A_1177 : i32 to index
        %get3A_1181 = arith.constant 48 : index
        %get3A_1182 = tpu.vector_load %arg7[%get3A_1179, %get3A_1180, %get3A_1181] {strides = array<i32>} : memref<8x50x128xf32, #tpu.memory_space<vmem>>, vector<1x1x16xf32>,
        %get3A_1183 = vector.shape_cast %get3A_1182 : vector<1x1x16xf32> to vector<16xf32>
        %add3A_1184 = arith.addf %add3A_1148, %get3A_1183 : vector<16xf32>
        %add3A_1185 = arith.constant 4 : i32
        %add3A_1186 = arith.addi %add3A_1041, %add3A_1185 : i32
        %get3A_1187 = arith.constant 2 : i32
        %get3A_1188 = arith.index_cast %get3A_1187 : i32 to index
        %get3A_1189 = arith.index_cast %add3A_1186 : i32 to index
        %get3A_1190 = arith.constant 0 : index
        %get3A_1191 = tpu.vector_load %arg7[%get3A_1188, %get3A_1189, %get3A_1190] {strides = array<i32>} : memref<8x50x128xf32, #tpu.memory_space<vmem>>, vector<1x1x16xf32>,
        %get3A_1192 = vector.shape_cast %get3A_1191 : vector<1x1x16xf32> to vector<16xf32>
        %add3A_1193 = arith.addf %add3A_1157, %get3A_1192 : vector<16xf32>
        %add3A_1194 = arith.constant 4 : i32
        %add3A_1195 = arith.addi %add3A_1041, %add3A_1194 : i32
        %get3A_1196 = arith.constant 2 : i32
        %get3A_1197 = arith.index_cast %get3A_1196 : i32 to index
        %get3A_1198 = arith.index_cast %add3A_1195 : i32 to index
        %get3A_1199 = arith.constant 16 : index
        %get3A_1200 = tpu.vector_load %arg7[%get3A_1197, %get3A_1198, %get3A_1199] {strides = array<i32>} : memref<8x50x128xf32, #tpu.memory_space<vmem>>, vector<1x1x16xf32>,
        %get3A_1201 = vector.shape_cast %get3A_1200 : vector<1x1x16xf32> to vector<16xf32>
        %add3A_1202 = arith.addf %add3A_1166, %get3A_1201 : vector<16xf32>
        %add3A_1203 = arith.constant 4 : i32
        %add3A_1204 = arith.addi %add3A_1041, %add3A_1203 : i32
        %get3A_1205 = arith.constant 2 : i32
        %get3A_1206 = arith.index_cast %get3A_1205 : i32 to index
        %get3A_1207 = arith.index_cast %add3A_1204 : i32 to index
        %get3A_1208 = arith.constant 32 : index
        %get3A_1209 = tpu.vector_load %arg7[%get3A_1206, %get3A_1207, %get3A_1208] {strides = array<i32>} : memref<8x50x128xf32, #tpu.memory_space<vmem>>, vector<1x1x16xf32>,
        %get3A_1210 = vector.shape_cast %get3A_1209 : vector<1x1x16xf32> to vector<16xf32>
        %add3A_1211 = arith.addf %add3A_1175, %get3A_1210 : vector<16xf32>
        %add3A_1212 = arith.constant 4 : i32
        %add3A_1213 = arith.addi %add3A_1041, %add3A_1212 : i32
        %get3A_1214 = arith.constant 2 : i32
        %get3A_1215 = arith.index_cast %get3A_1214 : i32 to index
        %get3A_1216 = arith.index_cast %add3A_1213 : i32 to index
        %get3A_1217 = arith.constant 48 : index
        %get3A_1218 = tpu.vector_load %arg7[%get3A_1215, %get3A_1216, %get3A_1217] {strides = array<i32>} : memref<8x50x128xf32, #tpu.memory_space<vmem>>, vector<1x1x16xf32>,
        %get3A_1219 = vector.shape_cast %get3A_1218 : vector<1x1x16xf32> to vector<16xf32>
        %add3A_1220 = arith.addf %add3A_1184, %get3A_1219 : vector<16xf32>
        scf.yield %add3A_1193, %add3A_1202, %add3A_1211, %add3A_1220 : vector<16xf32>, vector<16xf32>, vector<16xf32>, vector<16xf32>
      }
      %scan3A_363 = arith.constant 10 : i32
      %mul3A_364 = arith.constant 2.000000e-02 : f32
      %mul3A_365 = vector.broadcast %mul3A_364 : f32 to vector<16xf32>
      %mul3A_366 = arith.mulf %scan3A_362#0, %mul3A_365 : vector<16xf32>
      %swap3A_367 = arith.index_cast %rem3A_349 : i32 to index
      %swap3A_368 = arith.constant 0 : index
      %swap3A_369 = tpu.vector_load %arg8[%swap3A_367, %swap3A_368] {strides = array<i32>} : memref<32x128xf32, #tpu.memory_space<vmem>>, vector<1x16xf32>,
      %swap3A_370 = vector.shape_cast %swap3A_369 : vector<1x16xf32> to vector<16xf32>
      %swap3A_371 = vector.shape_cast %mul3A_366 : vector<16xf32> to vector<1x16xf32>
      tpu.vector_store %arg8[%swap3A_367, %swap3A_368], %swap3A_371 {strides = array<i32>} : memref<32x128xf32, #tpu.memory_space<vmem>>, vector<1x16xf32>,
      %mul3A_372 = arith.constant 2.000000e-02 : f32
      %mul3A_373 = vector.broadcast %mul3A_372 : f32 to vector<16xf32>
      %mul3A_374 = arith.mulf %scan3A_362#1, %mul3A_373 : vector<16xf32>
      %swap3A_375 = arith.index_cast %rem3A_349 : i32 to index
      %swap3A_376 = arith.constant 16 : index
      %swap3A_377 = tpu.vector_load %arg8[%swap3A_375, %swap3A_376] {strides = array<i32>} : memref<32x128xf32, #tpu.memory_space<vmem>>, vector<1x16xf32>,
      %swap3A_378 = vector.shape_cast %swap3A_377 : vector<1x16xf32> to vector<16xf32>
      %swap3A_379 = vector.shape_cast %mul3A_374 : vector<16xf32> to vector<1x16xf32>
      tpu.vector_store %arg8[%swap3A_375, %swap3A_376], %swap3A_379 {strides = array<i32>} : memref<32x128xf32, #tpu.memory_space<vmem>>, vector<1x16xf32>,
      %mul3A_380 = arith.constant 2.000000e-02 : f32
      %mul3A_381 = vector.broadcast %mul3A_380 : f32 to vector<16xf32>
      %mul3A_382 = arith.mulf %scan3A_362#2, %mul3A_381 : vector<16xf32>
      %swap3A_383 = arith.index_cast %rem3A_349 : i32 to index
      %swap3A_384 = arith.constant 32 : index
      %swap3A_385 = tpu.vector_load %arg8[%swap3A_383, %swap3A_384] {strides = array<i32>} : memref<32x128xf32, #tpu.memory_space<vmem>>, vector<1x16xf32>,
      %swap3A_386 = vector.shape_cast %swap3A_385 : vector<1x16xf32> to vector<16xf32>
      %swap3A_387 = vector.shape_cast %mul3A_382 : vector<16xf32> to vector<1x16xf32>
      tpu.vector_store %arg8[%swap3A_383, %swap3A_384], %swap3A_387 {strides = array<i32>} : memref<32x128xf32, #tpu.memory_space<vmem>>, vector<1x16xf32>,
      %mul3A_388 = arith.constant 2.000000e-02 : f32
      %mul3A_389 = vector.broadcast %mul3A_388 : f32 to vector<16xf32>
      %mul3A_390 = arith.mulf %scan3A_362#3, %mul3A_389 : vector<16xf32>
      %swap3A_391 = arith.index_cast %rem3A_349 : i32 to index
      %swap3A_392 = arith.constant 48 : index
      %swap3A_393 = tpu.vector_load %arg8[%swap3A_391, %swap3A_392] {strides = array<i32>} : memref<32x128xf32, #tpu.memory_space<vmem>>, vector<1x16xf32>,
      %swap3A_394 = vector.shape_cast %swap3A_393 : vector<1x16xf32> to vector<16xf32>
      %swap3A_395 = vector.shape_cast %mul3A_390 : vector<16xf32> to vector<1x16xf32>
      tpu.vector_store %arg8[%swap3A_391, %swap3A_392], %swap3A_395 {strides = array<i32>} : memref<32x128xf32, #tpu.memory_space<vmem>>, vector<1x16xf32>,
      %broadcast_in_dim3A_396 = arith.constant 0.000000e+00 : f32
      %broadcast_in_dim3A_397 = vector.broadcast %broadcast_in_dim3A_396 : f32 to vector<16xf32>
      %broadcast_in_dim3A_398 = arith.constant 0.000000e+00 : f32
      %broadcast_in_dim3A_399 = vector.broadcast %broadcast_in_dim3A_398 : f32 to vector<16xf32>
      %broadcast_in_dim3A_400 = arith.constant 0.000000e+00 : f32
      %broadcast_in_dim3A_401 = vector.broadcast %broadcast_in_dim3A_400 : f32 to vector<16xf32>
      %broadcast_in_dim3A_402 = arith.constant 0.000000e+00 : f32
      %broadcast_in_dim3A_403 = vector.broadcast %broadcast_in_dim3A_402 : f32 to vector<16xf32>
      %scan3A_404 = arith.constant 0 : i32
      %scan3A_405 = arith.constant 10 : i32
      %scan3A_406 = arith.addi %scan3A_404, %scan3A_405 : i32
      %scan3A_407 = arith.constant 1 : i32
      %scan3A_408:4 = scf.for %scan3A_1033 = %scan3A_404 to %scan3A_406 step %scan3A_407 iter_args(%scan3A_1034 = %broadcast_in_dim3A_397, %scan3A_1035 = %broadcast_in_dim3A_399, %scan3A_1036 = %broadcast_in_dim3A_401, %scan3A_1037 = %broadcast_in_dim3A_403) -> (vector<16xf32>, vector<16xf32>, vector<16xf32>, vector<16xf32>)  : i32 {
        %mul3A_1038 = arith.constant 5 : i32
        %mul3A_1039 = arith.muli %scan3A_1033, %mul3A_1038 : i32
        %add3A_1040 = arith.constant 0 : i32
        %add3A_1041 = arith.addi %add3A_1040, %mul3A_1039 : i32
        %add3A_1042 = arith.constant 0 : i32
        %add3A_1043 = arith.addi %add3A_1041, %add3A_1042 : i32
        %get3A = arith.constant 2 : i32
        %get3A_1044 = arith.index_cast %get3A : i32 to index
        %get3A_1045 = arith.index_cast %add3A_1043 : i32 to index
        %get3A_1046 = arith.constant 64 : index
        %get3A_1047 = tpu.vector_load %arg7[%get3A_1044, %get3A_1045, %get3A_1046] {strides = array<i32>} : memref<8x50x128xf32, #tpu.memory_space<vmem>>, vector<1x1x16xf32>,
        %get3A_1048 = vector.shape_cast %get3A_1047 : vector<1x1x16xf32> to vector<16xf32>
        %add3A_1049 = arith.addf %scan3A_1034, %get3A_1048 : vector<16xf32>
        %add3A_1050 = arith.constant 0 : i32
        %add3A_1051 = arith.addi %add3A_1041, %add3A_1050 : i32
        %get3A_1052 = arith.constant 2 : i32
        %get3A_1053 = arith.index_cast %get3A_1052 : i32 to index
        %get3A_1054 = arith.index_cast %add3A_1051 : i32 to index
        %get3A_1055 = arith.constant 80 : index
        %get3A_1056 = tpu.vector_load %arg7[%get3A_1053, %get3A_1054, %get3A_1055] {strides = array<i32>} : memref<8x50x128xf32, #tpu.memory_space<vmem>>, vector<1x1x16xf32>,
        %get3A_1057 = vector.shape_cast %get3A_1056 : vector<1x1x16xf32> to vector<16xf32>
        %add3A_1058 = arith.addf %scan3A_1035, %get3A_1057 : vector<16xf32>
        %add3A_1059 = arith.constant 0 : i32
        %add3A_1060 = arith.addi %add3A_1041, %add3A_1059 : i32
        %get3A_1061 = arith.constant 2 : i32
        %get3A_1062 = arith.index_cast %get3A_1061 : i32 to index
        %get3A_1063 = arith.index_cast %add3A_1060 : i32 to index
        %get3A_1064 = arith.constant 96 : index
        %get3A_1065 = tpu.vector_load %arg7[%get3A_1062, %get3A_1063, %get3A_1064] {strides = array<i32>} : memref<8x50x128xf32, #tpu.memory_space<vmem>>, vector<1x1x16xf32>,
        %get3A_1066 = vector.shape_cast %get3A_1065 : vector<1x1x16xf32> to vector<16xf32>
        %add3A_1067 = arith.addf %scan3A_1036, %get3A_1066 : vector<16xf32>
        %add3A_1068 = arith.constant 0 : i32
        %add3A_1069 = arith.addi %add3A_1041, %add3A_1068 : i32
        %get3A_1070 = arith.constant 2 : i32
        %get3A_1071 = arith.index_cast %get3A_1070 : i32 to index
        %get3A_1072 = arith.index_cast %add3A_1069 : i32 to index
        %get3A_1073 = arith.constant 112 : index
        %get3A_1074 = tpu.vector_load %arg7[%get3A_1071, %get3A_1072, %get3A_1073] {strides = array<i32>} : memref<8x50x128xf32, #tpu.memory_space<vmem>>, vector<1x1x16xf32>,
        %get3A_1075 = vector.shape_cast %get3A_1074 : vector<1x1x16xf32> to vector<16xf32>
        %add3A_1076 = arith.addf %scan3A_1037, %get3A_1075 : vector<16xf32>
        %add3A_1077 = arith.constant 1 : i32
        %add3A_1078 = arith.addi %add3A_1041, %add3A_1077 : i32
        %get3A_1079 = arith.constant 2 : i32
        %get3A_1080 = arith.index_cast %get3A_1079 : i32 to index
        %get3A_1081 = arith.index_cast %add3A_1078 : i32 to index
        %get3A_1082 = arith.constant 64 : index
        %get3A_1083 = tpu.vector_load %arg7[%get3A_1080, %get3A_1081, %get3A_1082] {strides = array<i32>} : memref<8x50x128xf32, #tpu.memory_space<vmem>>, vector<1x1x16xf32>,
        %get3A_1084 = vector.shape_cast %get3A_1083 : vector<1x1x16xf32> to vector<16xf32>
        %add3A_1085 = arith.addf %add3A_1049, %get3A_1084 : vector<16xf32>
        %add3A_1086 = arith.constant 1 : i32
        %add3A_1087 = arith.addi %add3A_1041, %add3A_1086 : i32
        %get3A_1088 = arith.constant 2 : i32
        %get3A_1089 = arith.index_cast %get3A_1088 : i32 to index
        %get3A_1090 = arith.index_cast %add3A_1087 : i32 to index
        %get3A_1091 = arith.constant 80 : index
        %get3A_1092 = tpu.vector_load %arg7[%get3A_1089, %get3A_1090, %get3A_1091] {strides = array<i32>} : memref<8x50x128xf32, #tpu.memory_space<vmem>>, vector<1x1x16xf32>,
        %get3A_1093 = vector.shape_cast %get3A_1092 : vector<1x1x16xf32> to vector<16xf32>
        %add3A_1094 = arith.addf %add3A_1058, %get3A_1093 : vector<16xf32>
        %add3A_1095 = arith.constant 1 : i32
        %add3A_1096 = arith.addi %add3A_1041, %add3A_1095 : i32
        %get3A_1097 = arith.constant 2 : i32
        %get3A_1098 = arith.index_cast %get3A_1097 : i32 to index
        %get3A_1099 = arith.index_cast %add3A_1096 : i32 to index
        %get3A_1100 = arith.constant 96 : index
        %get3A_1101 = tpu.vector_load %arg7[%get3A_1098, %get3A_1099, %get3A_1100] {strides = array<i32>} : memref<8x50x128xf32, #tpu.memory_space<vmem>>, vector<1x1x16xf32>,
        %get3A_1102 = vector.shape_cast %get3A_1101 : vector<1x1x16xf32> to vector<16xf32>
        %add3A_1103 = arith.addf %add3A_1067, %get3A_1102 : vector<16xf32>
        %add3A_1104 = arith.constant 1 : i32
        %add3A_1105 = arith.addi %add3A_1041, %add3A_1104 : i32
        %get3A_1106 = arith.constant 2 : i32
        %get3A_1107 = arith.index_cast %get3A_1106 : i32 to index
        %get3A_1108 = arith.index_cast %add3A_1105 : i32 to index
        %get3A_1109 = arith.constant 112 : index
        %get3A_1110 = tpu.vector_load %arg7[%get3A_1107, %get3A_1108, %get3A_1109] {strides = array<i32>} : memref<8x50x128xf32, #tpu.memory_space<vmem>>, vector<1x1x16xf32>,
        %get3A_1111 = vector.shape_cast %get3A_1110 : vector<1x1x16xf32> to vector<16xf32>
        %add3A_1112 = arith.addf %add3A_1076, %get3A_1111 : vector<16xf32>
        %add3A_1113 = arith.constant 2 : i32
        %add3A_1114 = arith.addi %add3A_1041, %add3A_1113 : i32
        %get3A_1115 = arith.constant 2 : i32
        %get3A_1116 = arith.index_cast %get3A_1115 : i32 to index
        %get3A_1117 = arith.index_cast %add3A_1114 : i32 to index
        %get3A_1118 = arith.constant 64 : index
        %get3A_1119 = tpu.vector_load %arg7[%get3A_1116, %get3A_1117, %get3A_1118] {strides = array<i32>} : memref<8x50x128xf32, #tpu.memory_space<vmem>>, vector<1x1x16xf32>,
        %get3A_1120 = vector.shape_cast %get3A_1119 : vector<1x1x16xf32> to vector<16xf32>
        %add3A_1121 = arith.addf %add3A_1085, %get3A_1120 : vector<16xf32>
        %add3A_1122 = arith.constant 2 : i32
        %add3A_1123 = arith.addi %add3A_1041, %add3A_1122 : i32
        %get3A_1124 = arith.constant 2 : i32
        %get3A_1125 = arith.index_cast %get3A_1124 : i32 to index
        %get3A_1126 = arith.index_cast %add3A_1123 : i32 to index
        %get3A_1127 = arith.constant 80 : index
        %get3A_1128 = tpu.vector_load %arg7[%get3A_1125, %get3A_1126, %get3A_1127] {strides = array<i32>} : memref<8x50x128xf32, #tpu.memory_space<vmem>>, vector<1x1x16xf32>,
        %get3A_1129 = vector.shape_cast %get3A_1128 : vector<1x1x16xf32> to vector<16xf32>
        %add3A_1130 = arith.addf %add3A_1094, %get3A_1129 : vector<16xf32>
        %add3A_1131 = arith.constant 2 : i32
        %add3A_1132 = arith.addi %add3A_1041, %add3A_1131 : i32
        %get3A_1133 = arith.constant 2 : i32
        %get3A_1134 = arith.index_cast %get3A_1133 : i32 to index
        %get3A_1135 = arith.index_cast %add3A_1132 : i32 to index
        %get3A_1136 = arith.constant 96 : index
        %get3A_1137 = tpu.vector_load %arg7[%get3A_1134, %get3A_1135, %get3A_1136] {strides = array<i32>} : memref<8x50x128xf32, #tpu.memory_space<vmem>>, vector<1x1x16xf32>,
        %get3A_1138 = vector.shape_cast %get3A_1137 : vector<1x1x16xf32> to vector<16xf32>
        %add3A_1139 = arith.addf %add3A_1103, %get3A_1138 : vector<16xf32>
        %add3A_1140 = arith.constant 2 : i32
        %add3A_1141 = arith.addi %add3A_1041, %add3A_1140 : i32
        %get3A_1142 = arith.constant 2 : i32
        %get3A_1143 = arith.index_cast %get3A_1142 : i32 to index
        %get3A_1144 = arith.index_cast %add3A_1141 : i32 to index
        %get3A_1145 = arith.constant 112 : index
        %get3A_1146 = tpu.vector_load %arg7[%get3A_1143, %get3A_1144, %get3A_1145] {strides = array<i32>} : memref<8x50x128xf32, #tpu.memory_space<vmem>>, vector<1x1x16xf32>,
        %get3A_1147 = vector.shape_cast %get3A_1146 : vector<1x1x16xf32> to vector<16xf32>
        %add3A_1148 = arith.addf %add3A_1112, %get3A_1147 : vector<16xf32>
        %add3A_1149 = arith.constant 3 : i32
        %add3A_1150 = arith.addi %add3A_1041, %add3A_1149 : i32
        %get3A_1151 = arith.constant 2 : i32
        %get3A_1152 = arith.index_cast %get3A_1151 : i32 to index
        %get3A_1153 = arith.index_cast %add3A_1150 : i32 to index
        %get3A_1154 = arith.constant 64 : index
        %get3A_1155 = tpu.vector_load %arg7[%get3A_1152, %get3A_1153, %get3A_1154] {strides = array<i32>} : memref<8x50x128xf32, #tpu.memory_space<vmem>>, vector<1x1x16xf32>,
        %get3A_1156 = vector.shape_cast %get3A_1155 : vector<1x1x16xf32> to vector<16xf32>
        %add3A_1157 = arith.addf %add3A_1121, %get3A_1156 : vector<16xf32>
        %add3A_1158 = arith.constant 3 : i32
        %add3A_1159 = arith.addi %add3A_1041, %add3A_1158 : i32
        %get3A_1160 = arith.constant 2 : i32
        %get3A_1161 = arith.index_cast %get3A_1160 : i32 to index
        %get3A_1162 = arith.index_cast %add3A_1159 : i32 to index
        %get3A_1163 = arith.constant 80 : index
        %get3A_1164 = tpu.vector_load %arg7[%get3A_1161, %get3A_1162, %get3A_1163] {strides = array<i32>} : memref<8x50x128xf32, #tpu.memory_space<vmem>>, vector<1x1x16xf32>,
        %get3A_1165 = vector.shape_cast %get3A_1164 : vector<1x1x16xf32> to vector<16xf32>
        %add3A_1166 = arith.addf %add3A_1130, %get3A_1165 : vector<16xf32>
        %add3A_1167 = arith.constant 3 : i32
        %add3A_1168 = arith.addi %add3A_1041, %add3A_1167 : i32
        %get3A_1169 = arith.constant 2 : i32
        %get3A_1170 = arith.index_cast %get3A_1169 : i32 to index
        %get3A_1171 = arith.index_cast %add3A_1168 : i32 to index
        %get3A_1172 = arith.constant 96 : index
        %get3A_1173 = tpu.vector_load %arg7[%get3A_1170, %get3A_1171, %get3A_1172] {strides = array<i32>} : memref<8x50x128xf32, #tpu.memory_space<vmem>>, vector<1x1x16xf32>,
        %get3A_1174 = vector.shape_cast %get3A_1173 : vector<1x1x16xf32> to vector<16xf32>
        %add3A_1175 = arith.addf %add3A_1139, %get3A_1174 : vector<16xf32>
        %add3A_1176 = arith.constant 3 : i32
        %add3A_1177 = arith.addi %add3A_1041, %add3A_1176 : i32
        %get3A_1178 = arith.constant 2 : i32
        %get3A_1179 = arith.index_cast %get3A_1178 : i32 to index
        %get3A_1180 = arith.index_cast %add3A_1177 : i32 to index
        %get3A_1181 = arith.constant 112 : index
        %get3A_1182 = tpu.vector_load %arg7[%get3A_1179, %get3A_1180, %get3A_1181] {strides = array<i32>} : memref<8x50x128xf32, #tpu.memory_space<vmem>>, vector<1x1x16xf32>,
        %get3A_1183 = vector.shape_cast %get3A_1182 : vector<1x1x16xf32> to vector<16xf32>
        %add3A_1184 = arith.addf %add3A_1148, %get3A_1183 : vector<16xf32>
        %add3A_1185 = arith.constant 4 : i32
        %add3A_1186 = arith.addi %add3A_1041, %add3A_1185 : i32
        %get3A_1187 = arith.constant 2 : i32
        %get3A_1188 = arith.index_cast %get3A_1187 : i32 to index
        %get3A_1189 = arith.index_cast %add3A_1186 : i32 to index
        %get3A_1190 = arith.constant 64 : index
        %get3A_1191 = tpu.vector_load %arg7[%get3A_1188, %get3A_1189, %get3A_1190] {strides = array<i32>} : memref<8x50x128xf32, #tpu.memory_space<vmem>>, vector<1x1x16xf32>,
        %get3A_1192 = vector.shape_cast %get3A_1191 : vector<1x1x16xf32> to vector<16xf32>
        %add3A_1193 = arith.addf %add3A_1157, %get3A_1192 : vector<16xf32>
        %add3A_1194 = arith.constant 4 : i32
        %add3A_1195 = arith.addi %add3A_1041, %add3A_1194 : i32
        %get3A_1196 = arith.constant 2 : i32
        %get3A_1197 = arith.index_cast %get3A_1196 : i32 to index
        %get3A_1198 = arith.index_cast %add3A_1195 : i32 to index
        %get3A_1199 = arith.constant 80 : index
        %get3A_1200 = tpu.vector_load %arg7[%get3A_1197, %get3A_1198, %get3A_1199] {strides = array<i32>} : memref<8x50x128xf32, #tpu.memory_space<vmem>>, vector<1x1x16xf32>,
        %get3A_1201 = vector.shape_cast %get3A_1200 : vector<1x1x16xf32> to vector<16xf32>
        %add3A_1202 = arith.addf %add3A_1166, %get3A_1201 : vector<16xf32>
        %add3A_1203 = arith.constant 4 : i32
        %add3A_1204 = arith.addi %add3A_1041, %add3A_1203 : i32
        %get3A_1205 = arith.constant 2 : i32
        %get3A_1206 = arith.index_cast %get3A_1205 : i32 to index
        %get3A_1207 = arith.index_cast %add3A_1204 : i32 to index
        %get3A_1208 = arith.constant 96 : index
        %get3A_1209 = tpu.vector_load %arg7[%get3A_1206, %get3A_1207, %get3A_1208] {strides = array<i32>} : memref<8x50x128xf32, #tpu.memory_space<vmem>>, vector<1x1x16xf32>,
        %get3A_1210 = vector.shape_cast %get3A_1209 : vector<1x1x16xf32> to vector<16xf32>
        %add3A_1211 = arith.addf %add3A_1175, %get3A_1210 : vector<16xf32>
        %add3A_1212 = arith.constant 4 : i32
        %add3A_1213 = arith.addi %add3A_1041, %add3A_1212 : i32
        %get3A_1214 = arith.constant 2 : i32
        %get3A_1215 = arith.index_cast %get3A_1214 : i32 to index
        %get3A_1216 = arith.index_cast %add3A_1213 : i32 to index
        %get3A_1217 = arith.constant 112 : index
        %get3A_1218 = tpu.vector_load %arg7[%get3A_1215, %get3A_1216, %get3A_1217] {strides = array<i32>} : memref<8x50x128xf32, #tpu.memory_space<vmem>>, vector<1x1x16xf32>,
        %get3A_1219 = vector.shape_cast %get3A_1218 : vector<1x1x16xf32> to vector<16xf32>
        %add3A_1220 = arith.addf %add3A_1184, %get3A_1219 : vector<16xf32>
        scf.yield %add3A_1193, %add3A_1202, %add3A_1211, %add3A_1220 : vector<16xf32>, vector<16xf32>, vector<16xf32>, vector<16xf32>
      }
      %scan3A_409 = arith.constant 10 : i32
      %mul3A_410 = arith.constant 2.000000e-02 : f32
      %mul3A_411 = vector.broadcast %mul3A_410 : f32 to vector<16xf32>
      %mul3A_412 = arith.mulf %scan3A_408#0, %mul3A_411 : vector<16xf32>
      %swap3A_413 = arith.index_cast %rem3A_349 : i32 to index
      %swap3A_414 = arith.constant 64 : index
      %swap3A_415 = tpu.vector_load %arg8[%swap3A_413, %swap3A_414] {strides = array<i32>} : memref<32x128xf32, #tpu.memory_space<vmem>>, vector<1x16xf32>,
      %swap3A_416 = vector.shape_cast %swap3A_415 : vector<1x16xf32> to vector<16xf32>
      %swap3A_417 = vector.shape_cast %mul3A_412 : vector<16xf32> to vector<1x16xf32>
      tpu.vector_store %arg8[%swap3A_413, %swap3A_414], %swap3A_417 {strides = array<i32>} : memref<32x128xf32, #tpu.memory_space<vmem>>, vector<1x16xf32>,
      %mul3A_418 = arith.constant 2.000000e-02 : f32
      %mul3A_419 = vector.broadcast %mul3A_418 : f32 to vector<16xf32>
      %mul3A_420 = arith.mulf %scan3A_408#1, %mul3A_419 : vector<16xf32>
      %swap3A_421 = arith.index_cast %rem3A_349 : i32 to index
      %swap3A_422 = arith.constant 80 : index
      %swap3A_423 = tpu.vector_load %arg8[%swap3A_421, %swap3A_422] {strides = array<i32>} : memref<32x128xf32, #tpu.memory_space<vmem>>, vector<1x16xf32>,
      %swap3A_424 = vector.shape_cast %swap3A_423 : vector<1x16xf32> to vector<16xf32>
      %swap3A_425 = vector.shape_cast %mul3A_420 : vector<16xf32> to vector<1x16xf32>
      tpu.vector_store %arg8[%swap3A_421, %swap3A_422], %swap3A_425 {strides = array<i32>} : memref<32x128xf32, #tpu.memory_space<vmem>>, vector<1x16xf32>,
      %mul3A_426 = arith.constant 2.000000e-02 : f32
      %mul3A_427 = vector.broadcast %mul3A_426 : f32 to vector<16xf32>
      %mul3A_428 = arith.mulf %scan3A_408#2, %mul3A_427 : vector<16xf32>
      %swap3A_429 = arith.index_cast %rem3A_349 : i32 to index
      %swap3A_430 = arith.constant 96 : index
      %swap3A_431 = tpu.vector_load %arg8[%swap3A_429, %swap3A_430] {strides = array<i32>} : memref<32x128xf32, #tpu.memory_space<vmem>>, vector<1x16xf32>,
      %swap3A_432 = vector.shape_cast %swap3A_431 : vector<1x16xf32> to vector<16xf32>
      %swap3A_433 = vector.shape_cast %mul3A_428 : vector<16xf32> to vector<1x16xf32>
      tpu.vector_store %arg8[%swap3A_429, %swap3A_430], %swap3A_433 {strides = array<i32>} : memref<32x128xf32, #tpu.memory_space<vmem>>, vector<1x16xf32>,
      %mul3A_434 = arith.constant 2.000000e-02 : f32
      %mul3A_435 = vector.broadcast %mul3A_434 : f32 to vector<16xf32>
      %mul3A_436 = arith.mulf %scan3A_408#3, %mul3A_435 : vector<16xf32>
      %swap3A_437 = arith.index_cast %rem3A_349 : i32 to index
      %swap3A_438 = arith.constant 112 : index
      %swap3A_439 = tpu.vector_load %arg8[%swap3A_437, %swap3A_438] {strides = array<i32>} : memref<32x128xf32, #tpu.memory_space<vmem>>, vector<1x16xf32>,
      %swap3A_440 = vector.shape_cast %swap3A_439 : vector<1x16xf32> to vector<16xf32>
      %swap3A_441 = vector.shape_cast %mul3A_436 : vector<16xf32> to vector<1x16xf32>
      tpu.vector_store %arg8[%swap3A_437, %swap3A_438], %swap3A_441 {strides = array<i32>} : memref<32x128xf32, #tpu.memory_space<vmem>>, vector<1x16xf32>,
      %lt3A_442 = arith.constant 63 : i32
      %lt3A_443 = arith.cmpi slt, %scan3A_105, %lt3A_442 : i32
      %convert_element_type3A_444 = arith.extui %lt3A_443 : i1 to i32
      %cond3A_445 = arith.constant 0 : i32
      %cond3A_446 = arith.cmpi ne, %convert_element_type3A_444, %cond3A_445 : i32
      scf.if %cond3A_446 {
        %add3A_1033 = arith.constant 8 : i32
        %add3A_1034 = arith.addi %add3A_334, %add3A_1033 : i32
        %dma_start3A_1035 = arith.constant 2 : i32
        %dma_start3A_1036 = arith.constant 0 : i32
        %dma_start3A_1037 = arith.constant 0 : i32
        %dma_start3A_1038 = tpu.memref_slice %arg7[%dma_start3A_1035, %dma_start3A_1036, %dma_start3A_1037] : memref<8x50x128xf32, #tpu.memory_space<vmem>> -> memref<1x50x128xf32, #tpu.memory_space<vmem>>
        %dma_start3A_1039 = tpu.memref_squeeze %dma_start3A_1038 : memref<1x50x128xf32, #tpu.memory_space<vmem>> -> memref<50x128xf32, #tpu.memory_space<vmem>>
        %dma_start3A_1040 = arith.constant 0 : i32
        %dma_start3A_1041 = tpu.memref_slice %arg6[%add3A_1034, %dma_start3A_1040] : memref<512x50xi32, #tpu.memory_space<vmem>> -> memref<1x50xi32, #tpu.memory_space<vmem>>
        %dma_start3A_1042 = tpu.memref_squeeze %dma_start3A_1041 : memref<1x50xi32, #tpu.memory_space<vmem>> -> memref<50xi32, #tpu.memory_space<vmem>>
        %dma_start3A_1043 = arith.constant 0 : i32
        %dma_start3A_1044 = arith.constant 0 : i32
        %dma_start3A_1045 = tpu.memref_slice %arg3[%dma_start3A_1043, %dma_start3A_1044] : memref<1000000x128xf32, #tpu.memory_space<hbm>> -> memref<1000000x128xf32, #tpu.memory_space<hbm>>
        tpu.enqueue_indirect_dma source(%dma_start3A_1045 : memref<1000000x128xf32, #tpu.memory_space<hbm>>) target(%dma_start3A_1039 : memref<50x128xf32, #tpu.memory_space<vmem>>) offsets(%dma_start3A_1042 : memref<50xi32, #tpu.memory_space<vmem>>) semaphore(%arg11 : memref<!tpu.dma_semaphore, #tpu.memory_space<semaphore_mem>>)
      } else {
      }
      %mul3A_447 = arith.constant 8 : i32
      %mul3A_448 = arith.muli %scan3A_105, %mul3A_447 : i32
      %add3A_449 = arith.constant 3 : i32
      %add3A_450 = arith.addi %mul3A_448, %add3A_449 : i32
      %dma_wait3A_451 = arith.constant 3 : i32
      %dma_wait3A_452 = arith.constant 0 : i32
      %dma_wait3A_453 = arith.constant 0 : i32
      %dma_wait3A_454 = tpu.memref_slice %arg7[%dma_wait3A_451, %dma_wait3A_452, %dma_wait3A_453] : memref<8x50x128xf32, #tpu.memory_space<vmem>> -> memref<1x50x128xf32, #tpu.memory_space<vmem>>
      %dma_wait3A_455 = tpu.memref_squeeze %dma_wait3A_454 : memref<1x50x128xf32, #tpu.memory_space<vmem>> -> memref<50x128xf32, #tpu.memory_space<vmem>>
      %dma_wait3A_456 = arith.constant 0 : i32
      %dma_wait3A_457 = arith.constant 0 : i32
      %dma_wait3A_458 = tpu.memref_slice %arg7[%dma_wait3A_451, %dma_wait3A_456, %dma_wait3A_457] : memref<8x50x128xf32, #tpu.memory_space<vmem>> -> memref<1x50x128xf32, #tpu.memory_space<vmem>>
      %dma_wait3A_459 = tpu.memref_squeeze %dma_wait3A_458 : memref<1x50x128xf32, #tpu.memory_space<vmem>> -> memref<50x128xf32, #tpu.memory_space<vmem>>
      tpu.wait_dma2 semaphore(%arg12 : memref<!tpu.dma_semaphore, #tpu.memory_space<semaphore_mem>>) src(%arg4 : memref<50x128xf32, #tpu.memory_space<hbm>>) dst(%dma_wait3A_459 : memref<50x128xf32, #tpu.memory_space<vmem>>)
      %mul3A_460 = arith.constant 1 : i32
      %mul3A_461 = arith.muli %add3A_450, %mul3A_460 : i32
      %add3A_462 = arith.constant 0 : i32
      %add3A_463 = arith.addi %mul3A_461, %add3A_462 : i32
      %rem3A_464 = arith.constant 32 : i32
      %rem3A_465 = arith.remsi %add3A_463, %rem3A_464 : i32
      %broadcast_in_dim3A_466 = arith.constant 0.000000e+00 : f32
      %broadcast_in_dim3A_467 = vector.broadcast %broadcast_in_dim3A_466 : f32 to vector<16xf32>
      %broadcast_in_dim3A_468 = arith.constant 0.000000e+00 : f32
      %broadcast_in_dim3A_469 = vector.broadcast %broadcast_in_dim3A_468 : f32 to vector<16xf32>
      %broadcast_in_dim3A_470 = arith.constant 0.000000e+00 : f32
      %broadcast_in_dim3A_471 = vector.broadcast %broadcast_in_dim3A_470 : f32 to vector<16xf32>
      %broadcast_in_dim3A_472 = arith.constant 0.000000e+00 : f32
      %broadcast_in_dim3A_473 = vector.broadcast %broadcast_in_dim3A_472 : f32 to vector<16xf32>
      %scan3A_474 = arith.constant 0 : i32
      %scan3A_475 = arith.constant 10 : i32
      %scan3A_476 = arith.addi %scan3A_474, %scan3A_475 : i32
      %scan3A_477 = arith.constant 1 : i32
      %scan3A_478:4 = scf.for %scan3A_1033 = %scan3A_474 to %scan3A_476 step %scan3A_477 iter_args(%scan3A_1034 = %broadcast_in_dim3A_467, %scan3A_1035 = %broadcast_in_dim3A_469, %scan3A_1036 = %broadcast_in_dim3A_471, %scan3A_1037 = %broadcast_in_dim3A_473) -> (vector<16xf32>, vector<16xf32>, vector<16xf32>, vector<16xf32>)  : i32 {
        %mul3A_1038 = arith.constant 5 : i32
        %mul3A_1039 = arith.muli %scan3A_1033, %mul3A_1038 : i32
        %add3A_1040 = arith.constant 0 : i32
        %add3A_1041 = arith.addi %add3A_1040, %mul3A_1039 : i32
        %add3A_1042 = arith.constant 0 : i32
        %add3A_1043 = arith.addi %add3A_1041, %add3A_1042 : i32
        %get3A = arith.constant 3 : i32
        %get3A_1044 = arith.index_cast %get3A : i32 to index
        %get3A_1045 = arith.index_cast %add3A_1043 : i32 to index
        %get3A_1046 = arith.constant 0 : index
        %get3A_1047 = tpu.vector_load %arg7[%get3A_1044, %get3A_1045, %get3A_1046] {strides = array<i32>} : memref<8x50x128xf32, #tpu.memory_space<vmem>>, vector<1x1x16xf32>,
        %get3A_1048 = vector.shape_cast %get3A_1047 : vector<1x1x16xf32> to vector<16xf32>
        %add3A_1049 = arith.addf %scan3A_1034, %get3A_1048 : vector<16xf32>
        %add3A_1050 = arith.constant 0 : i32
        %add3A_1051 = arith.addi %add3A_1041, %add3A_1050 : i32
        %get3A_1052 = arith.constant 3 : i32
        %get3A_1053 = arith.index_cast %get3A_1052 : i32 to index
        %get3A_1054 = arith.index_cast %add3A_1051 : i32 to index
        %get3A_1055 = arith.constant 16 : index
        %get3A_1056 = tpu.vector_load %arg7[%get3A_1053, %get3A_1054, %get3A_1055] {strides = array<i32>} : memref<8x50x128xf32, #tpu.memory_space<vmem>>, vector<1x1x16xf32>,
        %get3A_1057 = vector.shape_cast %get3A_1056 : vector<1x1x16xf32> to vector<16xf32>
        %add3A_1058 = arith.addf %scan3A_1035, %get3A_1057 : vector<16xf32>
        %add3A_1059 = arith.constant 0 : i32
        %add3A_1060 = arith.addi %add3A_1041, %add3A_1059 : i32
        %get3A_1061 = arith.constant 3 : i32
        %get3A_1062 = arith.index_cast %get3A_1061 : i32 to index
        %get3A_1063 = arith.index_cast %add3A_1060 : i32 to index
        %get3A_1064 = arith.constant 32 : index
        %get3A_1065 = tpu.vector_load %arg7[%get3A_1062, %get3A_1063, %get3A_1064] {strides = array<i32>} : memref<8x50x128xf32, #tpu.memory_space<vmem>>, vector<1x1x16xf32>,
        %get3A_1066 = vector.shape_cast %get3A_1065 : vector<1x1x16xf32> to vector<16xf32>
        %add3A_1067 = arith.addf %scan3A_1036, %get3A_1066 : vector<16xf32>
        %add3A_1068 = arith.constant 0 : i32
        %add3A_1069 = arith.addi %add3A_1041, %add3A_1068 : i32
        %get3A_1070 = arith.constant 3 : i32
        %get3A_1071 = arith.index_cast %get3A_1070 : i32 to index
        %get3A_1072 = arith.index_cast %add3A_1069 : i32 to index
        %get3A_1073 = arith.constant 48 : index
        %get3A_1074 = tpu.vector_load %arg7[%get3A_1071, %get3A_1072, %get3A_1073] {strides = array<i32>} : memref<8x50x128xf32, #tpu.memory_space<vmem>>, vector<1x1x16xf32>,
        %get3A_1075 = vector.shape_cast %get3A_1074 : vector<1x1x16xf32> to vector<16xf32>
        %add3A_1076 = arith.addf %scan3A_1037, %get3A_1075 : vector<16xf32>
        %add3A_1077 = arith.constant 1 : i32
        %add3A_1078 = arith.addi %add3A_1041, %add3A_1077 : i32
        %get3A_1079 = arith.constant 3 : i32
        %get3A_1080 = arith.index_cast %get3A_1079 : i32 to index
        %get3A_1081 = arith.index_cast %add3A_1078 : i32 to index
        %get3A_1082 = arith.constant 0 : index
        %get3A_1083 = tpu.vector_load %arg7[%get3A_1080, %get3A_1081, %get3A_1082] {strides = array<i32>} : memref<8x50x128xf32, #tpu.memory_space<vmem>>, vector<1x1x16xf32>,
        %get3A_1084 = vector.shape_cast %get3A_1083 : vector<1x1x16xf32> to vector<16xf32>
        %add3A_1085 = arith.addf %add3A_1049, %get3A_1084 : vector<16xf32>
        %add3A_1086 = arith.constant 1 : i32
        %add3A_1087 = arith.addi %add3A_1041, %add3A_1086 : i32
        %get3A_1088 = arith.constant 3 : i32
        %get3A_1089 = arith.index_cast %get3A_1088 : i32 to index
        %get3A_1090 = arith.index_cast %add3A_1087 : i32 to index
        %get3A_1091 = arith.constant 16 : index
        %get3A_1092 = tpu.vector_load %arg7[%get3A_1089, %get3A_1090, %get3A_1091] {strides = array<i32>} : memref<8x50x128xf32, #tpu.memory_space<vmem>>, vector<1x1x16xf32>,
        %get3A_1093 = vector.shape_cast %get3A_1092 : vector<1x1x16xf32> to vector<16xf32>
        %add3A_1094 = arith.addf %add3A_1058, %get3A_1093 : vector<16xf32>
        %add3A_1095 = arith.constant 1 : i32
        %add3A_1096 = arith.addi %add3A_1041, %add3A_1095 : i32
        %get3A_1097 = arith.constant 3 : i32
        %get3A_1098 = arith.index_cast %get3A_1097 : i32 to index
        %get3A_1099 = arith.index_cast %add3A_1096 : i32 to index
        %get3A_1100 = arith.constant 32 : index
        %get3A_1101 = tpu.vector_load %arg7[%get3A_1098, %get3A_1099, %get3A_1100] {strides = array<i32>} : memref<8x50x128xf32, #tpu.memory_space<vmem>>, vector<1x1x16xf32>,
        %get3A_1102 = vector.shape_cast %get3A_1101 : vector<1x1x16xf32> to vector<16xf32>
        %add3A_1103 = arith.addf %add3A_1067, %get3A_1102 : vector<16xf32>
        %add3A_1104 = arith.constant 1 : i32
        %add3A_1105 = arith.addi %add3A_1041, %add3A_1104 : i32
        %get3A_1106 = arith.constant 3 : i32
        %get3A_1107 = arith.index_cast %get3A_1106 : i32 to index
        %get3A_1108 = arith.index_cast %add3A_1105 : i32 to index
        %get3A_1109 = arith.constant 48 : index
        %get3A_1110 = tpu.vector_load %arg7[%get3A_1107, %get3A_1108, %get3A_1109] {strides = array<i32>} : memref<8x50x128xf32, #tpu.memory_space<vmem>>, vector<1x1x16xf32>,
        %get3A_1111 = vector.shape_cast %get3A_1110 : vector<1x1x16xf32> to vector<16xf32>
        %add3A_1112 = arith.addf %add3A_1076, %get3A_1111 : vector<16xf32>
        %add3A_1113 = arith.constant 2 : i32
        %add3A_1114 = arith.addi %add3A_1041, %add3A_1113 : i32
        %get3A_1115 = arith.constant 3 : i32
        %get3A_1116 = arith.index_cast %get3A_1115 : i32 to index
        %get3A_1117 = arith.index_cast %add3A_1114 : i32 to index
        %get3A_1118 = arith.constant 0 : index
        %get3A_1119 = tpu.vector_load %arg7[%get3A_1116, %get3A_1117, %get3A_1118] {strides = array<i32>} : memref<8x50x128xf32, #tpu.memory_space<vmem>>, vector<1x1x16xf32>,
        %get3A_1120 = vector.shape_cast %get3A_1119 : vector<1x1x16xf32> to vector<16xf32>
        %add3A_1121 = arith.addf %add3A_1085, %get3A_1120 : vector<16xf32>
        %add3A_1122 = arith.constant 2 : i32
        %add3A_1123 = arith.addi %add3A_1041, %add3A_1122 : i32
        %get3A_1124 = arith.constant 3 : i32
        %get3A_1125 = arith.index_cast %get3A_1124 : i32 to index
        %get3A_1126 = arith.index_cast %add3A_1123 : i32 to index
        %get3A_1127 = arith.constant 16 : index
        %get3A_1128 = tpu.vector_load %arg7[%get3A_1125, %get3A_1126, %get3A_1127] {strides = array<i32>} : memref<8x50x128xf32, #tpu.memory_space<vmem>>, vector<1x1x16xf32>,
        %get3A_1129 = vector.shape_cast %get3A_1128 : vector<1x1x16xf32> to vector<16xf32>
        %add3A_1130 = arith.addf %add3A_1094, %get3A_1129 : vector<16xf32>
        %add3A_1131 = arith.constant 2 : i32
        %add3A_1132 = arith.addi %add3A_1041, %add3A_1131 : i32
        %get3A_1133 = arith.constant 3 : i32
        %get3A_1134 = arith.index_cast %get3A_1133 : i32 to index
        %get3A_1135 = arith.index_cast %add3A_1132 : i32 to index
        %get3A_1136 = arith.constant 32 : index
        %get3A_1137 = tpu.vector_load %arg7[%get3A_1134, %get3A_1135, %get3A_1136] {strides = array<i32>} : memref<8x50x128xf32, #tpu.memory_space<vmem>>, vector<1x1x16xf32>,
        %get3A_1138 = vector.shape_cast %get3A_1137 : vector<1x1x16xf32> to vector<16xf32>
        %add3A_1139 = arith.addf %add3A_1103, %get3A_1138 : vector<16xf32>
        %add3A_1140 = arith.constant 2 : i32
        %add3A_1141 = arith.addi %add3A_1041, %add3A_1140 : i32
        %get3A_1142 = arith.constant 3 : i32
        %get3A_1143 = arith.index_cast %get3A_1142 : i32 to index
        %get3A_1144 = arith.index_cast %add3A_1141 : i32 to index
        %get3A_1145 = arith.constant 48 : index
        %get3A_1146 = tpu.vector_load %arg7[%get3A_1143, %get3A_1144, %get3A_1145] {strides = array<i32>} : memref<8x50x128xf32, #tpu.memory_space<vmem>>, vector<1x1x16xf32>,
        %get3A_1147 = vector.shape_cast %get3A_1146 : vector<1x1x16xf32> to vector<16xf32>
        %add3A_1148 = arith.addf %add3A_1112, %get3A_1147 : vector<16xf32>
        %add3A_1149 = arith.constant 3 : i32
        %add3A_1150 = arith.addi %add3A_1041, %add3A_1149 : i32
        %get3A_1151 = arith.constant 3 : i32
        %get3A_1152 = arith.index_cast %get3A_1151 : i32 to index
        %get3A_1153 = arith.index_cast %add3A_1150 : i32 to index
        %get3A_1154 = arith.constant 0 : index
        %get3A_1155 = tpu.vector_load %arg7[%get3A_1152, %get3A_1153, %get3A_1154] {strides = array<i32>} : memref<8x50x128xf32, #tpu.memory_space<vmem>>, vector<1x1x16xf32>,
        %get3A_1156 = vector.shape_cast %get3A_1155 : vector<1x1x16xf32> to vector<16xf32>
        %add3A_1157 = arith.addf %add3A_1121, %get3A_1156 : vector<16xf32>
        %add3A_1158 = arith.constant 3 : i32
        %add3A_1159 = arith.addi %add3A_1041, %add3A_1158 : i32
        %get3A_1160 = arith.constant 3 : i32
        %get3A_1161 = arith.index_cast %get3A_1160 : i32 to index
        %get3A_1162 = arith.index_cast %add3A_1159 : i32 to index
        %get3A_1163 = arith.constant 16 : index
        %get3A_1164 = tpu.vector_load %arg7[%get3A_1161, %get3A_1162, %get3A_1163] {strides = array<i32>} : memref<8x50x128xf32, #tpu.memory_space<vmem>>, vector<1x1x16xf32>,
        %get3A_1165 = vector.shape_cast %get3A_1164 : vector<1x1x16xf32> to vector<16xf32>
        %add3A_1166 = arith.addf %add3A_1130, %get3A_1165 : vector<16xf32>
        %add3A_1167 = arith.constant 3 : i32
        %add3A_1168 = arith.addi %add3A_1041, %add3A_1167 : i32
        %get3A_1169 = arith.constant 3 : i32
        %get3A_1170 = arith.index_cast %get3A_1169 : i32 to index
        %get3A_1171 = arith.index_cast %add3A_1168 : i32 to index
        %get3A_1172 = arith.constant 32 : index
        %get3A_1173 = tpu.vector_load %arg7[%get3A_1170, %get3A_1171, %get3A_1172] {strides = array<i32>} : memref<8x50x128xf32, #tpu.memory_space<vmem>>, vector<1x1x16xf32>,
        %get3A_1174 = vector.shape_cast %get3A_1173 : vector<1x1x16xf32> to vector<16xf32>
        %add3A_1175 = arith.addf %add3A_1139, %get3A_1174 : vector<16xf32>
        %add3A_1176 = arith.constant 3 : i32
        %add3A_1177 = arith.addi %add3A_1041, %add3A_1176 : i32
        %get3A_1178 = arith.constant 3 : i32
        %get3A_1179 = arith.index_cast %get3A_1178 : i32 to index
        %get3A_1180 = arith.index_cast %add3A_1177 : i32 to index
        %get3A_1181 = arith.constant 48 : index
        %get3A_1182 = tpu.vector_load %arg7[%get3A_1179, %get3A_1180, %get3A_1181] {strides = array<i32>} : memref<8x50x128xf32, #tpu.memory_space<vmem>>, vector<1x1x16xf32>,
        %get3A_1183 = vector.shape_cast %get3A_1182 : vector<1x1x16xf32> to vector<16xf32>
        %add3A_1184 = arith.addf %add3A_1148, %get3A_1183 : vector<16xf32>
        %add3A_1185 = arith.constant 4 : i32
        %add3A_1186 = arith.addi %add3A_1041, %add3A_1185 : i32
        %get3A_1187 = arith.constant 3 : i32
        %get3A_1188 = arith.index_cast %get3A_1187 : i32 to index
        %get3A_1189 = arith.index_cast %add3A_1186 : i32 to index
        %get3A_1190 = arith.constant 0 : index
        %get3A_1191 = tpu.vector_load %arg7[%get3A_1188, %get3A_1189, %get3A_1190] {strides = array<i32>} : memref<8x50x128xf32, #tpu.memory_space<vmem>>, vector<1x1x16xf32>,
        %get3A_1192 = vector.shape_cast %get3A_1191 : vector<1x1x16xf32> to vector<16xf32>
        %add3A_1193 = arith.addf %add3A_1157, %get3A_1192 : vector<16xf32>
        %add3A_1194 = arith.constant 4 : i32
        %add3A_1195 = arith.addi %add3A_1041, %add3A_1194 : i32
        %get3A_1196 = arith.constant 3 : i32
        %get3A_1197 = arith.index_cast %get3A_1196 : i32 to index
        %get3A_1198 = arith.index_cast %add3A_1195 : i32 to index
        %get3A_1199 = arith.constant 16 : index
        %get3A_1200 = tpu.vector_load %arg7[%get3A_1197, %get3A_1198, %get3A_1199] {strides = array<i32>} : memref<8x50x128xf32, #tpu.memory_space<vmem>>, vector<1x1x16xf32>,
        %get3A_1201 = vector.shape_cast %get3A_1200 : vector<1x1x16xf32> to vector<16xf32>
        %add3A_1202 = arith.addf %add3A_1166, %get3A_1201 : vector<16xf32>
        %add3A_1203 = arith.constant 4 : i32
        %add3A_1204 = arith.addi %add3A_1041, %add3A_1203 : i32
        %get3A_1205 = arith.constant 3 : i32
        %get3A_1206 = arith.index_cast %get3A_1205 : i32 to index
        %get3A_1207 = arith.index_cast %add3A_1204 : i32 to index
        %get3A_1208 = arith.constant 32 : index
        %get3A_1209 = tpu.vector_load %arg7[%get3A_1206, %get3A_1207, %get3A_1208] {strides = array<i32>} : memref<8x50x128xf32, #tpu.memory_space<vmem>>, vector<1x1x16xf32>,
        %get3A_1210 = vector.shape_cast %get3A_1209 : vector<1x1x16xf32> to vector<16xf32>
        %add3A_1211 = arith.addf %add3A_1175, %get3A_1210 : vector<16xf32>
        %add3A_1212 = arith.constant 4 : i32
        %add3A_1213 = arith.addi %add3A_1041, %add3A_1212 : i32
        %get3A_1214 = arith.constant 3 : i32
        %get3A_1215 = arith.index_cast %get3A_1214 : i32 to index
        %get3A_1216 = arith.index_cast %add3A_1213 : i32 to index
        %get3A_1217 = arith.constant 48 : index
        %get3A_1218 = tpu.vector_load %arg7[%get3A_1215, %get3A_1216, %get3A_1217] {strides = array<i32>} : memref<8x50x128xf32, #tpu.memory_space<vmem>>, vector<1x1x16xf32>,
        %get3A_1219 = vector.shape_cast %get3A_1218 : vector<1x1x16xf32> to vector<16xf32>
        %add3A_1220 = arith.addf %add3A_1184, %get3A_1219 : vector<16xf32>
        scf.yield %add3A_1193, %add3A_1202, %add3A_1211, %add3A_1220 : vector<16xf32>, vector<16xf32>, vector<16xf32>, vector<16xf32>
      }
      %scan3A_479 = arith.constant 10 : i32
      %mul3A_480 = arith.constant 2.000000e-02 : f32
      %mul3A_481 = vector.broadcast %mul3A_480 : f32 to vector<16xf32>
      %mul3A_482 = arith.mulf %scan3A_478#0, %mul3A_481 : vector<16xf32>
      %swap3A_483 = arith.index_cast %rem3A_465 : i32 to index
      %swap3A_484 = arith.constant 0 : index
      %swap3A_485 = tpu.vector_load %arg8[%swap3A_483, %swap3A_484] {strides = array<i32>} : memref<32x128xf32, #tpu.memory_space<vmem>>, vector<1x16xf32>,
      %swap3A_486 = vector.shape_cast %swap3A_485 : vector<1x16xf32> to vector<16xf32>
      %swap3A_487 = vector.shape_cast %mul3A_482 : vector<16xf32> to vector<1x16xf32>
      tpu.vector_store %arg8[%swap3A_483, %swap3A_484], %swap3A_487 {strides = array<i32>} : memref<32x128xf32, #tpu.memory_space<vmem>>, vector<1x16xf32>,
      %mul3A_488 = arith.constant 2.000000e-02 : f32
      %mul3A_489 = vector.broadcast %mul3A_488 : f32 to vector<16xf32>
      %mul3A_490 = arith.mulf %scan3A_478#1, %mul3A_489 : vector<16xf32>
      %swap3A_491 = arith.index_cast %rem3A_465 : i32 to index
      %swap3A_492 = arith.constant 16 : index
      %swap3A_493 = tpu.vector_load %arg8[%swap3A_491, %swap3A_492] {strides = array<i32>} : memref<32x128xf32, #tpu.memory_space<vmem>>, vector<1x16xf32>,
      %swap3A_494 = vector.shape_cast %swap3A_493 : vector<1x16xf32> to vector<16xf32>
      %swap3A_495 = vector.shape_cast %mul3A_490 : vector<16xf32> to vector<1x16xf32>
      tpu.vector_store %arg8[%swap3A_491, %swap3A_492], %swap3A_495 {strides = array<i32>} : memref<32x128xf32, #tpu.memory_space<vmem>>, vector<1x16xf32>,
      %mul3A_496 = arith.constant 2.000000e-02 : f32
      %mul3A_497 = vector.broadcast %mul3A_496 : f32 to vector<16xf32>
      %mul3A_498 = arith.mulf %scan3A_478#2, %mul3A_497 : vector<16xf32>
      %swap3A_499 = arith.index_cast %rem3A_465 : i32 to index
      %swap3A_500 = arith.constant 32 : index
      %swap3A_501 = tpu.vector_load %arg8[%swap3A_499, %swap3A_500] {strides = array<i32>} : memref<32x128xf32, #tpu.memory_space<vmem>>, vector<1x16xf32>,
      %swap3A_502 = vector.shape_cast %swap3A_501 : vector<1x16xf32> to vector<16xf32>
      %swap3A_503 = vector.shape_cast %mul3A_498 : vector<16xf32> to vector<1x16xf32>
      tpu.vector_store %arg8[%swap3A_499, %swap3A_500], %swap3A_503 {strides = array<i32>} : memref<32x128xf32, #tpu.memory_space<vmem>>, vector<1x16xf32>,
      %mul3A_504 = arith.constant 2.000000e-02 : f32
      %mul3A_505 = vector.broadcast %mul3A_504 : f32 to vector<16xf32>
      %mul3A_506 = arith.mulf %scan3A_478#3, %mul3A_505 : vector<16xf32>
      %swap3A_507 = arith.index_cast %rem3A_465 : i32 to index
      %swap3A_508 = arith.constant 48 : index
      %swap3A_509 = tpu.vector_load %arg8[%swap3A_507, %swap3A_508] {strides = array<i32>} : memref<32x128xf32, #tpu.memory_space<vmem>>, vector<1x16xf32>,
      %swap3A_510 = vector.shape_cast %swap3A_509 : vector<1x16xf32> to vector<16xf32>
      %swap3A_511 = vector.shape_cast %mul3A_506 : vector<16xf32> to vector<1x16xf32>
      tpu.vector_store %arg8[%swap3A_507, %swap3A_508], %swap3A_511 {strides = array<i32>} : memref<32x128xf32, #tpu.memory_space<vmem>>, vector<1x16xf32>,
      %broadcast_in_dim3A_512 = arith.constant 0.000000e+00 : f32
      %broadcast_in_dim3A_513 = vector.broadcast %broadcast_in_dim3A_512 : f32 to vector<16xf32>
      %broadcast_in_dim3A_514 = arith.constant 0.000000e+00 : f32
      %broadcast_in_dim3A_515 = vector.broadcast %broadcast_in_dim3A_514 : f32 to vector<16xf32>
      %broadcast_in_dim3A_516 = arith.constant 0.000000e+00 : f32
      %broadcast_in_dim3A_517 = vector.broadcast %broadcast_in_dim3A_516 : f32 to vector<16xf32>
      %broadcast_in_dim3A_518 = arith.constant 0.000000e+00 : f32
      %broadcast_in_dim3A_519 = vector.broadcast %broadcast_in_dim3A_518 : f32 to vector<16xf32>
      %scan3A_520 = arith.constant 0 : i32
      %scan3A_521 = arith.constant 10 : i32
      %scan3A_522 = arith.addi %scan3A_520, %scan3A_521 : i32
      %scan3A_523 = arith.constant 1 : i32
      %scan3A_524:4 = scf.for %scan3A_1033 = %scan3A_520 to %scan3A_522 step %scan3A_523 iter_args(%scan3A_1034 = %broadcast_in_dim3A_513, %scan3A_1035 = %broadcast_in_dim3A_515, %scan3A_1036 = %broadcast_in_dim3A_517, %scan3A_1037 = %broadcast_in_dim3A_519) -> (vector<16xf32>, vector<16xf32>, vector<16xf32>, vector<16xf32>)  : i32 {
        %mul3A_1038 = arith.constant 5 : i32
        %mul3A_1039 = arith.muli %scan3A_1033, %mul3A_1038 : i32
        %add3A_1040 = arith.constant 0 : i32
        %add3A_1041 = arith.addi %add3A_1040, %mul3A_1039 : i32
        %add3A_1042 = arith.constant 0 : i32
        %add3A_1043 = arith.addi %add3A_1041, %add3A_1042 : i32
        %get3A = arith.constant 3 : i32
        %get3A_1044 = arith.index_cast %get3A : i32 to index
        %get3A_1045 = arith.index_cast %add3A_1043 : i32 to index
        %get3A_1046 = arith.constant 64 : index
        %get3A_1047 = tpu.vector_load %arg7[%get3A_1044, %get3A_1045, %get3A_1046] {strides = array<i32>} : memref<8x50x128xf32, #tpu.memory_space<vmem>>, vector<1x1x16xf32>,
        %get3A_1048 = vector.shape_cast %get3A_1047 : vector<1x1x16xf32> to vector<16xf32>
        %add3A_1049 = arith.addf %scan3A_1034, %get3A_1048 : vector<16xf32>
        %add3A_1050 = arith.constant 0 : i32
        %add3A_1051 = arith.addi %add3A_1041, %add3A_1050 : i32
        %get3A_1052 = arith.constant 3 : i32
        %get3A_1053 = arith.index_cast %get3A_1052 : i32 to index
        %get3A_1054 = arith.index_cast %add3A_1051 : i32 to index
        %get3A_1055 = arith.constant 80 : index
        %get3A_1056 = tpu.vector_load %arg7[%get3A_1053, %get3A_1054, %get3A_1055] {strides = array<i32>} : memref<8x50x128xf32, #tpu.memory_space<vmem>>, vector<1x1x16xf32>,
        %get3A_1057 = vector.shape_cast %get3A_1056 : vector<1x1x16xf32> to vector<16xf32>
        %add3A_1058 = arith.addf %scan3A_1035, %get3A_1057 : vector<16xf32>
        %add3A_1059 = arith.constant 0 : i32
        %add3A_1060 = arith.addi %add3A_1041, %add3A_1059 : i32
        %get3A_1061 = arith.constant 3 : i32
        %get3A_1062 = arith.index_cast %get3A_1061 : i32 to index
        %get3A_1063 = arith.index_cast %add3A_1060 : i32 to index
        %get3A_1064 = arith.constant 96 : index
        %get3A_1065 = tpu.vector_load %arg7[%get3A_1062, %get3A_1063, %get3A_1064] {strides = array<i32>} : memref<8x50x128xf32, #tpu.memory_space<vmem>>, vector<1x1x16xf32>,
        %get3A_1066 = vector.shape_cast %get3A_1065 : vector<1x1x16xf32> to vector<16xf32>
        %add3A_1067 = arith.addf %scan3A_1036, %get3A_1066 : vector<16xf32>
        %add3A_1068 = arith.constant 0 : i32
        %add3A_1069 = arith.addi %add3A_1041, %add3A_1068 : i32
        %get3A_1070 = arith.constant 3 : i32
        %get3A_1071 = arith.index_cast %get3A_1070 : i32 to index
        %get3A_1072 = arith.index_cast %add3A_1069 : i32 to index
        %get3A_1073 = arith.constant 112 : index
        %get3A_1074 = tpu.vector_load %arg7[%get3A_1071, %get3A_1072, %get3A_1073] {strides = array<i32>} : memref<8x50x128xf32, #tpu.memory_space<vmem>>, vector<1x1x16xf32>,
        %get3A_1075 = vector.shape_cast %get3A_1074 : vector<1x1x16xf32> to vector<16xf32>
        %add3A_1076 = arith.addf %scan3A_1037, %get3A_1075 : vector<16xf32>
        %add3A_1077 = arith.constant 1 : i32
        %add3A_1078 = arith.addi %add3A_1041, %add3A_1077 : i32
        %get3A_1079 = arith.constant 3 : i32
        %get3A_1080 = arith.index_cast %get3A_1079 : i32 to index
        %get3A_1081 = arith.index_cast %add3A_1078 : i32 to index
        %get3A_1082 = arith.constant 64 : index
        %get3A_1083 = tpu.vector_load %arg7[%get3A_1080, %get3A_1081, %get3A_1082] {strides = array<i32>} : memref<8x50x128xf32, #tpu.memory_space<vmem>>, vector<1x1x16xf32>,
        %get3A_1084 = vector.shape_cast %get3A_1083 : vector<1x1x16xf32> to vector<16xf32>
        %add3A_1085 = arith.addf %add3A_1049, %get3A_1084 : vector<16xf32>
        %add3A_1086 = arith.constant 1 : i32
        %add3A_1087 = arith.addi %add3A_1041, %add3A_1086 : i32
        %get3A_1088 = arith.constant 3 : i32
        %get3A_1089 = arith.index_cast %get3A_1088 : i32 to index
        %get3A_1090 = arith.index_cast %add3A_1087 : i32 to index
        %get3A_1091 = arith.constant 80 : index
        %get3A_1092 = tpu.vector_load %arg7[%get3A_1089, %get3A_1090, %get3A_1091] {strides = array<i32>} : memref<8x50x128xf32, #tpu.memory_space<vmem>>, vector<1x1x16xf32>,
        %get3A_1093 = vector.shape_cast %get3A_1092 : vector<1x1x16xf32> to vector<16xf32>
        %add3A_1094 = arith.addf %add3A_1058, %get3A_1093 : vector<16xf32>
        %add3A_1095 = arith.constant 1 : i32
        %add3A_1096 = arith.addi %add3A_1041, %add3A_1095 : i32
        %get3A_1097 = arith.constant 3 : i32
        %get3A_1098 = arith.index_cast %get3A_1097 : i32 to index
        %get3A_1099 = arith.index_cast %add3A_1096 : i32 to index
        %get3A_1100 = arith.constant 96 : index
        %get3A_1101 = tpu.vector_load %arg7[%get3A_1098, %get3A_1099, %get3A_1100] {strides = array<i32>} : memref<8x50x128xf32, #tpu.memory_space<vmem>>, vector<1x1x16xf32>,
        %get3A_1102 = vector.shape_cast %get3A_1101 : vector<1x1x16xf32> to vector<16xf32>
        %add3A_1103 = arith.addf %add3A_1067, %get3A_1102 : vector<16xf32>
        %add3A_1104 = arith.constant 1 : i32
        %add3A_1105 = arith.addi %add3A_1041, %add3A_1104 : i32
        %get3A_1106 = arith.constant 3 : i32
        %get3A_1107 = arith.index_cast %get3A_1106 : i32 to index
        %get3A_1108 = arith.index_cast %add3A_1105 : i32 to index
        %get3A_1109 = arith.constant 112 : index
        %get3A_1110 = tpu.vector_load %arg7[%get3A_1107, %get3A_1108, %get3A_1109] {strides = array<i32>} : memref<8x50x128xf32, #tpu.memory_space<vmem>>, vector<1x1x16xf32>,
        %get3A_1111 = vector.shape_cast %get3A_1110 : vector<1x1x16xf32> to vector<16xf32>
        %add3A_1112 = arith.addf %add3A_1076, %get3A_1111 : vector<16xf32>
        %add3A_1113 = arith.constant 2 : i32
        %add3A_1114 = arith.addi %add3A_1041, %add3A_1113 : i32
        %get3A_1115 = arith.constant 3 : i32
        %get3A_1116 = arith.index_cast %get3A_1115 : i32 to index
        %get3A_1117 = arith.index_cast %add3A_1114 : i32 to index
        %get3A_1118 = arith.constant 64 : index
        %get3A_1119 = tpu.vector_load %arg7[%get3A_1116, %get3A_1117, %get3A_1118] {strides = array<i32>} : memref<8x50x128xf32, #tpu.memory_space<vmem>>, vector<1x1x16xf32>,
        %get3A_1120 = vector.shape_cast %get3A_1119 : vector<1x1x16xf32> to vector<16xf32>
        %add3A_1121 = arith.addf %add3A_1085, %get3A_1120 : vector<16xf32>
        %add3A_1122 = arith.constant 2 : i32
        %add3A_1123 = arith.addi %add3A_1041, %add3A_1122 : i32
        %get3A_1124 = arith.constant 3 : i32
        %get3A_1125 = arith.index_cast %get3A_1124 : i32 to index
        %get3A_1126 = arith.index_cast %add3A_1123 : i32 to index
        %get3A_1127 = arith.constant 80 : index
        %get3A_1128 = tpu.vector_load %arg7[%get3A_1125, %get3A_1126, %get3A_1127] {strides = array<i32>} : memref<8x50x128xf32, #tpu.memory_space<vmem>>, vector<1x1x16xf32>,
        %get3A_1129 = vector.shape_cast %get3A_1128 : vector<1x1x16xf32> to vector<16xf32>
        %add3A_1130 = arith.addf %add3A_1094, %get3A_1129 : vector<16xf32>
        %add3A_1131 = arith.constant 2 : i32
        %add3A_1132 = arith.addi %add3A_1041, %add3A_1131 : i32
        %get3A_1133 = arith.constant 3 : i32
        %get3A_1134 = arith.index_cast %get3A_1133 : i32 to index
        %get3A_1135 = arith.index_cast %add3A_1132 : i32 to index
        %get3A_1136 = arith.constant 96 : index
        %get3A_1137 = tpu.vector_load %arg7[%get3A_1134, %get3A_1135, %get3A_1136] {strides = array<i32>} : memref<8x50x128xf32, #tpu.memory_space<vmem>>, vector<1x1x16xf32>,
        %get3A_1138 = vector.shape_cast %get3A_1137 : vector<1x1x16xf32> to vector<16xf32>
        %add3A_1139 = arith.addf %add3A_1103, %get3A_1138 : vector<16xf32>
        %add3A_1140 = arith.constant 2 : i32
        %add3A_1141 = arith.addi %add3A_1041, %add3A_1140 : i32
        %get3A_1142 = arith.constant 3 : i32
        %get3A_1143 = arith.index_cast %get3A_1142 : i32 to index
        %get3A_1144 = arith.index_cast %add3A_1141 : i32 to index
        %get3A_1145 = arith.constant 112 : index
        %get3A_1146 = tpu.vector_load %arg7[%get3A_1143, %get3A_1144, %get3A_1145] {strides = array<i32>} : memref<8x50x128xf32, #tpu.memory_space<vmem>>, vector<1x1x16xf32>,
        %get3A_1147 = vector.shape_cast %get3A_1146 : vector<1x1x16xf32> to vector<16xf32>
        %add3A_1148 = arith.addf %add3A_1112, %get3A_1147 : vector<16xf32>
        %add3A_1149 = arith.constant 3 : i32
        %add3A_1150 = arith.addi %add3A_1041, %add3A_1149 : i32
        %get3A_1151 = arith.constant 3 : i32
        %get3A_1152 = arith.index_cast %get3A_1151 : i32 to index
        %get3A_1153 = arith.index_cast %add3A_1150 : i32 to index
        %get3A_1154 = arith.constant 64 : index
        %get3A_1155 = tpu.vector_load %arg7[%get3A_1152, %get3A_1153, %get3A_1154] {strides = array<i32>} : memref<8x50x128xf32, #tpu.memory_space<vmem>>, vector<1x1x16xf32>,
        %get3A_1156 = vector.shape_cast %get3A_1155 : vector<1x1x16xf32> to vector<16xf32>
        %add3A_1157 = arith.addf %add3A_1121, %get3A_1156 : vector<16xf32>
        %add3A_1158 = arith.constant 3 : i32
        %add3A_1159 = arith.addi %add3A_1041, %add3A_1158 : i32
        %get3A_1160 = arith.constant 3 : i32
        %get3A_1161 = arith.index_cast %get3A_1160 : i32 to index
        %get3A_1162 = arith.index_cast %add3A_1159 : i32 to index
        %get3A_1163 = arith.constant 80 : index
        %get3A_1164 = tpu.vector_load %arg7[%get3A_1161, %get3A_1162, %get3A_1163] {strides = array<i32>} : memref<8x50x128xf32, #tpu.memory_space<vmem>>, vector<1x1x16xf32>,
        %get3A_1165 = vector.shape_cast %get3A_1164 : vector<1x1x16xf32> to vector<16xf32>
        %add3A_1166 = arith.addf %add3A_1130, %get3A_1165 : vector<16xf32>
        %add3A_1167 = arith.constant 3 : i32
        %add3A_1168 = arith.addi %add3A_1041, %add3A_1167 : i32
        %get3A_1169 = arith.constant 3 : i32
        %get3A_1170 = arith.index_cast %get3A_1169 : i32 to index
        %get3A_1171 = arith.index_cast %add3A_1168 : i32 to index
        %get3A_1172 = arith.constant 96 : index
        %get3A_1173 = tpu.vector_load %arg7[%get3A_1170, %get3A_1171, %get3A_1172] {strides = array<i32>} : memref<8x50x128xf32, #tpu.memory_space<vmem>>, vector<1x1x16xf32>,
        %get3A_1174 = vector.shape_cast %get3A_1173 : vector<1x1x16xf32> to vector<16xf32>
        %add3A_1175 = arith.addf %add3A_1139, %get3A_1174 : vector<16xf32>
        %add3A_1176 = arith.constant 3 : i32
        %add3A_1177 = arith.addi %add3A_1041, %add3A_1176 : i32
        %get3A_1178 = arith.constant 3 : i32
        %get3A_1179 = arith.index_cast %get3A_1178 : i32 to index
        %get3A_1180 = arith.index_cast %add3A_1177 : i32 to index
        %get3A_1181 = arith.constant 112 : index
        %get3A_1182 = tpu.vector_load %arg7[%get3A_1179, %get3A_1180, %get3A_1181] {strides = array<i32>} : memref<8x50x128xf32, #tpu.memory_space<vmem>>, vector<1x1x16xf32>,
        %get3A_1183 = vector.shape_cast %get3A_1182 : vector<1x1x16xf32> to vector<16xf32>
        %add3A_1184 = arith.addf %add3A_1148, %get3A_1183 : vector<16xf32>
        %add3A_1185 = arith.constant 4 : i32
        %add3A_1186 = arith.addi %add3A_1041, %add3A_1185 : i32
        %get3A_1187 = arith.constant 3 : i32
        %get3A_1188 = arith.index_cast %get3A_1187 : i32 to index
        %get3A_1189 = arith.index_cast %add3A_1186 : i32 to index
        %get3A_1190 = arith.constant 64 : index
        %get3A_1191 = tpu.vector_load %arg7[%get3A_1188, %get3A_1189, %get3A_1190] {strides = array<i32>} : memref<8x50x128xf32, #tpu.memory_space<vmem>>, vector<1x1x16xf32>,
        %get3A_1192 = vector.shape_cast %get3A_1191 : vector<1x1x16xf32> to vector<16xf32>
        %add3A_1193 = arith.addf %add3A_1157, %get3A_1192 : vector<16xf32>
        %add3A_1194 = arith.constant 4 : i32
        %add3A_1195 = arith.addi %add3A_1041, %add3A_1194 : i32
        %get3A_1196 = arith.constant 3 : i32
        %get3A_1197 = arith.index_cast %get3A_1196 : i32 to index
        %get3A_1198 = arith.index_cast %add3A_1195 : i32 to index
        %get3A_1199 = arith.constant 80 : index
        %get3A_1200 = tpu.vector_load %arg7[%get3A_1197, %get3A_1198, %get3A_1199] {strides = array<i32>} : memref<8x50x128xf32, #tpu.memory_space<vmem>>, vector<1x1x16xf32>,
        %get3A_1201 = vector.shape_cast %get3A_1200 : vector<1x1x16xf32> to vector<16xf32>
        %add3A_1202 = arith.addf %add3A_1166, %get3A_1201 : vector<16xf32>
        %add3A_1203 = arith.constant 4 : i32
        %add3A_1204 = arith.addi %add3A_1041, %add3A_1203 : i32
        %get3A_1205 = arith.constant 3 : i32
        %get3A_1206 = arith.index_cast %get3A_1205 : i32 to index
        %get3A_1207 = arith.index_cast %add3A_1204 : i32 to index
        %get3A_1208 = arith.constant 96 : index
        %get3A_1209 = tpu.vector_load %arg7[%get3A_1206, %get3A_1207, %get3A_1208] {strides = array<i32>} : memref<8x50x128xf32, #tpu.memory_space<vmem>>, vector<1x1x16xf32>,
        %get3A_1210 = vector.shape_cast %get3A_1209 : vector<1x1x16xf32> to vector<16xf32>
        %add3A_1211 = arith.addf %add3A_1175, %get3A_1210 : vector<16xf32>
        %add3A_1212 = arith.constant 4 : i32
        %add3A_1213 = arith.addi %add3A_1041, %add3A_1212 : i32
        %get3A_1214 = arith.constant 3 : i32
        %get3A_1215 = arith.index_cast %get3A_1214 : i32 to index
        %get3A_1216 = arith.index_cast %add3A_1213 : i32 to index
        %get3A_1217 = arith.constant 112 : index
        %get3A_1218 = tpu.vector_load %arg7[%get3A_1215, %get3A_1216, %get3A_1217] {strides = array<i32>} : memref<8x50x128xf32, #tpu.memory_space<vmem>>, vector<1x1x16xf32>,
        %get3A_1219 = vector.shape_cast %get3A_1218 : vector<1x1x16xf32> to vector<16xf32>
        %add3A_1220 = arith.addf %add3A_1184, %get3A_1219 : vector<16xf32>
        scf.yield %add3A_1193, %add3A_1202, %add3A_1211, %add3A_1220 : vector<16xf32>, vector<16xf32>, vector<16xf32>, vector<16xf32>
      }
      %scan3A_525 = arith.constant 10 : i32
      %mul3A_526 = arith.constant 2.000000e-02 : f32
      %mul3A_527 = vector.broadcast %mul3A_526 : f32 to vector<16xf32>
      %mul3A_528 = arith.mulf %scan3A_524#0, %mul3A_527 : vector<16xf32>
      %swap3A_529 = arith.index_cast %rem3A_465 : i32 to index
      %swap3A_530 = arith.constant 64 : index
      %swap3A_531 = tpu.vector_load %arg8[%swap3A_529, %swap3A_530] {strides = array<i32>} : memref<32x128xf32, #tpu.memory_space<vmem>>, vector<1x16xf32>,
      %swap3A_532 = vector.shape_cast %swap3A_531 : vector<1x16xf32> to vector<16xf32>
      %swap3A_533 = vector.shape_cast %mul3A_528 : vector<16xf32> to vector<1x16xf32>
      tpu.vector_store %arg8[%swap3A_529, %swap3A_530], %swap3A_533 {strides = array<i32>} : memref<32x128xf32, #tpu.memory_space<vmem>>, vector<1x16xf32>,
      %mul3A_534 = arith.constant 2.000000e-02 : f32
      %mul3A_535 = vector.broadcast %mul3A_534 : f32 to vector<16xf32>
      %mul3A_536 = arith.mulf %scan3A_524#1, %mul3A_535 : vector<16xf32>
      %swap3A_537 = arith.index_cast %rem3A_465 : i32 to index
      %swap3A_538 = arith.constant 80 : index
      %swap3A_539 = tpu.vector_load %arg8[%swap3A_537, %swap3A_538] {strides = array<i32>} : memref<32x128xf32, #tpu.memory_space<vmem>>, vector<1x16xf32>,
      %swap3A_540 = vector.shape_cast %swap3A_539 : vector<1x16xf32> to vector<16xf32>
      %swap3A_541 = vector.shape_cast %mul3A_536 : vector<16xf32> to vector<1x16xf32>
      tpu.vector_store %arg8[%swap3A_537, %swap3A_538], %swap3A_541 {strides = array<i32>} : memref<32x128xf32, #tpu.memory_space<vmem>>, vector<1x16xf32>,
      %mul3A_542 = arith.constant 2.000000e-02 : f32
      %mul3A_543 = vector.broadcast %mul3A_542 : f32 to vector<16xf32>
      %mul3A_544 = arith.mulf %scan3A_524#2, %mul3A_543 : vector<16xf32>
      %swap3A_545 = arith.index_cast %rem3A_465 : i32 to index
      %swap3A_546 = arith.constant 96 : index
      %swap3A_547 = tpu.vector_load %arg8[%swap3A_545, %swap3A_546] {strides = array<i32>} : memref<32x128xf32, #tpu.memory_space<vmem>>, vector<1x16xf32>,
      %swap3A_548 = vector.shape_cast %swap3A_547 : vector<1x16xf32> to vector<16xf32>
      %swap3A_549 = vector.shape_cast %mul3A_544 : vector<16xf32> to vector<1x16xf32>
      tpu.vector_store %arg8[%swap3A_545, %swap3A_546], %swap3A_549 {strides = array<i32>} : memref<32x128xf32, #tpu.memory_space<vmem>>, vector<1x16xf32>,
      %mul3A_550 = arith.constant 2.000000e-02 : f32
      %mul3A_551 = vector.broadcast %mul3A_550 : f32 to vector<16xf32>
      %mul3A_552 = arith.mulf %scan3A_524#3, %mul3A_551 : vector<16xf32>
      %swap3A_553 = arith.index_cast %rem3A_465 : i32 to index
      %swap3A_554 = arith.constant 112 : index
      %swap3A_555 = tpu.vector_load %arg8[%swap3A_553, %swap3A_554] {strides = array<i32>} : memref<32x128xf32, #tpu.memory_space<vmem>>, vector<1x16xf32>,
      %swap3A_556 = vector.shape_cast %swap3A_555 : vector<1x16xf32> to vector<16xf32>
      %swap3A_557 = vector.shape_cast %mul3A_552 : vector<16xf32> to vector<1x16xf32>
      tpu.vector_store %arg8[%swap3A_553, %swap3A_554], %swap3A_557 {strides = array<i32>} : memref<32x128xf32, #tpu.memory_space<vmem>>, vector<1x16xf32>,
      %lt3A_558 = arith.constant 63 : i32
      %lt3A_559 = arith.cmpi slt, %scan3A_105, %lt3A_558 : i32
      %convert_element_type3A_560 = arith.extui %lt3A_559 : i1 to i32
      %cond3A_561 = arith.constant 0 : i32
      %cond3A_562 = arith.cmpi ne, %convert_element_type3A_560, %cond3A_561 : i32
      scf.if %cond3A_562 {
        %add3A_1033 = arith.constant 8 : i32
        %add3A_1034 = arith.addi %add3A_450, %add3A_1033 : i32
        %dma_start3A_1035 = arith.constant 3 : i32
        %dma_start3A_1036 = arith.constant 0 : i32
        %dma_start3A_1037 = arith.constant 0 : i32
        %dma_start3A_1038 = tpu.memref_slice %arg7[%dma_start3A_1035, %dma_start3A_1036, %dma_start3A_1037] : memref<8x50x128xf32, #tpu.memory_space<vmem>> -> memref<1x50x128xf32, #tpu.memory_space<vmem>>
        %dma_start3A_1039 = tpu.memref_squeeze %dma_start3A_1038 : memref<1x50x128xf32, #tpu.memory_space<vmem>> -> memref<50x128xf32, #tpu.memory_space<vmem>>
        %dma_start3A_1040 = arith.constant 0 : i32
        %dma_start3A_1041 = tpu.memref_slice %arg6[%add3A_1034, %dma_start3A_1040] : memref<512x50xi32, #tpu.memory_space<vmem>> -> memref<1x50xi32, #tpu.memory_space<vmem>>
        %dma_start3A_1042 = tpu.memref_squeeze %dma_start3A_1041 : memref<1x50xi32, #tpu.memory_space<vmem>> -> memref<50xi32, #tpu.memory_space<vmem>>
        %dma_start3A_1043 = arith.constant 0 : i32
        %dma_start3A_1044 = arith.constant 0 : i32
        %dma_start3A_1045 = tpu.memref_slice %arg3[%dma_start3A_1043, %dma_start3A_1044] : memref<1000000x128xf32, #tpu.memory_space<hbm>> -> memref<1000000x128xf32, #tpu.memory_space<hbm>>
        tpu.enqueue_indirect_dma source(%dma_start3A_1045 : memref<1000000x128xf32, #tpu.memory_space<hbm>>) target(%dma_start3A_1039 : memref<50x128xf32, #tpu.memory_space<vmem>>) offsets(%dma_start3A_1042 : memref<50xi32, #tpu.memory_space<vmem>>) semaphore(%arg12 : memref<!tpu.dma_semaphore, #tpu.memory_space<semaphore_mem>>)
      } else {
      }
      %mul3A_563 = arith.constant 8 : i32
      %mul3A_564 = arith.muli %scan3A_105, %mul3A_563 : i32
      %add3A_565 = arith.constant 4 : i32
      %add3A_566 = arith.addi %mul3A_564, %add3A_565 : i32
      %dma_wait3A_567 = arith.constant 4 : i32
      %dma_wait3A_568 = arith.constant 0 : i32
      %dma_wait3A_569 = arith.constant 0 : i32
      %dma_wait3A_570 = tpu.memref_slice %arg7[%dma_wait3A_567, %dma_wait3A_568, %dma_wait3A_569] : memref<8x50x128xf32, #tpu.memory_space<vmem>> -> memref<1x50x128xf32, #tpu.memory_space<vmem>>
      %dma_wait3A_571 = tpu.memref_squeeze %dma_wait3A_570 : memref<1x50x128xf32, #tpu.memory_space<vmem>> -> memref<50x128xf32, #tpu.memory_space<vmem>>
      %dma_wait3A_572 = arith.constant 0 : i32
      %dma_wait3A_573 = arith.constant 0 : i32
      %dma_wait3A_574 = tpu.memref_slice %arg7[%dma_wait3A_567, %dma_wait3A_572, %dma_wait3A_573] : memref<8x50x128xf32, #tpu.memory_space<vmem>> -> memref<1x50x128xf32, #tpu.memory_space<vmem>>
      %dma_wait3A_575 = tpu.memref_squeeze %dma_wait3A_574 : memref<1x50x128xf32, #tpu.memory_space<vmem>> -> memref<50x128xf32, #tpu.memory_space<vmem>>
      tpu.wait_dma2 semaphore(%arg13 : memref<!tpu.dma_semaphore, #tpu.memory_space<semaphore_mem>>) src(%arg4 : memref<50x128xf32, #tpu.memory_space<hbm>>) dst(%dma_wait3A_575 : memref<50x128xf32, #tpu.memory_space<vmem>>)
      %mul3A_576 = arith.constant 1 : i32
      %mul3A_577 = arith.muli %add3A_566, %mul3A_576 : i32
      %add3A_578 = arith.constant 0 : i32
      %add3A_579 = arith.addi %mul3A_577, %add3A_578 : i32
      %rem3A_580 = arith.constant 32 : i32
      %rem3A_581 = arith.remsi %add3A_579, %rem3A_580 : i32
      %broadcast_in_dim3A_582 = arith.constant 0.000000e+00 : f32
      %broadcast_in_dim3A_583 = vector.broadcast %broadcast_in_dim3A_582 : f32 to vector<16xf32>
      %broadcast_in_dim3A_584 = arith.constant 0.000000e+00 : f32
      %broadcast_in_dim3A_585 = vector.broadcast %broadcast_in_dim3A_584 : f32 to vector<16xf32>
      %broadcast_in_dim3A_586 = arith.constant 0.000000e+00 : f32
      %broadcast_in_dim3A_587 = vector.broadcast %broadcast_in_dim3A_586 : f32 to vector<16xf32>
      %broadcast_in_dim3A_588 = arith.constant 0.000000e+00 : f32
      %broadcast_in_dim3A_589 = vector.broadcast %broadcast_in_dim3A_588 : f32 to vector<16xf32>
      %scan3A_590 = arith.constant 0 : i32
      %scan3A_591 = arith.constant 10 : i32
      %scan3A_592 = arith.addi %scan3A_590, %scan3A_591 : i32
      %scan3A_593 = arith.constant 1 : i32
      %scan3A_594:4 = scf.for %scan3A_1033 = %scan3A_590 to %scan3A_592 step %scan3A_593 iter_args(%scan3A_1034 = %broadcast_in_dim3A_583, %scan3A_1035 = %broadcast_in_dim3A_585, %scan3A_1036 = %broadcast_in_dim3A_587, %scan3A_1037 = %broadcast_in_dim3A_589) -> (vector<16xf32>, vector<16xf32>, vector<16xf32>, vector<16xf32>)  : i32 {
        %mul3A_1038 = arith.constant 5 : i32
        %mul3A_1039 = arith.muli %scan3A_1033, %mul3A_1038 : i32
        %add3A_1040 = arith.constant 0 : i32
        %add3A_1041 = arith.addi %add3A_1040, %mul3A_1039 : i32
        %add3A_1042 = arith.constant 0 : i32
        %add3A_1043 = arith.addi %add3A_1041, %add3A_1042 : i32
        %get3A = arith.constant 4 : i32
        %get3A_1044 = arith.index_cast %get3A : i32 to index
        %get3A_1045 = arith.index_cast %add3A_1043 : i32 to index
        %get3A_1046 = arith.constant 0 : index
        %get3A_1047 = tpu.vector_load %arg7[%get3A_1044, %get3A_1045, %get3A_1046] {strides = array<i32>} : memref<8x50x128xf32, #tpu.memory_space<vmem>>, vector<1x1x16xf32>,
        %get3A_1048 = vector.shape_cast %get3A_1047 : vector<1x1x16xf32> to vector<16xf32>
        %add3A_1049 = arith.addf %scan3A_1034, %get3A_1048 : vector<16xf32>
        %add3A_1050 = arith.constant 0 : i32
        %add3A_1051 = arith.addi %add3A_1041, %add3A_1050 : i32
        %get3A_1052 = arith.constant 4 : i32
        %get3A_1053 = arith.index_cast %get3A_1052 : i32 to index
        %get3A_1054 = arith.index_cast %add3A_1051 : i32 to index
        %get3A_1055 = arith.constant 16 : index
        %get3A_1056 = tpu.vector_load %arg7[%get3A_1053, %get3A_1054, %get3A_1055] {strides = array<i32>} : memref<8x50x128xf32, #tpu.memory_space<vmem>>, vector<1x1x16xf32>,
        %get3A_1057 = vector.shape_cast %get3A_1056 : vector<1x1x16xf32> to vector<16xf32>
        %add3A_1058 = arith.addf %scan3A_1035, %get3A_1057 : vector<16xf32>
        %add3A_1059 = arith.constant 0 : i32
        %add3A_1060 = arith.addi %add3A_1041, %add3A_1059 : i32
        %get3A_1061 = arith.constant 4 : i32
        %get3A_1062 = arith.index_cast %get3A_1061 : i32 to index
        %get3A_1063 = arith.index_cast %add3A_1060 : i32 to index
        %get3A_1064 = arith.constant 32 : index
        %get3A_1065 = tpu.vector_load %arg7[%get3A_1062, %get3A_1063, %get3A_1064] {strides = array<i32>} : memref<8x50x128xf32, #tpu.memory_space<vmem>>, vector<1x1x16xf32>,
        %get3A_1066 = vector.shape_cast %get3A_1065 : vector<1x1x16xf32> to vector<16xf32>
        %add3A_1067 = arith.addf %scan3A_1036, %get3A_1066 : vector<16xf32>
        %add3A_1068 = arith.constant 0 : i32
        %add3A_1069 = arith.addi %add3A_1041, %add3A_1068 : i32
        %get3A_1070 = arith.constant 4 : i32
        %get3A_1071 = arith.index_cast %get3A_1070 : i32 to index
        %get3A_1072 = arith.index_cast %add3A_1069 : i32 to index
        %get3A_1073 = arith.constant 48 : index
        %get3A_1074 = tpu.vector_load %arg7[%get3A_1071, %get3A_1072, %get3A_1073] {strides = array<i32>} : memref<8x50x128xf32, #tpu.memory_space<vmem>>, vector<1x1x16xf32>,
        %get3A_1075 = vector.shape_cast %get3A_1074 : vector<1x1x16xf32> to vector<16xf32>
        %add3A_1076 = arith.addf %scan3A_1037, %get3A_1075 : vector<16xf32>
        %add3A_1077 = arith.constant 1 : i32
        %add3A_1078 = arith.addi %add3A_1041, %add3A_1077 : i32
        %get3A_1079 = arith.constant 4 : i32
        %get3A_1080 = arith.index_cast %get3A_1079 : i32 to index
        %get3A_1081 = arith.index_cast %add3A_1078 : i32 to index
        %get3A_1082 = arith.constant 0 : index
        %get3A_1083 = tpu.vector_load %arg7[%get3A_1080, %get3A_1081, %get3A_1082] {strides = array<i32>} : memref<8x50x128xf32, #tpu.memory_space<vmem>>, vector<1x1x16xf32>,
        %get3A_1084 = vector.shape_cast %get3A_1083 : vector<1x1x16xf32> to vector<16xf32>
        %add3A_1085 = arith.addf %add3A_1049, %get3A_1084 : vector<16xf32>
        %add3A_1086 = arith.constant 1 : i32
        %add3A_1087 = arith.addi %add3A_1041, %add3A_1086 : i32
        %get3A_1088 = arith.constant 4 : i32
        %get3A_1089 = arith.index_cast %get3A_1088 : i32 to index
        %get3A_1090 = arith.index_cast %add3A_1087 : i32 to index
        %get3A_1091 = arith.constant 16 : index
        %get3A_1092 = tpu.vector_load %arg7[%get3A_1089, %get3A_1090, %get3A_1091] {strides = array<i32>} : memref<8x50x128xf32, #tpu.memory_space<vmem>>, vector<1x1x16xf32>,
        %get3A_1093 = vector.shape_cast %get3A_1092 : vector<1x1x16xf32> to vector<16xf32>
        %add3A_1094 = arith.addf %add3A_1058, %get3A_1093 : vector<16xf32>
        %add3A_1095 = arith.constant 1 : i32
        %add3A_1096 = arith.addi %add3A_1041, %add3A_1095 : i32
        %get3A_1097 = arith.constant 4 : i32
        %get3A_1098 = arith.index_cast %get3A_1097 : i32 to index
        %get3A_1099 = arith.index_cast %add3A_1096 : i32 to index
        %get3A_1100 = arith.constant 32 : index
        %get3A_1101 = tpu.vector_load %arg7[%get3A_1098, %get3A_1099, %get3A_1100] {strides = array<i32>} : memref<8x50x128xf32, #tpu.memory_space<vmem>>, vector<1x1x16xf32>,
        %get3A_1102 = vector.shape_cast %get3A_1101 : vector<1x1x16xf32> to vector<16xf32>
        %add3A_1103 = arith.addf %add3A_1067, %get3A_1102 : vector<16xf32>
        %add3A_1104 = arith.constant 1 : i32
        %add3A_1105 = arith.addi %add3A_1041, %add3A_1104 : i32
        %get3A_1106 = arith.constant 4 : i32
        %get3A_1107 = arith.index_cast %get3A_1106 : i32 to index
        %get3A_1108 = arith.index_cast %add3A_1105 : i32 to index
        %get3A_1109 = arith.constant 48 : index
        %get3A_1110 = tpu.vector_load %arg7[%get3A_1107, %get3A_1108, %get3A_1109] {strides = array<i32>} : memref<8x50x128xf32, #tpu.memory_space<vmem>>, vector<1x1x16xf32>,
        %get3A_1111 = vector.shape_cast %get3A_1110 : vector<1x1x16xf32> to vector<16xf32>
        %add3A_1112 = arith.addf %add3A_1076, %get3A_1111 : vector<16xf32>
        %add3A_1113 = arith.constant 2 : i32
        %add3A_1114 = arith.addi %add3A_1041, %add3A_1113 : i32
        %get3A_1115 = arith.constant 4 : i32
        %get3A_1116 = arith.index_cast %get3A_1115 : i32 to index
        %get3A_1117 = arith.index_cast %add3A_1114 : i32 to index
        %get3A_1118 = arith.constant 0 : index
        %get3A_1119 = tpu.vector_load %arg7[%get3A_1116, %get3A_1117, %get3A_1118] {strides = array<i32>} : memref<8x50x128xf32, #tpu.memory_space<vmem>>, vector<1x1x16xf32>,
        %get3A_1120 = vector.shape_cast %get3A_1119 : vector<1x1x16xf32> to vector<16xf32>
        %add3A_1121 = arith.addf %add3A_1085, %get3A_1120 : vector<16xf32>
        %add3A_1122 = arith.constant 2 : i32
        %add3A_1123 = arith.addi %add3A_1041, %add3A_1122 : i32
        %get3A_1124 = arith.constant 4 : i32
        %get3A_1125 = arith.index_cast %get3A_1124 : i32 to index
        %get3A_1126 = arith.index_cast %add3A_1123 : i32 to index
        %get3A_1127 = arith.constant 16 : index
        %get3A_1128 = tpu.vector_load %arg7[%get3A_1125, %get3A_1126, %get3A_1127] {strides = array<i32>} : memref<8x50x128xf32, #tpu.memory_space<vmem>>, vector<1x1x16xf32>,
        %get3A_1129 = vector.shape_cast %get3A_1128 : vector<1x1x16xf32> to vector<16xf32>
        %add3A_1130 = arith.addf %add3A_1094, %get3A_1129 : vector<16xf32>
        %add3A_1131 = arith.constant 2 : i32
        %add3A_1132 = arith.addi %add3A_1041, %add3A_1131 : i32
        %get3A_1133 = arith.constant 4 : i32
        %get3A_1134 = arith.index_cast %get3A_1133 : i32 to index
        %get3A_1135 = arith.index_cast %add3A_1132 : i32 to index
        %get3A_1136 = arith.constant 32 : index
        %get3A_1137 = tpu.vector_load %arg7[%get3A_1134, %get3A_1135, %get3A_1136] {strides = array<i32>} : memref<8x50x128xf32, #tpu.memory_space<vmem>>, vector<1x1x16xf32>,
        %get3A_1138 = vector.shape_cast %get3A_1137 : vector<1x1x16xf32> to vector<16xf32>
        %add3A_1139 = arith.addf %add3A_1103, %get3A_1138 : vector<16xf32>
        %add3A_1140 = arith.constant 2 : i32
        %add3A_1141 = arith.addi %add3A_1041, %add3A_1140 : i32
        %get3A_1142 = arith.constant 4 : i32
        %get3A_1143 = arith.index_cast %get3A_1142 : i32 to index
        %get3A_1144 = arith.index_cast %add3A_1141 : i32 to index
        %get3A_1145 = arith.constant 48 : index
        %get3A_1146 = tpu.vector_load %arg7[%get3A_1143, %get3A_1144, %get3A_1145] {strides = array<i32>} : memref<8x50x128xf32, #tpu.memory_space<vmem>>, vector<1x1x16xf32>,
        %get3A_1147 = vector.shape_cast %get3A_1146 : vector<1x1x16xf32> to vector<16xf32>
        %add3A_1148 = arith.addf %add3A_1112, %get3A_1147 : vector<16xf32>
        %add3A_1149 = arith.constant 3 : i32
        %add3A_1150 = arith.addi %add3A_1041, %add3A_1149 : i32
        %get3A_1151 = arith.constant 4 : i32
        %get3A_1152 = arith.index_cast %get3A_1151 : i32 to index
        %get3A_1153 = arith.index_cast %add3A_1150 : i32 to index
        %get3A_1154 = arith.constant 0 : index
        %get3A_1155 = tpu.vector_load %arg7[%get3A_1152, %get3A_1153, %get3A_1154] {strides = array<i32>} : memref<8x50x128xf32, #tpu.memory_space<vmem>>, vector<1x1x16xf32>,
        %get3A_1156 = vector.shape_cast %get3A_1155 : vector<1x1x16xf32> to vector<16xf32>
        %add3A_1157 = arith.addf %add3A_1121, %get3A_1156 : vector<16xf32>
        %add3A_1158 = arith.constant 3 : i32
        %add3A_1159 = arith.addi %add3A_1041, %add3A_1158 : i32
        %get3A_1160 = arith.constant 4 : i32
        %get3A_1161 = arith.index_cast %get3A_1160 : i32 to index
        %get3A_1162 = arith.index_cast %add3A_1159 : i32 to index
        %get3A_1163 = arith.constant 16 : index
        %get3A_1164 = tpu.vector_load %arg7[%get3A_1161, %get3A_1162, %get3A_1163] {strides = array<i32>} : memref<8x50x128xf32, #tpu.memory_space<vmem>>, vector<1x1x16xf32>,
        %get3A_1165 = vector.shape_cast %get3A_1164 : vector<1x1x16xf32> to vector<16xf32>
        %add3A_1166 = arith.addf %add3A_1130, %get3A_1165 : vector<16xf32>
        %add3A_1167 = arith.constant 3 : i32
        %add3A_1168 = arith.addi %add3A_1041, %add3A_1167 : i32
        %get3A_1169 = arith.constant 4 : i32
        %get3A_1170 = arith.index_cast %get3A_1169 : i32 to index
        %get3A_1171 = arith.index_cast %add3A_1168 : i32 to index
        %get3A_1172 = arith.constant 32 : index
        %get3A_1173 = tpu.vector_load %arg7[%get3A_1170, %get3A_1171, %get3A_1172] {strides = array<i32>} : memref<8x50x128xf32, #tpu.memory_space<vmem>>, vector<1x1x16xf32>,
        %get3A_1174 = vector.shape_cast %get3A_1173 : vector<1x1x16xf32> to vector<16xf32>
        %add3A_1175 = arith.addf %add3A_1139, %get3A_1174 : vector<16xf32>
        %add3A_1176 = arith.constant 3 : i32
        %add3A_1177 = arith.addi %add3A_1041, %add3A_1176 : i32
        %get3A_1178 = arith.constant 4 : i32
        %get3A_1179 = arith.index_cast %get3A_1178 : i32 to index
        %get3A_1180 = arith.index_cast %add3A_1177 : i32 to index
        %get3A_1181 = arith.constant 48 : index
        %get3A_1182 = tpu.vector_load %arg7[%get3A_1179, %get3A_1180, %get3A_1181] {strides = array<i32>} : memref<8x50x128xf32, #tpu.memory_space<vmem>>, vector<1x1x16xf32>,
        %get3A_1183 = vector.shape_cast %get3A_1182 : vector<1x1x16xf32> to vector<16xf32>
        %add3A_1184 = arith.addf %add3A_1148, %get3A_1183 : vector<16xf32>
        %add3A_1185 = arith.constant 4 : i32
        %add3A_1186 = arith.addi %add3A_1041, %add3A_1185 : i32
        %get3A_1187 = arith.constant 4 : i32
        %get3A_1188 = arith.index_cast %get3A_1187 : i32 to index
        %get3A_1189 = arith.index_cast %add3A_1186 : i32 to index
        %get3A_1190 = arith.constant 0 : index
        %get3A_1191 = tpu.vector_load %arg7[%get3A_1188, %get3A_1189, %get3A_1190] {strides = array<i32>} : memref<8x50x128xf32, #tpu.memory_space<vmem>>, vector<1x1x16xf32>,
        %get3A_1192 = vector.shape_cast %get3A_1191 : vector<1x1x16xf32> to vector<16xf32>
        %add3A_1193 = arith.addf %add3A_1157, %get3A_1192 : vector<16xf32>
        %add3A_1194 = arith.constant 4 : i32
        %add3A_1195 = arith.addi %add3A_1041, %add3A_1194 : i32
        %get3A_1196 = arith.constant 4 : i32
        %get3A_1197 = arith.index_cast %get3A_1196 : i32 to index
        %get3A_1198 = arith.index_cast %add3A_1195 : i32 to index
        %get3A_1199 = arith.constant 16 : index
        %get3A_1200 = tpu.vector_load %arg7[%get3A_1197, %get3A_1198, %get3A_1199] {strides = array<i32>} : memref<8x50x128xf32, #tpu.memory_space<vmem>>, vector<1x1x16xf32>,
        %get3A_1201 = vector.shape_cast %get3A_1200 : vector<1x1x16xf32> to vector<16xf32>
        %add3A_1202 = arith.addf %add3A_1166, %get3A_1201 : vector<16xf32>
        %add3A_1203 = arith.constant 4 : i32
        %add3A_1204 = arith.addi %add3A_1041, %add3A_1203 : i32
        %get3A_1205 = arith.constant 4 : i32
        %get3A_1206 = arith.index_cast %get3A_1205 : i32 to index
        %get3A_1207 = arith.index_cast %add3A_1204 : i32 to index
        %get3A_1208 = arith.constant 32 : index
        %get3A_1209 = tpu.vector_load %arg7[%get3A_1206, %get3A_1207, %get3A_1208] {strides = array<i32>} : memref<8x50x128xf32, #tpu.memory_space<vmem>>, vector<1x1x16xf32>,
        %get3A_1210 = vector.shape_cast %get3A_1209 : vector<1x1x16xf32> to vector<16xf32>
        %add3A_1211 = arith.addf %add3A_1175, %get3A_1210 : vector<16xf32>
        %add3A_1212 = arith.constant 4 : i32
        %add3A_1213 = arith.addi %add3A_1041, %add3A_1212 : i32
        %get3A_1214 = arith.constant 4 : i32
        %get3A_1215 = arith.index_cast %get3A_1214 : i32 to index
        %get3A_1216 = arith.index_cast %add3A_1213 : i32 to index
        %get3A_1217 = arith.constant 48 : index
        %get3A_1218 = tpu.vector_load %arg7[%get3A_1215, %get3A_1216, %get3A_1217] {strides = array<i32>} : memref<8x50x128xf32, #tpu.memory_space<vmem>>, vector<1x1x16xf32>,
        %get3A_1219 = vector.shape_cast %get3A_1218 : vector<1x1x16xf32> to vector<16xf32>
        %add3A_1220 = arith.addf %add3A_1184, %get3A_1219 : vector<16xf32>
        scf.yield %add3A_1193, %add3A_1202, %add3A_1211, %add3A_1220 : vector<16xf32>, vector<16xf32>, vector<16xf32>, vector<16xf32>
      }
      %scan3A_595 = arith.constant 10 : i32
      %mul3A_596 = arith.constant 2.000000e-02 : f32
      %mul3A_597 = vector.broadcast %mul3A_596 : f32 to vector<16xf32>
      %mul3A_598 = arith.mulf %scan3A_594#0, %mul3A_597 : vector<16xf32>
      %swap3A_599 = arith.index_cast %rem3A_581 : i32 to index
      %swap3A_600 = arith.constant 0 : index
      %swap3A_601 = tpu.vector_load %arg8[%swap3A_599, %swap3A_600] {strides = array<i32>} : memref<32x128xf32, #tpu.memory_space<vmem>>, vector<1x16xf32>,
      %swap3A_602 = vector.shape_cast %swap3A_601 : vector<1x16xf32> to vector<16xf32>
      %swap3A_603 = vector.shape_cast %mul3A_598 : vector<16xf32> to vector<1x16xf32>
      tpu.vector_store %arg8[%swap3A_599, %swap3A_600], %swap3A_603 {strides = array<i32>} : memref<32x128xf32, #tpu.memory_space<vmem>>, vector<1x16xf32>,
      %mul3A_604 = arith.constant 2.000000e-02 : f32
      %mul3A_605 = vector.broadcast %mul3A_604 : f32 to vector<16xf32>
      %mul3A_606 = arith.mulf %scan3A_594#1, %mul3A_605 : vector<16xf32>
      %swap3A_607 = arith.index_cast %rem3A_581 : i32 to index
      %swap3A_608 = arith.constant 16 : index
      %swap3A_609 = tpu.vector_load %arg8[%swap3A_607, %swap3A_608] {strides = array<i32>} : memref<32x128xf32, #tpu.memory_space<vmem>>, vector<1x16xf32>,
      %swap3A_610 = vector.shape_cast %swap3A_609 : vector<1x16xf32> to vector<16xf32>
      %swap3A_611 = vector.shape_cast %mul3A_606 : vector<16xf32> to vector<1x16xf32>
      tpu.vector_store %arg8[%swap3A_607, %swap3A_608], %swap3A_611 {strides = array<i32>} : memref<32x128xf32, #tpu.memory_space<vmem>>, vector<1x16xf32>,
      %mul3A_612 = arith.constant 2.000000e-02 : f32
      %mul3A_613 = vector.broadcast %mul3A_612 : f32 to vector<16xf32>
      %mul3A_614 = arith.mulf %scan3A_594#2, %mul3A_613 : vector<16xf32>
      %swap3A_615 = arith.index_cast %rem3A_581 : i32 to index
      %swap3A_616 = arith.constant 32 : index
      %swap3A_617 = tpu.vector_load %arg8[%swap3A_615, %swap3A_616] {strides = array<i32>} : memref<32x128xf32, #tpu.memory_space<vmem>>, vector<1x16xf32>,
      %swap3A_618 = vector.shape_cast %swap3A_617 : vector<1x16xf32> to vector<16xf32>
      %swap3A_619 = vector.shape_cast %mul3A_614 : vector<16xf32> to vector<1x16xf32>
      tpu.vector_store %arg8[%swap3A_615, %swap3A_616], %swap3A_619 {strides = array<i32>} : memref<32x128xf32, #tpu.memory_space<vmem>>, vector<1x16xf32>,
      %mul3A_620 = arith.constant 2.000000e-02 : f32
      %mul3A_621 = vector.broadcast %mul3A_620 : f32 to vector<16xf32>
      %mul3A_622 = arith.mulf %scan3A_594#3, %mul3A_621 : vector<16xf32>
      %swap3A_623 = arith.index_cast %rem3A_581 : i32 to index
      %swap3A_624 = arith.constant 48 : index
      %swap3A_625 = tpu.vector_load %arg8[%swap3A_623, %swap3A_624] {strides = array<i32>} : memref<32x128xf32, #tpu.memory_space<vmem>>, vector<1x16xf32>,
      %swap3A_626 = vector.shape_cast %swap3A_625 : vector<1x16xf32> to vector<16xf32>
      %swap3A_627 = vector.shape_cast %mul3A_622 : vector<16xf32> to vector<1x16xf32>
      tpu.vector_store %arg8[%swap3A_623, %swap3A_624], %swap3A_627 {strides = array<i32>} : memref<32x128xf32, #tpu.memory_space<vmem>>, vector<1x16xf32>,
      %broadcast_in_dim3A_628 = arith.constant 0.000000e+00 : f32
      %broadcast_in_dim3A_629 = vector.broadcast %broadcast_in_dim3A_628 : f32 to vector<16xf32>
      %broadcast_in_dim3A_630 = arith.constant 0.000000e+00 : f32
      %broadcast_in_dim3A_631 = vector.broadcast %broadcast_in_dim3A_630 : f32 to vector<16xf32>
      %broadcast_in_dim3A_632 = arith.constant 0.000000e+00 : f32
      %broadcast_in_dim3A_633 = vector.broadcast %broadcast_in_dim3A_632 : f32 to vector<16xf32>
      %broadcast_in_dim3A_634 = arith.constant 0.000000e+00 : f32
      %broadcast_in_dim3A_635 = vector.broadcast %broadcast_in_dim3A_634 : f32 to vector<16xf32>
      %scan3A_636 = arith.constant 0 : i32
      %scan3A_637 = arith.constant 10 : i32
      %scan3A_638 = arith.addi %scan3A_636, %scan3A_637 : i32
      %scan3A_639 = arith.constant 1 : i32
      %scan3A_640:4 = scf.for %scan3A_1033 = %scan3A_636 to %scan3A_638 step %scan3A_639 iter_args(%scan3A_1034 = %broadcast_in_dim3A_629, %scan3A_1035 = %broadcast_in_dim3A_631, %scan3A_1036 = %broadcast_in_dim3A_633, %scan3A_1037 = %broadcast_in_dim3A_635) -> (vector<16xf32>, vector<16xf32>, vector<16xf32>, vector<16xf32>)  : i32 {
        %mul3A_1038 = arith.constant 5 : i32
        %mul3A_1039 = arith.muli %scan3A_1033, %mul3A_1038 : i32
        %add3A_1040 = arith.constant 0 : i32
        %add3A_1041 = arith.addi %add3A_1040, %mul3A_1039 : i32
        %add3A_1042 = arith.constant 0 : i32
        %add3A_1043 = arith.addi %add3A_1041, %add3A_1042 : i32
        %get3A = arith.constant 4 : i32
        %get3A_1044 = arith.index_cast %get3A : i32 to index
        %get3A_1045 = arith.index_cast %add3A_1043 : i32 to index
        %get3A_1046 = arith.constant 64 : index
        %get3A_1047 = tpu.vector_load %arg7[%get3A_1044, %get3A_1045, %get3A_1046] {strides = array<i32>} : memref<8x50x128xf32, #tpu.memory_space<vmem>>, vector<1x1x16xf32>,
        %get3A_1048 = vector.shape_cast %get3A_1047 : vector<1x1x16xf32> to vector<16xf32>
        %add3A_1049 = arith.addf %scan3A_1034, %get3A_1048 : vector<16xf32>
        %add3A_1050 = arith.constant 0 : i32
        %add3A_1051 = arith.addi %add3A_1041, %add3A_1050 : i32
        %get3A_1052 = arith.constant 4 : i32
        %get3A_1053 = arith.index_cast %get3A_1052 : i32 to index
        %get3A_1054 = arith.index_cast %add3A_1051 : i32 to index
        %get3A_1055 = arith.constant 80 : index
        %get3A_1056 = tpu.vector_load %arg7[%get3A_1053, %get3A_1054, %get3A_1055] {strides = array<i32>} : memref<8x50x128xf32, #tpu.memory_space<vmem>>, vector<1x1x16xf32>,
        %get3A_1057 = vector.shape_cast %get3A_1056 : vector<1x1x16xf32> to vector<16xf32>
        %add3A_1058 = arith.addf %scan3A_1035, %get3A_1057 : vector<16xf32>
        %add3A_1059 = arith.constant 0 : i32
        %add3A_1060 = arith.addi %add3A_1041, %add3A_1059 : i32
        %get3A_1061 = arith.constant 4 : i32
        %get3A_1062 = arith.index_cast %get3A_1061 : i32 to index
        %get3A_1063 = arith.index_cast %add3A_1060 : i32 to index
        %get3A_1064 = arith.constant 96 : index
        %get3A_1065 = tpu.vector_load %arg7[%get3A_1062, %get3A_1063, %get3A_1064] {strides = array<i32>} : memref<8x50x128xf32, #tpu.memory_space<vmem>>, vector<1x1x16xf32>,
        %get3A_1066 = vector.shape_cast %get3A_1065 : vector<1x1x16xf32> to vector<16xf32>
        %add3A_1067 = arith.addf %scan3A_1036, %get3A_1066 : vector<16xf32>
        %add3A_1068 = arith.constant 0 : i32
        %add3A_1069 = arith.addi %add3A_1041, %add3A_1068 : i32
        %get3A_1070 = arith.constant 4 : i32
        %get3A_1071 = arith.index_cast %get3A_1070 : i32 to index
        %get3A_1072 = arith.index_cast %add3A_1069 : i32 to index
        %get3A_1073 = arith.constant 112 : index
        %get3A_1074 = tpu.vector_load %arg7[%get3A_1071, %get3A_1072, %get3A_1073] {strides = array<i32>} : memref<8x50x128xf32, #tpu.memory_space<vmem>>, vector<1x1x16xf32>,
        %get3A_1075 = vector.shape_cast %get3A_1074 : vector<1x1x16xf32> to vector<16xf32>
        %add3A_1076 = arith.addf %scan3A_1037, %get3A_1075 : vector<16xf32>
        %add3A_1077 = arith.constant 1 : i32
        %add3A_1078 = arith.addi %add3A_1041, %add3A_1077 : i32
        %get3A_1079 = arith.constant 4 : i32
        %get3A_1080 = arith.index_cast %get3A_1079 : i32 to index
        %get3A_1081 = arith.index_cast %add3A_1078 : i32 to index
        %get3A_1082 = arith.constant 64 : index
        %get3A_1083 = tpu.vector_load %arg7[%get3A_1080, %get3A_1081, %get3A_1082] {strides = array<i32>} : memref<8x50x128xf32, #tpu.memory_space<vmem>>, vector<1x1x16xf32>,
        %get3A_1084 = vector.shape_cast %get3A_1083 : vector<1x1x16xf32> to vector<16xf32>
        %add3A_1085 = arith.addf %add3A_1049, %get3A_1084 : vector<16xf32>
        %add3A_1086 = arith.constant 1 : i32
        %add3A_1087 = arith.addi %add3A_1041, %add3A_1086 : i32
        %get3A_1088 = arith.constant 4 : i32
        %get3A_1089 = arith.index_cast %get3A_1088 : i32 to index
        %get3A_1090 = arith.index_cast %add3A_1087 : i32 to index
        %get3A_1091 = arith.constant 80 : index
        %get3A_1092 = tpu.vector_load %arg7[%get3A_1089, %get3A_1090, %get3A_1091] {strides = array<i32>} : memref<8x50x128xf32, #tpu.memory_space<vmem>>, vector<1x1x16xf32>,
        %get3A_1093 = vector.shape_cast %get3A_1092 : vector<1x1x16xf32> to vector<16xf32>
        %add3A_1094 = arith.addf %add3A_1058, %get3A_1093 : vector<16xf32>
        %add3A_1095 = arith.constant 1 : i32
        %add3A_1096 = arith.addi %add3A_1041, %add3A_1095 : i32
        %get3A_1097 = arith.constant 4 : i32
        %get3A_1098 = arith.index_cast %get3A_1097 : i32 to index
        %get3A_1099 = arith.index_cast %add3A_1096 : i32 to index
        %get3A_1100 = arith.constant 96 : index
        %get3A_1101 = tpu.vector_load %arg7[%get3A_1098, %get3A_1099, %get3A_1100] {strides = array<i32>} : memref<8x50x128xf32, #tpu.memory_space<vmem>>, vector<1x1x16xf32>,
        %get3A_1102 = vector.shape_cast %get3A_1101 : vector<1x1x16xf32> to vector<16xf32>
        %add3A_1103 = arith.addf %add3A_1067, %get3A_1102 : vector<16xf32>
        %add3A_1104 = arith.constant 1 : i32
        %add3A_1105 = arith.addi %add3A_1041, %add3A_1104 : i32
        %get3A_1106 = arith.constant 4 : i32
        %get3A_1107 = arith.index_cast %get3A_1106 : i32 to index
        %get3A_1108 = arith.index_cast %add3A_1105 : i32 to index
        %get3A_1109 = arith.constant 112 : index
        %get3A_1110 = tpu.vector_load %arg7[%get3A_1107, %get3A_1108, %get3A_1109] {strides = array<i32>} : memref<8x50x128xf32, #tpu.memory_space<vmem>>, vector<1x1x16xf32>,
        %get3A_1111 = vector.shape_cast %get3A_1110 : vector<1x1x16xf32> to vector<16xf32>
        %add3A_1112 = arith.addf %add3A_1076, %get3A_1111 : vector<16xf32>
        %add3A_1113 = arith.constant 2 : i32
        %add3A_1114 = arith.addi %add3A_1041, %add3A_1113 : i32
        %get3A_1115 = arith.constant 4 : i32
        %get3A_1116 = arith.index_cast %get3A_1115 : i32 to index
        %get3A_1117 = arith.index_cast %add3A_1114 : i32 to index
        %get3A_1118 = arith.constant 64 : index
        %get3A_1119 = tpu.vector_load %arg7[%get3A_1116, %get3A_1117, %get3A_1118] {strides = array<i32>} : memref<8x50x128xf32, #tpu.memory_space<vmem>>, vector<1x1x16xf32>,
        %get3A_1120 = vector.shape_cast %get3A_1119 : vector<1x1x16xf32> to vector<16xf32>
        %add3A_1121 = arith.addf %add3A_1085, %get3A_1120 : vector<16xf32>
        %add3A_1122 = arith.constant 2 : i32
        %add3A_1123 = arith.addi %add3A_1041, %add3A_1122 : i32
        %get3A_1124 = arith.constant 4 : i32
        %get3A_1125 = arith.index_cast %get3A_1124 : i32 to index
        %get3A_1126 = arith.index_cast %add3A_1123 : i32 to index
        %get3A_1127 = arith.constant 80 : index
        %get3A_1128 = tpu.vector_load %arg7[%get3A_1125, %get3A_1126, %get3A_1127] {strides = array<i32>} : memref<8x50x128xf32, #tpu.memory_space<vmem>>, vector<1x1x16xf32>,
        %get3A_1129 = vector.shape_cast %get3A_1128 : vector<1x1x16xf32> to vector<16xf32>
        %add3A_1130 = arith.addf %add3A_1094, %get3A_1129 : vector<16xf32>
        %add3A_1131 = arith.constant 2 : i32
        %add3A_1132 = arith.addi %add3A_1041, %add3A_1131 : i32
        %get3A_1133 = arith.constant 4 : i32
        %get3A_1134 = arith.index_cast %get3A_1133 : i32 to index
        %get3A_1135 = arith.index_cast %add3A_1132 : i32 to index
        %get3A_1136 = arith.constant 96 : index
        %get3A_1137 = tpu.vector_load %arg7[%get3A_1134, %get3A_1135, %get3A_1136] {strides = array<i32>} : memref<8x50x128xf32, #tpu.memory_space<vmem>>, vector<1x1x16xf32>,
        %get3A_1138 = vector.shape_cast %get3A_1137 : vector<1x1x16xf32> to vector<16xf32>
        %add3A_1139 = arith.addf %add3A_1103, %get3A_1138 : vector<16xf32>
        %add3A_1140 = arith.constant 2 : i32
        %add3A_1141 = arith.addi %add3A_1041, %add3A_1140 : i32
        %get3A_1142 = arith.constant 4 : i32
        %get3A_1143 = arith.index_cast %get3A_1142 : i32 to index
        %get3A_1144 = arith.index_cast %add3A_1141 : i32 to index
        %get3A_1145 = arith.constant 112 : index
        %get3A_1146 = tpu.vector_load %arg7[%get3A_1143, %get3A_1144, %get3A_1145] {strides = array<i32>} : memref<8x50x128xf32, #tpu.memory_space<vmem>>, vector<1x1x16xf32>,
        %get3A_1147 = vector.shape_cast %get3A_1146 : vector<1x1x16xf32> to vector<16xf32>
        %add3A_1148 = arith.addf %add3A_1112, %get3A_1147 : vector<16xf32>
        %add3A_1149 = arith.constant 3 : i32
        %add3A_1150 = arith.addi %add3A_1041, %add3A_1149 : i32
        %get3A_1151 = arith.constant 4 : i32
        %get3A_1152 = arith.index_cast %get3A_1151 : i32 to index
        %get3A_1153 = arith.index_cast %add3A_1150 : i32 to index
        %get3A_1154 = arith.constant 64 : index
        %get3A_1155 = tpu.vector_load %arg7[%get3A_1152, %get3A_1153, %get3A_1154] {strides = array<i32>} : memref<8x50x128xf32, #tpu.memory_space<vmem>>, vector<1x1x16xf32>,
        %get3A_1156 = vector.shape_cast %get3A_1155 : vector<1x1x16xf32> to vector<16xf32>
        %add3A_1157 = arith.addf %add3A_1121, %get3A_1156 : vector<16xf32>
        %add3A_1158 = arith.constant 3 : i32
        %add3A_1159 = arith.addi %add3A_1041, %add3A_1158 : i32
        %get3A_1160 = arith.constant 4 : i32
        %get3A_1161 = arith.index_cast %get3A_1160 : i32 to index
        %get3A_1162 = arith.index_cast %add3A_1159 : i32 to index
        %get3A_1163 = arith.constant 80 : index
        %get3A_1164 = tpu.vector_load %arg7[%get3A_1161, %get3A_1162, %get3A_1163] {strides = array<i32>} : memref<8x50x128xf32, #tpu.memory_space<vmem>>, vector<1x1x16xf32>,
        %get3A_1165 = vector.shape_cast %get3A_1164 : vector<1x1x16xf32> to vector<16xf32>
        %add3A_1166 = arith.addf %add3A_1130, %get3A_1165 : vector<16xf32>
        %add3A_1167 = arith.constant 3 : i32
        %add3A_1168 = arith.addi %add3A_1041, %add3A_1167 : i32
        %get3A_1169 = arith.constant 4 : i32
        %get3A_1170 = arith.index_cast %get3A_1169 : i32 to index
        %get3A_1171 = arith.index_cast %add3A_1168 : i32 to index
        %get3A_1172 = arith.constant 96 : index
        %get3A_1173 = tpu.vector_load %arg7[%get3A_1170, %get3A_1171, %get3A_1172] {strides = array<i32>} : memref<8x50x128xf32, #tpu.memory_space<vmem>>, vector<1x1x16xf32>,
        %get3A_1174 = vector.shape_cast %get3A_1173 : vector<1x1x16xf32> to vector<16xf32>
        %add3A_1175 = arith.addf %add3A_1139, %get3A_1174 : vector<16xf32>
        %add3A_1176 = arith.constant 3 : i32
        %add3A_1177 = arith.addi %add3A_1041, %add3A_1176 : i32
        %get3A_1178 = arith.constant 4 : i32
        %get3A_1179 = arith.index_cast %get3A_1178 : i32 to index
        %get3A_1180 = arith.index_cast %add3A_1177 : i32 to index
        %get3A_1181 = arith.constant 112 : index
        %get3A_1182 = tpu.vector_load %arg7[%get3A_1179, %get3A_1180, %get3A_1181] {strides = array<i32>} : memref<8x50x128xf32, #tpu.memory_space<vmem>>, vector<1x1x16xf32>,
        %get3A_1183 = vector.shape_cast %get3A_1182 : vector<1x1x16xf32> to vector<16xf32>
        %add3A_1184 = arith.addf %add3A_1148, %get3A_1183 : vector<16xf32>
        %add3A_1185 = arith.constant 4 : i32
        %add3A_1186 = arith.addi %add3A_1041, %add3A_1185 : i32
        %get3A_1187 = arith.constant 4 : i32
        %get3A_1188 = arith.index_cast %get3A_1187 : i32 to index
        %get3A_1189 = arith.index_cast %add3A_1186 : i32 to index
        %get3A_1190 = arith.constant 64 : index
        %get3A_1191 = tpu.vector_load %arg7[%get3A_1188, %get3A_1189, %get3A_1190] {strides = array<i32>} : memref<8x50x128xf32, #tpu.memory_space<vmem>>, vector<1x1x16xf32>,
        %get3A_1192 = vector.shape_cast %get3A_1191 : vector<1x1x16xf32> to vector<16xf32>
        %add3A_1193 = arith.addf %add3A_1157, %get3A_1192 : vector<16xf32>
        %add3A_1194 = arith.constant 4 : i32
        %add3A_1195 = arith.addi %add3A_1041, %add3A_1194 : i32
        %get3A_1196 = arith.constant 4 : i32
        %get3A_1197 = arith.index_cast %get3A_1196 : i32 to index
        %get3A_1198 = arith.index_cast %add3A_1195 : i32 to index
        %get3A_1199 = arith.constant 80 : index
        %get3A_1200 = tpu.vector_load %arg7[%get3A_1197, %get3A_1198, %get3A_1199] {strides = array<i32>} : memref<8x50x128xf32, #tpu.memory_space<vmem>>, vector<1x1x16xf32>,
        %get3A_1201 = vector.shape_cast %get3A_1200 : vector<1x1x16xf32> to vector<16xf32>
        %add3A_1202 = arith.addf %add3A_1166, %get3A_1201 : vector<16xf32>
        %add3A_1203 = arith.constant 4 : i32
        %add3A_1204 = arith.addi %add3A_1041, %add3A_1203 : i32
        %get3A_1205 = arith.constant 4 : i32
        %get3A_1206 = arith.index_cast %get3A_1205 : i32 to index
        %get3A_1207 = arith.index_cast %add3A_1204 : i32 to index
        %get3A_1208 = arith.constant 96 : index
        %get3A_1209 = tpu.vector_load %arg7[%get3A_1206, %get3A_1207, %get3A_1208] {strides = array<i32>} : memref<8x50x128xf32, #tpu.memory_space<vmem>>, vector<1x1x16xf32>,
        %get3A_1210 = vector.shape_cast %get3A_1209 : vector<1x1x16xf32> to vector<16xf32>
        %add3A_1211 = arith.addf %add3A_1175, %get3A_1210 : vector<16xf32>
        %add3A_1212 = arith.constant 4 : i32
        %add3A_1213 = arith.addi %add3A_1041, %add3A_1212 : i32
        %get3A_1214 = arith.constant 4 : i32
        %get3A_1215 = arith.index_cast %get3A_1214 : i32 to index
        %get3A_1216 = arith.index_cast %add3A_1213 : i32 to index
        %get3A_1217 = arith.constant 112 : index
        %get3A_1218 = tpu.vector_load %arg7[%get3A_1215, %get3A_1216, %get3A_1217] {strides = array<i32>} : memref<8x50x128xf32, #tpu.memory_space<vmem>>, vector<1x1x16xf32>,
        %get3A_1219 = vector.shape_cast %get3A_1218 : vector<1x1x16xf32> to vector<16xf32>
        %add3A_1220 = arith.addf %add3A_1184, %get3A_1219 : vector<16xf32>
        scf.yield %add3A_1193, %add3A_1202, %add3A_1211, %add3A_1220 : vector<16xf32>, vector<16xf32>, vector<16xf32>, vector<16xf32>
      }
      %scan3A_641 = arith.constant 10 : i32
      %mul3A_642 = arith.constant 2.000000e-02 : f32
      %mul3A_643 = vector.broadcast %mul3A_642 : f32 to vector<16xf32>
      %mul3A_644 = arith.mulf %scan3A_640#0, %mul3A_643 : vector<16xf32>
      %swap3A_645 = arith.index_cast %rem3A_581 : i32 to index
      %swap3A_646 = arith.constant 64 : index
      %swap3A_647 = tpu.vector_load %arg8[%swap3A_645, %swap3A_646] {strides = array<i32>} : memref<32x128xf32, #tpu.memory_space<vmem>>, vector<1x16xf32>,
      %swap3A_648 = vector.shape_cast %swap3A_647 : vector<1x16xf32> to vector<16xf32>
      %swap3A_649 = vector.shape_cast %mul3A_644 : vector<16xf32> to vector<1x16xf32>
      tpu.vector_store %arg8[%swap3A_645, %swap3A_646], %swap3A_649 {strides = array<i32>} : memref<32x128xf32, #tpu.memory_space<vmem>>, vector<1x16xf32>,
      %mul3A_650 = arith.constant 2.000000e-02 : f32
      %mul3A_651 = vector.broadcast %mul3A_650 : f32 to vector<16xf32>
      %mul3A_652 = arith.mulf %scan3A_640#1, %mul3A_651 : vector<16xf32>
      %swap3A_653 = arith.index_cast %rem3A_581 : i32 to index
      %swap3A_654 = arith.constant 80 : index
      %swap3A_655 = tpu.vector_load %arg8[%swap3A_653, %swap3A_654] {strides = array<i32>} : memref<32x128xf32, #tpu.memory_space<vmem>>, vector<1x16xf32>,
      %swap3A_656 = vector.shape_cast %swap3A_655 : vector<1x16xf32> to vector<16xf32>
      %swap3A_657 = vector.shape_cast %mul3A_652 : vector<16xf32> to vector<1x16xf32>
      tpu.vector_store %arg8[%swap3A_653, %swap3A_654], %swap3A_657 {strides = array<i32>} : memref<32x128xf32, #tpu.memory_space<vmem>>, vector<1x16xf32>,
      %mul3A_658 = arith.constant 2.000000e-02 : f32
      %mul3A_659 = vector.broadcast %mul3A_658 : f32 to vector<16xf32>
      %mul3A_660 = arith.mulf %scan3A_640#2, %mul3A_659 : vector<16xf32>
      %swap3A_661 = arith.index_cast %rem3A_581 : i32 to index
      %swap3A_662 = arith.constant 96 : index
      %swap3A_663 = tpu.vector_load %arg8[%swap3A_661, %swap3A_662] {strides = array<i32>} : memref<32x128xf32, #tpu.memory_space<vmem>>, vector<1x16xf32>,
      %swap3A_664 = vector.shape_cast %swap3A_663 : vector<1x16xf32> to vector<16xf32>
      %swap3A_665 = vector.shape_cast %mul3A_660 : vector<16xf32> to vector<1x16xf32>
      tpu.vector_store %arg8[%swap3A_661, %swap3A_662], %swap3A_665 {strides = array<i32>} : memref<32x128xf32, #tpu.memory_space<vmem>>, vector<1x16xf32>,
      %mul3A_666 = arith.constant 2.000000e-02 : f32
      %mul3A_667 = vector.broadcast %mul3A_666 : f32 to vector<16xf32>
      %mul3A_668 = arith.mulf %scan3A_640#3, %mul3A_667 : vector<16xf32>
      %swap3A_669 = arith.index_cast %rem3A_581 : i32 to index
      %swap3A_670 = arith.constant 112 : index
      %swap3A_671 = tpu.vector_load %arg8[%swap3A_669, %swap3A_670] {strides = array<i32>} : memref<32x128xf32, #tpu.memory_space<vmem>>, vector<1x16xf32>,
      %swap3A_672 = vector.shape_cast %swap3A_671 : vector<1x16xf32> to vector<16xf32>
      %swap3A_673 = vector.shape_cast %mul3A_668 : vector<16xf32> to vector<1x16xf32>
      tpu.vector_store %arg8[%swap3A_669, %swap3A_670], %swap3A_673 {strides = array<i32>} : memref<32x128xf32, #tpu.memory_space<vmem>>, vector<1x16xf32>,
      %lt3A_674 = arith.constant 63 : i32
      %lt3A_675 = arith.cmpi slt, %scan3A_105, %lt3A_674 : i32
      %convert_element_type3A_676 = arith.extui %lt3A_675 : i1 to i32
      %cond3A_677 = arith.constant 0 : i32
      %cond3A_678 = arith.cmpi ne, %convert_element_type3A_676, %cond3A_677 : i32
      scf.if %cond3A_678 {
        %add3A_1033 = arith.constant 8 : i32
        %add3A_1034 = arith.addi %add3A_566, %add3A_1033 : i32
        %dma_start3A_1035 = arith.constant 4 : i32
        %dma_start3A_1036 = arith.constant 0 : i32
        %dma_start3A_1037 = arith.constant 0 : i32
        %dma_start3A_1038 = tpu.memref_slice %arg7[%dma_start3A_1035, %dma_start3A_1036, %dma_start3A_1037] : memref<8x50x128xf32, #tpu.memory_space<vmem>> -> memref<1x50x128xf32, #tpu.memory_space<vmem>>
        %dma_start3A_1039 = tpu.memref_squeeze %dma_start3A_1038 : memref<1x50x128xf32, #tpu.memory_space<vmem>> -> memref<50x128xf32, #tpu.memory_space<vmem>>
        %dma_start3A_1040 = arith.constant 0 : i32
        %dma_start3A_1041 = tpu.memref_slice %arg6[%add3A_1034, %dma_start3A_1040] : memref<512x50xi32, #tpu.memory_space<vmem>> -> memref<1x50xi32, #tpu.memory_space<vmem>>
        %dma_start3A_1042 = tpu.memref_squeeze %dma_start3A_1041 : memref<1x50xi32, #tpu.memory_space<vmem>> -> memref<50xi32, #tpu.memory_space<vmem>>
        %dma_start3A_1043 = arith.constant 0 : i32
        %dma_start3A_1044 = arith.constant 0 : i32
        %dma_start3A_1045 = tpu.memref_slice %arg3[%dma_start3A_1043, %dma_start3A_1044] : memref<1000000x128xf32, #tpu.memory_space<hbm>> -> memref<1000000x128xf32, #tpu.memory_space<hbm>>
        tpu.enqueue_indirect_dma source(%dma_start3A_1045 : memref<1000000x128xf32, #tpu.memory_space<hbm>>) target(%dma_start3A_1039 : memref<50x128xf32, #tpu.memory_space<vmem>>) offsets(%dma_start3A_1042 : memref<50xi32, #tpu.memory_space<vmem>>) semaphore(%arg13 : memref<!tpu.dma_semaphore, #tpu.memory_space<semaphore_mem>>)
      } else {
      }
      %mul3A_679 = arith.constant 8 : i32
      %mul3A_680 = arith.muli %scan3A_105, %mul3A_679 : i32
      %add3A_681 = arith.constant 5 : i32
      %add3A_682 = arith.addi %mul3A_680, %add3A_681 : i32
      %dma_wait3A_683 = arith.constant 5 : i32
      %dma_wait3A_684 = arith.constant 0 : i32
      %dma_wait3A_685 = arith.constant 0 : i32
      %dma_wait3A_686 = tpu.memref_slice %arg7[%dma_wait3A_683, %dma_wait3A_684, %dma_wait3A_685] : memref<8x50x128xf32, #tpu.memory_space<vmem>> -> memref<1x50x128xf32, #tpu.memory_space<vmem>>
      %dma_wait3A_687 = tpu.memref_squeeze %dma_wait3A_686 : memref<1x50x128xf32, #tpu.memory_space<vmem>> -> memref<50x128xf32, #tpu.memory_space<vmem>>
      %dma_wait3A_688 = arith.constant 0 : i32
      %dma_wait3A_689 = arith.constant 0 : i32
      %dma_wait3A_690 = tpu.memref_slice %arg7[%dma_wait3A_683, %dma_wait3A_688, %dma_wait3A_689] : memref<8x50x128xf32, #tpu.memory_space<vmem>> -> memref<1x50x128xf32, #tpu.memory_space<vmem>>
      %dma_wait3A_691 = tpu.memref_squeeze %dma_wait3A_690 : memref<1x50x128xf32, #tpu.memory_space<vmem>> -> memref<50x128xf32, #tpu.memory_space<vmem>>
      tpu.wait_dma2 semaphore(%arg14 : memref<!tpu.dma_semaphore, #tpu.memory_space<semaphore_mem>>) src(%arg4 : memref<50x128xf32, #tpu.memory_space<hbm>>) dst(%dma_wait3A_691 : memref<50x128xf32, #tpu.memory_space<vmem>>)
      %mul3A_692 = arith.constant 1 : i32
      %mul3A_693 = arith.muli %add3A_682, %mul3A_692 : i32
      %add3A_694 = arith.constant 0 : i32
      %add3A_695 = arith.addi %mul3A_693, %add3A_694 : i32
      %rem3A_696 = arith.constant 32 : i32
      %rem3A_697 = arith.remsi %add3A_695, %rem3A_696 : i32
      %broadcast_in_dim3A_698 = arith.constant 0.000000e+00 : f32
      %broadcast_in_dim3A_699 = vector.broadcast %broadcast_in_dim3A_698 : f32 to vector<16xf32>
      %broadcast_in_dim3A_700 = arith.constant 0.000000e+00 : f32
      %broadcast_in_dim3A_701 = vector.broadcast %broadcast_in_dim3A_700 : f32 to vector<16xf32>
      %broadcast_in_dim3A_702 = arith.constant 0.000000e+00 : f32
      %broadcast_in_dim3A_703 = vector.broadcast %broadcast_in_dim3A_702 : f32 to vector<16xf32>
      %broadcast_in_dim3A_704 = arith.constant 0.000000e+00 : f32
      %broadcast_in_dim3A_705 = vector.broadcast %broadcast_in_dim3A_704 : f32 to vector<16xf32>
      %scan3A_706 = arith.constant 0 : i32
      %scan3A_707 = arith.constant 10 : i32
      %scan3A_708 = arith.addi %scan3A_706, %scan3A_707 : i32
      %scan3A_709 = arith.constant 1 : i32
      %scan3A_710:4 = scf.for %scan3A_1033 = %scan3A_706 to %scan3A_708 step %scan3A_709 iter_args(%scan3A_1034 = %broadcast_in_dim3A_699, %scan3A_1035 = %broadcast_in_dim3A_701, %scan3A_1036 = %broadcast_in_dim3A_703, %scan3A_1037 = %broadcast_in_dim3A_705) -> (vector<16xf32>, vector<16xf32>, vector<16xf32>, vector<16xf32>)  : i32 {
        %mul3A_1038 = arith.constant 5 : i32
        %mul3A_1039 = arith.muli %scan3A_1033, %mul3A_1038 : i32
        %add3A_1040 = arith.constant 0 : i32
        %add3A_1041 = arith.addi %add3A_1040, %mul3A_1039 : i32
        %add3A_1042 = arith.constant 0 : i32
        %add3A_1043 = arith.addi %add3A_1041, %add3A_1042 : i32
        %get3A = arith.constant 5 : i32
        %get3A_1044 = arith.index_cast %get3A : i32 to index
        %get3A_1045 = arith.index_cast %add3A_1043 : i32 to index
        %get3A_1046 = arith.constant 0 : index
        %get3A_1047 = tpu.vector_load %arg7[%get3A_1044, %get3A_1045, %get3A_1046] {strides = array<i32>} : memref<8x50x128xf32, #tpu.memory_space<vmem>>, vector<1x1x16xf32>,
        %get3A_1048 = vector.shape_cast %get3A_1047 : vector<1x1x16xf32> to vector<16xf32>
        %add3A_1049 = arith.addf %scan3A_1034, %get3A_1048 : vector<16xf32>
        %add3A_1050 = arith.constant 0 : i32
        %add3A_1051 = arith.addi %add3A_1041, %add3A_1050 : i32
        %get3A_1052 = arith.constant 5 : i32
        %get3A_1053 = arith.index_cast %get3A_1052 : i32 to index
        %get3A_1054 = arith.index_cast %add3A_1051 : i32 to index
        %get3A_1055 = arith.constant 16 : index
        %get3A_1056 = tpu.vector_load %arg7[%get3A_1053, %get3A_1054, %get3A_1055] {strides = array<i32>} : memref<8x50x128xf32, #tpu.memory_space<vmem>>, vector<1x1x16xf32>,
        %get3A_1057 = vector.shape_cast %get3A_1056 : vector<1x1x16xf32> to vector<16xf32>
        %add3A_1058 = arith.addf %scan3A_1035, %get3A_1057 : vector<16xf32>
        %add3A_1059 = arith.constant 0 : i32
        %add3A_1060 = arith.addi %add3A_1041, %add3A_1059 : i32
        %get3A_1061 = arith.constant 5 : i32
        %get3A_1062 = arith.index_cast %get3A_1061 : i32 to index
        %get3A_1063 = arith.index_cast %add3A_1060 : i32 to index
        %get3A_1064 = arith.constant 32 : index
        %get3A_1065 = tpu.vector_load %arg7[%get3A_1062, %get3A_1063, %get3A_1064] {strides = array<i32>} : memref<8x50x128xf32, #tpu.memory_space<vmem>>, vector<1x1x16xf32>,
        %get3A_1066 = vector.shape_cast %get3A_1065 : vector<1x1x16xf32> to vector<16xf32>
        %add3A_1067 = arith.addf %scan3A_1036, %get3A_1066 : vector<16xf32>
        %add3A_1068 = arith.constant 0 : i32
        %add3A_1069 = arith.addi %add3A_1041, %add3A_1068 : i32
        %get3A_1070 = arith.constant 5 : i32
        %get3A_1071 = arith.index_cast %get3A_1070 : i32 to index
        %get3A_1072 = arith.index_cast %add3A_1069 : i32 to index
        %get3A_1073 = arith.constant 48 : index
        %get3A_1074 = tpu.vector_load %arg7[%get3A_1071, %get3A_1072, %get3A_1073] {strides = array<i32>} : memref<8x50x128xf32, #tpu.memory_space<vmem>>, vector<1x1x16xf32>,
        %get3A_1075 = vector.shape_cast %get3A_1074 : vector<1x1x16xf32> to vector<16xf32>
        %add3A_1076 = arith.addf %scan3A_1037, %get3A_1075 : vector<16xf32>
        %add3A_1077 = arith.constant 1 : i32
        %add3A_1078 = arith.addi %add3A_1041, %add3A_1077 : i32
        %get3A_1079 = arith.constant 5 : i32
        %get3A_1080 = arith.index_cast %get3A_1079 : i32 to index
        %get3A_1081 = arith.index_cast %add3A_1078 : i32 to index
        %get3A_1082 = arith.constant 0 : index
        %get3A_1083 = tpu.vector_load %arg7[%get3A_1080, %get3A_1081, %get3A_1082] {strides = array<i32>} : memref<8x50x128xf32, #tpu.memory_space<vmem>>, vector<1x1x16xf32>,
        %get3A_1084 = vector.shape_cast %get3A_1083 : vector<1x1x16xf32> to vector<16xf32>
        %add3A_1085 = arith.addf %add3A_1049, %get3A_1084 : vector<16xf32>
        %add3A_1086 = arith.constant 1 : i32
        %add3A_1087 = arith.addi %add3A_1041, %add3A_1086 : i32
        %get3A_1088 = arith.constant 5 : i32
        %get3A_1089 = arith.index_cast %get3A_1088 : i32 to index
        %get3A_1090 = arith.index_cast %add3A_1087 : i32 to index
        %get3A_1091 = arith.constant 16 : index
        %get3A_1092 = tpu.vector_load %arg7[%get3A_1089, %get3A_1090, %get3A_1091] {strides = array<i32>} : memref<8x50x128xf32, #tpu.memory_space<vmem>>, vector<1x1x16xf32>,
        %get3A_1093 = vector.shape_cast %get3A_1092 : vector<1x1x16xf32> to vector<16xf32>
        %add3A_1094 = arith.addf %add3A_1058, %get3A_1093 : vector<16xf32>
        %add3A_1095 = arith.constant 1 : i32
        %add3A_1096 = arith.addi %add3A_1041, %add3A_1095 : i32
        %get3A_1097 = arith.constant 5 : i32
        %get3A_1098 = arith.index_cast %get3A_1097 : i32 to index
        %get3A_1099 = arith.index_cast %add3A_1096 : i32 to index
        %get3A_1100 = arith.constant 32 : index
        %get3A_1101 = tpu.vector_load %arg7[%get3A_1098, %get3A_1099, %get3A_1100] {strides = array<i32>} : memref<8x50x128xf32, #tpu.memory_space<vmem>>, vector<1x1x16xf32>,
        %get3A_1102 = vector.shape_cast %get3A_1101 : vector<1x1x16xf32> to vector<16xf32>
        %add3A_1103 = arith.addf %add3A_1067, %get3A_1102 : vector<16xf32>
        %add3A_1104 = arith.constant 1 : i32
        %add3A_1105 = arith.addi %add3A_1041, %add3A_1104 : i32
        %get3A_1106 = arith.constant 5 : i32
        %get3A_1107 = arith.index_cast %get3A_1106 : i32 to index
        %get3A_1108 = arith.index_cast %add3A_1105 : i32 to index
        %get3A_1109 = arith.constant 48 : index
        %get3A_1110 = tpu.vector_load %arg7[%get3A_1107, %get3A_1108, %get3A_1109] {strides = array<i32>} : memref<8x50x128xf32, #tpu.memory_space<vmem>>, vector<1x1x16xf32>,
        %get3A_1111 = vector.shape_cast %get3A_1110 : vector<1x1x16xf32> to vector<16xf32>
        %add3A_1112 = arith.addf %add3A_1076, %get3A_1111 : vector<16xf32>
        %add3A_1113 = arith.constant 2 : i32
        %add3A_1114 = arith.addi %add3A_1041, %add3A_1113 : i32
        %get3A_1115 = arith.constant 5 : i32
        %get3A_1116 = arith.index_cast %get3A_1115 : i32 to index
        %get3A_1117 = arith.index_cast %add3A_1114 : i32 to index
        %get3A_1118 = arith.constant 0 : index
        %get3A_1119 = tpu.vector_load %arg7[%get3A_1116, %get3A_1117, %get3A_1118] {strides = array<i32>} : memref<8x50x128xf32, #tpu.memory_space<vmem>>, vector<1x1x16xf32>,
        %get3A_1120 = vector.shape_cast %get3A_1119 : vector<1x1x16xf32> to vector<16xf32>
        %add3A_1121 = arith.addf %add3A_1085, %get3A_1120 : vector<16xf32>
        %add3A_1122 = arith.constant 2 : i32
        %add3A_1123 = arith.addi %add3A_1041, %add3A_1122 : i32
        %get3A_1124 = arith.constant 5 : i32
        %get3A_1125 = arith.index_cast %get3A_1124 : i32 to index
        %get3A_1126 = arith.index_cast %add3A_1123 : i32 to index
        %get3A_1127 = arith.constant 16 : index
        %get3A_1128 = tpu.vector_load %arg7[%get3A_1125, %get3A_1126, %get3A_1127] {strides = array<i32>} : memref<8x50x128xf32, #tpu.memory_space<vmem>>, vector<1x1x16xf32>,
        %get3A_1129 = vector.shape_cast %get3A_1128 : vector<1x1x16xf32> to vector<16xf32>
        %add3A_1130 = arith.addf %add3A_1094, %get3A_1129 : vector<16xf32>
        %add3A_1131 = arith.constant 2 : i32
        %add3A_1132 = arith.addi %add3A_1041, %add3A_1131 : i32
        %get3A_1133 = arith.constant 5 : i32
        %get3A_1134 = arith.index_cast %get3A_1133 : i32 to index
        %get3A_1135 = arith.index_cast %add3A_1132 : i32 to index
        %get3A_1136 = arith.constant 32 : index
        %get3A_1137 = tpu.vector_load %arg7[%get3A_1134, %get3A_1135, %get3A_1136] {strides = array<i32>} : memref<8x50x128xf32, #tpu.memory_space<vmem>>, vector<1x1x16xf32>,
        %get3A_1138 = vector.shape_cast %get3A_1137 : vector<1x1x16xf32> to vector<16xf32>
        %add3A_1139 = arith.addf %add3A_1103, %get3A_1138 : vector<16xf32>
        %add3A_1140 = arith.constant 2 : i32
        %add3A_1141 = arith.addi %add3A_1041, %add3A_1140 : i32
        %get3A_1142 = arith.constant 5 : i32
        %get3A_1143 = arith.index_cast %get3A_1142 : i32 to index
        %get3A_1144 = arith.index_cast %add3A_1141 : i32 to index
        %get3A_1145 = arith.constant 48 : index
        %get3A_1146 = tpu.vector_load %arg7[%get3A_1143, %get3A_1144, %get3A_1145] {strides = array<i32>} : memref<8x50x128xf32, #tpu.memory_space<vmem>>, vector<1x1x16xf32>,
        %get3A_1147 = vector.shape_cast %get3A_1146 : vector<1x1x16xf32> to vector<16xf32>
        %add3A_1148 = arith.addf %add3A_1112, %get3A_1147 : vector<16xf32>
        %add3A_1149 = arith.constant 3 : i32
        %add3A_1150 = arith.addi %add3A_1041, %add3A_1149 : i32
        %get3A_1151 = arith.constant 5 : i32
        %get3A_1152 = arith.index_cast %get3A_1151 : i32 to index
        %get3A_1153 = arith.index_cast %add3A_1150 : i32 to index
        %get3A_1154 = arith.constant 0 : index
        %get3A_1155 = tpu.vector_load %arg7[%get3A_1152, %get3A_1153, %get3A_1154] {strides = array<i32>} : memref<8x50x128xf32, #tpu.memory_space<vmem>>, vector<1x1x16xf32>,
        %get3A_1156 = vector.shape_cast %get3A_1155 : vector<1x1x16xf32> to vector<16xf32>
        %add3A_1157 = arith.addf %add3A_1121, %get3A_1156 : vector<16xf32>
        %add3A_1158 = arith.constant 3 : i32
        %add3A_1159 = arith.addi %add3A_1041, %add3A_1158 : i32
        %get3A_1160 = arith.constant 5 : i32
        %get3A_1161 = arith.index_cast %get3A_1160 : i32 to index
        %get3A_1162 = arith.index_cast %add3A_1159 : i32 to index
        %get3A_1163 = arith.constant 16 : index
        %get3A_1164 = tpu.vector_load %arg7[%get3A_1161, %get3A_1162, %get3A_1163] {strides = array<i32>} : memref<8x50x128xf32, #tpu.memory_space<vmem>>, vector<1x1x16xf32>,
        %get3A_1165 = vector.shape_cast %get3A_1164 : vector<1x1x16xf32> to vector<16xf32>
        %add3A_1166 = arith.addf %add3A_1130, %get3A_1165 : vector<16xf32>
        %add3A_1167 = arith.constant 3 : i32
        %add3A_1168 = arith.addi %add3A_1041, %add3A_1167 : i32
        %get3A_1169 = arith.constant 5 : i32
        %get3A_1170 = arith.index_cast %get3A_1169 : i32 to index
        %get3A_1171 = arith.index_cast %add3A_1168 : i32 to index
        %get3A_1172 = arith.constant 32 : index
        %get3A_1173 = tpu.vector_load %arg7[%get3A_1170, %get3A_1171, %get3A_1172] {strides = array<i32>} : memref<8x50x128xf32, #tpu.memory_space<vmem>>, vector<1x1x16xf32>,
        %get3A_1174 = vector.shape_cast %get3A_1173 : vector<1x1x16xf32> to vector<16xf32>
        %add3A_1175 = arith.addf %add3A_1139, %get3A_1174 : vector<16xf32>
        %add3A_1176 = arith.constant 3 : i32
        %add3A_1177 = arith.addi %add3A_1041, %add3A_1176 : i32
        %get3A_1178 = arith.constant 5 : i32
        %get3A_1179 = arith.index_cast %get3A_1178 : i32 to index
        %get3A_1180 = arith.index_cast %add3A_1177 : i32 to index
        %get3A_1181 = arith.constant 48 : index
        %get3A_1182 = tpu.vector_load %arg7[%get3A_1179, %get3A_1180, %get3A_1181] {strides = array<i32>} : memref<8x50x128xf32, #tpu.memory_space<vmem>>, vector<1x1x16xf32>,
        %get3A_1183 = vector.shape_cast %get3A_1182 : vector<1x1x16xf32> to vector<16xf32>
        %add3A_1184 = arith.addf %add3A_1148, %get3A_1183 : vector<16xf32>
        %add3A_1185 = arith.constant 4 : i32
        %add3A_1186 = arith.addi %add3A_1041, %add3A_1185 : i32
        %get3A_1187 = arith.constant 5 : i32
        %get3A_1188 = arith.index_cast %get3A_1187 : i32 to index
        %get3A_1189 = arith.index_cast %add3A_1186 : i32 to index
        %get3A_1190 = arith.constant 0 : index
        %get3A_1191 = tpu.vector_load %arg7[%get3A_1188, %get3A_1189, %get3A_1190] {strides = array<i32>} : memref<8x50x128xf32, #tpu.memory_space<vmem>>, vector<1x1x16xf32>,
        %get3A_1192 = vector.shape_cast %get3A_1191 : vector<1x1x16xf32> to vector<16xf32>
        %add3A_1193 = arith.addf %add3A_1157, %get3A_1192 : vector<16xf32>
        %add3A_1194 = arith.constant 4 : i32
        %add3A_1195 = arith.addi %add3A_1041, %add3A_1194 : i32
        %get3A_1196 = arith.constant 5 : i32
        %get3A_1197 = arith.index_cast %get3A_1196 : i32 to index
        %get3A_1198 = arith.index_cast %add3A_1195 : i32 to index
        %get3A_1199 = arith.constant 16 : index
        %get3A_1200 = tpu.vector_load %arg7[%get3A_1197, %get3A_1198, %get3A_1199] {strides = array<i32>} : memref<8x50x128xf32, #tpu.memory_space<vmem>>, vector<1x1x16xf32>,
        %get3A_1201 = vector.shape_cast %get3A_1200 : vector<1x1x16xf32> to vector<16xf32>
        %add3A_1202 = arith.addf %add3A_1166, %get3A_1201 : vector<16xf32>
        %add3A_1203 = arith.constant 4 : i32
        %add3A_1204 = arith.addi %add3A_1041, %add3A_1203 : i32
        %get3A_1205 = arith.constant 5 : i32
        %get3A_1206 = arith.index_cast %get3A_1205 : i32 to index
        %get3A_1207 = arith.index_cast %add3A_1204 : i32 to index
        %get3A_1208 = arith.constant 32 : index
        %get3A_1209 = tpu.vector_load %arg7[%get3A_1206, %get3A_1207, %get3A_1208] {strides = array<i32>} : memref<8x50x128xf32, #tpu.memory_space<vmem>>, vector<1x1x16xf32>,
        %get3A_1210 = vector.shape_cast %get3A_1209 : vector<1x1x16xf32> to vector<16xf32>
        %add3A_1211 = arith.addf %add3A_1175, %get3A_1210 : vector<16xf32>
        %add3A_1212 = arith.constant 4 : i32
        %add3A_1213 = arith.addi %add3A_1041, %add3A_1212 : i32
        %get3A_1214 = arith.constant 5 : i32
        %get3A_1215 = arith.index_cast %get3A_1214 : i32 to index
        %get3A_1216 = arith.index_cast %add3A_1213 : i32 to index
        %get3A_1217 = arith.constant 48 : index
        %get3A_1218 = tpu.vector_load %arg7[%get3A_1215, %get3A_1216, %get3A_1217] {strides = array<i32>} : memref<8x50x128xf32, #tpu.memory_space<vmem>>, vector<1x1x16xf32>,
        %get3A_1219 = vector.shape_cast %get3A_1218 : vector<1x1x16xf32> to vector<16xf32>
        %add3A_1220 = arith.addf %add3A_1184, %get3A_1219 : vector<16xf32>
        scf.yield %add3A_1193, %add3A_1202, %add3A_1211, %add3A_1220 : vector<16xf32>, vector<16xf32>, vector<16xf32>, vector<16xf32>
      }
      %scan3A_711 = arith.constant 10 : i32
      %mul3A_712 = arith.constant 2.000000e-02 : f32
      %mul3A_713 = vector.broadcast %mul3A_712 : f32 to vector<16xf32>
      %mul3A_714 = arith.mulf %scan3A_710#0, %mul3A_713 : vector<16xf32>
      %swap3A_715 = arith.index_cast %rem3A_697 : i32 to index
      %swap3A_716 = arith.constant 0 : index
      %swap3A_717 = tpu.vector_load %arg8[%swap3A_715, %swap3A_716] {strides = array<i32>} : memref<32x128xf32, #tpu.memory_space<vmem>>, vector<1x16xf32>,
      %swap3A_718 = vector.shape_cast %swap3A_717 : vector<1x16xf32> to vector<16xf32>
      %swap3A_719 = vector.shape_cast %mul3A_714 : vector<16xf32> to vector<1x16xf32>
      tpu.vector_store %arg8[%swap3A_715, %swap3A_716], %swap3A_719 {strides = array<i32>} : memref<32x128xf32, #tpu.memory_space<vmem>>, vector<1x16xf32>,
      %mul3A_720 = arith.constant 2.000000e-02 : f32
      %mul3A_721 = vector.broadcast %mul3A_720 : f32 to vector<16xf32>
      %mul3A_722 = arith.mulf %scan3A_710#1, %mul3A_721 : vector<16xf32>
      %swap3A_723 = arith.index_cast %rem3A_697 : i32 to index
      %swap3A_724 = arith.constant 16 : index
      %swap3A_725 = tpu.vector_load %arg8[%swap3A_723, %swap3A_724] {strides = array<i32>} : memref<32x128xf32, #tpu.memory_space<vmem>>, vector<1x16xf32>,
      %swap3A_726 = vector.shape_cast %swap3A_725 : vector<1x16xf32> to vector<16xf32>
      %swap3A_727 = vector.shape_cast %mul3A_722 : vector<16xf32> to vector<1x16xf32>
      tpu.vector_store %arg8[%swap3A_723, %swap3A_724], %swap3A_727 {strides = array<i32>} : memref<32x128xf32, #tpu.memory_space<vmem>>, vector<1x16xf32>,
      %mul3A_728 = arith.constant 2.000000e-02 : f32
      %mul3A_729 = vector.broadcast %mul3A_728 : f32 to vector<16xf32>
      %mul3A_730 = arith.mulf %scan3A_710#2, %mul3A_729 : vector<16xf32>
      %swap3A_731 = arith.index_cast %rem3A_697 : i32 to index
      %swap3A_732 = arith.constant 32 : index
      %swap3A_733 = tpu.vector_load %arg8[%swap3A_731, %swap3A_732] {strides = array<i32>} : memref<32x128xf32, #tpu.memory_space<vmem>>, vector<1x16xf32>,
      %swap3A_734 = vector.shape_cast %swap3A_733 : vector<1x16xf32> to vector<16xf32>
      %swap3A_735 = vector.shape_cast %mul3A_730 : vector<16xf32> to vector<1x16xf32>
      tpu.vector_store %arg8[%swap3A_731, %swap3A_732], %swap3A_735 {strides = array<i32>} : memref<32x128xf32, #tpu.memory_space<vmem>>, vector<1x16xf32>,
      %mul3A_736 = arith.constant 2.000000e-02 : f32
      %mul3A_737 = vector.broadcast %mul3A_736 : f32 to vector<16xf32>
      %mul3A_738 = arith.mulf %scan3A_710#3, %mul3A_737 : vector<16xf32>
      %swap3A_739 = arith.index_cast %rem3A_697 : i32 to index
      %swap3A_740 = arith.constant 48 : index
      %swap3A_741 = tpu.vector_load %arg8[%swap3A_739, %swap3A_740] {strides = array<i32>} : memref<32x128xf32, #tpu.memory_space<vmem>>, vector<1x16xf32>,
      %swap3A_742 = vector.shape_cast %swap3A_741 : vector<1x16xf32> to vector<16xf32>
      %swap3A_743 = vector.shape_cast %mul3A_738 : vector<16xf32> to vector<1x16xf32>
      tpu.vector_store %arg8[%swap3A_739, %swap3A_740], %swap3A_743 {strides = array<i32>} : memref<32x128xf32, #tpu.memory_space<vmem>>, vector<1x16xf32>,
      %broadcast_in_dim3A_744 = arith.constant 0.000000e+00 : f32
      %broadcast_in_dim3A_745 = vector.broadcast %broadcast_in_dim3A_744 : f32 to vector<16xf32>
      %broadcast_in_dim3A_746 = arith.constant 0.000000e+00 : f32
      %broadcast_in_dim3A_747 = vector.broadcast %broadcast_in_dim3A_746 : f32 to vector<16xf32>
      %broadcast_in_dim3A_748 = arith.constant 0.000000e+00 : f32
      %broadcast_in_dim3A_749 = vector.broadcast %broadcast_in_dim3A_748 : f32 to vector<16xf32>
      %broadcast_in_dim3A_750 = arith.constant 0.000000e+00 : f32
      %broadcast_in_dim3A_751 = vector.broadcast %broadcast_in_dim3A_750 : f32 to vector<16xf32>
      %scan3A_752 = arith.constant 0 : i32
      %scan3A_753 = arith.constant 10 : i32
      %scan3A_754 = arith.addi %scan3A_752, %scan3A_753 : i32
      %scan3A_755 = arith.constant 1 : i32
      %scan3A_756:4 = scf.for %scan3A_1033 = %scan3A_752 to %scan3A_754 step %scan3A_755 iter_args(%scan3A_1034 = %broadcast_in_dim3A_745, %scan3A_1035 = %broadcast_in_dim3A_747, %scan3A_1036 = %broadcast_in_dim3A_749, %scan3A_1037 = %broadcast_in_dim3A_751) -> (vector<16xf32>, vector<16xf32>, vector<16xf32>, vector<16xf32>)  : i32 {
        %mul3A_1038 = arith.constant 5 : i32
        %mul3A_1039 = arith.muli %scan3A_1033, %mul3A_1038 : i32
        %add3A_1040 = arith.constant 0 : i32
        %add3A_1041 = arith.addi %add3A_1040, %mul3A_1039 : i32
        %add3A_1042 = arith.constant 0 : i32
        %add3A_1043 = arith.addi %add3A_1041, %add3A_1042 : i32
        %get3A = arith.constant 5 : i32
        %get3A_1044 = arith.index_cast %get3A : i32 to index
        %get3A_1045 = arith.index_cast %add3A_1043 : i32 to index
        %get3A_1046 = arith.constant 64 : index
        %get3A_1047 = tpu.vector_load %arg7[%get3A_1044, %get3A_1045, %get3A_1046] {strides = array<i32>} : memref<8x50x128xf32, #tpu.memory_space<vmem>>, vector<1x1x16xf32>,
        %get3A_1048 = vector.shape_cast %get3A_1047 : vector<1x1x16xf32> to vector<16xf32>
        %add3A_1049 = arith.addf %scan3A_1034, %get3A_1048 : vector<16xf32>
        %add3A_1050 = arith.constant 0 : i32
        %add3A_1051 = arith.addi %add3A_1041, %add3A_1050 : i32
        %get3A_1052 = arith.constant 5 : i32
        %get3A_1053 = arith.index_cast %get3A_1052 : i32 to index
        %get3A_1054 = arith.index_cast %add3A_1051 : i32 to index
        %get3A_1055 = arith.constant 80 : index
        %get3A_1056 = tpu.vector_load %arg7[%get3A_1053, %get3A_1054, %get3A_1055] {strides = array<i32>} : memref<8x50x128xf32, #tpu.memory_space<vmem>>, vector<1x1x16xf32>,
        %get3A_1057 = vector.shape_cast %get3A_1056 : vector<1x1x16xf32> to vector<16xf32>
        %add3A_1058 = arith.addf %scan3A_1035, %get3A_1057 : vector<16xf32>
        %add3A_1059 = arith.constant 0 : i32
        %add3A_1060 = arith.addi %add3A_1041, %add3A_1059 : i32
        %get3A_1061 = arith.constant 5 : i32
        %get3A_1062 = arith.index_cast %get3A_1061 : i32 to index
        %get3A_1063 = arith.index_cast %add3A_1060 : i32 to index
        %get3A_1064 = arith.constant 96 : index
        %get3A_1065 = tpu.vector_load %arg7[%get3A_1062, %get3A_1063, %get3A_1064] {strides = array<i32>} : memref<8x50x128xf32, #tpu.memory_space<vmem>>, vector<1x1x16xf32>,
        %get3A_1066 = vector.shape_cast %get3A_1065 : vector<1x1x16xf32> to vector<16xf32>
        %add3A_1067 = arith.addf %scan3A_1036, %get3A_1066 : vector<16xf32>
        %add3A_1068 = arith.constant 0 : i32
        %add3A_1069 = arith.addi %add3A_1041, %add3A_1068 : i32
        %get3A_1070 = arith.constant 5 : i32
        %get3A_1071 = arith.index_cast %get3A_1070 : i32 to index
        %get3A_1072 = arith.index_cast %add3A_1069 : i32 to index
        %get3A_1073 = arith.constant 112 : index
        %get3A_1074 = tpu.vector_load %arg7[%get3A_1071, %get3A_1072, %get3A_1073] {strides = array<i32>} : memref<8x50x128xf32, #tpu.memory_space<vmem>>, vector<1x1x16xf32>,
        %get3A_1075 = vector.shape_cast %get3A_1074 : vector<1x1x16xf32> to vector<16xf32>
        %add3A_1076 = arith.addf %scan3A_1037, %get3A_1075 : vector<16xf32>
        %add3A_1077 = arith.constant 1 : i32
        %add3A_1078 = arith.addi %add3A_1041, %add3A_1077 : i32
        %get3A_1079 = arith.constant 5 : i32
        %get3A_1080 = arith.index_cast %get3A_1079 : i32 to index
        %get3A_1081 = arith.index_cast %add3A_1078 : i32 to index
        %get3A_1082 = arith.constant 64 : index
        %get3A_1083 = tpu.vector_load %arg7[%get3A_1080, %get3A_1081, %get3A_1082] {strides = array<i32>} : memref<8x50x128xf32, #tpu.memory_space<vmem>>, vector<1x1x16xf32>,
        %get3A_1084 = vector.shape_cast %get3A_1083 : vector<1x1x16xf32> to vector<16xf32>
        %add3A_1085 = arith.addf %add3A_1049, %get3A_1084 : vector<16xf32>
        %add3A_1086 = arith.constant 1 : i32
        %add3A_1087 = arith.addi %add3A_1041, %add3A_1086 : i32
        %get3A_1088 = arith.constant 5 : i32
        %get3A_1089 = arith.index_cast %get3A_1088 : i32 to index
        %get3A_1090 = arith.index_cast %add3A_1087 : i32 to index
        %get3A_1091 = arith.constant 80 : index
        %get3A_1092 = tpu.vector_load %arg7[%get3A_1089, %get3A_1090, %get3A_1091] {strides = array<i32>} : memref<8x50x128xf32, #tpu.memory_space<vmem>>, vector<1x1x16xf32>,
        %get3A_1093 = vector.shape_cast %get3A_1092 : vector<1x1x16xf32> to vector<16xf32>
        %add3A_1094 = arith.addf %add3A_1058, %get3A_1093 : vector<16xf32>
        %add3A_1095 = arith.constant 1 : i32
        %add3A_1096 = arith.addi %add3A_1041, %add3A_1095 : i32
        %get3A_1097 = arith.constant 5 : i32
        %get3A_1098 = arith.index_cast %get3A_1097 : i32 to index
        %get3A_1099 = arith.index_cast %add3A_1096 : i32 to index
        %get3A_1100 = arith.constant 96 : index
        %get3A_1101 = tpu.vector_load %arg7[%get3A_1098, %get3A_1099, %get3A_1100] {strides = array<i32>} : memref<8x50x128xf32, #tpu.memory_space<vmem>>, vector<1x1x16xf32>,
        %get3A_1102 = vector.shape_cast %get3A_1101 : vector<1x1x16xf32> to vector<16xf32>
        %add3A_1103 = arith.addf %add3A_1067, %get3A_1102 : vector<16xf32>
        %add3A_1104 = arith.constant 1 : i32
        %add3A_1105 = arith.addi %add3A_1041, %add3A_1104 : i32
        %get3A_1106 = arith.constant 5 : i32
        %get3A_1107 = arith.index_cast %get3A_1106 : i32 to index
        %get3A_1108 = arith.index_cast %add3A_1105 : i32 to index
        %get3A_1109 = arith.constant 112 : index
        %get3A_1110 = tpu.vector_load %arg7[%get3A_1107, %get3A_1108, %get3A_1109] {strides = array<i32>} : memref<8x50x128xf32, #tpu.memory_space<vmem>>, vector<1x1x16xf32>,
        %get3A_1111 = vector.shape_cast %get3A_1110 : vector<1x1x16xf32> to vector<16xf32>
        %add3A_1112 = arith.addf %add3A_1076, %get3A_1111 : vector<16xf32>
        %add3A_1113 = arith.constant 2 : i32
        %add3A_1114 = arith.addi %add3A_1041, %add3A_1113 : i32
        %get3A_1115 = arith.constant 5 : i32
        %get3A_1116 = arith.index_cast %get3A_1115 : i32 to index
        %get3A_1117 = arith.index_cast %add3A_1114 : i32 to index
        %get3A_1118 = arith.constant 64 : index
        %get3A_1119 = tpu.vector_load %arg7[%get3A_1116, %get3A_1117, %get3A_1118] {strides = array<i32>} : memref<8x50x128xf32, #tpu.memory_space<vmem>>, vector<1x1x16xf32>,
        %get3A_1120 = vector.shape_cast %get3A_1119 : vector<1x1x16xf32> to vector<16xf32>
        %add3A_1121 = arith.addf %add3A_1085, %get3A_1120 : vector<16xf32>
        %add3A_1122 = arith.constant 2 : i32
        %add3A_1123 = arith.addi %add3A_1041, %add3A_1122 : i32
        %get3A_1124 = arith.constant 5 : i32
        %get3A_1125 = arith.index_cast %get3A_1124 : i32 to index
        %get3A_1126 = arith.index_cast %add3A_1123 : i32 to index
        %get3A_1127 = arith.constant 80 : index
        %get3A_1128 = tpu.vector_load %arg7[%get3A_1125, %get3A_1126, %get3A_1127] {strides = array<i32>} : memref<8x50x128xf32, #tpu.memory_space<vmem>>, vector<1x1x16xf32>,
        %get3A_1129 = vector.shape_cast %get3A_1128 : vector<1x1x16xf32> to vector<16xf32>
        %add3A_1130 = arith.addf %add3A_1094, %get3A_1129 : vector<16xf32>
        %add3A_1131 = arith.constant 2 : i32
        %add3A_1132 = arith.addi %add3A_1041, %add3A_1131 : i32
        %get3A_1133 = arith.constant 5 : i32
        %get3A_1134 = arith.index_cast %get3A_1133 : i32 to index
        %get3A_1135 = arith.index_cast %add3A_1132 : i32 to index
        %get3A_1136 = arith.constant 96 : index
        %get3A_1137 = tpu.vector_load %arg7[%get3A_1134, %get3A_1135, %get3A_1136] {strides = array<i32>} : memref<8x50x128xf32, #tpu.memory_space<vmem>>, vector<1x1x16xf32>,
        %get3A_1138 = vector.shape_cast %get3A_1137 : vector<1x1x16xf32> to vector<16xf32>
        %add3A_1139 = arith.addf %add3A_1103, %get3A_1138 : vector<16xf32>
        %add3A_1140 = arith.constant 2 : i32
        %add3A_1141 = arith.addi %add3A_1041, %add3A_1140 : i32
        %get3A_1142 = arith.constant 5 : i32
        %get3A_1143 = arith.index_cast %get3A_1142 : i32 to index
        %get3A_1144 = arith.index_cast %add3A_1141 : i32 to index
        %get3A_1145 = arith.constant 112 : index
        %get3A_1146 = tpu.vector_load %arg7[%get3A_1143, %get3A_1144, %get3A_1145] {strides = array<i32>} : memref<8x50x128xf32, #tpu.memory_space<vmem>>, vector<1x1x16xf32>,
        %get3A_1147 = vector.shape_cast %get3A_1146 : vector<1x1x16xf32> to vector<16xf32>
        %add3A_1148 = arith.addf %add3A_1112, %get3A_1147 : vector<16xf32>
        %add3A_1149 = arith.constant 3 : i32
        %add3A_1150 = arith.addi %add3A_1041, %add3A_1149 : i32
        %get3A_1151 = arith.constant 5 : i32
        %get3A_1152 = arith.index_cast %get3A_1151 : i32 to index
        %get3A_1153 = arith.index_cast %add3A_1150 : i32 to index
        %get3A_1154 = arith.constant 64 : index
        %get3A_1155 = tpu.vector_load %arg7[%get3A_1152, %get3A_1153, %get3A_1154] {strides = array<i32>} : memref<8x50x128xf32, #tpu.memory_space<vmem>>, vector<1x1x16xf32>,
        %get3A_1156 = vector.shape_cast %get3A_1155 : vector<1x1x16xf32> to vector<16xf32>
        %add3A_1157 = arith.addf %add3A_1121, %get3A_1156 : vector<16xf32>
        %add3A_1158 = arith.constant 3 : i32
        %add3A_1159 = arith.addi %add3A_1041, %add3A_1158 : i32
        %get3A_1160 = arith.constant 5 : i32
        %get3A_1161 = arith.index_cast %get3A_1160 : i32 to index
        %get3A_1162 = arith.index_cast %add3A_1159 : i32 to index
        %get3A_1163 = arith.constant 80 : index
        %get3A_1164 = tpu.vector_load %arg7[%get3A_1161, %get3A_1162, %get3A_1163] {strides = array<i32>} : memref<8x50x128xf32, #tpu.memory_space<vmem>>, vector<1x1x16xf32>,
        %get3A_1165 = vector.shape_cast %get3A_1164 : vector<1x1x16xf32> to vector<16xf32>
        %add3A_1166 = arith.addf %add3A_1130, %get3A_1165 : vector<16xf32>
        %add3A_1167 = arith.constant 3 : i32
        %add3A_1168 = arith.addi %add3A_1041, %add3A_1167 : i32
        %get3A_1169 = arith.constant 5 : i32
        %get3A_1170 = arith.index_cast %get3A_1169 : i32 to index
        %get3A_1171 = arith.index_cast %add3A_1168 : i32 to index
        %get3A_1172 = arith.constant 96 : index
        %get3A_1173 = tpu.vector_load %arg7[%get3A_1170, %get3A_1171, %get3A_1172] {strides = array<i32>} : memref<8x50x128xf32, #tpu.memory_space<vmem>>, vector<1x1x16xf32>,
        %get3A_1174 = vector.shape_cast %get3A_1173 : vector<1x1x16xf32> to vector<16xf32>
        %add3A_1175 = arith.addf %add3A_1139, %get3A_1174 : vector<16xf32>
        %add3A_1176 = arith.constant 3 : i32
        %add3A_1177 = arith.addi %add3A_1041, %add3A_1176 : i32
        %get3A_1178 = arith.constant 5 : i32
        %get3A_1179 = arith.index_cast %get3A_1178 : i32 to index
        %get3A_1180 = arith.index_cast %add3A_1177 : i32 to index
        %get3A_1181 = arith.constant 112 : index
        %get3A_1182 = tpu.vector_load %arg7[%get3A_1179, %get3A_1180, %get3A_1181] {strides = array<i32>} : memref<8x50x128xf32, #tpu.memory_space<vmem>>, vector<1x1x16xf32>,
        %get3A_1183 = vector.shape_cast %get3A_1182 : vector<1x1x16xf32> to vector<16xf32>
        %add3A_1184 = arith.addf %add3A_1148, %get3A_1183 : vector<16xf32>
        %add3A_1185 = arith.constant 4 : i32
        %add3A_1186 = arith.addi %add3A_1041, %add3A_1185 : i32
        %get3A_1187 = arith.constant 5 : i32
        %get3A_1188 = arith.index_cast %get3A_1187 : i32 to index
        %get3A_1189 = arith.index_cast %add3A_1186 : i32 to index
        %get3A_1190 = arith.constant 64 : index
        %get3A_1191 = tpu.vector_load %arg7[%get3A_1188, %get3A_1189, %get3A_1190] {strides = array<i32>} : memref<8x50x128xf32, #tpu.memory_space<vmem>>, vector<1x1x16xf32>,
        %get3A_1192 = vector.shape_cast %get3A_1191 : vector<1x1x16xf32> to vector<16xf32>
        %add3A_1193 = arith.addf %add3A_1157, %get3A_1192 : vector<16xf32>
        %add3A_1194 = arith.constant 4 : i32
        %add3A_1195 = arith.addi %add3A_1041, %add3A_1194 : i32
        %get3A_1196 = arith.constant 5 : i32
        %get3A_1197 = arith.index_cast %get3A_1196 : i32 to index
        %get3A_1198 = arith.index_cast %add3A_1195 : i32 to index
        %get3A_1199 = arith.constant 80 : index
        %get3A_1200 = tpu.vector_load %arg7[%get3A_1197, %get3A_1198, %get3A_1199] {strides = array<i32>} : memref<8x50x128xf32, #tpu.memory_space<vmem>>, vector<1x1x16xf32>,
        %get3A_1201 = vector.shape_cast %get3A_1200 : vector<1x1x16xf32> to vector<16xf32>
        %add3A_1202 = arith.addf %add3A_1166, %get3A_1201 : vector<16xf32>
        %add3A_1203 = arith.constant 4 : i32
        %add3A_1204 = arith.addi %add3A_1041, %add3A_1203 : i32
        %get3A_1205 = arith.constant 5 : i32
        %get3A_1206 = arith.index_cast %get3A_1205 : i32 to index
        %get3A_1207 = arith.index_cast %add3A_1204 : i32 to index
        %get3A_1208 = arith.constant 96 : index
        %get3A_1209 = tpu.vector_load %arg7[%get3A_1206, %get3A_1207, %get3A_1208] {strides = array<i32>} : memref<8x50x128xf32, #tpu.memory_space<vmem>>, vector<1x1x16xf32>,
        %get3A_1210 = vector.shape_cast %get3A_1209 : vector<1x1x16xf32> to vector<16xf32>
        %add3A_1211 = arith.addf %add3A_1175, %get3A_1210 : vector<16xf32>
        %add3A_1212 = arith.constant 4 : i32
        %add3A_1213 = arith.addi %add3A_1041, %add3A_1212 : i32
        %get3A_1214 = arith.constant 5 : i32
        %get3A_1215 = arith.index_cast %get3A_1214 : i32 to index
        %get3A_1216 = arith.index_cast %add3A_1213 : i32 to index
        %get3A_1217 = arith.constant 112 : index
        %get3A_1218 = tpu.vector_load %arg7[%get3A_1215, %get3A_1216, %get3A_1217] {strides = array<i32>} : memref<8x50x128xf32, #tpu.memory_space<vmem>>, vector<1x1x16xf32>,
        %get3A_1219 = vector.shape_cast %get3A_1218 : vector<1x1x16xf32> to vector<16xf32>
        %add3A_1220 = arith.addf %add3A_1184, %get3A_1219 : vector<16xf32>
        scf.yield %add3A_1193, %add3A_1202, %add3A_1211, %add3A_1220 : vector<16xf32>, vector<16xf32>, vector<16xf32>, vector<16xf32>
      }
      %scan3A_757 = arith.constant 10 : i32
      %mul3A_758 = arith.constant 2.000000e-02 : f32
      %mul3A_759 = vector.broadcast %mul3A_758 : f32 to vector<16xf32>
      %mul3A_760 = arith.mulf %scan3A_756#0, %mul3A_759 : vector<16xf32>
      %swap3A_761 = arith.index_cast %rem3A_697 : i32 to index
      %swap3A_762 = arith.constant 64 : index
      %swap3A_763 = tpu.vector_load %arg8[%swap3A_761, %swap3A_762] {strides = array<i32>} : memref<32x128xf32, #tpu.memory_space<vmem>>, vector<1x16xf32>,
      %swap3A_764 = vector.shape_cast %swap3A_763 : vector<1x16xf32> to vector<16xf32>
      %swap3A_765 = vector.shape_cast %mul3A_760 : vector<16xf32> to vector<1x16xf32>
      tpu.vector_store %arg8[%swap3A_761, %swap3A_762], %swap3A_765 {strides = array<i32>} : memref<32x128xf32, #tpu.memory_space<vmem>>, vector<1x16xf32>,
      %mul3A_766 = arith.constant 2.000000e-02 : f32
      %mul3A_767 = vector.broadcast %mul3A_766 : f32 to vector<16xf32>
      %mul3A_768 = arith.mulf %scan3A_756#1, %mul3A_767 : vector<16xf32>
      %swap3A_769 = arith.index_cast %rem3A_697 : i32 to index
      %swap3A_770 = arith.constant 80 : index
      %swap3A_771 = tpu.vector_load %arg8[%swap3A_769, %swap3A_770] {strides = array<i32>} : memref<32x128xf32, #tpu.memory_space<vmem>>, vector<1x16xf32>,
      %swap3A_772 = vector.shape_cast %swap3A_771 : vector<1x16xf32> to vector<16xf32>
      %swap3A_773 = vector.shape_cast %mul3A_768 : vector<16xf32> to vector<1x16xf32>
      tpu.vector_store %arg8[%swap3A_769, %swap3A_770], %swap3A_773 {strides = array<i32>} : memref<32x128xf32, #tpu.memory_space<vmem>>, vector<1x16xf32>,
      %mul3A_774 = arith.constant 2.000000e-02 : f32
      %mul3A_775 = vector.broadcast %mul3A_774 : f32 to vector<16xf32>
      %mul3A_776 = arith.mulf %scan3A_756#2, %mul3A_775 : vector<16xf32>
      %swap3A_777 = arith.index_cast %rem3A_697 : i32 to index
      %swap3A_778 = arith.constant 96 : index
      %swap3A_779 = tpu.vector_load %arg8[%swap3A_777, %swap3A_778] {strides = array<i32>} : memref<32x128xf32, #tpu.memory_space<vmem>>, vector<1x16xf32>,
      %swap3A_780 = vector.shape_cast %swap3A_779 : vector<1x16xf32> to vector<16xf32>
      %swap3A_781 = vector.shape_cast %mul3A_776 : vector<16xf32> to vector<1x16xf32>
      tpu.vector_store %arg8[%swap3A_777, %swap3A_778], %swap3A_781 {strides = array<i32>} : memref<32x128xf32, #tpu.memory_space<vmem>>, vector<1x16xf32>,
      %mul3A_782 = arith.constant 2.000000e-02 : f32
      %mul3A_783 = vector.broadcast %mul3A_782 : f32 to vector<16xf32>
      %mul3A_784 = arith.mulf %scan3A_756#3, %mul3A_783 : vector<16xf32>
      %swap3A_785 = arith.index_cast %rem3A_697 : i32 to index
      %swap3A_786 = arith.constant 112 : index
      %swap3A_787 = tpu.vector_load %arg8[%swap3A_785, %swap3A_786] {strides = array<i32>} : memref<32x128xf32, #tpu.memory_space<vmem>>, vector<1x16xf32>,
      %swap3A_788 = vector.shape_cast %swap3A_787 : vector<1x16xf32> to vector<16xf32>
      %swap3A_789 = vector.shape_cast %mul3A_784 : vector<16xf32> to vector<1x16xf32>
      tpu.vector_store %arg8[%swap3A_785, %swap3A_786], %swap3A_789 {strides = array<i32>} : memref<32x128xf32, #tpu.memory_space<vmem>>, vector<1x16xf32>,
      %lt3A_790 = arith.constant 63 : i32
      %lt3A_791 = arith.cmpi slt, %scan3A_105, %lt3A_790 : i32
      %convert_element_type3A_792 = arith.extui %lt3A_791 : i1 to i32
      %cond3A_793 = arith.constant 0 : i32
      %cond3A_794 = arith.cmpi ne, %convert_element_type3A_792, %cond3A_793 : i32
      scf.if %cond3A_794 {
        %add3A_1033 = arith.constant 8 : i32
        %add3A_1034 = arith.addi %add3A_682, %add3A_1033 : i32
        %dma_start3A_1035 = arith.constant 5 : i32
        %dma_start3A_1036 = arith.constant 0 : i32
        %dma_start3A_1037 = arith.constant 0 : i32
        %dma_start3A_1038 = tpu.memref_slice %arg7[%dma_start3A_1035, %dma_start3A_1036, %dma_start3A_1037] : memref<8x50x128xf32, #tpu.memory_space<vmem>> -> memref<1x50x128xf32, #tpu.memory_space<vmem>>
        %dma_start3A_1039 = tpu.memref_squeeze %dma_start3A_1038 : memref<1x50x128xf32, #tpu.memory_space<vmem>> -> memref<50x128xf32, #tpu.memory_space<vmem>>
        %dma_start3A_1040 = arith.constant 0 : i32
        %dma_start3A_1041 = tpu.memref_slice %arg6[%add3A_1034, %dma_start3A_1040] : memref<512x50xi32, #tpu.memory_space<vmem>> -> memref<1x50xi32, #tpu.memory_space<vmem>>
        %dma_start3A_1042 = tpu.memref_squeeze %dma_start3A_1041 : memref<1x50xi32, #tpu.memory_space<vmem>> -> memref<50xi32, #tpu.memory_space<vmem>>
        %dma_start3A_1043 = arith.constant 0 : i32
        %dma_start3A_1044 = arith.constant 0 : i32
        %dma_start3A_1045 = tpu.memref_slice %arg3[%dma_start3A_1043, %dma_start3A_1044] : memref<1000000x128xf32, #tpu.memory_space<hbm>> -> memref<1000000x128xf32, #tpu.memory_space<hbm>>
        tpu.enqueue_indirect_dma source(%dma_start3A_1045 : memref<1000000x128xf32, #tpu.memory_space<hbm>>) target(%dma_start3A_1039 : memref<50x128xf32, #tpu.memory_space<vmem>>) offsets(%dma_start3A_1042 : memref<50xi32, #tpu.memory_space<vmem>>) semaphore(%arg14 : memref<!tpu.dma_semaphore, #tpu.memory_space<semaphore_mem>>)
      } else {
      }
      %mul3A_795 = arith.constant 8 : i32
      %mul3A_796 = arith.muli %scan3A_105, %mul3A_795 : i32
      %add3A_797 = arith.constant 6 : i32
      %add3A_798 = arith.addi %mul3A_796, %add3A_797 : i32
      %dma_wait3A_799 = arith.constant 6 : i32
      %dma_wait3A_800 = arith.constant 0 : i32
      %dma_wait3A_801 = arith.constant 0 : i32
      %dma_wait3A_802 = tpu.memref_slice %arg7[%dma_wait3A_799, %dma_wait3A_800, %dma_wait3A_801] : memref<8x50x128xf32, #tpu.memory_space<vmem>> -> memref<1x50x128xf32, #tpu.memory_space<vmem>>
      %dma_wait3A_803 = tpu.memref_squeeze %dma_wait3A_802 : memref<1x50x128xf32, #tpu.memory_space<vmem>> -> memref<50x128xf32, #tpu.memory_space<vmem>>
      %dma_wait3A_804 = arith.constant 0 : i32
      %dma_wait3A_805 = arith.constant 0 : i32
      %dma_wait3A_806 = tpu.memref_slice %arg7[%dma_wait3A_799, %dma_wait3A_804, %dma_wait3A_805] : memref<8x50x128xf32, #tpu.memory_space<vmem>> -> memref<1x50x128xf32, #tpu.memory_space<vmem>>
      %dma_wait3A_807 = tpu.memref_squeeze %dma_wait3A_806 : memref<1x50x128xf32, #tpu.memory_space<vmem>> -> memref<50x128xf32, #tpu.memory_space<vmem>>
      tpu.wait_dma2 semaphore(%arg15 : memref<!tpu.dma_semaphore, #tpu.memory_space<semaphore_mem>>) src(%arg4 : memref<50x128xf32, #tpu.memory_space<hbm>>) dst(%dma_wait3A_807 : memref<50x128xf32, #tpu.memory_space<vmem>>)
      %mul3A_808 = arith.constant 1 : i32
      %mul3A_809 = arith.muli %add3A_798, %mul3A_808 : i32
      %add3A_810 = arith.constant 0 : i32
      %add3A_811 = arith.addi %mul3A_809, %add3A_810 : i32
      %rem3A_812 = arith.constant 32 : i32
      %rem3A_813 = arith.remsi %add3A_811, %rem3A_812 : i32
      %broadcast_in_dim3A_814 = arith.constant 0.000000e+00 : f32
      %broadcast_in_dim3A_815 = vector.broadcast %broadcast_in_dim3A_814 : f32 to vector<16xf32>
      %broadcast_in_dim3A_816 = arith.constant 0.000000e+00 : f32
      %broadcast_in_dim3A_817 = vector.broadcast %broadcast_in_dim3A_816 : f32 to vector<16xf32>
      %broadcast_in_dim3A_818 = arith.constant 0.000000e+00 : f32
      %broadcast_in_dim3A_819 = vector.broadcast %broadcast_in_dim3A_818 : f32 to vector<16xf32>
      %broadcast_in_dim3A_820 = arith.constant 0.000000e+00 : f32
      %broadcast_in_dim3A_821 = vector.broadcast %broadcast_in_dim3A_820 : f32 to vector<16xf32>
      %scan3A_822 = arith.constant 0 : i32
      %scan3A_823 = arith.constant 10 : i32
      %scan3A_824 = arith.addi %scan3A_822, %scan3A_823 : i32
      %scan3A_825 = arith.constant 1 : i32
      %scan3A_826:4 = scf.for %scan3A_1033 = %scan3A_822 to %scan3A_824 step %scan3A_825 iter_args(%scan3A_1034 = %broadcast_in_dim3A_815, %scan3A_1035 = %broadcast_in_dim3A_817, %scan3A_1036 = %broadcast_in_dim3A_819, %scan3A_1037 = %broadcast_in_dim3A_821) -> (vector<16xf32>, vector<16xf32>, vector<16xf32>, vector<16xf32>)  : i32 {
        %mul3A_1038 = arith.constant 5 : i32
        %mul3A_1039 = arith.muli %scan3A_1033, %mul3A_1038 : i32
        %add3A_1040 = arith.constant 0 : i32
        %add3A_1041 = arith.addi %add3A_1040, %mul3A_1039 : i32
        %add3A_1042 = arith.constant 0 : i32
        %add3A_1043 = arith.addi %add3A_1041, %add3A_1042 : i32
        %get3A = arith.constant 6 : i32
        %get3A_1044 = arith.index_cast %get3A : i32 to index
        %get3A_1045 = arith.index_cast %add3A_1043 : i32 to index
        %get3A_1046 = arith.constant 0 : index
        %get3A_1047 = tpu.vector_load %arg7[%get3A_1044, %get3A_1045, %get3A_1046] {strides = array<i32>} : memref<8x50x128xf32, #tpu.memory_space<vmem>>, vector<1x1x16xf32>,
        %get3A_1048 = vector.shape_cast %get3A_1047 : vector<1x1x16xf32> to vector<16xf32>
        %add3A_1049 = arith.addf %scan3A_1034, %get3A_1048 : vector<16xf32>
        %add3A_1050 = arith.constant 0 : i32
        %add3A_1051 = arith.addi %add3A_1041, %add3A_1050 : i32
        %get3A_1052 = arith.constant 6 : i32
        %get3A_1053 = arith.index_cast %get3A_1052 : i32 to index
        %get3A_1054 = arith.index_cast %add3A_1051 : i32 to index
        %get3A_1055 = arith.constant 16 : index
        %get3A_1056 = tpu.vector_load %arg7[%get3A_1053, %get3A_1054, %get3A_1055] {strides = array<i32>} : memref<8x50x128xf32, #tpu.memory_space<vmem>>, vector<1x1x16xf32>,
        %get3A_1057 = vector.shape_cast %get3A_1056 : vector<1x1x16xf32> to vector<16xf32>
        %add3A_1058 = arith.addf %scan3A_1035, %get3A_1057 : vector<16xf32>
        %add3A_1059 = arith.constant 0 : i32
        %add3A_1060 = arith.addi %add3A_1041, %add3A_1059 : i32
        %get3A_1061 = arith.constant 6 : i32
        %get3A_1062 = arith.index_cast %get3A_1061 : i32 to index
        %get3A_1063 = arith.index_cast %add3A_1060 : i32 to index
        %get3A_1064 = arith.constant 32 : index
        %get3A_1065 = tpu.vector_load %arg7[%get3A_1062, %get3A_1063, %get3A_1064] {strides = array<i32>} : memref<8x50x128xf32, #tpu.memory_space<vmem>>, vector<1x1x16xf32>,
        %get3A_1066 = vector.shape_cast %get3A_1065 : vector<1x1x16xf32> to vector<16xf32>
        %add3A_1067 = arith.addf %scan3A_1036, %get3A_1066 : vector<16xf32>
        %add3A_1068 = arith.constant 0 : i32
        %add3A_1069 = arith.addi %add3A_1041, %add3A_1068 : i32
        %get3A_1070 = arith.constant 6 : i32
        %get3A_1071 = arith.index_cast %get3A_1070 : i32 to index
        %get3A_1072 = arith.index_cast %add3A_1069 : i32 to index
        %get3A_1073 = arith.constant 48 : index
        %get3A_1074 = tpu.vector_load %arg7[%get3A_1071, %get3A_1072, %get3A_1073] {strides = array<i32>} : memref<8x50x128xf32, #tpu.memory_space<vmem>>, vector<1x1x16xf32>,
        %get3A_1075 = vector.shape_cast %get3A_1074 : vector<1x1x16xf32> to vector<16xf32>
        %add3A_1076 = arith.addf %scan3A_1037, %get3A_1075 : vector<16xf32>
        %add3A_1077 = arith.constant 1 : i32
        %add3A_1078 = arith.addi %add3A_1041, %add3A_1077 : i32
        %get3A_1079 = arith.constant 6 : i32
        %get3A_1080 = arith.index_cast %get3A_1079 : i32 to index
        %get3A_1081 = arith.index_cast %add3A_1078 : i32 to index
        %get3A_1082 = arith.constant 0 : index
        %get3A_1083 = tpu.vector_load %arg7[%get3A_1080, %get3A_1081, %get3A_1082] {strides = array<i32>} : memref<8x50x128xf32, #tpu.memory_space<vmem>>, vector<1x1x16xf32>,
        %get3A_1084 = vector.shape_cast %get3A_1083 : vector<1x1x16xf32> to vector<16xf32>
        %add3A_1085 = arith.addf %add3A_1049, %get3A_1084 : vector<16xf32>
        %add3A_1086 = arith.constant 1 : i32
        %add3A_1087 = arith.addi %add3A_1041, %add3A_1086 : i32
        %get3A_1088 = arith.constant 6 : i32
        %get3A_1089 = arith.index_cast %get3A_1088 : i32 to index
        %get3A_1090 = arith.index_cast %add3A_1087 : i32 to index
        %get3A_1091 = arith.constant 16 : index
        %get3A_1092 = tpu.vector_load %arg7[%get3A_1089, %get3A_1090, %get3A_1091] {strides = array<i32>} : memref<8x50x128xf32, #tpu.memory_space<vmem>>, vector<1x1x16xf32>,
        %get3A_1093 = vector.shape_cast %get3A_1092 : vector<1x1x16xf32> to vector<16xf32>
        %add3A_1094 = arith.addf %add3A_1058, %get3A_1093 : vector<16xf32>
        %add3A_1095 = arith.constant 1 : i32
        %add3A_1096 = arith.addi %add3A_1041, %add3A_1095 : i32
        %get3A_1097 = arith.constant 6 : i32
        %get3A_1098 = arith.index_cast %get3A_1097 : i32 to index
        %get3A_1099 = arith.index_cast %add3A_1096 : i32 to index
        %get3A_1100 = arith.constant 32 : index
        %get3A_1101 = tpu.vector_load %arg7[%get3A_1098, %get3A_1099, %get3A_1100] {strides = array<i32>} : memref<8x50x128xf32, #tpu.memory_space<vmem>>, vector<1x1x16xf32>,
        %get3A_1102 = vector.shape_cast %get3A_1101 : vector<1x1x16xf32> to vector<16xf32>
        %add3A_1103 = arith.addf %add3A_1067, %get3A_1102 : vector<16xf32>
        %add3A_1104 = arith.constant 1 : i32
        %add3A_1105 = arith.addi %add3A_1041, %add3A_1104 : i32
        %get3A_1106 = arith.constant 6 : i32
        %get3A_1107 = arith.index_cast %get3A_1106 : i32 to index
        %get3A_1108 = arith.index_cast %add3A_1105 : i32 to index
        %get3A_1109 = arith.constant 48 : index
        %get3A_1110 = tpu.vector_load %arg7[%get3A_1107, %get3A_1108, %get3A_1109] {strides = array<i32>} : memref<8x50x128xf32, #tpu.memory_space<vmem>>, vector<1x1x16xf32>,
        %get3A_1111 = vector.shape_cast %get3A_1110 : vector<1x1x16xf32> to vector<16xf32>
        %add3A_1112 = arith.addf %add3A_1076, %get3A_1111 : vector<16xf32>
        %add3A_1113 = arith.constant 2 : i32
        %add3A_1114 = arith.addi %add3A_1041, %add3A_1113 : i32
        %get3A_1115 = arith.constant 6 : i32
        %get3A_1116 = arith.index_cast %get3A_1115 : i32 to index
        %get3A_1117 = arith.index_cast %add3A_1114 : i32 to index
        %get3A_1118 = arith.constant 0 : index
        %get3A_1119 = tpu.vector_load %arg7[%get3A_1116, %get3A_1117, %get3A_1118] {strides = array<i32>} : memref<8x50x128xf32, #tpu.memory_space<vmem>>, vector<1x1x16xf32>,
        %get3A_1120 = vector.shape_cast %get3A_1119 : vector<1x1x16xf32> to vector<16xf32>
        %add3A_1121 = arith.addf %add3A_1085, %get3A_1120 : vector<16xf32>
        %add3A_1122 = arith.constant 2 : i32
        %add3A_1123 = arith.addi %add3A_1041, %add3A_1122 : i32
        %get3A_1124 = arith.constant 6 : i32
        %get3A_1125 = arith.index_cast %get3A_1124 : i32 to index
        %get3A_1126 = arith.index_cast %add3A_1123 : i32 to index
        %get3A_1127 = arith.constant 16 : index
        %get3A_1128 = tpu.vector_load %arg7[%get3A_1125, %get3A_1126, %get3A_1127] {strides = array<i32>} : memref<8x50x128xf32, #tpu.memory_space<vmem>>, vector<1x1x16xf32>,
        %get3A_1129 = vector.shape_cast %get3A_1128 : vector<1x1x16xf32> to vector<16xf32>
        %add3A_1130 = arith.addf %add3A_1094, %get3A_1129 : vector<16xf32>
        %add3A_1131 = arith.constant 2 : i32
        %add3A_1132 = arith.addi %add3A_1041, %add3A_1131 : i32
        %get3A_1133 = arith.constant 6 : i32
        %get3A_1134 = arith.index_cast %get3A_1133 : i32 to index
        %get3A_1135 = arith.index_cast %add3A_1132 : i32 to index
        %get3A_1136 = arith.constant 32 : index
        %get3A_1137 = tpu.vector_load %arg7[%get3A_1134, %get3A_1135, %get3A_1136] {strides = array<i32>} : memref<8x50x128xf32, #tpu.memory_space<vmem>>, vector<1x1x16xf32>,
        %get3A_1138 = vector.shape_cast %get3A_1137 : vector<1x1x16xf32> to vector<16xf32>
        %add3A_1139 = arith.addf %add3A_1103, %get3A_1138 : vector<16xf32>
        %add3A_1140 = arith.constant 2 : i32
        %add3A_1141 = arith.addi %add3A_1041, %add3A_1140 : i32
        %get3A_1142 = arith.constant 6 : i32
        %get3A_1143 = arith.index_cast %get3A_1142 : i32 to index
        %get3A_1144 = arith.index_cast %add3A_1141 : i32 to index
        %get3A_1145 = arith.constant 48 : index
        %get3A_1146 = tpu.vector_load %arg7[%get3A_1143, %get3A_1144, %get3A_1145] {strides = array<i32>} : memref<8x50x128xf32, #tpu.memory_space<vmem>>, vector<1x1x16xf32>,
        %get3A_1147 = vector.shape_cast %get3A_1146 : vector<1x1x16xf32> to vector<16xf32>
        %add3A_1148 = arith.addf %add3A_1112, %get3A_1147 : vector<16xf32>
        %add3A_1149 = arith.constant 3 : i32
        %add3A_1150 = arith.addi %add3A_1041, %add3A_1149 : i32
        %get3A_1151 = arith.constant 6 : i32
        %get3A_1152 = arith.index_cast %get3A_1151 : i32 to index
        %get3A_1153 = arith.index_cast %add3A_1150 : i32 to index
        %get3A_1154 = arith.constant 0 : index
        %get3A_1155 = tpu.vector_load %arg7[%get3A_1152, %get3A_1153, %get3A_1154] {strides = array<i32>} : memref<8x50x128xf32, #tpu.memory_space<vmem>>, vector<1x1x16xf32>,
        %get3A_1156 = vector.shape_cast %get3A_1155 : vector<1x1x16xf32> to vector<16xf32>
        %add3A_1157 = arith.addf %add3A_1121, %get3A_1156 : vector<16xf32>
        %add3A_1158 = arith.constant 3 : i32
        %add3A_1159 = arith.addi %add3A_1041, %add3A_1158 : i32
        %get3A_1160 = arith.constant 6 : i32
        %get3A_1161 = arith.index_cast %get3A_1160 : i32 to index
        %get3A_1162 = arith.index_cast %add3A_1159 : i32 to index
        %get3A_1163 = arith.constant 16 : index
        %get3A_1164 = tpu.vector_load %arg7[%get3A_1161, %get3A_1162, %get3A_1163] {strides = array<i32>} : memref<8x50x128xf32, #tpu.memory_space<vmem>>, vector<1x1x16xf32>,
        %get3A_1165 = vector.shape_cast %get3A_1164 : vector<1x1x16xf32> to vector<16xf32>
        %add3A_1166 = arith.addf %add3A_1130, %get3A_1165 : vector<16xf32>
        %add3A_1167 = arith.constant 3 : i32
        %add3A_1168 = arith.addi %add3A_1041, %add3A_1167 : i32
        %get3A_1169 = arith.constant 6 : i32
        %get3A_1170 = arith.index_cast %get3A_1169 : i32 to index
        %get3A_1171 = arith.index_cast %add3A_1168 : i32 to index
        %get3A_1172 = arith.constant 32 : index
        %get3A_1173 = tpu.vector_load %arg7[%get3A_1170, %get3A_1171, %get3A_1172] {strides = array<i32>} : memref<8x50x128xf32, #tpu.memory_space<vmem>>, vector<1x1x16xf32>,
        %get3A_1174 = vector.shape_cast %get3A_1173 : vector<1x1x16xf32> to vector<16xf32>
        %add3A_1175 = arith.addf %add3A_1139, %get3A_1174 : vector<16xf32>
        %add3A_1176 = arith.constant 3 : i32
        %add3A_1177 = arith.addi %add3A_1041, %add3A_1176 : i32
        %get3A_1178 = arith.constant 6 : i32
        %get3A_1179 = arith.index_cast %get3A_1178 : i32 to index
        %get3A_1180 = arith.index_cast %add3A_1177 : i32 to index
        %get3A_1181 = arith.constant 48 : index
        %get3A_1182 = tpu.vector_load %arg7[%get3A_1179, %get3A_1180, %get3A_1181] {strides = array<i32>} : memref<8x50x128xf32, #tpu.memory_space<vmem>>, vector<1x1x16xf32>,
        %get3A_1183 = vector.shape_cast %get3A_1182 : vector<1x1x16xf32> to vector<16xf32>
        %add3A_1184 = arith.addf %add3A_1148, %get3A_1183 : vector<16xf32>
        %add3A_1185 = arith.constant 4 : i32
        %add3A_1186 = arith.addi %add3A_1041, %add3A_1185 : i32
        %get3A_1187 = arith.constant 6 : i32
        %get3A_1188 = arith.index_cast %get3A_1187 : i32 to index
        %get3A_1189 = arith.index_cast %add3A_1186 : i32 to index
        %get3A_1190 = arith.constant 0 : index
        %get3A_1191 = tpu.vector_load %arg7[%get3A_1188, %get3A_1189, %get3A_1190] {strides = array<i32>} : memref<8x50x128xf32, #tpu.memory_space<vmem>>, vector<1x1x16xf32>,
        %get3A_1192 = vector.shape_cast %get3A_1191 : vector<1x1x16xf32> to vector<16xf32>
        %add3A_1193 = arith.addf %add3A_1157, %get3A_1192 : vector<16xf32>
        %add3A_1194 = arith.constant 4 : i32
        %add3A_1195 = arith.addi %add3A_1041, %add3A_1194 : i32
        %get3A_1196 = arith.constant 6 : i32
        %get3A_1197 = arith.index_cast %get3A_1196 : i32 to index
        %get3A_1198 = arith.index_cast %add3A_1195 : i32 to index
        %get3A_1199 = arith.constant 16 : index
        %get3A_1200 = tpu.vector_load %arg7[%get3A_1197, %get3A_1198, %get3A_1199] {strides = array<i32>} : memref<8x50x128xf32, #tpu.memory_space<vmem>>, vector<1x1x16xf32>,
        %get3A_1201 = vector.shape_cast %get3A_1200 : vector<1x1x16xf32> to vector<16xf32>
        %add3A_1202 = arith.addf %add3A_1166, %get3A_1201 : vector<16xf32>
        %add3A_1203 = arith.constant 4 : i32
        %add3A_1204 = arith.addi %add3A_1041, %add3A_1203 : i32
        %get3A_1205 = arith.constant 6 : i32
        %get3A_1206 = arith.index_cast %get3A_1205 : i32 to index
        %get3A_1207 = arith.index_cast %add3A_1204 : i32 to index
        %get3A_1208 = arith.constant 32 : index
        %get3A_1209 = tpu.vector_load %arg7[%get3A_1206, %get3A_1207, %get3A_1208] {strides = array<i32>} : memref<8x50x128xf32, #tpu.memory_space<vmem>>, vector<1x1x16xf32>,
        %get3A_1210 = vector.shape_cast %get3A_1209 : vector<1x1x16xf32> to vector<16xf32>
        %add3A_1211 = arith.addf %add3A_1175, %get3A_1210 : vector<16xf32>
        %add3A_1212 = arith.constant 4 : i32
        %add3A_1213 = arith.addi %add3A_1041, %add3A_1212 : i32
        %get3A_1214 = arith.constant 6 : i32
        %get3A_1215 = arith.index_cast %get3A_1214 : i32 to index
        %get3A_1216 = arith.index_cast %add3A_1213 : i32 to index
        %get3A_1217 = arith.constant 48 : index
        %get3A_1218 = tpu.vector_load %arg7[%get3A_1215, %get3A_1216, %get3A_1217] {strides = array<i32>} : memref<8x50x128xf32, #tpu.memory_space<vmem>>, vector<1x1x16xf32>,
        %get3A_1219 = vector.shape_cast %get3A_1218 : vector<1x1x16xf32> to vector<16xf32>
        %add3A_1220 = arith.addf %add3A_1184, %get3A_1219 : vector<16xf32>
        scf.yield %add3A_1193, %add3A_1202, %add3A_1211, %add3A_1220 : vector<16xf32>, vector<16xf32>, vector<16xf32>, vector<16xf32>
      }
      %scan3A_827 = arith.constant 10 : i32
      %mul3A_828 = arith.constant 2.000000e-02 : f32
      %mul3A_829 = vector.broadcast %mul3A_828 : f32 to vector<16xf32>
      %mul3A_830 = arith.mulf %scan3A_826#0, %mul3A_829 : vector<16xf32>
      %swap3A_831 = arith.index_cast %rem3A_813 : i32 to index
      %swap3A_832 = arith.constant 0 : index
      %swap3A_833 = tpu.vector_load %arg8[%swap3A_831, %swap3A_832] {strides = array<i32>} : memref<32x128xf32, #tpu.memory_space<vmem>>, vector<1x16xf32>,
      %swap3A_834 = vector.shape_cast %swap3A_833 : vector<1x16xf32> to vector<16xf32>
      %swap3A_835 = vector.shape_cast %mul3A_830 : vector<16xf32> to vector<1x16xf32>
      tpu.vector_store %arg8[%swap3A_831, %swap3A_832], %swap3A_835 {strides = array<i32>} : memref<32x128xf32, #tpu.memory_space<vmem>>, vector<1x16xf32>,
      %mul3A_836 = arith.constant 2.000000e-02 : f32
      %mul3A_837 = vector.broadcast %mul3A_836 : f32 to vector<16xf32>
      %mul3A_838 = arith.mulf %scan3A_826#1, %mul3A_837 : vector<16xf32>
      %swap3A_839 = arith.index_cast %rem3A_813 : i32 to index
      %swap3A_840 = arith.constant 16 : index
      %swap3A_841 = tpu.vector_load %arg8[%swap3A_839, %swap3A_840] {strides = array<i32>} : memref<32x128xf32, #tpu.memory_space<vmem>>, vector<1x16xf32>,
      %swap3A_842 = vector.shape_cast %swap3A_841 : vector<1x16xf32> to vector<16xf32>
      %swap3A_843 = vector.shape_cast %mul3A_838 : vector<16xf32> to vector<1x16xf32>
      tpu.vector_store %arg8[%swap3A_839, %swap3A_840], %swap3A_843 {strides = array<i32>} : memref<32x128xf32, #tpu.memory_space<vmem>>, vector<1x16xf32>,
      %mul3A_844 = arith.constant 2.000000e-02 : f32
      %mul3A_845 = vector.broadcast %mul3A_844 : f32 to vector<16xf32>
      %mul3A_846 = arith.mulf %scan3A_826#2, %mul3A_845 : vector<16xf32>
      %swap3A_847 = arith.index_cast %rem3A_813 : i32 to index
      %swap3A_848 = arith.constant 32 : index
      %swap3A_849 = tpu.vector_load %arg8[%swap3A_847, %swap3A_848] {strides = array<i32>} : memref<32x128xf32, #tpu.memory_space<vmem>>, vector<1x16xf32>,
      %swap3A_850 = vector.shape_cast %swap3A_849 : vector<1x16xf32> to vector<16xf32>
      %swap3A_851 = vector.shape_cast %mul3A_846 : vector<16xf32> to vector<1x16xf32>
      tpu.vector_store %arg8[%swap3A_847, %swap3A_848], %swap3A_851 {strides = array<i32>} : memref<32x128xf32, #tpu.memory_space<vmem>>, vector<1x16xf32>,
      %mul3A_852 = arith.constant 2.000000e-02 : f32
      %mul3A_853 = vector.broadcast %mul3A_852 : f32 to vector<16xf32>
      %mul3A_854 = arith.mulf %scan3A_826#3, %mul3A_853 : vector<16xf32>
      %swap3A_855 = arith.index_cast %rem3A_813 : i32 to index
      %swap3A_856 = arith.constant 48 : index
      %swap3A_857 = tpu.vector_load %arg8[%swap3A_855, %swap3A_856] {strides = array<i32>} : memref<32x128xf32, #tpu.memory_space<vmem>>, vector<1x16xf32>,
      %swap3A_858 = vector.shape_cast %swap3A_857 : vector<1x16xf32> to vector<16xf32>
      %swap3A_859 = vector.shape_cast %mul3A_854 : vector<16xf32> to vector<1x16xf32>
      tpu.vector_store %arg8[%swap3A_855, %swap3A_856], %swap3A_859 {strides = array<i32>} : memref<32x128xf32, #tpu.memory_space<vmem>>, vector<1x16xf32>,
      %broadcast_in_dim3A_860 = arith.constant 0.000000e+00 : f32
      %broadcast_in_dim3A_861 = vector.broadcast %broadcast_in_dim3A_860 : f32 to vector<16xf32>
      %broadcast_in_dim3A_862 = arith.constant 0.000000e+00 : f32
      %broadcast_in_dim3A_863 = vector.broadcast %broadcast_in_dim3A_862 : f32 to vector<16xf32>
      %broadcast_in_dim3A_864 = arith.constant 0.000000e+00 : f32
      %broadcast_in_dim3A_865 = vector.broadcast %broadcast_in_dim3A_864 : f32 to vector<16xf32>
      %broadcast_in_dim3A_866 = arith.constant 0.000000e+00 : f32
      %broadcast_in_dim3A_867 = vector.broadcast %broadcast_in_dim3A_866 : f32 to vector<16xf32>
      %scan3A_868 = arith.constant 0 : i32
      %scan3A_869 = arith.constant 10 : i32
      %scan3A_870 = arith.addi %scan3A_868, %scan3A_869 : i32
      %scan3A_871 = arith.constant 1 : i32
      %scan3A_872:4 = scf.for %scan3A_1033 = %scan3A_868 to %scan3A_870 step %scan3A_871 iter_args(%scan3A_1034 = %broadcast_in_dim3A_861, %scan3A_1035 = %broadcast_in_dim3A_863, %scan3A_1036 = %broadcast_in_dim3A_865, %scan3A_1037 = %broadcast_in_dim3A_867) -> (vector<16xf32>, vector<16xf32>, vector<16xf32>, vector<16xf32>)  : i32 {
        %mul3A_1038 = arith.constant 5 : i32
        %mul3A_1039 = arith.muli %scan3A_1033, %mul3A_1038 : i32
        %add3A_1040 = arith.constant 0 : i32
        %add3A_1041 = arith.addi %add3A_1040, %mul3A_1039 : i32
        %add3A_1042 = arith.constant 0 : i32
        %add3A_1043 = arith.addi %add3A_1041, %add3A_1042 : i32
        %get3A = arith.constant 6 : i32
        %get3A_1044 = arith.index_cast %get3A : i32 to index
        %get3A_1045 = arith.index_cast %add3A_1043 : i32 to index
        %get3A_1046 = arith.constant 64 : index
        %get3A_1047 = tpu.vector_load %arg7[%get3A_1044, %get3A_1045, %get3A_1046] {strides = array<i32>} : memref<8x50x128xf32, #tpu.memory_space<vmem>>, vector<1x1x16xf32>,
        %get3A_1048 = vector.shape_cast %get3A_1047 : vector<1x1x16xf32> to vector<16xf32>
        %add3A_1049 = arith.addf %scan3A_1034, %get3A_1048 : vector<16xf32>
        %add3A_1050 = arith.constant 0 : i32
        %add3A_1051 = arith.addi %add3A_1041, %add3A_1050 : i32
        %get3A_1052 = arith.constant 6 : i32
        %get3A_1053 = arith.index_cast %get3A_1052 : i32 to index
        %get3A_1054 = arith.index_cast %add3A_1051 : i32 to index
        %get3A_1055 = arith.constant 80 : index
        %get3A_1056 = tpu.vector_load %arg7[%get3A_1053, %get3A_1054, %get3A_1055] {strides = array<i32>} : memref<8x50x128xf32, #tpu.memory_space<vmem>>, vector<1x1x16xf32>,
        %get3A_1057 = vector.shape_cast %get3A_1056 : vector<1x1x16xf32> to vector<16xf32>
        %add3A_1058 = arith.addf %scan3A_1035, %get3A_1057 : vector<16xf32>
        %add3A_1059 = arith.constant 0 : i32
        %add3A_1060 = arith.addi %add3A_1041, %add3A_1059 : i32
        %get3A_1061 = arith.constant 6 : i32
        %get3A_1062 = arith.index_cast %get3A_1061 : i32 to index
        %get3A_1063 = arith.index_cast %add3A_1060 : i32 to index
        %get3A_1064 = arith.constant 96 : index
        %get3A_1065 = tpu.vector_load %arg7[%get3A_1062, %get3A_1063, %get3A_1064] {strides = array<i32>} : memref<8x50x128xf32, #tpu.memory_space<vmem>>, vector<1x1x16xf32>,
        %get3A_1066 = vector.shape_cast %get3A_1065 : vector<1x1x16xf32> to vector<16xf32>
        %add3A_1067 = arith.addf %scan3A_1036, %get3A_1066 : vector<16xf32>
        %add3A_1068 = arith.constant 0 : i32
        %add3A_1069 = arith.addi %add3A_1041, %add3A_1068 : i32
        %get3A_1070 = arith.constant 6 : i32
        %get3A_1071 = arith.index_cast %get3A_1070 : i32 to index
        %get3A_1072 = arith.index_cast %add3A_1069 : i32 to index
        %get3A_1073 = arith.constant 112 : index
        %get3A_1074 = tpu.vector_load %arg7[%get3A_1071, %get3A_1072, %get3A_1073] {strides = array<i32>} : memref<8x50x128xf32, #tpu.memory_space<vmem>>, vector<1x1x16xf32>,
        %get3A_1075 = vector.shape_cast %get3A_1074 : vector<1x1x16xf32> to vector<16xf32>
        %add3A_1076 = arith.addf %scan3A_1037, %get3A_1075 : vector<16xf32>
        %add3A_1077 = arith.constant 1 : i32
        %add3A_1078 = arith.addi %add3A_1041, %add3A_1077 : i32
        %get3A_1079 = arith.constant 6 : i32
        %get3A_1080 = arith.index_cast %get3A_1079 : i32 to index
        %get3A_1081 = arith.index_cast %add3A_1078 : i32 to index
        %get3A_1082 = arith.constant 64 : index
        %get3A_1083 = tpu.vector_load %arg7[%get3A_1080, %get3A_1081, %get3A_1082] {strides = array<i32>} : memref<8x50x128xf32, #tpu.memory_space<vmem>>, vector<1x1x16xf32>,
        %get3A_1084 = vector.shape_cast %get3A_1083 : vector<1x1x16xf32> to vector<16xf32>
        %add3A_1085 = arith.addf %add3A_1049, %get3A_1084 : vector<16xf32>
        %add3A_1086 = arith.constant 1 : i32
        %add3A_1087 = arith.addi %add3A_1041, %add3A_1086 : i32
        %get3A_1088 = arith.constant 6 : i32
        %get3A_1089 = arith.index_cast %get3A_1088 : i32 to index
        %get3A_1090 = arith.index_cast %add3A_1087 : i32 to index
        %get3A_1091 = arith.constant 80 : index
        %get3A_1092 = tpu.vector_load %arg7[%get3A_1089, %get3A_1090, %get3A_1091] {strides = array<i32>} : memref<8x50x128xf32, #tpu.memory_space<vmem>>, vector<1x1x16xf32>,
        %get3A_1093 = vector.shape_cast %get3A_1092 : vector<1x1x16xf32> to vector<16xf32>
        %add3A_1094 = arith.addf %add3A_1058, %get3A_1093 : vector<16xf32>
        %add3A_1095 = arith.constant 1 : i32
        %add3A_1096 = arith.addi %add3A_1041, %add3A_1095 : i32
        %get3A_1097 = arith.constant 6 : i32
        %get3A_1098 = arith.index_cast %get3A_1097 : i32 to index
        %get3A_1099 = arith.index_cast %add3A_1096 : i32 to index
        %get3A_1100 = arith.constant 96 : index
        %get3A_1101 = tpu.vector_load %arg7[%get3A_1098, %get3A_1099, %get3A_1100] {strides = array<i32>} : memref<8x50x128xf32, #tpu.memory_space<vmem>>, vector<1x1x16xf32>,
        %get3A_1102 = vector.shape_cast %get3A_1101 : vector<1x1x16xf32> to vector<16xf32>
        %add3A_1103 = arith.addf %add3A_1067, %get3A_1102 : vector<16xf32>
        %add3A_1104 = arith.constant 1 : i32
        %add3A_1105 = arith.addi %add3A_1041, %add3A_1104 : i32
        %get3A_1106 = arith.constant 6 : i32
        %get3A_1107 = arith.index_cast %get3A_1106 : i32 to index
        %get3A_1108 = arith.index_cast %add3A_1105 : i32 to index
        %get3A_1109 = arith.constant 112 : index
        %get3A_1110 = tpu.vector_load %arg7[%get3A_1107, %get3A_1108, %get3A_1109] {strides = array<i32>} : memref<8x50x128xf32, #tpu.memory_space<vmem>>, vector<1x1x16xf32>,
        %get3A_1111 = vector.shape_cast %get3A_1110 : vector<1x1x16xf32> to vector<16xf32>
        %add3A_1112 = arith.addf %add3A_1076, %get3A_1111 : vector<16xf32>
        %add3A_1113 = arith.constant 2 : i32
        %add3A_1114 = arith.addi %add3A_1041, %add3A_1113 : i32
        %get3A_1115 = arith.constant 6 : i32
        %get3A_1116 = arith.index_cast %get3A_1115 : i32 to index
        %get3A_1117 = arith.index_cast %add3A_1114 : i32 to index
        %get3A_1118 = arith.constant 64 : index
        %get3A_1119 = tpu.vector_load %arg7[%get3A_1116, %get3A_1117, %get3A_1118] {strides = array<i32>} : memref<8x50x128xf32, #tpu.memory_space<vmem>>, vector<1x1x16xf32>,
        %get3A_1120 = vector.shape_cast %get3A_1119 : vector<1x1x16xf32> to vector<16xf32>
        %add3A_1121 = arith.addf %add3A_1085, %get3A_1120 : vector<16xf32>
        %add3A_1122 = arith.constant 2 : i32
        %add3A_1123 = arith.addi %add3A_1041, %add3A_1122 : i32
        %get3A_1124 = arith.constant 6 : i32
        %get3A_1125 = arith.index_cast %get3A_1124 : i32 to index
        %get3A_1126 = arith.index_cast %add3A_1123 : i32 to index
        %get3A_1127 = arith.constant 80 : index
        %get3A_1128 = tpu.vector_load %arg7[%get3A_1125, %get3A_1126, %get3A_1127] {strides = array<i32>} : memref<8x50x128xf32, #tpu.memory_space<vmem>>, vector<1x1x16xf32>,
        %get3A_1129 = vector.shape_cast %get3A_1128 : vector<1x1x16xf32> to vector<16xf32>
        %add3A_1130 = arith.addf %add3A_1094, %get3A_1129 : vector<16xf32>
        %add3A_1131 = arith.constant 2 : i32
        %add3A_1132 = arith.addi %add3A_1041, %add3A_1131 : i32
        %get3A_1133 = arith.constant 6 : i32
        %get3A_1134 = arith.index_cast %get3A_1133 : i32 to index
        %get3A_1135 = arith.index_cast %add3A_1132 : i32 to index
        %get3A_1136 = arith.constant 96 : index
        %get3A_1137 = tpu.vector_load %arg7[%get3A_1134, %get3A_1135, %get3A_1136] {strides = array<i32>} : memref<8x50x128xf32, #tpu.memory_space<vmem>>, vector<1x1x16xf32>,
        %get3A_1138 = vector.shape_cast %get3A_1137 : vector<1x1x16xf32> to vector<16xf32>
        %add3A_1139 = arith.addf %add3A_1103, %get3A_1138 : vector<16xf32>
        %add3A_1140 = arith.constant 2 : i32
        %add3A_1141 = arith.addi %add3A_1041, %add3A_1140 : i32
        %get3A_1142 = arith.constant 6 : i32
        %get3A_1143 = arith.index_cast %get3A_1142 : i32 to index
        %get3A_1144 = arith.index_cast %add3A_1141 : i32 to index
        %get3A_1145 = arith.constant 112 : index
        %get3A_1146 = tpu.vector_load %arg7[%get3A_1143, %get3A_1144, %get3A_1145] {strides = array<i32>} : memref<8x50x128xf32, #tpu.memory_space<vmem>>, vector<1x1x16xf32>,
        %get3A_1147 = vector.shape_cast %get3A_1146 : vector<1x1x16xf32> to vector<16xf32>
        %add3A_1148 = arith.addf %add3A_1112, %get3A_1147 : vector<16xf32>
        %add3A_1149 = arith.constant 3 : i32
        %add3A_1150 = arith.addi %add3A_1041, %add3A_1149 : i32
        %get3A_1151 = arith.constant 6 : i32
        %get3A_1152 = arith.index_cast %get3A_1151 : i32 to index
        %get3A_1153 = arith.index_cast %add3A_1150 : i32 to index
        %get3A_1154 = arith.constant 64 : index
        %get3A_1155 = tpu.vector_load %arg7[%get3A_1152, %get3A_1153, %get3A_1154] {strides = array<i32>} : memref<8x50x128xf32, #tpu.memory_space<vmem>>, vector<1x1x16xf32>,
        %get3A_1156 = vector.shape_cast %get3A_1155 : vector<1x1x16xf32> to vector<16xf32>
        %add3A_1157 = arith.addf %add3A_1121, %get3A_1156 : vector<16xf32>
        %add3A_1158 = arith.constant 3 : i32
        %add3A_1159 = arith.addi %add3A_1041, %add3A_1158 : i32
        %get3A_1160 = arith.constant 6 : i32
        %get3A_1161 = arith.index_cast %get3A_1160 : i32 to index
        %get3A_1162 = arith.index_cast %add3A_1159 : i32 to index
        %get3A_1163 = arith.constant 80 : index
        %get3A_1164 = tpu.vector_load %arg7[%get3A_1161, %get3A_1162, %get3A_1163] {strides = array<i32>} : memref<8x50x128xf32, #tpu.memory_space<vmem>>, vector<1x1x16xf32>,
        %get3A_1165 = vector.shape_cast %get3A_1164 : vector<1x1x16xf32> to vector<16xf32>
        %add3A_1166 = arith.addf %add3A_1130, %get3A_1165 : vector<16xf32>
        %add3A_1167 = arith.constant 3 : i32
        %add3A_1168 = arith.addi %add3A_1041, %add3A_1167 : i32
        %get3A_1169 = arith.constant 6 : i32
        %get3A_1170 = arith.index_cast %get3A_1169 : i32 to index
        %get3A_1171 = arith.index_cast %add3A_1168 : i32 to index
        %get3A_1172 = arith.constant 96 : index
        %get3A_1173 = tpu.vector_load %arg7[%get3A_1170, %get3A_1171, %get3A_1172] {strides = array<i32>} : memref<8x50x128xf32, #tpu.memory_space<vmem>>, vector<1x1x16xf32>,
        %get3A_1174 = vector.shape_cast %get3A_1173 : vector<1x1x16xf32> to vector<16xf32>
        %add3A_1175 = arith.addf %add3A_1139, %get3A_1174 : vector<16xf32>
        %add3A_1176 = arith.constant 3 : i32
        %add3A_1177 = arith.addi %add3A_1041, %add3A_1176 : i32
        %get3A_1178 = arith.constant 6 : i32
        %get3A_1179 = arith.index_cast %get3A_1178 : i32 to index
        %get3A_1180 = arith.index_cast %add3A_1177 : i32 to index
        %get3A_1181 = arith.constant 112 : index
        %get3A_1182 = tpu.vector_load %arg7[%get3A_1179, %get3A_1180, %get3A_1181] {strides = array<i32>} : memref<8x50x128xf32, #tpu.memory_space<vmem>>, vector<1x1x16xf32>,
        %get3A_1183 = vector.shape_cast %get3A_1182 : vector<1x1x16xf32> to vector<16xf32>
        %add3A_1184 = arith.addf %add3A_1148, %get3A_1183 : vector<16xf32>
        %add3A_1185 = arith.constant 4 : i32
        %add3A_1186 = arith.addi %add3A_1041, %add3A_1185 : i32
        %get3A_1187 = arith.constant 6 : i32
        %get3A_1188 = arith.index_cast %get3A_1187 : i32 to index
        %get3A_1189 = arith.index_cast %add3A_1186 : i32 to index
        %get3A_1190 = arith.constant 64 : index
        %get3A_1191 = tpu.vector_load %arg7[%get3A_1188, %get3A_1189, %get3A_1190] {strides = array<i32>} : memref<8x50x128xf32, #tpu.memory_space<vmem>>, vector<1x1x16xf32>,
        %get3A_1192 = vector.shape_cast %get3A_1191 : vector<1x1x16xf32> to vector<16xf32>
        %add3A_1193 = arith.addf %add3A_1157, %get3A_1192 : vector<16xf32>
        %add3A_1194 = arith.constant 4 : i32
        %add3A_1195 = arith.addi %add3A_1041, %add3A_1194 : i32
        %get3A_1196 = arith.constant 6 : i32
        %get3A_1197 = arith.index_cast %get3A_1196 : i32 to index
        %get3A_1198 = arith.index_cast %add3A_1195 : i32 to index
        %get3A_1199 = arith.constant 80 : index
        %get3A_1200 = tpu.vector_load %arg7[%get3A_1197, %get3A_1198, %get3A_1199] {strides = array<i32>} : memref<8x50x128xf32, #tpu.memory_space<vmem>>, vector<1x1x16xf32>,
        %get3A_1201 = vector.shape_cast %get3A_1200 : vector<1x1x16xf32> to vector<16xf32>
        %add3A_1202 = arith.addf %add3A_1166, %get3A_1201 : vector<16xf32>
        %add3A_1203 = arith.constant 4 : i32
        %add3A_1204 = arith.addi %add3A_1041, %add3A_1203 : i32
        %get3A_1205 = arith.constant 6 : i32
        %get3A_1206 = arith.index_cast %get3A_1205 : i32 to index
        %get3A_1207 = arith.index_cast %add3A_1204 : i32 to index
        %get3A_1208 = arith.constant 96 : index
        %get3A_1209 = tpu.vector_load %arg7[%get3A_1206, %get3A_1207, %get3A_1208] {strides = array<i32>} : memref<8x50x128xf32, #tpu.memory_space<vmem>>, vector<1x1x16xf32>,
        %get3A_1210 = vector.shape_cast %get3A_1209 : vector<1x1x16xf32> to vector<16xf32>
        %add3A_1211 = arith.addf %add3A_1175, %get3A_1210 : vector<16xf32>
        %add3A_1212 = arith.constant 4 : i32
        %add3A_1213 = arith.addi %add3A_1041, %add3A_1212 : i32
        %get3A_1214 = arith.constant 6 : i32
        %get3A_1215 = arith.index_cast %get3A_1214 : i32 to index
        %get3A_1216 = arith.index_cast %add3A_1213 : i32 to index
        %get3A_1217 = arith.constant 112 : index
        %get3A_1218 = tpu.vector_load %arg7[%get3A_1215, %get3A_1216, %get3A_1217] {strides = array<i32>} : memref<8x50x128xf32, #tpu.memory_space<vmem>>, vector<1x1x16xf32>,
        %get3A_1219 = vector.shape_cast %get3A_1218 : vector<1x1x16xf32> to vector<16xf32>
        %add3A_1220 = arith.addf %add3A_1184, %get3A_1219 : vector<16xf32>
        scf.yield %add3A_1193, %add3A_1202, %add3A_1211, %add3A_1220 : vector<16xf32>, vector<16xf32>, vector<16xf32>, vector<16xf32>
      }
      %scan3A_873 = arith.constant 10 : i32
      %mul3A_874 = arith.constant 2.000000e-02 : f32
      %mul3A_875 = vector.broadcast %mul3A_874 : f32 to vector<16xf32>
      %mul3A_876 = arith.mulf %scan3A_872#0, %mul3A_875 : vector<16xf32>
      %swap3A_877 = arith.index_cast %rem3A_813 : i32 to index
      %swap3A_878 = arith.constant 64 : index
      %swap3A_879 = tpu.vector_load %arg8[%swap3A_877, %swap3A_878] {strides = array<i32>} : memref<32x128xf32, #tpu.memory_space<vmem>>, vector<1x16xf32>,
      %swap3A_880 = vector.shape_cast %swap3A_879 : vector<1x16xf32> to vector<16xf32>
      %swap3A_881 = vector.shape_cast %mul3A_876 : vector<16xf32> to vector<1x16xf32>
      tpu.vector_store %arg8[%swap3A_877, %swap3A_878], %swap3A_881 {strides = array<i32>} : memref<32x128xf32, #tpu.memory_space<vmem>>, vector<1x16xf32>,
      %mul3A_882 = arith.constant 2.000000e-02 : f32
      %mul3A_883 = vector.broadcast %mul3A_882 : f32 to vector<16xf32>
      %mul3A_884 = arith.mulf %scan3A_872#1, %mul3A_883 : vector<16xf32>
      %swap3A_885 = arith.index_cast %rem3A_813 : i32 to index
      %swap3A_886 = arith.constant 80 : index
      %swap3A_887 = tpu.vector_load %arg8[%swap3A_885, %swap3A_886] {strides = array<i32>} : memref<32x128xf32, #tpu.memory_space<vmem>>, vector<1x16xf32>,
      %swap3A_888 = vector.shape_cast %swap3A_887 : vector<1x16xf32> to vector<16xf32>
      %swap3A_889 = vector.shape_cast %mul3A_884 : vector<16xf32> to vector<1x16xf32>
      tpu.vector_store %arg8[%swap3A_885, %swap3A_886], %swap3A_889 {strides = array<i32>} : memref<32x128xf32, #tpu.memory_space<vmem>>, vector<1x16xf32>,
      %mul3A_890 = arith.constant 2.000000e-02 : f32
      %mul3A_891 = vector.broadcast %mul3A_890 : f32 to vector<16xf32>
      %mul3A_892 = arith.mulf %scan3A_872#2, %mul3A_891 : vector<16xf32>
      %swap3A_893 = arith.index_cast %rem3A_813 : i32 to index
      %swap3A_894 = arith.constant 96 : index
      %swap3A_895 = tpu.vector_load %arg8[%swap3A_893, %swap3A_894] {strides = array<i32>} : memref<32x128xf32, #tpu.memory_space<vmem>>, vector<1x16xf32>,
      %swap3A_896 = vector.shape_cast %swap3A_895 : vector<1x16xf32> to vector<16xf32>
      %swap3A_897 = vector.shape_cast %mul3A_892 : vector<16xf32> to vector<1x16xf32>
      tpu.vector_store %arg8[%swap3A_893, %swap3A_894], %swap3A_897 {strides = array<i32>} : memref<32x128xf32, #tpu.memory_space<vmem>>, vector<1x16xf32>,
      %mul3A_898 = arith.constant 2.000000e-02 : f32
      %mul3A_899 = vector.broadcast %mul3A_898 : f32 to vector<16xf32>
      %mul3A_900 = arith.mulf %scan3A_872#3, %mul3A_899 : vector<16xf32>
      %swap3A_901 = arith.index_cast %rem3A_813 : i32 to index
      %swap3A_902 = arith.constant 112 : index
      %swap3A_903 = tpu.vector_load %arg8[%swap3A_901, %swap3A_902] {strides = array<i32>} : memref<32x128xf32, #tpu.memory_space<vmem>>, vector<1x16xf32>,
      %swap3A_904 = vector.shape_cast %swap3A_903 : vector<1x16xf32> to vector<16xf32>
      %swap3A_905 = vector.shape_cast %mul3A_900 : vector<16xf32> to vector<1x16xf32>
      tpu.vector_store %arg8[%swap3A_901, %swap3A_902], %swap3A_905 {strides = array<i32>} : memref<32x128xf32, #tpu.memory_space<vmem>>, vector<1x16xf32>,
      %lt3A_906 = arith.constant 63 : i32
      %lt3A_907 = arith.cmpi slt, %scan3A_105, %lt3A_906 : i32
      %convert_element_type3A_908 = arith.extui %lt3A_907 : i1 to i32
      %cond3A_909 = arith.constant 0 : i32
      %cond3A_910 = arith.cmpi ne, %convert_element_type3A_908, %cond3A_909 : i32
      scf.if %cond3A_910 {
        %add3A_1033 = arith.constant 8 : i32
        %add3A_1034 = arith.addi %add3A_798, %add3A_1033 : i32
        %dma_start3A_1035 = arith.constant 6 : i32
        %dma_start3A_1036 = arith.constant 0 : i32
        %dma_start3A_1037 = arith.constant 0 : i32
        %dma_start3A_1038 = tpu.memref_slice %arg7[%dma_start3A_1035, %dma_start3A_1036, %dma_start3A_1037] : memref<8x50x128xf32, #tpu.memory_space<vmem>> -> memref<1x50x128xf32, #tpu.memory_space<vmem>>
        %dma_start3A_1039 = tpu.memref_squeeze %dma_start3A_1038 : memref<1x50x128xf32, #tpu.memory_space<vmem>> -> memref<50x128xf32, #tpu.memory_space<vmem>>
        %dma_start3A_1040 = arith.constant 0 : i32
        %dma_start3A_1041 = tpu.memref_slice %arg6[%add3A_1034, %dma_start3A_1040] : memref<512x50xi32, #tpu.memory_space<vmem>> -> memref<1x50xi32, #tpu.memory_space<vmem>>
        %dma_start3A_1042 = tpu.memref_squeeze %dma_start3A_1041 : memref<1x50xi32, #tpu.memory_space<vmem>> -> memref<50xi32, #tpu.memory_space<vmem>>
        %dma_start3A_1043 = arith.constant 0 : i32
        %dma_start3A_1044 = arith.constant 0 : i32
        %dma_start3A_1045 = tpu.memref_slice %arg3[%dma_start3A_1043, %dma_start3A_1044] : memref<1000000x128xf32, #tpu.memory_space<hbm>> -> memref<1000000x128xf32, #tpu.memory_space<hbm>>
        tpu.enqueue_indirect_dma source(%dma_start3A_1045 : memref<1000000x128xf32, #tpu.memory_space<hbm>>) target(%dma_start3A_1039 : memref<50x128xf32, #tpu.memory_space<vmem>>) offsets(%dma_start3A_1042 : memref<50xi32, #tpu.memory_space<vmem>>) semaphore(%arg15 : memref<!tpu.dma_semaphore, #tpu.memory_space<semaphore_mem>>)
      } else {
      }
      %mul3A_911 = arith.constant 8 : i32
      %mul3A_912 = arith.muli %scan3A_105, %mul3A_911 : i32
      %add3A_913 = arith.constant 7 : i32
      %add3A_914 = arith.addi %mul3A_912, %add3A_913 : i32
      %dma_wait3A_915 = arith.constant 7 : i32
      %dma_wait3A_916 = arith.constant 0 : i32
      %dma_wait3A_917 = arith.constant 0 : i32
      %dma_wait3A_918 = tpu.memref_slice %arg7[%dma_wait3A_915, %dma_wait3A_916, %dma_wait3A_917] : memref<8x50x128xf32, #tpu.memory_space<vmem>> -> memref<1x50x128xf32, #tpu.memory_space<vmem>>
      %dma_wait3A_919 = tpu.memref_squeeze %dma_wait3A_918 : memref<1x50x128xf32, #tpu.memory_space<vmem>> -> memref<50x128xf32, #tpu.memory_space<vmem>>
      %dma_wait3A_920 = arith.constant 0 : i32
      %dma_wait3A_921 = arith.constant 0 : i32
      %dma_wait3A_922 = tpu.memref_slice %arg7[%dma_wait3A_915, %dma_wait3A_920, %dma_wait3A_921] : memref<8x50x128xf32, #tpu.memory_space<vmem>> -> memref<1x50x128xf32, #tpu.memory_space<vmem>>
      %dma_wait3A_923 = tpu.memref_squeeze %dma_wait3A_922 : memref<1x50x128xf32, #tpu.memory_space<vmem>> -> memref<50x128xf32, #tpu.memory_space<vmem>>
      tpu.wait_dma2 semaphore(%arg16 : memref<!tpu.dma_semaphore, #tpu.memory_space<semaphore_mem>>) src(%arg4 : memref<50x128xf32, #tpu.memory_space<hbm>>) dst(%dma_wait3A_923 : memref<50x128xf32, #tpu.memory_space<vmem>>)
      %mul3A_924 = arith.constant 1 : i32
      %mul3A_925 = arith.muli %add3A_914, %mul3A_924 : i32
      %add3A_926 = arith.constant 0 : i32
      %add3A_927 = arith.addi %mul3A_925, %add3A_926 : i32
      %rem3A_928 = arith.constant 32 : i32
      %rem3A_929 = arith.remsi %add3A_927, %rem3A_928 : i32
      %broadcast_in_dim3A_930 = arith.constant 0.000000e+00 : f32
      %broadcast_in_dim3A_931 = vector.broadcast %broadcast_in_dim3A_930 : f32 to vector<16xf32>
      %broadcast_in_dim3A_932 = arith.constant 0.000000e+00 : f32
      %broadcast_in_dim3A_933 = vector.broadcast %broadcast_in_dim3A_932 : f32 to vector<16xf32>
      %broadcast_in_dim3A_934 = arith.constant 0.000000e+00 : f32
      %broadcast_in_dim3A_935 = vector.broadcast %broadcast_in_dim3A_934 : f32 to vector<16xf32>
      %broadcast_in_dim3A_936 = arith.constant 0.000000e+00 : f32
      %broadcast_in_dim3A_937 = vector.broadcast %broadcast_in_dim3A_936 : f32 to vector<16xf32>
      %scan3A_938 = arith.constant 0 : i32
      %scan3A_939 = arith.constant 10 : i32
      %scan3A_940 = arith.addi %scan3A_938, %scan3A_939 : i32
      %scan3A_941 = arith.constant 1 : i32
      %scan3A_942:4 = scf.for %scan3A_1033 = %scan3A_938 to %scan3A_940 step %scan3A_941 iter_args(%scan3A_1034 = %broadcast_in_dim3A_931, %scan3A_1035 = %broadcast_in_dim3A_933, %scan3A_1036 = %broadcast_in_dim3A_935, %scan3A_1037 = %broadcast_in_dim3A_937) -> (vector<16xf32>, vector<16xf32>, vector<16xf32>, vector<16xf32>)  : i32 {
        %mul3A_1038 = arith.constant 5 : i32
        %mul3A_1039 = arith.muli %scan3A_1033, %mul3A_1038 : i32
        %add3A_1040 = arith.constant 0 : i32
        %add3A_1041 = arith.addi %add3A_1040, %mul3A_1039 : i32
        %add3A_1042 = arith.constant 0 : i32
        %add3A_1043 = arith.addi %add3A_1041, %add3A_1042 : i32
        %get3A = arith.constant 7 : i32
        %get3A_1044 = arith.index_cast %get3A : i32 to index
        %get3A_1045 = arith.index_cast %add3A_1043 : i32 to index
        %get3A_1046 = arith.constant 0 : index
        %get3A_1047 = tpu.vector_load %arg7[%get3A_1044, %get3A_1045, %get3A_1046] {strides = array<i32>} : memref<8x50x128xf32, #tpu.memory_space<vmem>>, vector<1x1x16xf32>,
        %get3A_1048 = vector.shape_cast %get3A_1047 : vector<1x1x16xf32> to vector<16xf32>
        %add3A_1049 = arith.addf %scan3A_1034, %get3A_1048 : vector<16xf32>
        %add3A_1050 = arith.constant 0 : i32
        %add3A_1051 = arith.addi %add3A_1041, %add3A_1050 : i32
        %get3A_1052 = arith.constant 7 : i32
        %get3A_1053 = arith.index_cast %get3A_1052 : i32 to index
        %get3A_1054 = arith.index_cast %add3A_1051 : i32 to index
        %get3A_1055 = arith.constant 16 : index
        %get3A_1056 = tpu.vector_load %arg7[%get3A_1053, %get3A_1054, %get3A_1055] {strides = array<i32>} : memref<8x50x128xf32, #tpu.memory_space<vmem>>, vector<1x1x16xf32>,
        %get3A_1057 = vector.shape_cast %get3A_1056 : vector<1x1x16xf32> to vector<16xf32>
        %add3A_1058 = arith.addf %scan3A_1035, %get3A_1057 : vector<16xf32>
        %add3A_1059 = arith.constant 0 : i32
        %add3A_1060 = arith.addi %add3A_1041, %add3A_1059 : i32
        %get3A_1061 = arith.constant 7 : i32
        %get3A_1062 = arith.index_cast %get3A_1061 : i32 to index
        %get3A_1063 = arith.index_cast %add3A_1060 : i32 to index
        %get3A_1064 = arith.constant 32 : index
        %get3A_1065 = tpu.vector_load %arg7[%get3A_1062, %get3A_1063, %get3A_1064] {strides = array<i32>} : memref<8x50x128xf32, #tpu.memory_space<vmem>>, vector<1x1x16xf32>,
        %get3A_1066 = vector.shape_cast %get3A_1065 : vector<1x1x16xf32> to vector<16xf32>
        %add3A_1067 = arith.addf %scan3A_1036, %get3A_1066 : vector<16xf32>
        %add3A_1068 = arith.constant 0 : i32
        %add3A_1069 = arith.addi %add3A_1041, %add3A_1068 : i32
        %get3A_1070 = arith.constant 7 : i32
        %get3A_1071 = arith.index_cast %get3A_1070 : i32 to index
        %get3A_1072 = arith.index_cast %add3A_1069 : i32 to index
        %get3A_1073 = arith.constant 48 : index
        %get3A_1074 = tpu.vector_load %arg7[%get3A_1071, %get3A_1072, %get3A_1073] {strides = array<i32>} : memref<8x50x128xf32, #tpu.memory_space<vmem>>, vector<1x1x16xf32>,
        %get3A_1075 = vector.shape_cast %get3A_1074 : vector<1x1x16xf32> to vector<16xf32>
        %add3A_1076 = arith.addf %scan3A_1037, %get3A_1075 : vector<16xf32>
        %add3A_1077 = arith.constant 1 : i32
        %add3A_1078 = arith.addi %add3A_1041, %add3A_1077 : i32
        %get3A_1079 = arith.constant 7 : i32
        %get3A_1080 = arith.index_cast %get3A_1079 : i32 to index
        %get3A_1081 = arith.index_cast %add3A_1078 : i32 to index
        %get3A_1082 = arith.constant 0 : index
        %get3A_1083 = tpu.vector_load %arg7[%get3A_1080, %get3A_1081, %get3A_1082] {strides = array<i32>} : memref<8x50x128xf32, #tpu.memory_space<vmem>>, vector<1x1x16xf32>,
        %get3A_1084 = vector.shape_cast %get3A_1083 : vector<1x1x16xf32> to vector<16xf32>
        %add3A_1085 = arith.addf %add3A_1049, %get3A_1084 : vector<16xf32>
        %add3A_1086 = arith.constant 1 : i32
        %add3A_1087 = arith.addi %add3A_1041, %add3A_1086 : i32
        %get3A_1088 = arith.constant 7 : i32
        %get3A_1089 = arith.index_cast %get3A_1088 : i32 to index
        %get3A_1090 = arith.index_cast %add3A_1087 : i32 to index
        %get3A_1091 = arith.constant 16 : index
        %get3A_1092 = tpu.vector_load %arg7[%get3A_1089, %get3A_1090, %get3A_1091] {strides = array<i32>} : memref<8x50x128xf32, #tpu.memory_space<vmem>>, vector<1x1x16xf32>,
        %get3A_1093 = vector.shape_cast %get3A_1092 : vector<1x1x16xf32> to vector<16xf32>
        %add3A_1094 = arith.addf %add3A_1058, %get3A_1093 : vector<16xf32>
        %add3A_1095 = arith.constant 1 : i32
        %add3A_1096 = arith.addi %add3A_1041, %add3A_1095 : i32
        %get3A_1097 = arith.constant 7 : i32
        %get3A_1098 = arith.index_cast %get3A_1097 : i32 to index
        %get3A_1099 = arith.index_cast %add3A_1096 : i32 to index
        %get3A_1100 = arith.constant 32 : index
        %get3A_1101 = tpu.vector_load %arg7[%get3A_1098, %get3A_1099, %get3A_1100] {strides = array<i32>} : memref<8x50x128xf32, #tpu.memory_space<vmem>>, vector<1x1x16xf32>,
        %get3A_1102 = vector.shape_cast %get3A_1101 : vector<1x1x16xf32> to vector<16xf32>
        %add3A_1103 = arith.addf %add3A_1067, %get3A_1102 : vector<16xf32>
        %add3A_1104 = arith.constant 1 : i32
        %add3A_1105 = arith.addi %add3A_1041, %add3A_1104 : i32
        %get3A_1106 = arith.constant 7 : i32
        %get3A_1107 = arith.index_cast %get3A_1106 : i32 to index
        %get3A_1108 = arith.index_cast %add3A_1105 : i32 to index
        %get3A_1109 = arith.constant 48 : index
        %get3A_1110 = tpu.vector_load %arg7[%get3A_1107, %get3A_1108, %get3A_1109] {strides = array<i32>} : memref<8x50x128xf32, #tpu.memory_space<vmem>>, vector<1x1x16xf32>,
        %get3A_1111 = vector.shape_cast %get3A_1110 : vector<1x1x16xf32> to vector<16xf32>
        %add3A_1112 = arith.addf %add3A_1076, %get3A_1111 : vector<16xf32>
        %add3A_1113 = arith.constant 2 : i32
        %add3A_1114 = arith.addi %add3A_1041, %add3A_1113 : i32
        %get3A_1115 = arith.constant 7 : i32
        %get3A_1116 = arith.index_cast %get3A_1115 : i32 to index
        %get3A_1117 = arith.index_cast %add3A_1114 : i32 to index
        %get3A_1118 = arith.constant 0 : index
        %get3A_1119 = tpu.vector_load %arg7[%get3A_1116, %get3A_1117, %get3A_1118] {strides = array<i32>} : memref<8x50x128xf32, #tpu.memory_space<vmem>>, vector<1x1x16xf32>,
        %get3A_1120 = vector.shape_cast %get3A_1119 : vector<1x1x16xf32> to vector<16xf32>
        %add3A_1121 = arith.addf %add3A_1085, %get3A_1120 : vector<16xf32>
        %add3A_1122 = arith.constant 2 : i32
        %add3A_1123 = arith.addi %add3A_1041, %add3A_1122 : i32
        %get3A_1124 = arith.constant 7 : i32
        %get3A_1125 = arith.index_cast %get3A_1124 : i32 to index
        %get3A_1126 = arith.index_cast %add3A_1123 : i32 to index
        %get3A_1127 = arith.constant 16 : index
        %get3A_1128 = tpu.vector_load %arg7[%get3A_1125, %get3A_1126, %get3A_1127] {strides = array<i32>} : memref<8x50x128xf32, #tpu.memory_space<vmem>>, vector<1x1x16xf32>,
        %get3A_1129 = vector.shape_cast %get3A_1128 : vector<1x1x16xf32> to vector<16xf32>
        %add3A_1130 = arith.addf %add3A_1094, %get3A_1129 : vector<16xf32>
        %add3A_1131 = arith.constant 2 : i32
        %add3A_1132 = arith.addi %add3A_1041, %add3A_1131 : i32
        %get3A_1133 = arith.constant 7 : i32
        %get3A_1134 = arith.index_cast %get3A_1133 : i32 to index
        %get3A_1135 = arith.index_cast %add3A_1132 : i32 to index
        %get3A_1136 = arith.constant 32 : index
        %get3A_1137 = tpu.vector_load %arg7[%get3A_1134, %get3A_1135, %get3A_1136] {strides = array<i32>} : memref<8x50x128xf32, #tpu.memory_space<vmem>>, vector<1x1x16xf32>,
        %get3A_1138 = vector.shape_cast %get3A_1137 : vector<1x1x16xf32> to vector<16xf32>
        %add3A_1139 = arith.addf %add3A_1103, %get3A_1138 : vector<16xf32>
        %add3A_1140 = arith.constant 2 : i32
        %add3A_1141 = arith.addi %add3A_1041, %add3A_1140 : i32
        %get3A_1142 = arith.constant 7 : i32
        %get3A_1143 = arith.index_cast %get3A_1142 : i32 to index
        %get3A_1144 = arith.index_cast %add3A_1141 : i32 to index
        %get3A_1145 = arith.constant 48 : index
        %get3A_1146 = tpu.vector_load %arg7[%get3A_1143, %get3A_1144, %get3A_1145] {strides = array<i32>} : memref<8x50x128xf32, #tpu.memory_space<vmem>>, vector<1x1x16xf32>,
        %get3A_1147 = vector.shape_cast %get3A_1146 : vector<1x1x16xf32> to vector<16xf32>
        %add3A_1148 = arith.addf %add3A_1112, %get3A_1147 : vector<16xf32>
        %add3A_1149 = arith.constant 3 : i32
        %add3A_1150 = arith.addi %add3A_1041, %add3A_1149 : i32
        %get3A_1151 = arith.constant 7 : i32
        %get3A_1152 = arith.index_cast %get3A_1151 : i32 to index
        %get3A_1153 = arith.index_cast %add3A_1150 : i32 to index
        %get3A_1154 = arith.constant 0 : index
        %get3A_1155 = tpu.vector_load %arg7[%get3A_1152, %get3A_1153, %get3A_1154] {strides = array<i32>} : memref<8x50x128xf32, #tpu.memory_space<vmem>>, vector<1x1x16xf32>,
        %get3A_1156 = vector.shape_cast %get3A_1155 : vector<1x1x16xf32> to vector<16xf32>
        %add3A_1157 = arith.addf %add3A_1121, %get3A_1156 : vector<16xf32>
        %add3A_1158 = arith.constant 3 : i32
        %add3A_1159 = arith.addi %add3A_1041, %add3A_1158 : i32
        %get3A_1160 = arith.constant 7 : i32
        %get3A_1161 = arith.index_cast %get3A_1160 : i32 to index
        %get3A_1162 = arith.index_cast %add3A_1159 : i32 to index
        %get3A_1163 = arith.constant 16 : index
        %get3A_1164 = tpu.vector_load %arg7[%get3A_1161, %get3A_1162, %get3A_1163] {strides = array<i32>} : memref<8x50x128xf32, #tpu.memory_space<vmem>>, vector<1x1x16xf32>,
        %get3A_1165 = vector.shape_cast %get3A_1164 : vector<1x1x16xf32> to vector<16xf32>
        %add3A_1166 = arith.addf %add3A_1130, %get3A_1165 : vector<16xf32>
        %add3A_1167 = arith.constant 3 : i32
        %add3A_1168 = arith.addi %add3A_1041, %add3A_1167 : i32
        %get3A_1169 = arith.constant 7 : i32
        %get3A_1170 = arith.index_cast %get3A_1169 : i32 to index
        %get3A_1171 = arith.index_cast %add3A_1168 : i32 to index
        %get3A_1172 = arith.constant 32 : index
        %get3A_1173 = tpu.vector_load %arg7[%get3A_1170, %get3A_1171, %get3A_1172] {strides = array<i32>} : memref<8x50x128xf32, #tpu.memory_space<vmem>>, vector<1x1x16xf32>,
        %get3A_1174 = vector.shape_cast %get3A_1173 : vector<1x1x16xf32> to vector<16xf32>
        %add3A_1175 = arith.addf %add3A_1139, %get3A_1174 : vector<16xf32>
        %add3A_1176 = arith.constant 3 : i32
        %add3A_1177 = arith.addi %add3A_1041, %add3A_1176 : i32
        %get3A_1178 = arith.constant 7 : i32
        %get3A_1179 = arith.index_cast %get3A_1178 : i32 to index
        %get3A_1180 = arith.index_cast %add3A_1177 : i32 to index
        %get3A_1181 = arith.constant 48 : index
        %get3A_1182 = tpu.vector_load %arg7[%get3A_1179, %get3A_1180, %get3A_1181] {strides = array<i32>} : memref<8x50x128xf32, #tpu.memory_space<vmem>>, vector<1x1x16xf32>,
        %get3A_1183 = vector.shape_cast %get3A_1182 : vector<1x1x16xf32> to vector<16xf32>
        %add3A_1184 = arith.addf %add3A_1148, %get3A_1183 : vector<16xf32>
        %add3A_1185 = arith.constant 4 : i32
        %add3A_1186 = arith.addi %add3A_1041, %add3A_1185 : i32
        %get3A_1187 = arith.constant 7 : i32
        %get3A_1188 = arith.index_cast %get3A_1187 : i32 to index
        %get3A_1189 = arith.index_cast %add3A_1186 : i32 to index
        %get3A_1190 = arith.constant 0 : index
        %get3A_1191 = tpu.vector_load %arg7[%get3A_1188, %get3A_1189, %get3A_1190] {strides = array<i32>} : memref<8x50x128xf32, #tpu.memory_space<vmem>>, vector<1x1x16xf32>,
        %get3A_1192 = vector.shape_cast %get3A_1191 : vector<1x1x16xf32> to vector<16xf32>
        %add3A_1193 = arith.addf %add3A_1157, %get3A_1192 : vector<16xf32>
        %add3A_1194 = arith.constant 4 : i32
        %add3A_1195 = arith.addi %add3A_1041, %add3A_1194 : i32
        %get3A_1196 = arith.constant 7 : i32
        %get3A_1197 = arith.index_cast %get3A_1196 : i32 to index
        %get3A_1198 = arith.index_cast %add3A_1195 : i32 to index
        %get3A_1199 = arith.constant 16 : index
        %get3A_1200 = tpu.vector_load %arg7[%get3A_1197, %get3A_1198, %get3A_1199] {strides = array<i32>} : memref<8x50x128xf32, #tpu.memory_space<vmem>>, vector<1x1x16xf32>,
        %get3A_1201 = vector.shape_cast %get3A_1200 : vector<1x1x16xf32> to vector<16xf32>
        %add3A_1202 = arith.addf %add3A_1166, %get3A_1201 : vector<16xf32>
        %add3A_1203 = arith.constant 4 : i32
        %add3A_1204 = arith.addi %add3A_1041, %add3A_1203 : i32
        %get3A_1205 = arith.constant 7 : i32
        %get3A_1206 = arith.index_cast %get3A_1205 : i32 to index
        %get3A_1207 = arith.index_cast %add3A_1204 : i32 to index
        %get3A_1208 = arith.constant 32 : index
        %get3A_1209 = tpu.vector_load %arg7[%get3A_1206, %get3A_1207, %get3A_1208] {strides = array<i32>} : memref<8x50x128xf32, #tpu.memory_space<vmem>>, vector<1x1x16xf32>,
        %get3A_1210 = vector.shape_cast %get3A_1209 : vector<1x1x16xf32> to vector<16xf32>
        %add3A_1211 = arith.addf %add3A_1175, %get3A_1210 : vector<16xf32>
        %add3A_1212 = arith.constant 4 : i32
        %add3A_1213 = arith.addi %add3A_1041, %add3A_1212 : i32
        %get3A_1214 = arith.constant 7 : i32
        %get3A_1215 = arith.index_cast %get3A_1214 : i32 to index
        %get3A_1216 = arith.index_cast %add3A_1213 : i32 to index
        %get3A_1217 = arith.constant 48 : index
        %get3A_1218 = tpu.vector_load %arg7[%get3A_1215, %get3A_1216, %get3A_1217] {strides = array<i32>} : memref<8x50x128xf32, #tpu.memory_space<vmem>>, vector<1x1x16xf32>,
        %get3A_1219 = vector.shape_cast %get3A_1218 : vector<1x1x16xf32> to vector<16xf32>
        %add3A_1220 = arith.addf %add3A_1184, %get3A_1219 : vector<16xf32>
        scf.yield %add3A_1193, %add3A_1202, %add3A_1211, %add3A_1220 : vector<16xf32>, vector<16xf32>, vector<16xf32>, vector<16xf32>
      }
      %scan3A_943 = arith.constant 10 : i32
      %mul3A_944 = arith.constant 2.000000e-02 : f32
      %mul3A_945 = vector.broadcast %mul3A_944 : f32 to vector<16xf32>
      %mul3A_946 = arith.mulf %scan3A_942#0, %mul3A_945 : vector<16xf32>
      %swap3A_947 = arith.index_cast %rem3A_929 : i32 to index
      %swap3A_948 = arith.constant 0 : index
      %swap3A_949 = tpu.vector_load %arg8[%swap3A_947, %swap3A_948] {strides = array<i32>} : memref<32x128xf32, #tpu.memory_space<vmem>>, vector<1x16xf32>,
      %swap3A_950 = vector.shape_cast %swap3A_949 : vector<1x16xf32> to vector<16xf32>
      %swap3A_951 = vector.shape_cast %mul3A_946 : vector<16xf32> to vector<1x16xf32>
      tpu.vector_store %arg8[%swap3A_947, %swap3A_948], %swap3A_951 {strides = array<i32>} : memref<32x128xf32, #tpu.memory_space<vmem>>, vector<1x16xf32>,
      %mul3A_952 = arith.constant 2.000000e-02 : f32
      %mul3A_953 = vector.broadcast %mul3A_952 : f32 to vector<16xf32>
      %mul3A_954 = arith.mulf %scan3A_942#1, %mul3A_953 : vector<16xf32>
      %swap3A_955 = arith.index_cast %rem3A_929 : i32 to index
      %swap3A_956 = arith.constant 16 : index
      %swap3A_957 = tpu.vector_load %arg8[%swap3A_955, %swap3A_956] {strides = array<i32>} : memref<32x128xf32, #tpu.memory_space<vmem>>, vector<1x16xf32>,
      %swap3A_958 = vector.shape_cast %swap3A_957 : vector<1x16xf32> to vector<16xf32>
      %swap3A_959 = vector.shape_cast %mul3A_954 : vector<16xf32> to vector<1x16xf32>
      tpu.vector_store %arg8[%swap3A_955, %swap3A_956], %swap3A_959 {strides = array<i32>} : memref<32x128xf32, #tpu.memory_space<vmem>>, vector<1x16xf32>,
      %mul3A_960 = arith.constant 2.000000e-02 : f32
      %mul3A_961 = vector.broadcast %mul3A_960 : f32 to vector<16xf32>
      %mul3A_962 = arith.mulf %scan3A_942#2, %mul3A_961 : vector<16xf32>
      %swap3A_963 = arith.index_cast %rem3A_929 : i32 to index
      %swap3A_964 = arith.constant 32 : index
      %swap3A_965 = tpu.vector_load %arg8[%swap3A_963, %swap3A_964] {strides = array<i32>} : memref<32x128xf32, #tpu.memory_space<vmem>>, vector<1x16xf32>,
      %swap3A_966 = vector.shape_cast %swap3A_965 : vector<1x16xf32> to vector<16xf32>
      %swap3A_967 = vector.shape_cast %mul3A_962 : vector<16xf32> to vector<1x16xf32>
      tpu.vector_store %arg8[%swap3A_963, %swap3A_964], %swap3A_967 {strides = array<i32>} : memref<32x128xf32, #tpu.memory_space<vmem>>, vector<1x16xf32>,
      %mul3A_968 = arith.constant 2.000000e-02 : f32
      %mul3A_969 = vector.broadcast %mul3A_968 : f32 to vector<16xf32>
      %mul3A_970 = arith.mulf %scan3A_942#3, %mul3A_969 : vector<16xf32>
      %swap3A_971 = arith.index_cast %rem3A_929 : i32 to index
      %swap3A_972 = arith.constant 48 : index
      %swap3A_973 = tpu.vector_load %arg8[%swap3A_971, %swap3A_972] {strides = array<i32>} : memref<32x128xf32, #tpu.memory_space<vmem>>, vector<1x16xf32>,
      %swap3A_974 = vector.shape_cast %swap3A_973 : vector<1x16xf32> to vector<16xf32>
      %swap3A_975 = vector.shape_cast %mul3A_970 : vector<16xf32> to vector<1x16xf32>
      tpu.vector_store %arg8[%swap3A_971, %swap3A_972], %swap3A_975 {strides = array<i32>} : memref<32x128xf32, #tpu.memory_space<vmem>>, vector<1x16xf32>,
      %broadcast_in_dim3A_976 = arith.constant 0.000000e+00 : f32
      %broadcast_in_dim3A_977 = vector.broadcast %broadcast_in_dim3A_976 : f32 to vector<16xf32>
      %broadcast_in_dim3A_978 = arith.constant 0.000000e+00 : f32
      %broadcast_in_dim3A_979 = vector.broadcast %broadcast_in_dim3A_978 : f32 to vector<16xf32>
      %broadcast_in_dim3A_980 = arith.constant 0.000000e+00 : f32
      %broadcast_in_dim3A_981 = vector.broadcast %broadcast_in_dim3A_980 : f32 to vector<16xf32>
      %broadcast_in_dim3A_982 = arith.constant 0.000000e+00 : f32
      %broadcast_in_dim3A_983 = vector.broadcast %broadcast_in_dim3A_982 : f32 to vector<16xf32>
      %scan3A_984 = arith.constant 0 : i32
      %scan3A_985 = arith.constant 10 : i32
      %scan3A_986 = arith.addi %scan3A_984, %scan3A_985 : i32
      %scan3A_987 = arith.constant 1 : i32
      %scan3A_988:4 = scf.for %scan3A_1033 = %scan3A_984 to %scan3A_986 step %scan3A_987 iter_args(%scan3A_1034 = %broadcast_in_dim3A_977, %scan3A_1035 = %broadcast_in_dim3A_979, %scan3A_1036 = %broadcast_in_dim3A_981, %scan3A_1037 = %broadcast_in_dim3A_983) -> (vector<16xf32>, vector<16xf32>, vector<16xf32>, vector<16xf32>)  : i32 {
        %mul3A_1038 = arith.constant 5 : i32
        %mul3A_1039 = arith.muli %scan3A_1033, %mul3A_1038 : i32
        %add3A_1040 = arith.constant 0 : i32
        %add3A_1041 = arith.addi %add3A_1040, %mul3A_1039 : i32
        %add3A_1042 = arith.constant 0 : i32
        %add3A_1043 = arith.addi %add3A_1041, %add3A_1042 : i32
        %get3A = arith.constant 7 : i32
        %get3A_1044 = arith.index_cast %get3A : i32 to index
        %get3A_1045 = arith.index_cast %add3A_1043 : i32 to index
        %get3A_1046 = arith.constant 64 : index
        %get3A_1047 = tpu.vector_load %arg7[%get3A_1044, %get3A_1045, %get3A_1046] {strides = array<i32>} : memref<8x50x128xf32, #tpu.memory_space<vmem>>, vector<1x1x16xf32>,
        %get3A_1048 = vector.shape_cast %get3A_1047 : vector<1x1x16xf32> to vector<16xf32>
        %add3A_1049 = arith.addf %scan3A_1034, %get3A_1048 : vector<16xf32>
        %add3A_1050 = arith.constant 0 : i32
        %add3A_1051 = arith.addi %add3A_1041, %add3A_1050 : i32
        %get3A_1052 = arith.constant 7 : i32
        %get3A_1053 = arith.index_cast %get3A_1052 : i32 to index
        %get3A_1054 = arith.index_cast %add3A_1051 : i32 to index
        %get3A_1055 = arith.constant 80 : index
        %get3A_1056 = tpu.vector_load %arg7[%get3A_1053, %get3A_1054, %get3A_1055] {strides = array<i32>} : memref<8x50x128xf32, #tpu.memory_space<vmem>>, vector<1x1x16xf32>,
        %get3A_1057 = vector.shape_cast %get3A_1056 : vector<1x1x16xf32> to vector<16xf32>
        %add3A_1058 = arith.addf %scan3A_1035, %get3A_1057 : vector<16xf32>
        %add3A_1059 = arith.constant 0 : i32
        %add3A_1060 = arith.addi %add3A_1041, %add3A_1059 : i32
        %get3A_1061 = arith.constant 7 : i32
        %get3A_1062 = arith.index_cast %get3A_1061 : i32 to index
        %get3A_1063 = arith.index_cast %add3A_1060 : i32 to index
        %get3A_1064 = arith.constant 96 : index
        %get3A_1065 = tpu.vector_load %arg7[%get3A_1062, %get3A_1063, %get3A_1064] {strides = array<i32>} : memref<8x50x128xf32, #tpu.memory_space<vmem>>, vector<1x1x16xf32>,
        %get3A_1066 = vector.shape_cast %get3A_1065 : vector<1x1x16xf32> to vector<16xf32>
        %add3A_1067 = arith.addf %scan3A_1036, %get3A_1066 : vector<16xf32>
        %add3A_1068 = arith.constant 0 : i32
        %add3A_1069 = arith.addi %add3A_1041, %add3A_1068 : i32
        %get3A_1070 = arith.constant 7 : i32
        %get3A_1071 = arith.index_cast %get3A_1070 : i32 to index
        %get3A_1072 = arith.index_cast %add3A_1069 : i32 to index
        %get3A_1073 = arith.constant 112 : index
        %get3A_1074 = tpu.vector_load %arg7[%get3A_1071, %get3A_1072, %get3A_1073] {strides = array<i32>} : memref<8x50x128xf32, #tpu.memory_space<vmem>>, vector<1x1x16xf32>,
        %get3A_1075 = vector.shape_cast %get3A_1074 : vector<1x1x16xf32> to vector<16xf32>
        %add3A_1076 = arith.addf %scan3A_1037, %get3A_1075 : vector<16xf32>
        %add3A_1077 = arith.constant 1 : i32
        %add3A_1078 = arith.addi %add3A_1041, %add3A_1077 : i32
        %get3A_1079 = arith.constant 7 : i32
        %get3A_1080 = arith.index_cast %get3A_1079 : i32 to index
        %get3A_1081 = arith.index_cast %add3A_1078 : i32 to index
        %get3A_1082 = arith.constant 64 : index
        %get3A_1083 = tpu.vector_load %arg7[%get3A_1080, %get3A_1081, %get3A_1082] {strides = array<i32>} : memref<8x50x128xf32, #tpu.memory_space<vmem>>, vector<1x1x16xf32>,
        %get3A_1084 = vector.shape_cast %get3A_1083 : vector<1x1x16xf32> to vector<16xf32>
        %add3A_1085 = arith.addf %add3A_1049, %get3A_1084 : vector<16xf32>
        %add3A_1086 = arith.constant 1 : i32
        %add3A_1087 = arith.addi %add3A_1041, %add3A_1086 : i32
        %get3A_1088 = arith.constant 7 : i32
        %get3A_1089 = arith.index_cast %get3A_1088 : i32 to index
        %get3A_1090 = arith.index_cast %add3A_1087 : i32 to index
        %get3A_1091 = arith.constant 80 : index
        %get3A_1092 = tpu.vector_load %arg7[%get3A_1089, %get3A_1090, %get3A_1091] {strides = array<i32>} : memref<8x50x128xf32, #tpu.memory_space<vmem>>, vector<1x1x16xf32>,
        %get3A_1093 = vector.shape_cast %get3A_1092 : vector<1x1x16xf32> to vector<16xf32>
        %add3A_1094 = arith.addf %add3A_1058, %get3A_1093 : vector<16xf32>
        %add3A_1095 = arith.constant 1 : i32
        %add3A_1096 = arith.addi %add3A_1041, %add3A_1095 : i32
        %get3A_1097 = arith.constant 7 : i32
        %get3A_1098 = arith.index_cast %get3A_1097 : i32 to index
        %get3A_1099 = arith.index_cast %add3A_1096 : i32 to index
        %get3A_1100 = arith.constant 96 : index
        %get3A_1101 = tpu.vector_load %arg7[%get3A_1098, %get3A_1099, %get3A_1100] {strides = array<i32>} : memref<8x50x128xf32, #tpu.memory_space<vmem>>, vector<1x1x16xf32>,
        %get3A_1102 = vector.shape_cast %get3A_1101 : vector<1x1x16xf32> to vector<16xf32>
        %add3A_1103 = arith.addf %add3A_1067, %get3A_1102 : vector<16xf32>
        %add3A_1104 = arith.constant 1 : i32
        %add3A_1105 = arith.addi %add3A_1041, %add3A_1104 : i32
        %get3A_1106 = arith.constant 7 : i32
        %get3A_1107 = arith.index_cast %get3A_1106 : i32 to index
        %get3A_1108 = arith.index_cast %add3A_1105 : i32 to index
        %get3A_1109 = arith.constant 112 : index
        %get3A_1110 = tpu.vector_load %arg7[%get3A_1107, %get3A_1108, %get3A_1109] {strides = array<i32>} : memref<8x50x128xf32, #tpu.memory_space<vmem>>, vector<1x1x16xf32>,
        %get3A_1111 = vector.shape_cast %get3A_1110 : vector<1x1x16xf32> to vector<16xf32>
        %add3A_1112 = arith.addf %add3A_1076, %get3A_1111 : vector<16xf32>
        %add3A_1113 = arith.constant 2 : i32
        %add3A_1114 = arith.addi %add3A_1041, %add3A_1113 : i32
        %get3A_1115 = arith.constant 7 : i32
        %get3A_1116 = arith.index_cast %get3A_1115 : i32 to index
        %get3A_1117 = arith.index_cast %add3A_1114 : i32 to index
        %get3A_1118 = arith.constant 64 : index
        %get3A_1119 = tpu.vector_load %arg7[%get3A_1116, %get3A_1117, %get3A_1118] {strides = array<i32>} : memref<8x50x128xf32, #tpu.memory_space<vmem>>, vector<1x1x16xf32>,
        %get3A_1120 = vector.shape_cast %get3A_1119 : vector<1x1x16xf32> to vector<16xf32>
        %add3A_1121 = arith.addf %add3A_1085, %get3A_1120 : vector<16xf32>
        %add3A_1122 = arith.constant 2 : i32
        %add3A_1123 = arith.addi %add3A_1041, %add3A_1122 : i32
        %get3A_1124 = arith.constant 7 : i32
        %get3A_1125 = arith.index_cast %get3A_1124 : i32 to index
        %get3A_1126 = arith.index_cast %add3A_1123 : i32 to index
        %get3A_1127 = arith.constant 80 : index
        %get3A_1128 = tpu.vector_load %arg7[%get3A_1125, %get3A_1126, %get3A_1127] {strides = array<i32>} : memref<8x50x128xf32, #tpu.memory_space<vmem>>, vector<1x1x16xf32>,
        %get3A_1129 = vector.shape_cast %get3A_1128 : vector<1x1x16xf32> to vector<16xf32>
        %add3A_1130 = arith.addf %add3A_1094, %get3A_1129 : vector<16xf32>
        %add3A_1131 = arith.constant 2 : i32
        %add3A_1132 = arith.addi %add3A_1041, %add3A_1131 : i32
        %get3A_1133 = arith.constant 7 : i32
        %get3A_1134 = arith.index_cast %get3A_1133 : i32 to index
        %get3A_1135 = arith.index_cast %add3A_1132 : i32 to index
        %get3A_1136 = arith.constant 96 : index
        %get3A_1137 = tpu.vector_load %arg7[%get3A_1134, %get3A_1135, %get3A_1136] {strides = array<i32>} : memref<8x50x128xf32, #tpu.memory_space<vmem>>, vector<1x1x16xf32>,
        %get3A_1138 = vector.shape_cast %get3A_1137 : vector<1x1x16xf32> to vector<16xf32>
        %add3A_1139 = arith.addf %add3A_1103, %get3A_1138 : vector<16xf32>
        %add3A_1140 = arith.constant 2 : i32
        %add3A_1141 = arith.addi %add3A_1041, %add3A_1140 : i32
        %get3A_1142 = arith.constant 7 : i32
        %get3A_1143 = arith.index_cast %get3A_1142 : i32 to index
        %get3A_1144 = arith.index_cast %add3A_1141 : i32 to index
        %get3A_1145 = arith.constant 112 : index
        %get3A_1146 = tpu.vector_load %arg7[%get3A_1143, %get3A_1144, %get3A_1145] {strides = array<i32>} : memref<8x50x128xf32, #tpu.memory_space<vmem>>, vector<1x1x16xf32>,
        %get3A_1147 = vector.shape_cast %get3A_1146 : vector<1x1x16xf32> to vector<16xf32>
        %add3A_1148 = arith.addf %add3A_1112, %get3A_1147 : vector<16xf32>
        %add3A_1149 = arith.constant 3 : i32
        %add3A_1150 = arith.addi %add3A_1041, %add3A_1149 : i32
        %get3A_1151 = arith.constant 7 : i32
        %get3A_1152 = arith.index_cast %get3A_1151 : i32 to index
        %get3A_1153 = arith.index_cast %add3A_1150 : i32 to index
        %get3A_1154 = arith.constant 64 : index
        %get3A_1155 = tpu.vector_load %arg7[%get3A_1152, %get3A_1153, %get3A_1154] {strides = array<i32>} : memref<8x50x128xf32, #tpu.memory_space<vmem>>, vector<1x1x16xf32>,
        %get3A_1156 = vector.shape_cast %get3A_1155 : vector<1x1x16xf32> to vector<16xf32>
        %add3A_1157 = arith.addf %add3A_1121, %get3A_1156 : vector<16xf32>
        %add3A_1158 = arith.constant 3 : i32
        %add3A_1159 = arith.addi %add3A_1041, %add3A_1158 : i32
        %get3A_1160 = arith.constant 7 : i32
        %get3A_1161 = arith.index_cast %get3A_1160 : i32 to index
        %get3A_1162 = arith.index_cast %add3A_1159 : i32 to index
        %get3A_1163 = arith.constant 80 : index
        %get3A_1164 = tpu.vector_load %arg7[%get3A_1161, %get3A_1162, %get3A_1163] {strides = array<i32>} : memref<8x50x128xf32, #tpu.memory_space<vmem>>, vector<1x1x16xf32>,
        %get3A_1165 = vector.shape_cast %get3A_1164 : vector<1x1x16xf32> to vector<16xf32>
        %add3A_1166 = arith.addf %add3A_1130, %get3A_1165 : vector<16xf32>
        %add3A_1167 = arith.constant 3 : i32
        %add3A_1168 = arith.addi %add3A_1041, %add3A_1167 : i32
        %get3A_1169 = arith.constant 7 : i32
        %get3A_1170 = arith.index_cast %get3A_1169 : i32 to index
        %get3A_1171 = arith.index_cast %add3A_1168 : i32 to index
        %get3A_1172 = arith.constant 96 : index
        %get3A_1173 = tpu.vector_load %arg7[%get3A_1170, %get3A_1171, %get3A_1172] {strides = array<i32>} : memref<8x50x128xf32, #tpu.memory_space<vmem>>, vector<1x1x16xf32>,
        %get3A_1174 = vector.shape_cast %get3A_1173 : vector<1x1x16xf32> to vector<16xf32>
        %add3A_1175 = arith.addf %add3A_1139, %get3A_1174 : vector<16xf32>
        %add3A_1176 = arith.constant 3 : i32
        %add3A_1177 = arith.addi %add3A_1041, %add3A_1176 : i32
        %get3A_1178 = arith.constant 7 : i32
        %get3A_1179 = arith.index_cast %get3A_1178 : i32 to index
        %get3A_1180 = arith.index_cast %add3A_1177 : i32 to index
        %get3A_1181 = arith.constant 112 : index
        %get3A_1182 = tpu.vector_load %arg7[%get3A_1179, %get3A_1180, %get3A_1181] {strides = array<i32>} : memref<8x50x128xf32, #tpu.memory_space<vmem>>, vector<1x1x16xf32>,
        %get3A_1183 = vector.shape_cast %get3A_1182 : vector<1x1x16xf32> to vector<16xf32>
        %add3A_1184 = arith.addf %add3A_1148, %get3A_1183 : vector<16xf32>
        %add3A_1185 = arith.constant 4 : i32
        %add3A_1186 = arith.addi %add3A_1041, %add3A_1185 : i32
        %get3A_1187 = arith.constant 7 : i32
        %get3A_1188 = arith.index_cast %get3A_1187 : i32 to index
        %get3A_1189 = arith.index_cast %add3A_1186 : i32 to index
        %get3A_1190 = arith.constant 64 : index
        %get3A_1191 = tpu.vector_load %arg7[%get3A_1188, %get3A_1189, %get3A_1190] {strides = array<i32>} : memref<8x50x128xf32, #tpu.memory_space<vmem>>, vector<1x1x16xf32>,
        %get3A_1192 = vector.shape_cast %get3A_1191 : vector<1x1x16xf32> to vector<16xf32>
        %add3A_1193 = arith.addf %add3A_1157, %get3A_1192 : vector<16xf32>
        %add3A_1194 = arith.constant 4 : i32
        %add3A_1195 = arith.addi %add3A_1041, %add3A_1194 : i32
        %get3A_1196 = arith.constant 7 : i32
        %get3A_1197 = arith.index_cast %get3A_1196 : i32 to index
        %get3A_1198 = arith.index_cast %add3A_1195 : i32 to index
        %get3A_1199 = arith.constant 80 : index
        %get3A_1200 = tpu.vector_load %arg7[%get3A_1197, %get3A_1198, %get3A_1199] {strides = array<i32>} : memref<8x50x128xf32, #tpu.memory_space<vmem>>, vector<1x1x16xf32>,
        %get3A_1201 = vector.shape_cast %get3A_1200 : vector<1x1x16xf32> to vector<16xf32>
        %add3A_1202 = arith.addf %add3A_1166, %get3A_1201 : vector<16xf32>
        %add3A_1203 = arith.constant 4 : i32
        %add3A_1204 = arith.addi %add3A_1041, %add3A_1203 : i32
        %get3A_1205 = arith.constant 7 : i32
        %get3A_1206 = arith.index_cast %get3A_1205 : i32 to index
        %get3A_1207 = arith.index_cast %add3A_1204 : i32 to index
        %get3A_1208 = arith.constant 96 : index
        %get3A_1209 = tpu.vector_load %arg7[%get3A_1206, %get3A_1207, %get3A_1208] {strides = array<i32>} : memref<8x50x128xf32, #tpu.memory_space<vmem>>, vector<1x1x16xf32>,
        %get3A_1210 = vector.shape_cast %get3A_1209 : vector<1x1x16xf32> to vector<16xf32>
        %add3A_1211 = arith.addf %add3A_1175, %get3A_1210 : vector<16xf32>
        %add3A_1212 = arith.constant 4 : i32
        %add3A_1213 = arith.addi %add3A_1041, %add3A_1212 : i32
        %get3A_1214 = arith.constant 7 : i32
        %get3A_1215 = arith.index_cast %get3A_1214 : i32 to index
        %get3A_1216 = arith.index_cast %add3A_1213 : i32 to index
        %get3A_1217 = arith.constant 112 : index
        %get3A_1218 = tpu.vector_load %arg7[%get3A_1215, %get3A_1216, %get3A_1217] {strides = array<i32>} : memref<8x50x128xf32, #tpu.memory_space<vmem>>, vector<1x1x16xf32>,
        %get3A_1219 = vector.shape_cast %get3A_1218 : vector<1x1x16xf32> to vector<16xf32>
        %add3A_1220 = arith.addf %add3A_1184, %get3A_1219 : vector<16xf32>
        scf.yield %add3A_1193, %add3A_1202, %add3A_1211, %add3A_1220 : vector<16xf32>, vector<16xf32>, vector<16xf32>, vector<16xf32>
      }
      %scan3A_989 = arith.constant 10 : i32
      %mul3A_990 = arith.constant 2.000000e-02 : f32
      %mul3A_991 = vector.broadcast %mul3A_990 : f32 to vector<16xf32>
      %mul3A_992 = arith.mulf %scan3A_988#0, %mul3A_991 : vector<16xf32>
      %swap3A_993 = arith.index_cast %rem3A_929 : i32 to index
      %swap3A_994 = arith.constant 64 : index
      %swap3A_995 = tpu.vector_load %arg8[%swap3A_993, %swap3A_994] {strides = array<i32>} : memref<32x128xf32, #tpu.memory_space<vmem>>, vector<1x16xf32>,
      %swap3A_996 = vector.shape_cast %swap3A_995 : vector<1x16xf32> to vector<16xf32>
      %swap3A_997 = vector.shape_cast %mul3A_992 : vector<16xf32> to vector<1x16xf32>
      tpu.vector_store %arg8[%swap3A_993, %swap3A_994], %swap3A_997 {strides = array<i32>} : memref<32x128xf32, #tpu.memory_space<vmem>>, vector<1x16xf32>,
      %mul3A_998 = arith.constant 2.000000e-02 : f32
      %mul3A_999 = vector.broadcast %mul3A_998 : f32 to vector<16xf32>
      %mul3A_1000 = arith.mulf %scan3A_988#1, %mul3A_999 : vector<16xf32>
      %swap3A_1001 = arith.index_cast %rem3A_929 : i32 to index
      %swap3A_1002 = arith.constant 80 : index
      %swap3A_1003 = tpu.vector_load %arg8[%swap3A_1001, %swap3A_1002] {strides = array<i32>} : memref<32x128xf32, #tpu.memory_space<vmem>>, vector<1x16xf32>,
      %swap3A_1004 = vector.shape_cast %swap3A_1003 : vector<1x16xf32> to vector<16xf32>
      %swap3A_1005 = vector.shape_cast %mul3A_1000 : vector<16xf32> to vector<1x16xf32>
      tpu.vector_store %arg8[%swap3A_1001, %swap3A_1002], %swap3A_1005 {strides = array<i32>} : memref<32x128xf32, #tpu.memory_space<vmem>>, vector<1x16xf32>,
      %mul3A_1006 = arith.constant 2.000000e-02 : f32
      %mul3A_1007 = vector.broadcast %mul3A_1006 : f32 to vector<16xf32>
      %mul3A_1008 = arith.mulf %scan3A_988#2, %mul3A_1007 : vector<16xf32>
      %swap3A_1009 = arith.index_cast %rem3A_929 : i32 to index
      %swap3A_1010 = arith.constant 96 : index
      %swap3A_1011 = tpu.vector_load %arg8[%swap3A_1009, %swap3A_1010] {strides = array<i32>} : memref<32x128xf32, #tpu.memory_space<vmem>>, vector<1x16xf32>,
      %swap3A_1012 = vector.shape_cast %swap3A_1011 : vector<1x16xf32> to vector<16xf32>
      %swap3A_1013 = vector.shape_cast %mul3A_1008 : vector<16xf32> to vector<1x16xf32>
      tpu.vector_store %arg8[%swap3A_1009, %swap3A_1010], %swap3A_1013 {strides = array<i32>} : memref<32x128xf32, #tpu.memory_space<vmem>>, vector<1x16xf32>,
      %mul3A_1014 = arith.constant 2.000000e-02 : f32
      %mul3A_1015 = vector.broadcast %mul3A_1014 : f32 to vector<16xf32>
      %mul3A_1016 = arith.mulf %scan3A_988#3, %mul3A_1015 : vector<16xf32>
      %swap3A_1017 = arith.index_cast %rem3A_929 : i32 to index
      %swap3A_1018 = arith.constant 112 : index
      %swap3A_1019 = tpu.vector_load %arg8[%swap3A_1017, %swap3A_1018] {strides = array<i32>} : memref<32x128xf32, #tpu.memory_space<vmem>>, vector<1x16xf32>,
      %swap3A_1020 = vector.shape_cast %swap3A_1019 : vector<1x16xf32> to vector<16xf32>
      %swap3A_1021 = vector.shape_cast %mul3A_1016 : vector<16xf32> to vector<1x16xf32>
      tpu.vector_store %arg8[%swap3A_1017, %swap3A_1018], %swap3A_1021 {strides = array<i32>} : memref<32x128xf32, #tpu.memory_space<vmem>>, vector<1x16xf32>,
      %lt3A_1022 = arith.constant 63 : i32
      %lt3A_1023 = arith.cmpi slt, %scan3A_105, %lt3A_1022 : i32
      %convert_element_type3A_1024 = arith.extui %lt3A_1023 : i1 to i32
      %cond3A_1025 = arith.constant 0 : i32
      %cond3A_1026 = arith.cmpi ne, %convert_element_type3A_1024, %cond3A_1025 : i32
      scf.if %cond3A_1026 {
        %add3A_1033 = arith.constant 8 : i32
        %add3A_1034 = arith.addi %add3A_914, %add3A_1033 : i32
        %dma_start3A_1035 = arith.constant 7 : i32
        %dma_start3A_1036 = arith.constant 0 : i32
        %dma_start3A_1037 = arith.constant 0 : i32
        %dma_start3A_1038 = tpu.memref_slice %arg7[%dma_start3A_1035, %dma_start3A_1036, %dma_start3A_1037] : memref<8x50x128xf32, #tpu.memory_space<vmem>> -> memref<1x50x128xf32, #tpu.memory_space<vmem>>
        %dma_start3A_1039 = tpu.memref_squeeze %dma_start3A_1038 : memref<1x50x128xf32, #tpu.memory_space<vmem>> -> memref<50x128xf32, #tpu.memory_space<vmem>>
        %dma_start3A_1040 = arith.constant 0 : i32
        %dma_start3A_1041 = tpu.memref_slice %arg6[%add3A_1034, %dma_start3A_1040] : memref<512x50xi32, #tpu.memory_space<vmem>> -> memref<1x50xi32, #tpu.memory_space<vmem>>
        %dma_start3A_1042 = tpu.memref_squeeze %dma_start3A_1041 : memref<1x50xi32, #tpu.memory_space<vmem>> -> memref<50xi32, #tpu.memory_space<vmem>>
        %dma_start3A_1043 = arith.constant 0 : i32
        %dma_start3A_1044 = arith.constant 0 : i32
        %dma_start3A_1045 = tpu.memref_slice %arg3[%dma_start3A_1043, %dma_start3A_1044] : memref<1000000x128xf32, #tpu.memory_space<hbm>> -> memref<1000000x128xf32, #tpu.memory_space<hbm>>
        tpu.enqueue_indirect_dma source(%dma_start3A_1045 : memref<1000000x128xf32, #tpu.memory_space<hbm>>) target(%dma_start3A_1039 : memref<50x128xf32, #tpu.memory_space<vmem>>) offsets(%dma_start3A_1042 : memref<50xi32, #tpu.memory_space<vmem>>) semaphore(%arg16 : memref<!tpu.dma_semaphore, #tpu.memory_space<semaphore_mem>>)
      } else {
      }
      %rem3A_1027 = arith.constant 4 : i32
      %rem3A_1028 = arith.remsi %scan3A_105, %rem3A_1027 : i32
      %eq3A = arith.constant 3 : i32
      %eq3A_1029 = arith.cmpi eq, %rem3A_1028, %eq3A : i32
      %convert_element_type3A_1030 = arith.extui %eq3A_1029 : i1 to i32
      %cond3A_1031 = arith.constant 0 : i32
      %cond3A_1032 = arith.cmpi ne, %convert_element_type3A_1030, %cond3A_1031 : i32
      scf.if %cond3A_1032 {
        %add3A_1033 = arith.constant 1 : i32
        %add3A_1034 = arith.addi %add3A_914, %add3A_1033 : i32
        %mul3A_1035 = arith.constant 1 : i32
        %mul3A_1036 = arith.muli %add3A_1034, %mul3A_1035 : i32
        %add3A_1037 = arith.addi %mul3A_2, %mul3A_1036 : i32
        %sub3A = arith.constant 32 : i32
        %sub3A_1038 = arith.subi %add3A_1037, %sub3A : i32
        %multiple_of3A = tpu.assume_multiple %sub3A_1038, 32 : i32
        "tpu.region"() ({
          %run_scoped3A = tpu.sem_alloc : memref<!tpu.dma_semaphore, #tpu.memory_space<semaphore_mem>>
          %dma_start3A_1039 = arith.constant 0 : i32
          %dma_start3A_1040 = tpu.memref_slice %arg5[%multiple_of3A, %dma_start3A_1039] : memref<16384x128xf32, #tpu.memory_space<hbm>> -> memref<32x128xf32, #tpu.memory_space<hbm>>
          %dma_start3A_1041 = arith.constant 0 : i32
          %dma_start3A_1042 = tpu.memref_slice %arg5[%multiple_of3A, %dma_start3A_1041] : memref<16384x128xf32, #tpu.memory_space<hbm>> -> memref<32x128xf32, #tpu.memory_space<hbm>>
          tpu.enqueue_dma source(%arg8 : memref<32x128xf32, #tpu.memory_space<vmem>>) target(%dma_start3A_1042 : memref<32x128xf32, #tpu.memory_space<hbm>>) target_semaphore(%run_scoped3A : memref<!tpu.dma_semaphore, #tpu.memory_space<semaphore_mem>>)
          %dma_wait3A_1043 = arith.constant 0 : i32
          %dma_wait3A_1044 = tpu.memref_slice %arg5[%multiple_of3A, %dma_wait3A_1043] : memref<16384x128xf32, #tpu.memory_space<hbm>> -> memref<32x128xf32, #tpu.memory_space<hbm>>
          %dma_wait3A_1045 = arith.constant 0 : i32
          %dma_wait3A_1046 = tpu.memref_slice %arg5[%multiple_of3A, %dma_wait3A_1045] : memref<16384x128xf32, #tpu.memory_space<hbm>> -> memref<32x128xf32, #tpu.memory_space<hbm>>
          tpu.wait_dma2 semaphore(%run_scoped3A : memref<!tpu.dma_semaphore, #tpu.memory_space<semaphore_mem>>) src(%arg8 : memref<32x128xf32, #tpu.memory_space<vmem>>) dst(%dma_wait3A_1046 : memref<32x128xf32, #tpu.memory_space<hbm>>)
          tpu.yield
        }) : () -> ()
      } else {
      }
    }
    %scan3A_104 = arith.constant 64 : i32
    return
  }
}

module attributes {stable_mosaic.version = 14 : i64} {
  func.func @body(%arg0: i32, %arg1: memref<2048x128xf32, #tpu.memory_space<vmem>>, %arg2: memref<64x128xf32, #tpu.memory_space<vmem>>, %arg3: memref<64xf32, #tpu.memory_space<vmem>>, %arg4: memref<2048x64xf32, #tpu.memory_space<vmem>>) attributes {dimension_semantics = [#tpu.dimension_semantics<arbitrary>], iteration_bounds = array<i64: 8>, scalar_prefetch = 0 : i64, scratch_operands = 0 : i64, tpu.core_type = #tpu.core_type<tc>, window_params = [{transform_indices = @transform_0, window_bounds = array<i64: 2048, 128>}, {pipeline_mode = #tpu.pipeline_mode<synchronous>, transform_indices = @transform_1, window_bounds = array<i64: 64, 128>}, {pipeline_mode = #tpu.pipeline_mode<synchronous>, transform_indices = @transform_2, window_bounds = array<i64: 64>}, {transform_indices = @transform_3, window_bounds = array<i64: 2048, 64>}]} {
    %get3A = arith.constant 0 : index
    %get3A_0 = arith.constant 0 : index
    %get3A_1 = vector.load %arg1[%get3A, %get3A_0] : memref<2048x128xf32, #tpu.memory_space<vmem>>, vector<2048x128xf32>
    %get3A_2 = arith.constant 0 : index
    %get3A_3 = arith.constant 0 : index
    %get3A_4 = vector.load %arg2[%get3A_2, %get3A_3] : memref<64x128xf32, #tpu.memory_space<vmem>>, vector<64x128xf32>
    %dot_general3A = arith.constant dense<0.000000e+00> : vector<2048x64xf32>
    %dot_general3A_5 = tpu.matmul %get3A_1, %get3A_4, %dot_general3A {dimension_numbers = #tpu.dot_dimension_numbers<[1], [1], [0], [0], [0, 0, 1, 0], [], []>, transpose_lhs_hint = false} : vector<2048x128xf32>, vector<64x128xf32>, vector<2048x64xf32> -> vector<2048x64xf32>
    %get3A_6 = arith.constant 0 : index
    %get3A_7 = vector.load %arg3[%get3A_6] : memref<64xf32, #tpu.memory_space<vmem>>, vector<64xf32>
    %broadcast_in_dim3A = vector.shape_cast %get3A_7 : vector<64xf32> to vector<1x64xf32>
    %add3A = vector.broadcast %broadcast_in_dim3A : vector<1x64xf32> to vector<2048x64xf32>
    %add3A_8 = arith.addf %dot_general3A_5, %add3A : vector<2048x64xf32>
    %tanh3A = math.tanh %add3A_8 : vector<2048x64xf32>
    %swap3A = arith.constant 0 : index
    %swap3A_9 = arith.constant 0 : index
    %swap3A_10 = vector.load %arg4[%swap3A, %swap3A_9] : memref<2048x64xf32, #tpu.memory_space<vmem>>, vector<2048x64xf32>
    tpu.vector_store %arg4[%swap3A, %swap3A_9], %tanh3A {strides = array<i32>} : memref<2048x64xf32, #tpu.memory_space<vmem>>, vector<2048x64xf32>,
    return
  }
  func.func @transform_0(%arg0: i32) -> (i32, i32) {
    %c0_i32 = arith.constant 0 : i32
    %c0_i32_0 = arith.constant 0 : i32
    return %arg0, %c0_i32 : i32, i32
  }
  func.func @transform_1(%arg0: i32) -> (i32, i32) {
    %c0_i32 = arith.constant 0 : i32
    %c0_i32_0 = arith.constant 0 : i32
    %c0_i32_1 = arith.constant 0 : i32
    return %c0_i32, %c0_i32_0 : i32, i32
  }
  func.func @transform_2(%arg0: i32) -> i32 {
    %c0_i32 = arith.constant 0 : i32
    %c0_i32_0 = arith.constant 0 : i32
    return %c0_i32 : i32
  }
  func.func @transform_3(%arg0: i32) -> (i32, i32) {
    %c0_i32 = arith.constant 0 : i32
    %c0_i32_0 = arith.constant 0 : i32
    return %arg0, %c0_i32 : i32, i32
  }
}

</mosaic_0001>

<sc_bundles>
// kernel: kernel.4.cloned.1.call-start
scs
__scs_entry_jumppad:
0x0: {  	(pc) =	sbr.rel $0x88, $3  }
0x1: {  	(tag) =	ssettag $0x0;
	lr =	simm.s32 $0x1  }
0x2: {  	[smem:$0x3F9D] =	sst lr;
	_ =	strace $0xD0000000  }
0x3: {  	_ = 	snop  }
0x4: {  	_ = 	snop  }
0x5: {  	_ = 	snop  }
0x6: {  	_ = 	snop  }
0x7: {  	_ = 	snop  }
__scs_overlays_trampoline_lowered:
0x8: {  	[smem:$0x3FAC] =	sst s0  }
0x9: {  	[smem:$0x3FAD] =	sst s1  }
0xa: {  	[smem:$0x3FAE] =	sst s2  }
0xb: {  	[smem:$0x3FAF] =	sst s3  }
0xc: {  	[smem:$0x3FB0] =	sst s4  }
0xd: {  	[smem:$0x3FB1] =	sst s5  }
0xe: {  	[smem:$0x3FB2] =	sst s6  }
0xf: {  	[smem:$0x3FB3] =	sst s7  }
0x10: {  	[smem:$0x3FB4] =	sst s8  }
0x11: {  	[smem:$0x3FB5] =	sst s9;
	s0 =	simm.s32 @!p0 $0x0  }
0x12: {  	s1 =	sld [smem:$0x3F9B];
	s0 =	simm.s32 @p0 $0x1  }
0x13: {  	[smem:$0x3FB6] =	sst s0;
	s0 =	simm.s32 @!p1 $0x0  }
0x14: {  	s2 =	sld [smem:$0x3F9A];
	s0 =	simm.s32 @p1 $0x1  }
0x15: {  	[smem:$0x3FB7] =	sst s0;
	s0 =	simm.s32 @!p2 $0x0  }
0x16: {  	s3 =	sld [smem:$0x3FDB];
	s0 =	simm.s32 @p2 $0x1  }
0x17: {  	s4 =	simm.s32 $0x1BF5;
	[smem:$0x3FB9] =	sst s0  }
0x18: {  	s0 =	sld [smem:$0x3F9C];
	_ =	swait.ge [sflag:s4], $0x0  }
0x19: {  	s7 =	sld [smem:$0x3F9D]  }
0x1a: {  	s8 =	sadd.s32 $0xFFFFE003, lr  }
0x1b: {  	s9 =	sadd.s32 $0xFFFFFEF7, lr;
	s5 =	simm.s32 $0xFFFFFFFF;
	p2 =	slt.u32 s8, $0xFFFFF086  }
0x1c: {  	p1 =	slt.u32 s9, $0xF7A;
	s5 =	simm.s32 @!p2 $0x0  }
0x1d: {  	s5 =	simm.s32 @p1 $0x1;
	p0 =	seq.s32 s7, s2  }
0x1e: {  	s7 =	smul.u32 @!p0 $0xF7A, s2;
	p2 =	seq.s32 @!p0 s5, $0x0  }
0x1f: {  	s9 =	smul.u32 $0xF7A, s1;
	s8 =	simm.s32 @!p0 $0x1BF5;
	p2 =	por !p2, p0  }
0x20: {  	[sflag:s8] =	ssyncset.s32 @!p0 $0xFFFFF086;
	s6 =	sadd.s32 @!p0 s3, s7;
	s7 =	simm.s32 @!p0 $0x108  }
0x21: {  	s3 =	sadd.s32 s3, s9;
	s6 =	sadd.s32 @!p0 $0x88, s6;
	s7 =	simm.s32 @p2 $0x1082  }
0x22: {  	[simem:s7], [sflag:s8] =	dma.local @!p0 [hbm:s6], $0xF7A  }
0x23: {  	s9 =	sor.u32 $0xD0000000, s2;
	s6 =	simm.s32 $0x108;
	_ =	swait.ge @!p0 [sflag:s8], $0x0  }
0x24: {  	s3 =	sadd.s32 $0x88, s3;
	s6 =	simm.s32 @!p1 $0x1082;
	[sflag:s4] =	ssyncset.s32 $0xFFFFF086  }
0x25: {  	[simem:s6], [sflag:s4] =	dma.local [hbm:s3], $0xF7A  }
0x26: {  	[smem:$0x3F9D] =	sst s1;
	(tag) =	ssettag s2;
	_ =	strace s9  }
0x27: {  	s1 =	sld [smem:$0x3FAD]  }
0x28: {  	s2 =	sld [smem:$0x3FAE]  }
0x29: {  	s4 =	sld [smem:$0x3FB0]  }
0x2a: {  	p0 =	seq.s32 s5, $0x0;
	s5 =	sld [smem:$0x3FB1]  }
0x2b: {  	s6 =	sld [smem:$0x3FB2]  }
0x2c: {  	s7 =	sld [smem:$0x3FB3]  }
0x2d: {  	s3 =	simm.s32 $0x108;
	s8 =	sld [smem:$0x3FB4]  }
0x2e: {  	s3 =	simm.s32 @!p0 $0x1082;
	s9 =	sld [smem:$0x3FB5]  }
0x2f: {  	lr =	sadd.s32 s0, s3;
	s0 =	sld [smem:$0x3FAC]  }
0x30: {  	s3 =	sld [smem:$0x3FAF]  }
0x31: {  	[smem:$0x3FB8] =	sst s10  }
0x32: {  	s10 =	sld [smem:$0x3FB6];
	_ =	sdelay $0x3  }
0x33: {  	p0 =	seq.s32 s10, $0x1;
	s10 =	sld [smem:$0x3FB8];
	_ =	sdelay $0x3  }
0x34: {  	[smem:$0x3FB8] =	sst s10  }
0x35: {  	s10 =	sld [smem:$0x3FB7];
	_ =	sdelay $0x3  }
0x36: {  	p1 =	seq.s32 s10, $0x1;
	s10 =	sld [smem:$0x3FB8];
	_ =	sdelay $0x3  }
0x37: {  	[smem:$0x3FB8] =	sst s10  }
0x38: {  	s10 =	sld [smem:$0x3FB9]  }
0x39: {  	_ = 	snop;
	(pc) =	sbr.ind lr, $3  }
0x3a: {  	_ = 	snop  }
0x3b: {  	_ = 	snop  }
0x3c: {  	p2 =	seq.s32 s10, $0x1;
	s10 =	sld [smem:$0x3FB8]  }
0x3d: {  	_ =	shalt  }
0x3e: {  	_ =	shalt  }
0x3f: {  	_ =	shalt  }
0x40: {  	_ =	shalt  }
0x41: {  	_ =	shalt  }
0x42: {  	_ =	shalt  }
0x43: {  	_ =	shalt  }
0x44: {  	_ =	shalt  }
0x45: {  	_ =	shalt  }
0x46: {  	_ =	shalt  }
0x47: {  	_ =	shalt  }
0x48: {  	_ =	shalt  }
0x49: {  	_ =	shalt  }
0x4a: {  	_ =	shalt  }
0x4b: {  	_ =	shalt  }
0x4c: {  	_ =	shalt  }
0x4d: {  	_ =	shalt  }
0x4e: {  	_ =	shalt  }
0x4f: {  	_ =	shalt  }
0x50: {  	_ =	shalt  }
0x51: {  	_ =	shalt  }
0x52: {  	_ =	shalt  }
0x53: {  	_ =	shalt  }
0x54: {  	_ =	shalt  }
0x55: {  	_ =	shalt  }
0x56: {  	_ =	shalt  }
0x57: {  	_ =	shalt  }
0x58: {  	_ =	shalt  }
0x59: {  	_ =	shalt  }
0x5a: {  	_ =	shalt  }
0x5b: {  	_ =	shalt  }
0x5c: {  	_ =	shalt  }
0x5d: {  	_ =	shalt  }
0x5e: {  	_ =	shalt  }
0x5f: {  	_ =	shalt  }
0x60: {  	_ =	shalt  }
0x61: {  	_ =	shalt  }
0x62: {  	_ =	shalt  }
0x63: {  	_ =	shalt  }
0x64: {  	_ =	shalt  }
0x65: {  	_ =	shalt  }
0x66: {  	_ =	shalt  }
0x67: {  	_ =	shalt  }
0x68: {  	_ =	shalt  }
0x69: {  	_ =	shalt  }
0x6a: {  	_ =	shalt  }
0x6b: {  	_ =	shalt  }
0x6c: {  	_ =	shalt  }
0x6d: {  	_ =	shalt  }
0x6e: {  	_ =	shalt  }
0x6f: {  	_ =	shalt  }
0x70: {  	_ =	shalt  }
0x71: {  	_ =	shalt  }
0x72: {  	_ =	shalt  }
0x73: {  	_ =	shalt  }
0x74: {  	_ =	shalt  }
0x75: {  	_ =	shalt  }
0x76: {  	_ =	shalt  }
0x77: {  	_ =	shalt  }
0x78: {  	_ =	shalt  }
0x79: {  	_ =	shalt  }
0x7a: {  	_ =	shalt  }
0x7b: {  	_ =	shalt  }
0x7c: {  	_ =	shalt  }
0x7d: {  	_ =	shalt  }
0x7e: {  	_ =	shalt  }
0x7f: {  	_ =	shalt  }
0x80: {  	_ =	shalt  }
0x81: {  	_ =	shalt  }
0x82: {  	_ =	shalt  }
0x83: {  	_ =	shalt  }
0x84: {  	_ =	shalt  }
0x85: {  	_ =	shalt  }
0x86: {  	_ =	shalt  }
0x87: {  	_ =	shalt  }
.Lfunc_end0:
.L_simem_size_0:
called_computation_lowered:
.L_overlay_start_0:
0x88: {  	s2 =	sld [smem:$0x3FD9]  }
0x89: {  	s3 =	sld [smem:$0x3FFE];
	_ =	sdelay $0x1  }
0x8a: {  	s1 =	srdreg.scid  }
0x8b: {  	s0 =	sand.u32 $0x1, s1  }
0x8c: {  	s17 =	sshll.u32 s0, $0xA;
	s2 =	sadd.s32 s3, s2  }
0x8d: {  	s2 =	sadd.s32 s2, s17  }
0x8e: {  	[smem:$0x3FC4] =	sst s2  }
0x8f: {  	_ = 	snop  }
0x90: {  	s2 =	sld [smem:$0x3FC8];
	(tm) =	ssettm $0x1  }
0x91: {  	s18 =	sld [smem:$0x3FFB];
	_ =	sdelay $0x3  }
0x92: {  	_ =	strace s18  }
0x93: {  	s3 =	sld [smem:$0x3FFC];
	_ =	sdelay $0x3  }
0x94: {  	_ =	strace s3  }
0x95: {  	s3 =	sld [smem:$0x3FFD];
	_ =	sdelay $0x3  }
0x96: {  	_ =	strace s3  }
0x97: {  	_ =	strace $0x8FFFFFFF  }
0x98: {  	s19 =	sld [smem:$0x3FDB];
	_ =	sdelay $0x1  }
0x99: {  	s4 =	simm.s32 $_scs_section_size  }
0x9a: {  	s5 =	simm.s32 $_size__tile_overlayer_lowered;
	s6 =	simm.s32 $_tile_overlayer_lowered  }
0x9b: {  	s22 =	simm.s32 $0x1BFF;
	s21 =	sshll.u32 s6, $0x1;
	s3 =	sadd.s32 s4, s19  }
0x9c: {  	s7 =	simm.s32 $0x0;
	s20 =	sshll.u32 s5, $0x1;
	s5 =	sadd.s32 s21, s3  }
0x9d: {  	[timem:s7], [sflag:s22] =	dma.local [hbm:s5], s20  }
0x9e: {  	_ =	swait.ge [sflag:s22], s20  }
0x9f: {  	s4 =	ssub.s32 $0x0, s20;
	[sflag:s22] =	ssyncset.done $0x0  }
0xa0: {  	[sflag:s22] =	ssyncadd.s32 s4;
	_ =	sdelay $0x1  }
0xa1: {  	s23 =	simm.s32 $0x1B8B  }
0xa2: {  	_ =	swait.ge [sflag:s23], $0x1  }
0xa3: {  	[sflag:s23] =	ssyncset.done $0x0  }
0xa4: {  	s25 =	simm.s32 $0x1B8E;
	s24 =	sld [smem:$0x3FFE];
	[sflag:s23] =	ssyncadd.s32 $0xFFFFFFFF  }
0xa5: {  	s26 =	simm.s32 $execute0_lowered;
	[smem:$0x3FD2] =	sst s25  }
0xa6: {  	s5 =	sshll.u32 s26, $0x1;
	_ =	strace $0x80000046;
	[dreg:$0x1] =	wrdreg $0xFFFFFFFF  }
0xa7: {  	s28 =	simm.s32 $_size_execute0_lowered;
	s3 =	sadd.s32 s3, s5;
	[dreg:$0x0] =	wrdreg $0x0  }
0xa8: {  	s5 =	sshll.u32 s28, $0x1;
	[dreg:$0x2] =	wrdreg s3  }
0xa9: {  	[dreg:$0x3] =	wrdreg s5  }
0xaa: {  	[dreg:$0x4] =	wrdreg $0xC0  }
0xab: {  	_ =	task [dreg:s7], $0x5FFFF  }
0xac: {  	[dreg:$0x1] =	wrdreg $0xFFFFFFFF  }
0xad: {  	[dreg:$0x0] =	wrdreg $0x60  }
0xae: {  	[dreg:$0x2] =	wrdreg s24  }
0xaf: {  	[dreg:$0x3] =	wrdreg s2  }
0xb0: {  	[dreg:$0x4] =	wrdreg $0x9  }
0xb1: {  	_ =	task.clear_ibuf [dreg:s7], $0x5FFFF;
	_ =	strace $0x90000046  }
0xb2: {  	s29 =	simm.s32 $0x9;
	_ =	strace $0x80000048  }
0xb3: {  	_ =	swait.ge [sflag:s29], $0x1  }
0xb4: {  	[sflag:s29] =	ssyncadd.s32 $0xFFFFFFFF  }
0xb5: {  	_ =	strace $0x90000048  }
0xb6: {  	_ =	sfence  }
0xb7: {  	s30 =	sld [smem:$0x0];
	_ =	sdelay $0x2  }
0xb8: {  	s31 =	sshll.u32 s1, $0xD;
	s1 =	sshrl.u32 s1, $0x2  }
0xb9: {  	s3 =	sand.u32 $0x4000, s31;
	s1 =	sadd.s32 s1, s30  }
0xba: {  	s0 =	sor.u32 s3, s0;
	s1 =	sshll.u32 s1, $0x11  }
0xbb: {  	s0 =	sor.u32 s1, s0  }
0xbc: {  	s0 =	sadd.s32 $0x8F2B, s0  }
0xbd: {  	[sflag:s0] =	ssyncadd.remote.s32 $0x1  }
0xbe: {  	_ =	sfence.sel $0xFFFF  }
0xbf: {  	[dreg:$0x0] =	wrdreg $0xFFFFFFFF;
	(pc) =	sbr.abs _section_cstart, $3  }
0xc0: {  	[dreg:$0x1] =	wrdreg $0xFFFFFFFF  }
0xc1: {  	_ =	task.clear_ibuf [dreg:s7], $0x2FFFF;
	_ =	strace $0x9FFFFFFF  }
0xc2: {  	(tm) =	ssettm $0x7FFFFFFF  }
0xc3: {  	_ =	shalt  }
tec
execute0_lowered:
.L_overlay_start_1:
0x0: {  	(tag) =	ssettag $0x1  }
0x1: {  	s0 =	srdreg.scid  }
0x2: {  	s1 =	rddreg [dreg:$0x0];
	s3 =	stileid.u32  }
0x3: {  	s2 =	rddreg [dreg:$0x1];
	s8 =	simm.s32 $0x9;
	s9 =	simm.s32 $0x32  }
0x4: {  	s19 =	simm.s32 $0x280;
	s20 =	simm.s32 $0x18C00;
	s21 =	simm.s32 $0x300  }
0x5: {  	s22 =	simm.s32 $0x1A800;
	s23 =	simm.s32 $0x380;
	s24 =	simm.s32 $0x1C400  }
0x6: {  	s25 =	simm.s32 $0x1;
	s28 =	simm.s32 $0x3;
	s29 =	simm.s32 $0x4  }
0x7: {  	s30 =	simm.s32 $0x5;
	s31 =	simm.s32 $0x6;
	s10 =	simm.s32 $0x1E000  }
0x8: {  	s11 =	simm.s32 $0x0;
	s0 =	sand.u32 $0x1, s0;
	s4 =	sshll.u32 s3, $0xA  }
0x9: {  	s3 =	simm.s32 $0x0;
	s5 =	sshll.u32 s0, $0x9;
	s0 =	ssub.s32 $0x2, s0  }
0xa: {  	[smem:$0x7FF] =	sst s3;
	s5 =	sor.u32 s5, s4;
	s7 =	sshrl.u32 s0, $0x1  }
0xb: {  	_ =	strace $0x80000047;
	s4 =	sshll.u32 s5, $0x4;
	s0 =	ssub.s32 s0, s7  }
0xc: {  	s26 =	sshll.u32 s5, $0x7;
	s6 =	sadd.s32 s4, s1;
	s4 =	sadd.s32 $0x40A00, s1  }
0xd: {  	s7 =	sadd.s32 $0xFFFFF400, s26;
	s26 =	simm.s32 $0x2;
	s1 =	simm.s32 $0x7  }
0xe: {  	s5 =	sadd.s32 $0xA00, s6;
	s6 =	smax.u32 s0, $0x1;
	s0 =	simm.s32 $0x8  }
.LBB2_1:
0xf: {  	[tilespmem:s3], [sflag:$0x9] =	stream.linear.gather [hbm4b:s5+s3], $0x10000, $0x38;
	[tilespmem:$0x1F000] =	vst v63  }
0x10: {  	_ =	swait.ge [sflag:s8], $0x10000  }
0x11: {  	[sflag:s8] =	ssyncset.done $0x0  }
0x12: {  	s12 =	simm.s32 $0x10000;
	[sflag:s8] =	ssyncadd.s32 $0xFFFF0000  }
0x13: {  	[tilespmem:s12], [sflag:$0x1] =	stream.indirect.gather [hbm4b:s2+s9], $0x80, s3, s9, $0xb8;
	[tilespmem:$0x1F000] =	vst v63  }
0x14: {  	s18 =	simm.s32 $0x80;
	s13 =	simm.s32 $0x11C00  }
0x15: {  	[tilespmem:s13], [sflag:$0x2] =	stream.indirect.gather [hbm4b:s2+s9], $0x80, s18, s9, $0xb8;
	[tilespmem:$0x1F000] =	vst v63  }
0x16: {  	s14 =	simm.s32 $0x13800;
	s13 =	simm.s32 $0x100  }
0x17: {  	[tilespmem:s14], [sflag:$0x3] =	stream.indirect.gather [hbm4b:s2+s9], $0x80, s13, s9, $0xb8;
	[tilespmem:$0x1F000] =	vst v63  }
0x18: {  	s15 =	simm.s32 $0x180;
	s16 =	simm.s32 $0x15400  }
0x19: {  	[tilespmem:s16], [sflag:$0x4] =	stream.indirect.gather [hbm4b:s2+s9], $0x80, s15, s9, $0xb8;
	[tilespmem:$0x1F000] =	vst v63  }
0x1a: {  	s17 =	simm.s32 $0x200;
	s18 =	simm.s32 $0x17000  }
0x1b: {  	[tilespmem:s18], [sflag:$0x5] =	stream.indirect.gather [hbm4b:s2+s9], $0x80, s17, s9, $0xb8;
	[tilespmem:$0x1F000] =	vst v63  }
0x1c: {  	_ = 	snop  }
0x1d: {  	[tilespmem:s20], [sflag:$0x6] =	stream.indirect.gather [hbm4b:s2+s9], $0x80, s19, s9, $0xb8;
	[tilespmem:$0x1F000] =	vst v63  }
0x1e: {  	_ = 	snop  }
0x1f: {  	[tilespmem:s22], [sflag:$0x7] =	stream.indirect.gather [hbm4b:s2+s9], $0x80, s21, s9, $0xb8;
	[tilespmem:$0x1F000] =	vst v63  }
0x20: {  	s12 =	simm.s32 $0x0  }
0x21: {  	[tilespmem:s24], [sflag:$0x8] =	stream.indirect.gather [hbm4b:s2+s9], $0x80, s23, s9, $0xb8;
	[tilespmem:$0x1F000] =	vst v63  }
.LBB2_2:
0x22: {  	_ =	swait.ge [sflag:s25], $0x1900  }
0x23: {  	[sflag:s25] =	ssyncset.done $0x0  }
0x24: {  	s13 =	simm.s32 $0x0;
	[sflag:s25] =	ssyncadd.s32 $0xFFFFE700  }
0x25: {  	v0 =	vld [tilespmem:s13+$0x10200]  }
0x26: {  	v1 =	vld [tilespmem:s13+$0x10210]  }
0x27: {  	v2 =	vld [tilespmem:s13+$0x10180]  }
0x28: {  	v3 =	vld [tilespmem:s13+$0x10190]  }
0x29: {  	v4 =	vld [tilespmem:s13+$0x10100]  }
0x2a: {  	v5 =	vld [tilespmem:s13+$0x10110]  }
0x2b: {  	v6 =	vld [tilespmem:s13+$0x10080]  }
0x2c: {  	v7 =	vld [tilespmem:s13+$0x10090]  }
0x2d: {  	v13 =	vld [tilespmem:s13+$0x10000]  }
0x2e: {  	v8 =	vimm.f32 $0.0e+00;
	v14 =	vld [tilespmem:s13+$0x10010]  }
0x2f: {  	s14 =	simm.s32 $0xA00;
	v11 =	vimm.f32 $0.0e+00;
	v10 =	vimm.f32 $0.0e+00;
	v9 =	vimm.f32 $0.0e+00;
	v12 =	vld [tilespmem:s13+$0x10020]  }
.LBB2_3:
0x30: {  	p0 =	sne.s32 s14, $0x5A00;
	v15 =	vld [tilespmem:s13+$0x10030]  }
0x31: {  	v16 =	vld [tilespmem:s13+$0x100A0]  }
0x32: {  	v17 =	vld [tilespmem:s13+$0x100B0]  }
0x33: {  	v18 =	vld [tilespmem:s13+$0x10120]  }
0x34: {  	v8 =	vadd.f32 v13, v8;
	v11 =	vadd.f32 v14, v11;
	v13 =	vld [tilespmem:s13+$0x10130]  }
0x35: {  	v10 =	vadd.f32 v12, v10;
	v9 =	vadd.f32 v15, v9;
	v12 =	vld [tilespmem:s13+$0x101A0]  }
0x36: {  	v6 =	vadd.f32 v6, v8;
	v7 =	vadd.f32 v7, v11;
	v8 =	vld [tilespmem:s13+$0x101B0]  }
0x37: {  	v10 =	vadd.f32 v16, v10;
	v9 =	vadd.f32 v17, v9;
	v14 =	vld [tilespmem:s13+$0x10220]  }
0x38: {  	v4 =	vadd.f32 v4, v6;
	v5 =	vadd.f32 v5, v7;
	v6 =	vld [tilespmem:s13+$0x10230];
	s13 =	sshra.s32 s14, $0x2  }
0x39: {  	v10 =	vadd.f32 v18, v10;
	v7 =	vld [tilespmem:s13+$0x10200];
	v9 =	vadd.f32 v13, v9  }
0x3a: {  	v4 =	vadd.f32 v2, v4;
	v5 =	vadd.f32 v3, v5;
	v13 =	vld [tilespmem:s13+$0x10210]  }
0x3b: {  	v10 =	vadd.f32 v12, v10;
	v2 =	vld [tilespmem:s13+$0x10180];
	v9 =	vadd.f32 v8, v9  }
0x3c: {  	v8 =	vadd.f32 v0, v4;
	v11 =	vadd.f32 v1, v5;
	v3 =	vld [tilespmem:s13+$0x10190]  }
0x3d: {  	v10 =	vadd.f32 v14, v10;
	v4 =	vld [tilespmem:s13+$0x10100];
	v9 =	vadd.f32 v6, v9  }
0x3e: {  	v5 =	vld [tilespmem:s13+$0x10110];
	v0 =	vmov v7  }
.Ltmp0:
0x3f: {  	v6 =	vld [tilespmem:s13+$0x10080];
	v1 =	vmov v13;
	(pc) =	sbr.rel @p0 .LBB2_3-.Ltmp0, $4  }
0x40: {  	v7 =	vld [tilespmem:s13+$0x10090]  }
0x41: {  	v13 =	vld [tilespmem:s13+$0x10000]  }
0x42: {  	v14 =	vld [tilespmem:s13+$0x10010]  }
0x43: {  	s14 =	sadd.s32 $0xA00, s14;
	v12 =	vld [tilespmem:s13+$0x10020]  }
0x44: {  	v15 =	vld [tilespmem:s13+$0x10030]  }
0x45: {  	v16 =	vld [tilespmem:s13+$0x100A0]  }
0x46: {  	v17 =	vld [tilespmem:s13+$0x100B0];
	v8 =	vadd.f32 v13, v8  }
0x47: {  	v13 =	vld [tilespmem:s13+$0x10120];
	v11 =	vadd.f32 v14, v11  }
0x48: {  	v14 =	vld [tilespmem:s13+$0x10130];
	v10 =	vadd.f32 v12, v10;
	v6 =	vadd.f32 v6, v8  }
0x49: {  	v8 =	vadd.f32 v15, v9;
	v9 =	vld [tilespmem:s13+$0x101A0];
	v7 =	vadd.f32 v7, v11  }
0x4a: {  	v11 =	vld [tilespmem:s13+$0x101B0];
	v10 =	vadd.f32 v16, v10;
	v4 =	vadd.f32 v4, v6  }
0x4b: {  	v6 =	vadd.f32 v17, v8;
	v8 =	vld [tilespmem:s13+$0x10220];
	v5 =	vadd.f32 v5, v7  }
0x4c: {  	v7 =	vld [tilespmem:s13+$0x10230];
	v10 =	vadd.f32 v13, v10;
	v2 =	vadd.f32 v2, v4  }
0x4d: {  	v4 =	vadd.f32 v14, v6;
	v3 =	vadd.f32 v3, v5  }
0x4e: {  	v5 =	vadd.f32 v9, v10;
	v0 =	vadd.f32 v0, v2  }
0x4f: {  	v2 =	vadd.f32 v11, v4;
	v1 =	vadd.f32 v1, v3  }
0x50: {  	s13 =	sshll.u32 s12, $0xA;
	v3 =	vadd.f32 v8, v5;
	v0 =	vmul.f32 $1.999999960e-02, v0  }
0x51: {  	s14 =	sand.u32 $0xC00, s13;
	v2 =	vadd.f32 v7, v2;
	v1 =	vmul.f32 $1.999999960e-02, v1  }
0x52: {  	[tilespmem:s14+$0x1E000] =	vst v0;
	v0 =	vmul.f32 $1.999999960e-02, v3  }
0x53: {  	[tilespmem:s14+$0x1E010] =	vst v1;
	v1 =	vmul.f32 $1.999999960e-02, v2  }
0x54: {  	[tilespmem:s14+$0x1E020] =	vst v0  }
0x55: {  	s15 =	simm.s32 $0x0;
	[tilespmem:s14+$0x1E030] =	vst v1  }
0x56: {  	v0 =	vld [tilespmem:s15+$0x10240]  }
0x57: {  	v1 =	vld [tilespmem:s15+$0x10250]  }
0x58: {  	v2 =	vld [tilespmem:s15+$0x101C0]  }
0x59: {  	v3 =	vld [tilespmem:s15+$0x101D0]  }
0x5a: {  	v4 =	vld [tilespmem:s15+$0x10140]  }
0x5b: {  	v5 =	vld [tilespmem:s15+$0x10150]  }
0x5c: {  	v6 =	vld [tilespmem:s15+$0x100C0]  }
0x5d: {  	v7 =	vld [tilespmem:s15+$0x100D0]  }
0x5e: {  	v13 =	vld [tilespmem:s15+$0x10040]  }
0x5f: {  	v10 =	vimm.f32 $0.0e+00;
	v14 =	vld [tilespmem:s15+$0x10050]  }
0x60: {  	s16 =	simm.s32 $0xA00;
	v9 =	vimm.f32 $0.0e+00;
	v11 =	vimm.f32 $0.0e+00;
	v8 =	vimm.f32 $0.0e+00;
	v12 =	vld [tilespmem:s15+$0x10060]  }
.LBB2_5:
0x61: {  	p0 =	sne.s32 s16, $0x5A00;
	v15 =	vld [tilespmem:s15+$0x10070]  }
0x62: {  	v16 =	vld [tilespmem:s15+$0x100E0]  }
0x63: {  	v17 =	vld [tilespmem:s15+$0x100F0]  }
0x64: {  	v18 =	vld [tilespmem:s15+$0x10160]  }
0x65: {  	v8 =	vadd.f32 v13, v8;
	v11 =	vadd.f32 v14, v11;
	v13 =	vld [tilespmem:s15+$0x10170]  }
0x66: {  	v10 =	vadd.f32 v12, v10;
	v9 =	vadd.f32 v15, v9;
	v12 =	vld [tilespmem:s15+$0x101E0]  }
0x67: {  	v6 =	vadd.f32 v6, v8;
	v7 =	vadd.f32 v7, v11;
	v8 =	vld [tilespmem:s15+$0x101F0]  }
0x68: {  	v10 =	vadd.f32 v16, v10;
	v9 =	vadd.f32 v17, v9;
	v14 =	vld [tilespmem:s15+$0x10260]  }
0x69: {  	v4 =	vadd.f32 v4, v6;
	v5 =	vadd.f32 v5, v7;
	v6 =	vld [tilespmem:s15+$0x10270];
	s15 =	sshra.s32 s16, $0x2  }
0x6a: {  	v10 =	vadd.f32 v18, v10;
	v7 =	vld [tilespmem:s15+$0x10240];
	v9 =	vadd.f32 v13, v9  }
0x6b: {  	v4 =	vadd.f32 v2, v4;
	v5 =	vadd.f32 v3, v5;
	v13 =	vld [tilespmem:s15+$0x10250]  }
0x6c: {  	v10 =	vadd.f32 v12, v10;
	v2 =	vld [tilespmem:s15+$0x101C0];
	v9 =	vadd.f32 v8, v9  }
0x6d: {  	v8 =	vadd.f32 v0, v4;
	v11 =	vadd.f32 v1, v5;
	v3 =	vld [tilespmem:s15+$0x101D0]  }
0x6e: {  	v10 =	vadd.f32 v14, v10;
	v4 =	vld [tilespmem:s15+$0x10140];
	v9 =	vadd.f32 v6, v9  }
0x6f: {  	v5 =	vld [tilespmem:s15+$0x10150];
	v0 =	vmov v7  }
.Ltmp1:
0x70: {  	v6 =	vld [tilespmem:s15+$0x100C0];
	v1 =	vmov v13;
	(pc) =	sbr.rel @p0 .LBB2_5-.Ltmp1, $4  }
0x71: {  	v7 =	vld [tilespmem:s15+$0x100D0]  }
0x72: {  	v13 =	vld [tilespmem:s15+$0x10040]  }
0x73: {  	v14 =	vld [tilespmem:s15+$0x10050]  }
0x74: {  	s16 =	sadd.s32 $0xA00, s16;
	v12 =	vld [tilespmem:s15+$0x10060]  }
0x75: {  	v15 =	vld [tilespmem:s15+$0x10070]  }
0x76: {  	v16 =	vld [tilespmem:s15+$0x100E0]  }
0x77: {  	v17 =	vld [tilespmem:s15+$0x100F0];
	v8 =	vadd.f32 v13, v8  }
0x78: {  	v13 =	vld [tilespmem:s15+$0x10160];
	v11 =	vadd.f32 v14, v11  }
0x79: {  	v14 =	vld [tilespmem:s15+$0x10170];
	v10 =	vadd.f32 v12, v10;
	v6 =	vadd.f32 v6, v8  }
0x7a: {  	v8 =	vadd.f32 v15, v9;
	v9 =	vld [tilespmem:s15+$0x101E0];
	v7 =	vadd.f32 v7, v11  }
0x7b: {  	v11 =	vld [tilespmem:s15+$0x101F0];
	v10 =	vadd.f32 v16, v10;
	v4 =	vadd.f32 v4, v6  }
0x7c: {  	v6 =	vadd.f32 v17, v8;
	v8 =	vld [tilespmem:s15+$0x10260];
	v5 =	vadd.f32 v5, v7  }
0x7d: {  	v7 =	vld [tilespmem:s15+$0x10270];
	v10 =	vadd.f32 v13, v10;
	v2 =	vadd.f32 v2, v4  }
0x7e: {  	v4 =	vadd.f32 v14, v6;
	v3 =	vadd.f32 v3, v5  }
0x7f: {  	v5 =	vadd.f32 v9, v10;
	v0 =	vadd.f32 v0, v2  }
0x80: {  	v2 =	vadd.f32 v11, v4;
	v1 =	vadd.f32 v1, v3  }
0x81: {  	v3 =	vadd.f32 v8, v5;
	v0 =	vmul.f32 $1.999999960e-02, v0  }
0x82: {  	v2 =	vadd.f32 v7, v2;
	v1 =	vmul.f32 $1.999999960e-02, v1  }
0x83: {  	p0 =	seq.s32 s12, $0x3F;
	[tilespmem:s14+$0x1E040] =	vst v0;
	v0 =	vmul.f32 $1.999999960e-02, v3  }
0x84: {  	s15 =	sshll.u32 @!p0 s12, $0xA;
	[tilespmem:s14+$0x1E050] =	vst v1;
	v1 =	vmul.f32 $1.999999960e-02, v2  }
0x85: {  	s15 =	sand.u32 @!p0 $0x3FFFFC00, s15;
	[tilespmem:s14+$0x1E060] =	vst v0  }
0x86: {  	s17 =	simm.s32 @!p0 $0x32;
	s18 =	simm.s32 @!p0 $0x10000;
	s16 =	sadd.s32 @!p0 $0x400, s15;
	[tilespmem:s14+$0x1E070] =	vst v1  }
0x87: {  	[tilespmem:s18], [sflag:$0x1] =	stream.indirect.gather @!p0 [hbm4b:s2+s17], $0x80, s16, s17, $0xb8;
	[tilespmem:$0x1F000] =	vst v63  }
0x88: {  	_ =	swait.ge [sflag:s26], $0x1900  }
0x89: {  	[sflag:s26] =	ssyncset.done $0x0  }
0x8a: {  	s16 =	simm.s32 $0x0;
	[sflag:s26] =	ssyncadd.s32 $0xFFFFE700  }
0x8b: {  	v0 =	vld [tilespmem:s16+$0x11E00]  }
0x8c: {  	v1 =	vld [tilespmem:s16+$0x11E10]  }
0x8d: {  	v2 =	vld [tilespmem:s16+$0x11D80]  }
0x8e: {  	v3 =	vld [tilespmem:s16+$0x11D90]  }
0x8f: {  	v4 =	vld [tilespmem:s16+$0x11D00]  }
0x90: {  	v5 =	vld [tilespmem:s16+$0x11D10]  }
0x91: {  	v6 =	vld [tilespmem:s16+$0x11C80]  }
0x92: {  	v7 =	vld [tilespmem:s16+$0x11C90]  }
0x93: {  	v13 =	vld [tilespmem:s16+$0x11C00]  }
0x94: {  	v10 =	vimm.f32 $0.0e+00;
	v14 =	vld [tilespmem:s16+$0x11C10]  }
0x95: {  	v9 =	vimm.f32 $0.0e+00;
	v11 =	vimm.f32 $0.0e+00;
	v8 =	vimm.f32 $0.0e+00;
	s17 =	simm.s32 $0xA00;
	v12 =	vld [tilespmem:s16+$0x11C20]  }
.LBB2_7:
0x96: {  	p1 =	sne.s32 s17, $0x5A00;
	v15 =	vld [tilespmem:s16+$0x11C30]  }
0x97: {  	v16 =	vld [tilespmem:s16+$0x11CA0]  }
0x98: {  	v17 =	vld [tilespmem:s16+$0x11CB0]  }
0x99: {  	v18 =	vld [tilespmem:s16+$0x11D20]  }
0x9a: {  	v8 =	vadd.f32 v13, v8;
	v11 =	vadd.f32 v14, v11;
	v13 =	vld [tilespmem:s16+$0x11D30]  }
0x9b: {  	v10 =	vadd.f32 v12, v10;
	v9 =	vadd.f32 v15, v9;
	v12 =	vld [tilespmem:s16+$0x11DA0]  }
0x9c: {  	v6 =	vadd.f32 v6, v8;
	v7 =	vadd.f32 v7, v11;
	v8 =	vld [tilespmem:s16+$0x11DB0]  }
0x9d: {  	v10 =	vadd.f32 v16, v10;
	v9 =	vadd.f32 v17, v9;
	v14 =	vld [tilespmem:s16+$0x11E20]  }
0x9e: {  	v4 =	vadd.f32 v4, v6;
	v5 =	vadd.f32 v5, v7;
	v6 =	vld [tilespmem:s16+$0x11E30];
	s16 =	sshra.s32 s17, $0x2  }
0x9f: {  	v10 =	vadd.f32 v18, v10;
	v7 =	vld [tilespmem:s16+$0x11E00];
	v9 =	vadd.f32 v13, v9  }
0xa0: {  	v4 =	vadd.f32 v2, v4;
	v5 =	vadd.f32 v3, v5;
	v13 =	vld [tilespmem:s16+$0x11E10]  }
0xa1: {  	v10 =	vadd.f32 v12, v10;
	v2 =	vld [tilespmem:s16+$0x11D80];
	v9 =	vadd.f32 v8, v9  }
0xa2: {  	v8 =	vadd.f32 v0, v4;
	v11 =	vadd.f32 v1, v5;
	v3 =	vld [tilespmem:s16+$0x11D90]  }
0xa3: {  	v10 =	vadd.f32 v14, v10;
	v4 =	vld [tilespmem:s16+$0x11D00];
	v9 =	vadd.f32 v6, v9  }
0xa4: {  	v5 =	vld [tilespmem:s16+$0x11D10];
	v0 =	vmov v7  }
.Ltmp2:
0xa5: {  	v6 =	vld [tilespmem:s16+$0x11C80];
	v1 =	vmov v13;
	(pc) =	sbr.rel @p1 .LBB2_7-.Ltmp2, $4  }
0xa6: {  	v7 =	vld [tilespmem:s16+$0x11C90]  }
0xa7: {  	v13 =	vld [tilespmem:s16+$0x11C00]  }
0xa8: {  	v14 =	vld [tilespmem:s16+$0x11C10]  }
0xa9: {  	s17 =	sadd.s32 $0xA00, s17;
	v12 =	vld [tilespmem:s16+$0x11C20]  }
0xaa: {  	v15 =	vld [tilespmem:s16+$0x11C30]  }
0xab: {  	v16 =	vld [tilespmem:s16+$0x11CA0]  }
0xac: {  	v17 =	vld [tilespmem:s16+$0x11CB0];
	v8 =	vadd.f32 v13, v8  }
0xad: {  	v13 =	vld [tilespmem:s16+$0x11D20];
	v11 =	vadd.f32 v14, v11  }
0xae: {  	v14 =	vld [tilespmem:s16+$0x11D30];
	v10 =	vadd.f32 v12, v10;
	v6 =	vadd.f32 v6, v8  }
0xaf: {  	v8 =	vadd.f32 v15, v9;
	v9 =	vld [tilespmem:s16+$0x11DA0];
	v7 =	vadd.f32 v7, v11  }
0xb0: {  	v11 =	vld [tilespmem:s16+$0x11DB0];
	v10 =	vadd.f32 v16, v10;
	v4 =	vadd.f32 v4, v6  }
0xb1: {  	v6 =	vadd.f32 v17, v8;
	v8 =	vld [tilespmem:s16+$0x11E20];
	v5 =	vadd.f32 v5, v7  }
0xb2: {  	v7 =	vld [tilespmem:s16+$0x11E30];
	v10 =	vadd.f32 v13, v10;
	v2 =	vadd.f32 v2, v4  }
0xb3: {  	v4 =	vadd.f32 v14, v6;
	v3 =	vadd.f32 v3, v5  }
0xb4: {  	v5 =	vadd.f32 v9, v10;
	v0 =	vadd.f32 v0, v2  }
0xb5: {  	v2 =	vadd.f32 v11, v4;
	v1 =	vadd.f32 v1, v3  }
0xb6: {  	v3 =	vadd.f32 v8, v5;
	v0 =	vmul.f32 $1.999999960e-02, v0  }
0xb7: {  	v2 =	vadd.f32 v7, v2;
	v1 =	vmul.f32 $1.999999960e-02, v1  }
0xb8: {  	[tilespmem:s14+$0x1E080] =	vst v0;
	v0 =	vmul.f32 $1.999999960e-02, v3  }
0xb9: {  	[tilespmem:s14+$0x1E090] =	vst v1;
	v1 =	vmul.f32 $1.999999960e-02, v2  }
0xba: {  	[tilespmem:s14+$0x1E0A0] =	vst v0  }
0xbb: {  	s16 =	simm.s32 $0x0;
	[tilespmem:s14+$0x1E0B0] =	vst v1  }
0xbc: {  	v0 =	vld [tilespmem:s16+$0x11E40]  }
0xbd: {  	v1 =	vld [tilespmem:s16+$0x11E50]  }
0xbe: {  	v2 =	vld [tilespmem:s16+$0x11DC0]  }
0xbf: {  	v3 =	vld [tilespmem:s16+$0x11DD0]  }
0xc0: {  	v4 =	vld [tilespmem:s16+$0x11D40]  }
0xc1: {  	v5 =	vld [tilespmem:s16+$0x11D50]  }
0xc2: {  	v6 =	vld [tilespmem:s16+$0x11CC0]  }
0xc3: {  	v7 =	vld [tilespmem:s16+$0x11CD0]  }
0xc4: {  	v13 =	vld [tilespmem:s16+$0x11C40]  }
0xc5: {  	v10 =	vimm.f32 $0.0e+00;
	v14 =	vld [tilespmem:s16+$0x11C50]  }
0xc6: {  	s17 =	simm.s32 $0xA00;
	v9 =	vimm.f32 $0.0e+00;
	v11 =	vimm.f32 $0.0e+00;
	v8 =	vimm.f32 $0.0e+00;
	v12 =	vld [tilespmem:s16+$0x11C60]  }
.LBB2_9:
0xc7: {  	p1 =	sne.s32 s17, $0x5A00;
	v15 =	vld [tilespmem:s16+$0x11C70]  }
0xc8: {  	v16 =	vld [tilespmem:s16+$0x11CE0]  }
0xc9: {  	v17 =	vld [tilespmem:s16+$0x11CF0]  }
0xca: {  	v18 =	vld [tilespmem:s16+$0x11D60]  }
0xcb: {  	v8 =	vadd.f32 v13, v8;
	v11 =	vadd.f32 v14, v11;
	v13 =	vld [tilespmem:s16+$0x11D70]  }
0xcc: {  	v10 =	vadd.f32 v12, v10;
	v9 =	vadd.f32 v15, v9;
	v12 =	vld [tilespmem:s16+$0x11DE0]  }
0xcd: {  	v6 =	vadd.f32 v6, v8;
	v7 =	vadd.f32 v7, v11;
	v8 =	vld [tilespmem:s16+$0x11DF0]  }
0xce: {  	v10 =	vadd.f32 v16, v10;
	v9 =	vadd.f32 v17, v9;
	v14 =	vld [tilespmem:s16+$0x11E60]  }
0xcf: {  	v4 =	vadd.f32 v4, v6;
	v5 =	vadd.f32 v5, v7;
	v6 =	vld [tilespmem:s16+$0x11E70];
	s16 =	sshra.s32 s17, $0x2  }
0xd0: {  	v10 =	vadd.f32 v18, v10;
	v7 =	vld [tilespmem:s16+$0x11E40];
	v9 =	vadd.f32 v13, v9  }
0xd1: {  	v4 =	vadd.f32 v2, v4;
	v5 =	vadd.f32 v3, v5;
	v13 =	vld [tilespmem:s16+$0x11E50]  }
0xd2: {  	v10 =	vadd.f32 v12, v10;
	v2 =	vld [tilespmem:s16+$0x11DC0];
	v9 =	vadd.f32 v8, v9  }
0xd3: {  	v8 =	vadd.f32 v0, v4;
	v11 =	vadd.f32 v1, v5;
	v3 =	vld [tilespmem:s16+$0x11DD0]  }
0xd4: {  	v10 =	vadd.f32 v14, v10;
	v4 =	vld [tilespmem:s16+$0x11D40];
	v9 =	vadd.f32 v6, v9  }
0xd5: {  	v5 =	vld [tilespmem:s16+$0x11D50];
	v0 =	vmov v7  }
.Ltmp3:
0xd6: {  	v6 =	vld [tilespmem:s16+$0x11CC0];
	v1 =	vmov v13;
	(pc) =	sbr.rel @p1 .LBB2_9-.Ltmp3, $4  }
0xd7: {  	v7 =	vld [tilespmem:s16+$0x11CD0]  }
0xd8: {  	v13 =	vld [tilespmem:s16+$0x11C40]  }
0xd9: {  	v14 =	vld [tilespmem:s16+$0x11C50]  }
0xda: {  	s17 =	sadd.s32 $0xA00, s17;
	v12 =	vld [tilespmem:s16+$0x11C60]  }
0xdb: {  	v15 =	vld [tilespmem:s16+$0x11C70]  }
0xdc: {  	v16 =	vld [tilespmem:s16+$0x11CE0]  }
0xdd: {  	v17 =	vld [tilespmem:s16+$0x11CF0];
	v8 =	vadd.f32 v13, v8  }
0xde: {  	v13 =	vld [tilespmem:s16+$0x11D60];
	v11 =	vadd.f32 v14, v11  }
0xdf: {  	v14 =	vld [tilespmem:s16+$0x11D70];
	v10 =	vadd.f32 v12, v10;
	v6 =	vadd.f32 v6, v8  }
0xe0: {  	v8 =	vadd.f32 v15, v9;
	v9 =	vld [tilespmem:s16+$0x11DE0];
	v7 =	vadd.f32 v7, v11  }
0xe1: {  	v11 =	vld [tilespmem:s16+$0x11DF0];
	v10 =	vadd.f32 v16, v10;
	v4 =	vadd.f32 v4, v6  }
0xe2: {  	v6 =	vadd.f32 v17, v8;
	v8 =	vld [tilespmem:s16+$0x11E60];
	v5 =	vadd.f32 v5, v7  }
0xe3: {  	v7 =	vld [tilespmem:s16+$0x11E70];
	v10 =	vadd.f32 v13, v10;
	v2 =	vadd.f32 v2, v4  }
0xe4: {  	v4 =	vadd.f32 v14, v6;
	v3 =	vadd.f32 v3, v5  }
0xe5: {  	v5 =	vadd.f32 v9, v10;
	v0 =	vadd.f32 v0, v2  }
0xe6: {  	v2 =	vadd.f32 v11, v4;
	v1 =	vadd.f32 v1, v3  }
0xe7: {  	v3 =	vadd.f32 v8, v5;
	v0 =	vmul.f32 $1.999999960e-02, v0  }
0xe8: {  	v2 =	vadd.f32 v7, v2;
	v1 =	vmul.f32 $1.999999960e-02, v1  }
0xe9: {  	[tilespmem:s14+$0x1E0C0] =	vst v0;
	v0 =	vmul.f32 $1.999999960e-02, v3  }
0xea: {  	[tilespmem:s14+$0x1E0D0] =	vst v1;
	v1 =	vmul.f32 $1.999999960e-02, v2  }
0xeb: {  	[tilespmem:s14+$0x1E0E0] =	vst v0  }
0xec: {  	s17 =	simm.s32 @!p0 $0x32;
	s18 =	simm.s32 @!p0 $0x11C00;
	s16 =	sadd.s32 @!p0 $0x480, s15;
	[tilespmem:s14+$0x1E0F0] =	vst v1  }
0xed: {  	[tilespmem:s18], [sflag:$0x2] =	stream.indirect.gather @!p0 [hbm4b:s2+s17], $0x80, s16, s17, $0xb8;
	[tilespmem:$0x1F000] =	vst v63  }
0xee: {  	_ =	swait.ge [sflag:s28], $0x1900  }
0xef: {  	[sflag:s28] =	ssyncset.done $0x0  }
0xf0: {  	s16 =	simm.s32 $0x0;
	[sflag:s28] =	ssyncadd.s32 $0xFFFFE700  }
0xf1: {  	v0 =	vld [tilespmem:s16+$0x13A00]  }
0xf2: {  	v1 =	vld [tilespmem:s16+$0x13A10]  }
0xf3: {  	v2 =	vld [tilespmem:s16+$0x13980]  }
0xf4: {  	v3 =	vld [tilespmem:s16+$0x13990]  }
0xf5: {  	v4 =	vld [tilespmem:s16+$0x13900]  }
0xf6: {  	v5 =	vld [tilespmem:s16+$0x13910]  }
0xf7: {  	v6 =	vld [tilespmem:s16+$0x13880]  }
0xf8: {  	v7 =	vld [tilespmem:s16+$0x13890]  }
0xf9: {  	v13 =	vld [tilespmem:s16+$0x13800]  }
0xfa: {  	v10 =	vimm.f32 $0.0e+00;
	v14 =	vld [tilespmem:s16+$0x13810]  }
0xfb: {  	v9 =	vimm.f32 $0.0e+00;
	v11 =	vimm.f32 $0.0e+00;
	v8 =	vimm.f32 $0.0e+00;
	s17 =	simm.s32 $0xA00;
	v12 =	vld [tilespmem:s16+$0x13820]  }
.LBB2_11:
0xfc: {  	p1 =	sne.s32 s17, $0x5A00;
	v15 =	vld [tilespmem:s16+$0x13830]  }
0xfd: {  	v16 =	vld [tilespmem:s16+$0x138A0]  }
0xfe: {  	v17 =	vld [tilespmem:s16+$0x138B0]  }
0xff: {  	v18 =	vld [tilespmem:s16+$0x13920]  }
0x100: {  	v8 =	vadd.f32 v13, v8;
	v11 =	vadd.f32 v14, v11;
	v13 =	vld [tilespmem:s16+$0x13930]  }
0x101: {  	v10 =	vadd.f32 v12, v10;
	v9 =	vadd.f32 v15, v9;
	v12 =	vld [tilespmem:s16+$0x139A0]  }
0x102: {  	v6 =	vadd.f32 v6, v8;
	v7 =	vadd.f32 v7, v11;
	v8 =	vld [tilespmem:s16+$0x139B0]  }
0x103: {  	v10 =	vadd.f32 v16, v10;
	v9 =	vadd.f32 v17, v9;
	v14 =	vld [tilespmem:s16+$0x13A20]  }
0x104: {  	v4 =	vadd.f32 v4, v6;
	v5 =	vadd.f32 v5, v7;
	v6 =	vld [tilespmem:s16+$0x13A30];
	s16 =	sshra.s32 s17, $0x2  }
0x105: {  	v10 =	vadd.f32 v18, v10;
	v7 =	vld [tilespmem:s16+$0x13A00];
	v9 =	vadd.f32 v13, v9  }
0x106: {  	v4 =	vadd.f32 v2, v4;
	v5 =	vadd.f32 v3, v5;
	v13 =	vld [tilespmem:s16+$0x13A10]  }
0x107: {  	v10 =	vadd.f32 v12, v10;
	v2 =	vld [tilespmem:s16+$0x13980];
	v9 =	vadd.f32 v8, v9  }
0x108: {  	v8 =	vadd.f32 v0, v4;
	v11 =	vadd.f32 v1, v5;
	v3 =	vld [tilespmem:s16+$0x13990]  }
0x109: {  	v10 =	vadd.f32 v14, v10;
	v4 =	vld [tilespmem:s16+$0x13900];
	v9 =	vadd.f32 v6, v9  }
0x10a: {  	v5 =	vld [tilespmem:s16+$0x13910];
	v0 =	vmov v7  }
.Ltmp4:
0x10b: {  	v6 =	vld [tilespmem:s16+$0x13880];
	v1 =	vmov v13;
	(pc) =	sbr.rel @p1 .LBB2_11-.Ltmp4, $4  }
0x10c: {  	v7 =	vld [tilespmem:s16+$0x13890]  }
0x10d: {  	v13 =	vld [tilespmem:s16+$0x13800]  }
0x10e: {  	v14 =	vld [tilespmem:s16+$0x13810]  }
0x10f: {  	s17 =	sadd.s32 $0xA00, s17;
	v12 =	vld [tilespmem:s16+$0x13820]  }
0x110: {  	v15 =	vld [tilespmem:s16+$0x13830]  }
0x111: {  	v16 =	vld [tilespmem:s16+$0x138A0]  }
0x112: {  	v17 =	vld [tilespmem:s16+$0x138B0];
	v8 =	vadd.f32 v13, v8  }
0x113: {  	v13 =	vld [tilespmem:s16+$0x13920];
	v11 =	vadd.f32 v14, v11  }
0x114: {  	v14 =	vld [tilespmem:s16+$0x13930];
	v10 =	vadd.f32 v12, v10;
	v6 =	vadd.f32 v6, v8  }
0x115: {  	v8 =	vadd.f32 v15, v9;
	v9 =	vld [tilespmem:s16+$0x139A0];
	v7 =	vadd.f32 v7, v11  }
0x116: {  	v11 =	vld [tilespmem:s16+$0x139B0];
	v10 =	vadd.f32 v16, v10;
	v4 =	vadd.f32 v4, v6  }
0x117: {  	v6 =	vadd.f32 v17, v8;
	v8 =	vld [tilespmem:s16+$0x13A20];
	v5 =	vadd.f32 v5, v7  }
0x118: {  	v7 =	vld [tilespmem:s16+$0x13A30];
	v10 =	vadd.f32 v13, v10;
	v2 =	vadd.f32 v2, v4  }
0x119: {  	v4 =	vadd.f32 v14, v6;
	v3 =	vadd.f32 v3, v5  }
0x11a: {  	v5 =	vadd.f32 v9, v10;
	v0 =	vadd.f32 v0, v2  }
0x11b: {  	v2 =	vadd.f32 v11, v4;
	v1 =	vadd.f32 v1, v3  }
0x11c: {  	v3 =	vadd.f32 v8, v5;
	v0 =	vmul.f32 $1.999999960e-02, v0  }
0x11d: {  	v2 =	vadd.f32 v7, v2;
	v1 =	vmul.f32 $1.999999960e-02, v1  }
0x11e: {  	[tilespmem:s14+$0x1E100] =	vst v0;
	v0 =	vmul.f32 $1.999999960e-02, v3  }
0x11f: {  	[tilespmem:s14+$0x1E110] =	vst v1;
	v1 =	vmul.f32 $1.999999960e-02, v2  }
0x120: {  	[tilespmem:s14+$0x1E120] =	vst v0  }
0x121: {  	s16 =	simm.s32 $0x0;
	[tilespmem:s14+$0x1E130] =	vst v1  }
0x122: {  	v0 =	vld [tilespmem:s16+$0x13A40]  }
0x123: {  	v1 =	vld [tilespmem:s16+$0x13A50]  }
0x124: {  	v2 =	vld [tilespmem:s16+$0x139C0]  }
0x125: {  	v3 =	vld [tilespmem:s16+$0x139D0]  }
0x126: {  	v4 =	vld [tilespmem:s16+$0x13940]  }
0x127: {  	v5 =	vld [tilespmem:s16+$0x13950]  }
0x128: {  	v6 =	vld [tilespmem:s16+$0x138C0]  }
0x129: {  	v7 =	vld [tilespmem:s16+$0x138D0]  }
0x12a: {  	v13 =	vld [tilespmem:s16+$0x13840]  }
0x12b: {  	v10 =	vimm.f32 $0.0e+00;
	v14 =	vld [tilespmem:s16+$0x13850]  }
0x12c: {  	s17 =	simm.s32 $0xA00;
	v9 =	vimm.f32 $0.0e+00;
	v11 =	vimm.f32 $0.0e+00;
	v8 =	vimm.f32 $0.0e+00;
	v12 =	vld [tilespmem:s16+$0x13860]  }
.LBB2_13:
0x12d: {  	p1 =	sne.s32 s17, $0x5A00;
	v15 =	vld [tilespmem:s16+$0x13870]  }
0x12e: {  	v16 =	vld [tilespmem:s16+$0x138E0]  }
0x12f: {  	v17 =	vld [tilespmem:s16+$0x138F0]  }
0x130: {  	v18 =	vld [tilespmem:s16+$0x13960]  }
0x131: {  	v8 =	vadd.f32 v13, v8;
	v11 =	vadd.f32 v14, v11;
	v13 =	vld [tilespmem:s16+$0x13970]  }
0x132: {  	v10 =	vadd.f32 v12, v10;
	v9 =	vadd.f32 v15, v9;
	v12 =	vld [tilespmem:s16+$0x139E0]  }
0x133: {  	v6 =	vadd.f32 v6, v8;
	v7 =	vadd.f32 v7, v11;
	v8 =	vld [tilespmem:s16+$0x139F0]  }
0x134: {  	v10 =	vadd.f32 v16, v10;
	v9 =	vadd.f32 v17, v9;
	v14 =	vld [tilespmem:s16+$0x13A60]  }
0x135: {  	v4 =	vadd.f32 v4, v6;
	v5 =	vadd.f32 v5, v7;
	v6 =	vld [tilespmem:s16+$0x13A70];
	s16 =	sshra.s32 s17, $0x2  }
0x136: {  	v10 =	vadd.f32 v18, v10;
	v7 =	vld [tilespmem:s16+$0x13A40];
	v9 =	vadd.f32 v13, v9  }
0x137: {  	v4 =	vadd.f32 v2, v4;
	v5 =	vadd.f32 v3, v5;
	v13 =	vld [tilespmem:s16+$0x13A50]  }
0x138: {  	v10 =	vadd.f32 v12, v10;
	v2 =	vld [tilespmem:s16+$0x139C0];
	v9 =	vadd.f32 v8, v9  }
0x139: {  	v8 =	vadd.f32 v0, v4;
	v11 =	vadd.f32 v1, v5;
	v3 =	vld [tilespmem:s16+$0x139D0]  }
0x13a: {  	v10 =	vadd.f32 v14, v10;
	v4 =	vld [tilespmem:s16+$0x13940];
	v9 =	vadd.f32 v6, v9  }
0x13b: {  	v5 =	vld [tilespmem:s16+$0x13950];
	v0 =	vmov v7  }
.Ltmp5:
0x13c: {  	v6 =	vld [tilespmem:s16+$0x138C0];
	v1 =	vmov v13;
	(pc) =	sbr.rel @p1 .LBB2_13-.Ltmp5, $4  }
0x13d: {  	v7 =	vld [tilespmem:s16+$0x138D0]  }
0x13e: {  	v13 =	vld [tilespmem:s16+$0x13840]  }
0x13f: {  	v14 =	vld [tilespmem:s16+$0x13850]  }
0x140: {  	s17 =	sadd.s32 $0xA00, s17;
	v12 =	vld [tilespmem:s16+$0x13860]  }
0x141: {  	v15 =	vld [tilespmem:s16+$0x13870]  }
0x142: {  	v16 =	vld [tilespmem:s16+$0x138E0]  }
0x143: {  	v17 =	vld [tilespmem:s16+$0x138F0];
	v8 =	vadd.f32 v13, v8  }
0x144: {  	v13 =	vld [tilespmem:s16+$0x13960];
	v11 =	vadd.f32 v14, v11  }
0x145: {  	v14 =	vld [tilespmem:s16+$0x13970];
	v10 =	vadd.f32 v12, v10;
	v6 =	vadd.f32 v6, v8  }
0x146: {  	v8 =	vadd.f32 v15, v9;
	v9 =	vld [tilespmem:s16+$0x139E0];
	v7 =	vadd.f32 v7, v11  }
0x147: {  	v11 =	vld [tilespmem:s16+$0x139F0];
	v10 =	vadd.f32 v16, v10;
	v4 =	vadd.f32 v4, v6  }
0x148: {  	v6 =	vadd.f32 v17, v8;
	v8 =	vld [tilespmem:s16+$0x13A60];
	v5 =	vadd.f32 v5, v7  }
0x149: {  	v7 =	vld [tilespmem:s16+$0x13A70];
	v10 =	vadd.f32 v13, v10;
	v2 =	vadd.f32 v2, v4  }
0x14a: {  	v4 =	vadd.f32 v14, v6;
	v3 =	vadd.f32 v3, v5  }
0x14b: {  	v5 =	vadd.f32 v9, v10;
	v0 =	vadd.f32 v0, v2  }
0x14c: {  	v2 =	vadd.f32 v11, v4;
	v1 =	vadd.f32 v1, v3  }
0x14d: {  	v3 =	vadd.f32 v8, v5;
	v0 =	vmul.f32 $1.999999960e-02, v0  }
0x14e: {  	v2 =	vadd.f32 v7, v2;
	v1 =	vmul.f32 $1.999999960e-02, v1  }
0x14f: {  	[tilespmem:s14+$0x1E140] =	vst v0;
	v0 =	vmul.f32 $1.999999960e-02, v3  }
0x150: {  	[tilespmem:s14+$0x1E150] =	vst v1;
	v1 =	vmul.f32 $1.999999960e-02, v2  }
0x151: {  	[tilespmem:s14+$0x1E160] =	vst v0  }
0x152: {  	s17 =	simm.s32 @!p0 $0x32;
	s18 =	simm.s32 @!p0 $0x13800;
	s16 =	sadd.s32 @!p0 $0x500, s15;
	[tilespmem:s14+$0x1E170] =	vst v1  }
0x153: {  	[tilespmem:s18], [sflag:$0x3] =	stream.indirect.gather @!p0 [hbm4b:s2+s17], $0x80, s16, s17, $0xb8;
	[tilespmem:$0x1F000] =	vst v63  }
0x154: {  	_ =	swait.ge [sflag:s29], $0x1900  }
0x155: {  	[sflag:s29] =	ssyncset.done $0x0  }
0x156: {  	s16 =	simm.s32 $0x0;
	[sflag:s29] =	ssyncadd.s32 $0xFFFFE700  }
0x157: {  	v0 =	vld [tilespmem:s16+$0x15600]  }
0x158: {  	v1 =	vld [tilespmem:s16+$0x15610]  }
0x159: {  	v2 =	vld [tilespmem:s16+$0x15580]  }
0x15a: {  	v3 =	vld [tilespmem:s16+$0x15590]  }
0x15b: {  	v4 =	vld [tilespmem:s16+$0x15500]  }
0x15c: {  	v5 =	vld [tilespmem:s16+$0x15510]  }
0x15d: {  	v6 =	vld [tilespmem:s16+$0x15480]  }
0x15e: {  	v7 =	vld [tilespmem:s16+$0x15490]  }
0x15f: {  	v13 =	vld [tilespmem:s16+$0x15400]  }
0x160: {  	v10 =	vimm.f32 $0.0e+00;
	v14 =	vld [tilespmem:s16+$0x15410]  }
0x161: {  	v9 =	vimm.f32 $0.0e+00;
	v11 =	vimm.f32 $0.0e+00;
	v8 =	vimm.f32 $0.0e+00;
	s17 =	simm.s32 $0xA00;
	v12 =	vld [tilespmem:s16+$0x15420]  }
.LBB2_15:
0x162: {  	p1 =	sne.s32 s17, $0x5A00;
	v15 =	vld [tilespmem:s16+$0x15430]  }
0x163: {  	v16 =	vld [tilespmem:s16+$0x154A0]  }
0x164: {  	v17 =	vld [tilespmem:s16+$0x154B0]  }
0x165: {  	v18 =	vld [tilespmem:s16+$0x15520]  }
0x166: {  	v8 =	vadd.f32 v13, v8;
	v11 =	vadd.f32 v14, v11;
	v13 =	vld [tilespmem:s16+$0x15530]  }
0x167: {  	v10 =	vadd.f32 v12, v10;
	v9 =	vadd.f32 v15, v9;
	v12 =	vld [tilespmem:s16+$0x155A0]  }
0x168: {  	v6 =	vadd.f32 v6, v8;
	v7 =	vadd.f32 v7, v11;
	v8 =	vld [tilespmem:s16+$0x155B0]  }
0x169: {  	v10 =	vadd.f32 v16, v10;
	v9 =	vadd.f32 v17, v9;
	v14 =	vld [tilespmem:s16+$0x15620]  }
0x16a: {  	v4 =	vadd.f32 v4, v6;
	v5 =	vadd.f32 v5, v7;
	v6 =	vld [tilespmem:s16+$0x15630];
	s16 =	sshra.s32 s17, $0x2  }
0x16b: {  	v10 =	vadd.f32 v18, v10;
	v7 =	vld [tilespmem:s16+$0x15600];
	v9 =	vadd.f32 v13, v9  }
0x16c: {  	v4 =	vadd.f32 v2, v4;
	v5 =	vadd.f32 v3, v5;
	v13 =	vld [tilespmem:s16+$0x15610]  }
0x16d: {  	v10 =	vadd.f32 v12, v10;
	v2 =	vld [tilespmem:s16+$0x15580];
	v9 =	vadd.f32 v8, v9  }
0x16e: {  	v8 =	vadd.f32 v0, v4;
	v11 =	vadd.f32 v1, v5;
	v3 =	vld [tilespmem:s16+$0x15590]  }
0x16f: {  	v10 =	vadd.f32 v14, v10;
	v4 =	vld [tilespmem:s16+$0x15500];
	v9 =	vadd.f32 v6, v9  }
0x170: {  	v5 =	vld [tilespmem:s16+$0x15510];
	v0 =	vmov v7  }
.Ltmp6:
0x171: {  	v6 =	vld [tilespmem:s16+$0x15480];
	v1 =	vmov v13;
	(pc) =	sbr.rel @p1 .LBB2_15-.Ltmp6, $4  }
0x172: {  	v7 =	vld [tilespmem:s16+$0x15490]  }
0x173: {  	v13 =	vld [tilespmem:s16+$0x15400]  }
0x174: {  	v14 =	vld [tilespmem:s16+$0x15410]  }
0x175: {  	s17 =	sadd.s32 $0xA00, s17;
	v12 =	vld [tilespmem:s16+$0x15420]  }
0x176: {  	v15 =	vld [tilespmem:s16+$0x15430]  }
0x177: {  	v16 =	vld [tilespmem:s16+$0x154A0]  }
0x178: {  	v17 =	vld [tilespmem:s16+$0x154B0];
	v8 =	vadd.f32 v13, v8  }
0x179: {  	v13 =	vld [tilespmem:s16+$0x15520];
	v11 =	vadd.f32 v14, v11  }
0x17a: {  	v14 =	vld [tilespmem:s16+$0x15530];
	v10 =	vadd.f32 v12, v10;
	v6 =	vadd.f32 v6, v8  }
0x17b: {  	v8 =	vadd.f32 v15, v9;
	v9 =	vld [tilespmem:s16+$0x155A0];
	v7 =	vadd.f32 v7, v11  }
0x17c: {  	v11 =	vld [tilespmem:s16+$0x155B0];
	v10 =	vadd.f32 v16, v10;
	v4 =	vadd.f32 v4, v6  }
0x17d: {  	v6 =	vadd.f32 v17, v8;
	v8 =	vld [tilespmem:s16+$0x15620];
	v5 =	vadd.f32 v5, v7  }
0x17e: {  	v7 =	vld [tilespmem:s16+$0x15630];
	v10 =	vadd.f32 v13, v10;
	v2 =	vadd.f32 v2, v4  }
0x17f: {  	v4 =	vadd.f32 v14, v6;
	v3 =	vadd.f32 v3, v5  }
0x180: {  	v5 =	vadd.f32 v9, v10;
	v0 =	vadd.f32 v0, v2  }
0x181: {  	v2 =	vadd.f32 v11, v4;
	v1 =	vadd.f32 v1, v3  }
0x182: {  	v3 =	vadd.f32 v8, v5;
	v0 =	vmul.f32 $1.999999960e-02, v0  }
0x183: {  	v2 =	vadd.f32 v7, v2;
	v1 =	vmul.f32 $1.999999960e-02, v1  }
0x184: {  	[tilespmem:s14+$0x1E180] =	vst v0;
	v0 =	vmul.f32 $1.999999960e-02, v3  }
0x185: {  	[tilespmem:s14+$0x1E190] =	vst v1;
	v1 =	vmul.f32 $1.999999960e-02, v2  }
0x186: {  	[tilespmem:s14+$0x1E1A0] =	vst v0  }
0x187: {  	s16 =	simm.s32 $0x0;
	[tilespmem:s14+$0x1E1B0] =	vst v1  }
0x188: {  	v0 =	vld [tilespmem:s16+$0x15640]  }
0x189: {  	v1 =	vld [tilespmem:s16+$0x15650]  }
0x18a: {  	v2 =	vld [tilespmem:s16+$0x155C0]  }
0x18b: {  	v3 =	vld [tilespmem:s16+$0x155D0]  }
0x18c: {  	v4 =	vld [tilespmem:s16+$0x15540]  }
0x18d: {  	v5 =	vld [tilespmem:s16+$0x15550]  }
0x18e: {  	v6 =	vld [tilespmem:s16+$0x154C0]  }
0x18f: {  	v7 =	vld [tilespmem:s16+$0x154D0]  }
0x190: {  	v13 =	vld [tilespmem:s16+$0x15440]  }
0x191: {  	v10 =	vimm.f32 $0.0e+00;
	v14 =	vld [tilespmem:s16+$0x15450]  }
0x192: {  	s17 =	simm.s32 $0xA00;
	v9 =	vimm.f32 $0.0e+00;
	v11 =	vimm.f32 $0.0e+00;
	v8 =	vimm.f32 $0.0e+00;
	v12 =	vld [tilespmem:s16+$0x15460]  }
.LBB2_17:
0x193: {  	p1 =	sne.s32 s17, $0x5A00;
	v15 =	vld [tilespmem:s16+$0x15470]  }
0x194: {  	v16 =	vld [tilespmem:s16+$0x154E0]  }
0x195: {  	v17 =	vld [tilespmem:s16+$0x154F0]  }
0x196: {  	v18 =	vld [tilespmem:s16+$0x15560]  }
0x197: {  	v8 =	vadd.f32 v13, v8;
	v11 =	vadd.f32 v14, v11;
	v13 =	vld [tilespmem:s16+$0x15570]  }
0x198: {  	v10 =	vadd.f32 v12, v10;
	v9 =	vadd.f32 v15, v9;
	v12 =	vld [tilespmem:s16+$0x155E0]  }
0x199: {  	v6 =	vadd.f32 v6, v8;
	v7 =	vadd.f32 v7, v11;
	v8 =	vld [tilespmem:s16+$0x155F0]  }
0x19a: {  	v10 =	vadd.f32 v16, v10;
	v9 =	vadd.f32 v17, v9;
	v14 =	vld [tilespmem:s16+$0x15660]  }
0x19b: {  	v4 =	vadd.f32 v4, v6;
	v5 =	vadd.f32 v5, v7;
	v6 =	vld [tilespmem:s16+$0x15670];
	s16 =	sshra.s32 s17, $0x2  }
0x19c: {  	v10 =	vadd.f32 v18, v10;
	v7 =	vld [tilespmem:s16+$0x15640];
	v9 =	vadd.f32 v13, v9  }
0x19d: {  	v4 =	vadd.f32 v2, v4;
	v5 =	vadd.f32 v3, v5;
	v13 =	vld [tilespmem:s16+$0x15650]  }
0x19e: {  	v10 =	vadd.f32 v12, v10;
	v2 =	vld [tilespmem:s16+$0x155C0];
	v9 =	vadd.f32 v8, v9  }
0x19f: {  	v8 =	vadd.f32 v0, v4;
	v11 =	vadd.f32 v1, v5;
	v3 =	vld [tilespmem:s16+$0x155D0]  }
0x1a0: {  	v10 =	vadd.f32 v14, v10;
	v4 =	vld [tilespmem:s16+$0x15540];
	v9 =	vadd.f32 v6, v9  }
0x1a1: {  	v5 =	vld [tilespmem:s16+$0x15550];
	v0 =	vmov v7  }
.Ltmp7:
0x1a2: {  	v6 =	vld [tilespmem:s16+$0x154C0];
	v1 =	vmov v13;
	(pc) =	sbr.rel @p1 .LBB2_17-.Ltmp7, $4  }
0x1a3: {  	v7 =	vld [tilespmem:s16+$0x154D0]  }
0x1a4: {  	v13 =	vld [tilespmem:s16+$0x15440]  }
0x1a5: {  	v14 =	vld [tilespmem:s16+$0x15450]  }
0x1a6: {  	s17 =	sadd.s32 $0xA00, s17;
	v12 =	vld [tilespmem:s16+$0x15460]  }
0x1a7: {  	v15 =	vld [tilespmem:s16+$0x15470]  }
0x1a8: {  	v16 =	vld [tilespmem:s16+$0x154E0]  }
0x1a9: {  	v17 =	vld [tilespmem:s16+$0x154F0];
	v8 =	vadd.f32 v13, v8  }
0x1aa: {  	v13 =	vld [tilespmem:s16+$0x15560];
	v11 =	vadd.f32 v14, v11  }
0x1ab: {  	v14 =	vld [tilespmem:s16+$0x15570];
	v10 =	vadd.f32 v12, v10;
	v6 =	vadd.f32 v6, v8  }
0x1ac: {  	v8 =	vadd.f32 v15, v9;
	v9 =	vld [tilespmem:s16+$0x155E0];
	v7 =	vadd.f32 v7, v11  }
0x1ad: {  	v11 =	vld [tilespmem:s16+$0x155F0];
	v10 =	vadd.f32 v16, v10;
	v4 =	vadd.f32 v4, v6  }
0x1ae: {  	v6 =	vadd.f32 v17, v8;
	v8 =	vld [tilespmem:s16+$0x15660];
	v5 =	vadd.f32 v5, v7  }
0x1af: {  	v7 =	vld [tilespmem:s16+$0x15670];
	v10 =	vadd.f32 v13, v10;
	v2 =	vadd.f32 v2, v4  }
0x1b0: {  	v4 =	vadd.f32 v14, v6;
	v3 =	vadd.f32 v3, v5  }
0x1b1: {  	v5 =	vadd.f32 v9, v10;
	v0 =	vadd.f32 v0, v2  }
0x1b2: {  	v2 =	vadd.f32 v11, v4;
	v1 =	vadd.f32 v1, v3  }
0x1b3: {  	v3 =	vadd.f32 v8, v5;
	v0 =	vmul.f32 $1.999999960e-02, v0  }
0x1b4: {  	v2 =	vadd.f32 v7, v2;
	v1 =	vmul.f32 $1.999999960e-02, v1  }
0x1b5: {  	[tilespmem:s14+$0x1E1C0] =	vst v0;
	v0 =	vmul.f32 $1.999999960e-02, v3  }
0x1b6: {  	[tilespmem:s14+$0x1E1D0] =	vst v1;
	v1 =	vmul.f32 $1.999999960e-02, v2  }
0x1b7: {  	[tilespmem:s14+$0x1E1E0] =	vst v0  }
0x1b8: {  	s17 =	simm.s32 @!p0 $0x32;
	s18 =	simm.s32 @!p0 $0x15400;
	s16 =	sadd.s32 @!p0 $0x580, s15;
	[tilespmem:s14+$0x1E1F0] =	vst v1  }
0x1b9: {  	[tilespmem:s18], [sflag:$0x4] =	stream.indirect.gather @!p0 [hbm4b:s2+s17], $0x80, s16, s17, $0xb8;
	[tilespmem:$0x1F000] =	vst v63  }
0x1ba: {  	_ =	swait.ge [sflag:s30], $0x1900  }
0x1bb: {  	[sflag:s30] =	ssyncset.done $0x0  }
0x1bc: {  	s16 =	simm.s32 $0x0;
	[sflag:s30] =	ssyncadd.s32 $0xFFFFE700  }
0x1bd: {  	v0 =	vld [tilespmem:s16+$0x17200]  }
0x1be: {  	v1 =	vld [tilespmem:s16+$0x17210]  }
0x1bf: {  	v2 =	vld [tilespmem:s16+$0x17180]  }
0x1c0: {  	v3 =	vld [tilespmem:s16+$0x17190]  }
0x1c1: {  	v4 =	vld [tilespmem:s16+$0x17100]  }
0x1c2: {  	v5 =	vld [tilespmem:s16+$0x17110]  }
0x1c3: {  	v6 =	vld [tilespmem:s16+$0x17080]  }
0x1c4: {  	v7 =	vld [tilespmem:s16+$0x17090]  }
0x1c5: {  	v13 =	vld [tilespmem:s16+$0x17000]  }
0x1c6: {  	v10 =	vimm.f32 $0.0e+00;
	v14 =	vld [tilespmem:s16+$0x17010]  }
0x1c7: {  	v9 =	vimm.f32 $0.0e+00;
	v11 =	vimm.f32 $0.0e+00;
	v8 =	vimm.f32 $0.0e+00;
	s17 =	simm.s32 $0xA00;
	v12 =	vld [tilespmem:s16+$0x17020]  }
.LBB2_19:
0x1c8: {  	p1 =	sne.s32 s17, $0x5A00;
	v15 =	vld [tilespmem:s16+$0x17030]  }
0x1c9: {  	v16 =	vld [tilespmem:s16+$0x170A0]  }
0x1ca: {  	v17 =	vld [tilespmem:s16+$0x170B0]  }
0x1cb: {  	v18 =	vld [tilespmem:s16+$0x17120]  }
0x1cc: {  	v8 =	vadd.f32 v13, v8;
	v11 =	vadd.f32 v14, v11;
	v13 =	vld [tilespmem:s16+$0x17130]  }
0x1cd: {  	v10 =	vadd.f32 v12, v10;
	v9 =	vadd.f32 v15, v9;
	v12 =	vld [tilespmem:s16+$0x171A0]  }
0x1ce: {  	v6 =	vadd.f32 v6, v8;
	v7 =	vadd.f32 v7, v11;
	v8 =	vld [tilespmem:s16+$0x171B0]  }
0x1cf: {  	v10 =	vadd.f32 v16, v10;
	v9 =	vadd.f32 v17, v9;
	v14 =	vld [tilespmem:s16+$0x17220]  }
0x1d0: {  	v4 =	vadd.f32 v4, v6;
	v5 =	vadd.f32 v5, v7;
	v6 =	vld [tilespmem:s16+$0x17230];
	s16 =	sshra.s32 s17, $0x2  }
0x1d1: {  	v10 =	vadd.f32 v18, v10;
	v7 =	vld [tilespmem:s16+$0x17200];
	v9 =	vadd.f32 v13, v9  }
0x1d2: {  	v4 =	vadd.f32 v2, v4;
	v5 =	vadd.f32 v3, v5;
	v13 =	vld [tilespmem:s16+$0x17210]  }
0x1d3: {  	v10 =	vadd.f32 v12, v10;
	v2 =	vld [tilespmem:s16+$0x17180];
	v9 =	vadd.f32 v8, v9  }
0x1d4: {  	v8 =	vadd.f32 v0, v4;
	v11 =	vadd.f32 v1, v5;
	v3 =	vld [tilespmem:s16+$0x17190]  }
0x1d5: {  	v10 =	vadd.f32 v14, v10;
	v4 =	vld [tilespmem:s16+$0x17100];
	v9 =	vadd.f32 v6, v9  }
0x1d6: {  	v5 =	vld [tilespmem:s16+$0x17110];
	v0 =	vmov v7  }
.Ltmp8:
0x1d7: {  	v6 =	vld [tilespmem:s16+$0x17080];
	v1 =	vmov v13;
	(pc) =	sbr.rel @p1 .LBB2_19-.Ltmp8, $4  }
0x1d8: {  	v7 =	vld [tilespmem:s16+$0x17090]  }
0x1d9: {  	v13 =	vld [tilespmem:s16+$0x17000]  }
0x1da: {  	v14 =	vld [tilespmem:s16+$0x17010]  }
0x1db: {  	s17 =	sadd.s32 $0xA00, s17;
	v12 =	vld [tilespmem:s16+$0x17020]  }
0x1dc: {  	v15 =	vld [tilespmem:s16+$0x17030]  }
0x1dd: {  	v16 =	vld [tilespmem:s16+$0x170A0]  }
0x1de: {  	v17 =	vld [tilespmem:s16+$0x170B0];
	v8 =	vadd.f32 v13, v8  }
0x1df: {  	v13 =	vld [tilespmem:s16+$0x17120];
	v11 =	vadd.f32 v14, v11  }
0x1e0: {  	v14 =	vld [tilespmem:s16+$0x17130];
	v10 =	vadd.f32 v12, v10;
	v6 =	vadd.f32 v6, v8  }
0x1e1: {  	v8 =	vadd.f32 v15, v9;
	v9 =	vld [tilespmem:s16+$0x171A0];
	v7 =	vadd.f32 v7, v11  }
0x1e2: {  	v11 =	vld [tilespmem:s16+$0x171B0];
	v10 =	vadd.f32 v16, v10;
	v4 =	vadd.f32 v4, v6  }
0x1e3: {  	v6 =	vadd.f32 v17, v8;
	v8 =	vld [tilespmem:s16+$0x17220];
	v5 =	vadd.f32 v5, v7  }
0x1e4: {  	v7 =	vld [tilespmem:s16+$0x17230];
	v10 =	vadd.f32 v13, v10;
	v2 =	vadd.f32 v2, v4  }
0x1e5: {  	v4 =	vadd.f32 v14, v6;
	v3 =	vadd.f32 v3, v5  }
0x1e6: {  	v5 =	vadd.f32 v9, v10;
	v0 =	vadd.f32 v0, v2  }
0x1e7: {  	v2 =	vadd.f32 v11, v4;
	v1 =	vadd.f32 v1, v3  }
0x1e8: {  	v3 =	vadd.f32 v8, v5;
	v0 =	vmul.f32 $1.999999960e-02, v0  }
0x1e9: {  	v2 =	vadd.f32 v7, v2;
	v1 =	vmul.f32 $1.999999960e-02, v1  }
0x1ea: {  	[tilespmem:s14+$0x1E200] =	vst v0;
	v0 =	vmul.f32 $1.999999960e-02, v3  }
0x1eb: {  	[tilespmem:s14+$0x1E210] =	vst v1;
	v1 =	vmul.f32 $1.999999960e-02, v2  }
0x1ec: {  	[tilespmem:s14+$0x1E220] =	vst v0  }
0x1ed: {  	s16 =	simm.s32 $0x0;
	[tilespmem:s14+$0x1E230] =	vst v1  }
0x1ee: {  	v0 =	vld [tilespmem:s16+$0x17240]  }
0x1ef: {  	v1 =	vld [tilespmem:s16+$0x17250]  }
0x1f0: {  	v2 =	vld [tilespmem:s16+$0x171C0]  }
0x1f1: {  	v3 =	vld [tilespmem:s16+$0x171D0]  }
0x1f2: {  	v4 =	vld [tilespmem:s16+$0x17140]  }
0x1f3: {  	v5 =	vld [tilespmem:s16+$0x17150]  }
0x1f4: {  	v6 =	vld [tilespmem:s16+$0x170C0]  }
0x1f5: {  	v7 =	vld [tilespmem:s16+$0x170D0]  }
0x1f6: {  	v13 =	vld [tilespmem:s16+$0x17040]  }
0x1f7: {  	v10 =	vimm.f32 $0.0e+00;
	v14 =	vld [tilespmem:s16+$0x17050]  }
0x1f8: {  	s17 =	simm.s32 $0xA00;
	v9 =	vimm.f32 $0.0e+00;
	v11 =	vimm.f32 $0.0e+00;
	v8 =	vimm.f32 $0.0e+00;
	v12 =	vld [tilespmem:s16+$0x17060]  }
.LBB2_21:
0x1f9: {  	p1 =	sne.s32 s17, $0x5A00;
	v15 =	vld [tilespmem:s16+$0x17070]  }
0x1fa: {  	v16 =	vld [tilespmem:s16+$0x170E0]  }
0x1fb: {  	v17 =	vld [tilespmem:s16+$0x170F0]  }
0x1fc: {  	v18 =	vld [tilespmem:s16+$0x17160]  }
0x1fd: {  	v8 =	vadd.f32 v13, v8;
	v11 =	vadd.f32 v14, v11;
	v13 =	vld [tilespmem:s16+$0x17170]  }
0x1fe: {  	v10 =	vadd.f32 v12, v10;
	v9 =	vadd.f32 v15, v9;
	v12 =	vld [tilespmem:s16+$0x171E0]  }
0x1ff: {  	v6 =	vadd.f32 v6, v8;
	v7 =	vadd.f32 v7, v11;
	v8 =	vld [tilespmem:s16+$0x171F0]  }
0x200: {  	v10 =	vadd.f32 v16, v10;
	v9 =	vadd.f32 v17, v9;
	v14 =	vld [tilespmem:s16+$0x17260]  }
0x201: {  	v4 =	vadd.f32 v4, v6;
	v5 =	vadd.f32 v5, v7;
	v6 =	vld [tilespmem:s16+$0x17270];
	s16 =	sshra.s32 s17, $0x2  }
0x202: {  	v10 =	vadd.f32 v18, v10;
	v7 =	vld [tilespmem:s16+$0x17240];
	v9 =	vadd.f32 v13, v9  }
0x203: {  	v4 =	vadd.f32 v2, v4;
	v5 =	vadd.f32 v3, v5;
	v13 =	vld [tilespmem:s16+$0x17250]  }
0x204: {  	v10 =	vadd.f32 v12, v10;
	v2 =	vld [tilespmem:s16+$0x171C0];
	v9 =	vadd.f32 v8, v9  }
0x205: {  	v8 =	vadd.f32 v0, v4;
	v11 =	vadd.f32 v1, v5;
	v3 =	vld [tilespmem:s16+$0x171D0]  }
0x206: {  	v10 =	vadd.f32 v14, v10;
	v4 =	vld [tilespmem:s16+$0x17140];
	v9 =	vadd.f32 v6, v9  }
0x207: {  	v5 =	vld [tilespmem:s16+$0x17150];
	v0 =	vmov v7  }
.Ltmp9:
0x208: {  	v6 =	vld [tilespmem:s16+$0x170C0];
	v1 =	vmov v13;
	(pc) =	sbr.rel @p1 .LBB2_21-.Ltmp9, $4  }
0x209: {  	v7 =	vld [tilespmem:s16+$0x170D0]  }
0x20a: {  	v13 =	vld [tilespmem:s16+$0x17040]  }
0x20b: {  	v14 =	vld [tilespmem:s16+$0x17050]  }
0x20c: {  	s17 =	sadd.s32 $0xA00, s17;
	v12 =	vld [tilespmem:s16+$0x17060]  }
0x20d: {  	v15 =	vld [tilespmem:s16+$0x17070]  }
0x20e: {  	v16 =	vld [tilespmem:s16+$0x170E0]  }
0x20f: {  	v17 =	vld [tilespmem:s16+$0x170F0];
	v8 =	vadd.f32 v13, v8  }
0x210: {  	v13 =	vld [tilespmem:s16+$0x17160];
	v11 =	vadd.f32 v14, v11  }
0x211: {  	v14 =	vld [tilespmem:s16+$0x17170];
	v10 =	vadd.f32 v12, v10;
	v6 =	vadd.f32 v6, v8  }
0x212: {  	v8 =	vadd.f32 v15, v9;
	v9 =	vld [tilespmem:s16+$0x171E0];
	v7 =	vadd.f32 v7, v11  }
0x213: {  	v11 =	vld [tilespmem:s16+$0x171F0];
	v10 =	vadd.f32 v16, v10;
	v4 =	vadd.f32 v4, v6  }
0x214: {  	v6 =	vadd.f32 v17, v8;
	v8 =	vld [tilespmem:s16+$0x17260];
	v5 =	vadd.f32 v5, v7  }
0x215: {  	v7 =	vld [tilespmem:s16+$0x17270];
	v10 =	vadd.f32 v13, v10;
	v2 =	vadd.f32 v2, v4  }
0x216: {  	v4 =	vadd.f32 v14, v6;
	v3 =	vadd.f32 v3, v5  }
0x217: {  	v5 =	vadd.f32 v9, v10;
	v0 =	vadd.f32 v0, v2  }
0x218: {  	v2 =	vadd.f32 v11, v4;
	v1 =	vadd.f32 v1, v3  }
0x219: {  	v3 =	vadd.f32 v8, v5;
	v0 =	vmul.f32 $1.999999960e-02, v0  }
0x21a: {  	v2 =	vadd.f32 v7, v2;
	v1 =	vmul.f32 $1.999999960e-02, v1  }
0x21b: {  	[tilespmem:s14+$0x1E240] =	vst v0;
	v0 =	vmul.f32 $1.999999960e-02, v3  }
0x21c: {  	[tilespmem:s14+$0x1E250] =	vst v1;
	v1 =	vmul.f32 $1.999999960e-02, v2  }
0x21d: {  	[tilespmem:s14+$0x1E260] =	vst v0  }
0x21e: {  	s17 =	simm.s32 @!p0 $0x32;
	s18 =	simm.s32 @!p0 $0x17000;
	s16 =	sadd.s32 @!p0 $0x600, s15;
	[tilespmem:s14+$0x1E270] =	vst v1  }
0x21f: {  	[tilespmem:s18], [sflag:$0x5] =	stream.indirect.gather @!p0 [hbm4b:s2+s17], $0x80, s16, s17, $0xb8;
	[tilespmem:$0x1F000] =	vst v63  }
0x220: {  	_ =	swait.ge [sflag:s31], $0x1900  }
0x221: {  	[sflag:s31] =	ssyncset.done $0x0  }
0x222: {  	s16 =	simm.s32 $0x0;
	[sflag:s31] =	ssyncadd.s32 $0xFFFFE700  }
0x223: {  	v0 =	vld [tilespmem:s16+$0x18E00]  }
0x224: {  	v1 =	vld [tilespmem:s16+$0x18E10]  }
0x225: {  	v2 =	vld [tilespmem:s16+$0x18D80]  }
0x226: {  	v3 =	vld [tilespmem:s16+$0x18D90]  }
0x227: {  	v4 =	vld [tilespmem:s16+$0x18D00]  }
0x228: {  	v5 =	vld [tilespmem:s16+$0x18D10]  }
0x229: {  	v6 =	vld [tilespmem:s16+$0x18C80]  }
0x22a: {  	v7 =	vld [tilespmem:s16+$0x18C90]  }
0x22b: {  	v13 =	vld [tilespmem:s16+$0x18C00]  }
0x22c: {  	v10 =	vimm.f32 $0.0e+00;
	v14 =	vld [tilespmem:s16+$0x18C10]  }
0x22d: {  	v9 =	vimm.f32 $0.0e+00;
	v11 =	vimm.f32 $0.0e+00;
	v8 =	vimm.f32 $0.0e+00;
	s17 =	simm.s32 $0xA00;
	v12 =	vld [tilespmem:s16+$0x18C20]  }
.LBB2_23:
0x22e: {  	p1 =	sne.s32 s17, $0x5A00;
	v15 =	vld [tilespmem:s16+$0x18C30]  }
0x22f: {  	v16 =	vld [tilespmem:s16+$0x18CA0]  }
0x230: {  	v17 =	vld [tilespmem:s16+$0x18CB0]  }
0x231: {  	v18 =	vld [tilespmem:s16+$0x18D20]  }
0x232: {  	v8 =	vadd.f32 v13, v8;
	v11 =	vadd.f32 v14, v11;
	v13 =	vld [tilespmem:s16+$0x18D30]  }
0x233: {  	v10 =	vadd.f32 v12, v10;
	v9 =	vadd.f32 v15, v9;
	v12 =	vld [tilespmem:s16+$0x18DA0]  }
0x234: {  	v6 =	vadd.f32 v6, v8;
	v7 =	vadd.f32 v7, v11;
	v8 =	vld [tilespmem:s16+$0x18DB0]  }
0x235: {  	v10 =	vadd.f32 v16, v10;
	v9 =	vadd.f32 v17, v9;
	v14 =	vld [tilespmem:s16+$0x18E20]  }
0x236: {  	v4 =	vadd.f32 v4, v6;
	v5 =	vadd.f32 v5, v7;
	v6 =	vld [tilespmem:s16+$0x18E30];
	s16 =	sshra.s32 s17, $0x2  }
0x237: {  	v10 =	vadd.f32 v18, v10;
	v7 =	vld [tilespmem:s16+$0x18E00];
	v9 =	vadd.f32 v13, v9  }
0x238: {  	v4 =	vadd.f32 v2, v4;
	v5 =	vadd.f32 v3, v5;
	v13 =	vld [tilespmem:s16+$0x18E10]  }
0x239: {  	v10 =	vadd.f32 v12, v10;
	v2 =	vld [tilespmem:s16+$0x18D80];
	v9 =	vadd.f32 v8, v9  }
0x23a: {  	v8 =	vadd.f32 v0, v4;
	v11 =	vadd.f32 v1, v5;
	v3 =	vld [tilespmem:s16+$0x18D90]  }
0x23b: {  	v10 =	vadd.f32 v14, v10;
	v4 =	vld [tilespmem:s16+$0x18D00];
	v9 =	vadd.f32 v6, v9  }
0x23c: {  	v5 =	vld [tilespmem:s16+$0x18D10];
	v0 =	vmov v7  }
.Ltmp10:
0x23d: {  	v6 =	vld [tilespmem:s16+$0x18C80];
	v1 =	vmov v13;
	(pc) =	sbr.rel @p1 .LBB2_23-.Ltmp10, $4  }
0x23e: {  	v7 =	vld [tilespmem:s16+$0x18C90]  }
0x23f: {  	v13 =	vld [tilespmem:s16+$0x18C00]  }
0x240: {  	v14 =	vld [tilespmem:s16+$0x18C10]  }
0x241: {  	s17 =	sadd.s32 $0xA00, s17;
	v12 =	vld [tilespmem:s16+$0x18C20]  }
0x242: {  	v15 =	vld [tilespmem:s16+$0x18C30]  }
0x243: {  	v16 =	vld [tilespmem:s16+$0x18CA0]  }
0x244: {  	v17 =	vld [tilespmem:s16+$0x18CB0];
	v8 =	vadd.f32 v13, v8  }
0x245: {  	v13 =	vld [tilespmem:s16+$0x18D20];
	v11 =	vadd.f32 v14, v11  }
0x246: {  	v14 =	vld [tilespmem:s16+$0x18D30];
	v10 =	vadd.f32 v12, v10;
	v6 =	vadd.f32 v6, v8  }
0x247: {  	v8 =	vadd.f32 v15, v9;
	v9 =	vld [tilespmem:s16+$0x18DA0];
	v7 =	vadd.f32 v7, v11  }
0x248: {  	v11 =	vld [tilespmem:s16+$0x18DB0];
	v10 =	vadd.f32 v16, v10;
	v4 =	vadd.f32 v4, v6  }
0x249: {  	v6 =	vadd.f32 v17, v8;
	v8 =	vld [tilespmem:s16+$0x18E20];
	v5 =	vadd.f32 v5, v7  }
0x24a: {  	v7 =	vld [tilespmem:s16+$0x18E30];
	v10 =	vadd.f32 v13, v10;
	v2 =	vadd.f32 v2, v4  }
0x24b: {  	v4 =	vadd.f32 v14, v6;
	v3 =	vadd.f32 v3, v5  }
0x24c: {  	v5 =	vadd.f32 v9, v10;
	v0 =	vadd.f32 v0, v2  }
0x24d: {  	v2 =	vadd.f32 v11, v4;
	v1 =	vadd.f32 v1, v3  }
0x24e: {  	v3 =	vadd.f32 v8, v5;
	v0 =	vmul.f32 $1.999999960e-02, v0  }
0x24f: {  	v2 =	vadd.f32 v7, v2;
	v1 =	vmul.f32 $1.999999960e-02, v1  }
0x250: {  	[tilespmem:s14+$0x1E280] =	vst v0;
	v0 =	vmul.f32 $1.999999960e-02, v3  }
0x251: {  	[tilespmem:s14+$0x1E290] =	vst v1;
	v1 =	vmul.f32 $1.999999960e-02, v2  }
0x252: {  	[tilespmem:s14+$0x1E2A0] =	vst v0  }
0x253: {  	s16 =	simm.s32 $0x0;
	[tilespmem:s14+$0x1E2B0] =	vst v1  }
0x254: {  	v0 =	vld [tilespmem:s16+$0x18E40]  }
0x255: {  	v1 =	vld [tilespmem:s16+$0x18E50]  }
0x256: {  	v2 =	vld [tilespmem:s16+$0x18DC0]  }
0x257: {  	v3 =	vld [tilespmem:s16+$0x18DD0]  }
0x258: {  	v4 =	vld [tilespmem:s16+$0x18D40]  }
0x259: {  	v5 =	vld [tilespmem:s16+$0x18D50]  }
0x25a: {  	v6 =	vld [tilespmem:s16+$0x18CC0]  }
0x25b: {  	v7 =	vld [tilespmem:s16+$0x18CD0]  }
0x25c: {  	v13 =	vld [tilespmem:s16+$0x18C40]  }
0x25d: {  	v10 =	vimm.f32 $0.0e+00;
	v14 =	vld [tilespmem:s16+$0x18C50]  }
0x25e: {  	s17 =	simm.s32 $0xA00;
	v9 =	vimm.f32 $0.0e+00;
	v11 =	vimm.f32 $0.0e+00;
	v8 =	vimm.f32 $0.0e+00;
	v12 =	vld [tilespmem:s16+$0x18C60]  }
.LBB2_25:
0x25f: {  	p1 =	sne.s32 s17, $0x5A00;
	v15 =	vld [tilespmem:s16+$0x18C70]  }
0x260: {  	v16 =	vld [tilespmem:s16+$0x18CE0]  }
0x261: {  	v17 =	vld [tilespmem:s16+$0x18CF0]  }
0x262: {  	v18 =	vld [tilespmem:s16+$0x18D60]  }
0x263: {  	v8 =	vadd.f32 v13, v8;
	v11 =	vadd.f32 v14, v11;
	v13 =	vld [tilespmem:s16+$0x18D70]  }
0x264: {  	v10 =	vadd.f32 v12, v10;
	v9 =	vadd.f32 v15, v9;
	v12 =	vld [tilespmem:s16+$0x18DE0]  }
0x265: {  	v6 =	vadd.f32 v6, v8;
	v7 =	vadd.f32 v7, v11;
	v8 =	vld [tilespmem:s16+$0x18DF0]  }
0x266: {  	v10 =	vadd.f32 v16, v10;
	v9 =	vadd.f32 v17, v9;
	v14 =	vld [tilespmem:s16+$0x18E60]  }
0x267: {  	v4 =	vadd.f32 v4, v6;
	v5 =	vadd.f32 v5, v7;
	v6 =	vld [tilespmem:s16+$0x18E70];
	s16 =	sshra.s32 s17, $0x2  }
0x268: {  	v10 =	vadd.f32 v18, v10;
	v7 =	vld [tilespmem:s16+$0x18E40];
	v9 =	vadd.f32 v13, v9  }
0x269: {  	v4 =	vadd.f32 v2, v4;
	v5 =	vadd.f32 v3, v5;
	v13 =	vld [tilespmem:s16+$0x18E50]  }
0x26a: {  	v10 =	vadd.f32 v12, v10;
	v2 =	vld [tilespmem:s16+$0x18DC0];
	v9 =	vadd.f32 v8, v9  }
0x26b: {  	v8 =	vadd.f32 v0, v4;
	v11 =	vadd.f32 v1, v5;
	v3 =	vld [tilespmem:s16+$0x18DD0]  }
0x26c: {  	v10 =	vadd.f32 v14, v10;
	v4 =	vld [tilespmem:s16+$0x18D40];
	v9 =	vadd.f32 v6, v9  }
0x26d: {  	v5 =	vld [tilespmem:s16+$0x18D50];
	v0 =	vmov v7  }
.Ltmp11:
0x26e: {  	v6 =	vld [tilespmem:s16+$0x18CC0];
	v1 =	vmov v13;
	(pc) =	sbr.rel @p1 .LBB2_25-.Ltmp11, $4  }
0x26f: {  	v7 =	vld [tilespmem:s16+$0x18CD0]  }
0x270: {  	v13 =	vld [tilespmem:s16+$0x18C40]  }
0x271: {  	v14 =	vld [tilespmem:s16+$0x18C50]  }
0x272: {  	s17 =	sadd.s32 $0xA00, s17;
	v12 =	vld [tilespmem:s16+$0x18C60]  }
0x273: {  	v15 =	vld [tilespmem:s16+$0x18C70]  }
0x274: {  	v16 =	vld [tilespmem:s16+$0x18CE0]  }
0x275: {  	v17 =	vld [tilespmem:s16+$0x18CF0];
	v8 =	vadd.f32 v13, v8  }
0x276: {  	v13 =	vld [tilespmem:s16+$0x18D60];
	v11 =	vadd.f32 v14, v11  }
0x277: {  	v14 =	vld [tilespmem:s16+$0x18D70];
	v10 =	vadd.f32 v12, v10;
	v6 =	vadd.f32 v6, v8  }
0x278: {  	v8 =	vadd.f32 v15, v9;
	v9 =	vld [tilespmem:s16+$0x18DE0];
	v7 =	vadd.f32 v7, v11  }
0x279: {  	v11 =	vld [tilespmem:s16+$0x18DF0];
	v10 =	vadd.f32 v16, v10;
	v4 =	vadd.f32 v4, v6  }
0x27a: {  	v6 =	vadd.f32 v17, v8;
	v8 =	vld [tilespmem:s16+$0x18E60];
	v5 =	vadd.f32 v5, v7  }
0x27b: {  	v7 =	vld [tilespmem:s16+$0x18E70];
	v10 =	vadd.f32 v13, v10;
	v2 =	vadd.f32 v2, v4  }
0x27c: {  	v4 =	vadd.f32 v14, v6;
	v3 =	vadd.f32 v3, v5  }
0x27d: {  	v5 =	vadd.f32 v9, v10;
	v0 =	vadd.f32 v0, v2  }
0x27e: {  	v2 =	vadd.f32 v11, v4;
	v1 =	vadd.f32 v1, v3  }
0x27f: {  	v3 =	vadd.f32 v8, v5;
	v0 =	vmul.f32 $1.999999960e-02, v0  }
0x280: {  	v2 =	vadd.f32 v7, v2;
	v1 =	vmul.f32 $1.999999960e-02, v1  }
0x281: {  	[tilespmem:s14+$0x1E2C0] =	vst v0;
	v0 =	vmul.f32 $1.999999960e-02, v3  }
0x282: {  	[tilespmem:s14+$0x1E2D0] =	vst v1;
	v1 =	vmul.f32 $1.999999960e-02, v2  }
0x283: {  	[tilespmem:s14+$0x1E2E0] =	vst v0  }
0x284: {  	s17 =	simm.s32 @!p0 $0x32;
	s18 =	simm.s32 @!p0 $0x18C00;
	s16 =	sadd.s32 @!p0 $0x680, s15;
	[tilespmem:s14+$0x1E2F0] =	vst v1  }
0x285: {  	[tilespmem:s18], [sflag:$0x6] =	stream.indirect.gather @!p0 [hbm4b:s2+s17], $0x80, s16, s17, $0xb8;
	[tilespmem:$0x1F000] =	vst v63  }
0x286: {  	_ =	swait.ge [sflag:s1], $0x1900  }
0x287: {  	[sflag:s1] =	ssyncset.done $0x0  }
0x288: {  	s16 =	simm.s32 $0x0;
	[sflag:s1] =	ssyncadd.s32 $0xFFFFE700  }
0x289: {  	v0 =	vld [tilespmem:s16+$0x1AA00]  }
0x28a: {  	v1 =	vld [tilespmem:s16+$0x1AA10]  }
0x28b: {  	v2 =	vld [tilespmem:s16+$0x1A980]  }
0x28c: {  	v3 =	vld [tilespmem:s16+$0x1A990]  }
0x28d: {  	v4 =	vld [tilespmem:s16+$0x1A900]  }
0x28e: {  	v5 =	vld [tilespmem:s16+$0x1A910]  }
0x28f: {  	v6 =	vld [tilespmem:s16+$0x1A880]  }
0x290: {  	v7 =	vld [tilespmem:s16+$0x1A890]  }
0x291: {  	v13 =	vld [tilespmem:s16+$0x1A800]  }
0x292: {  	v10 =	vimm.f32 $0.0e+00;
	v14 =	vld [tilespmem:s16+$0x1A810]  }
0x293: {  	v9 =	vimm.f32 $0.0e+00;
	v11 =	vimm.f32 $0.0e+00;
	v8 =	vimm.f32 $0.0e+00;
	s17 =	simm.s32 $0xA00;
	v12 =	vld [tilespmem:s16+$0x1A820]  }
.LBB2_27:
0x294: {  	p1 =	sne.s32 s17, $0x5A00;
	v15 =	vld [tilespmem:s16+$0x1A830]  }
0x295: {  	v16 =	vld [tilespmem:s16+$0x1A8A0]  }
0x296: {  	v17 =	vld [tilespmem:s16+$0x1A8B0]  }
0x297: {  	v18 =	vld [tilespmem:s16+$0x1A920]  }
0x298: {  	v8 =	vadd.f32 v13, v8;
	v11 =	vadd.f32 v14, v11;
	v13 =	vld [tilespmem:s16+$0x1A930]  }
0x299: {  	v10 =	vadd.f32 v12, v10;
	v9 =	vadd.f32 v15, v9;
	v12 =	vld [tilespmem:s16+$0x1A9A0]  }
0x29a: {  	v6 =	vadd.f32 v6, v8;
	v7 =	vadd.f32 v7, v11;
	v8 =	vld [tilespmem:s16+$0x1A9B0]  }
0x29b: {  	v10 =	vadd.f32 v16, v10;
	v9 =	vadd.f32 v17, v9;
	v14 =	vld [tilespmem:s16+$0x1AA20]  }
0x29c: {  	v4 =	vadd.f32 v4, v6;
	v5 =	vadd.f32 v5, v7;
	v6 =	vld [tilespmem:s16+$0x1AA30];
	s16 =	sshra.s32 s17, $0x2  }
0x29d: {  	v10 =	vadd.f32 v18, v10;
	v7 =	vld [tilespmem:s16+$0x1AA00];
	v9 =	vadd.f32 v13, v9  }
0x29e: {  	v4 =	vadd.f32 v2, v4;
	v5 =	vadd.f32 v3, v5;
	v13 =	vld [tilespmem:s16+$0x1AA10]  }
0x29f: {  	v10 =	vadd.f32 v12, v10;
	v2 =	vld [tilespmem:s16+$0x1A980];
	v9 =	vadd.f32 v8, v9  }
0x2a0: {  	v8 =	vadd.f32 v0, v4;
	v11 =	vadd.f32 v1, v5;
	v3 =	vld [tilespmem:s16+$0x1A990]  }
0x2a1: {  	v10 =	vadd.f32 v14, v10;
	v4 =	vld [tilespmem:s16+$0x1A900];
	v9 =	vadd.f32 v6, v9  }
0x2a2: {  	v5 =	vld [tilespmem:s16+$0x1A910];
	v0 =	vmov v7  }
.Ltmp12:
0x2a3: {  	v6 =	vld [tilespmem:s16+$0x1A880];
	v1 =	vmov v13;
	(pc) =	sbr.rel @p1 .LBB2_27-.Ltmp12, $4  }
0x2a4: {  	v7 =	vld [tilespmem:s16+$0x1A890]  }
0x2a5: {  	v13 =	vld [tilespmem:s16+$0x1A800]  }
0x2a6: {  	v14 =	vld [tilespmem:s16+$0x1A810]  }
0x2a7: {  	s17 =	sadd.s32 $0xA00, s17;
	v12 =	vld [tilespmem:s16+$0x1A820]  }
0x2a8: {  	v15 =	vld [tilespmem:s16+$0x1A830]  }
0x2a9: {  	v16 =	vld [tilespmem:s16+$0x1A8A0]  }
0x2aa: {  	v17 =	vld [tilespmem:s16+$0x1A8B0];
	v8 =	vadd.f32 v13, v8  }
0x2ab: {  	v13 =	vld [tilespmem:s16+$0x1A920];
	v11 =	vadd.f32 v14, v11  }
0x2ac: {  	v14 =	vld [tilespmem:s16+$0x1A930];
	v10 =	vadd.f32 v12, v10;
	v6 =	vadd.f32 v6, v8  }
0x2ad: {  	v8 =	vadd.f32 v15, v9;
	v9 =	vld [tilespmem:s16+$0x1A9A0];
	v7 =	vadd.f32 v7, v11  }
0x2ae: {  	v11 =	vld [tilespmem:s16+$0x1A9B0];
	v10 =	vadd.f32 v16, v10;
	v4 =	vadd.f32 v4, v6  }
0x2af: {  	v6 =	vadd.f32 v17, v8;
	v8 =	vld [tilespmem:s16+$0x1AA20];
	v5 =	vadd.f32 v5, v7  }
0x2b0: {  	v7 =	vld [tilespmem:s16+$0x1AA30];
	v10 =	vadd.f32 v13, v10;
	v2 =	vadd.f32 v2, v4  }
0x2b1: {  	v4 =	vadd.f32 v14, v6;
	v3 =	vadd.f32 v3, v5  }
0x2b2: {  	v5 =	vadd.f32 v9, v10;
	v0 =	vadd.f32 v0, v2  }
0x2b3: {  	v2 =	vadd.f32 v11, v4;
	v1 =	vadd.f32 v1, v3  }
0x2b4: {  	v3 =	vadd.f32 v8, v5;
	v0 =	vmul.f32 $1.999999960e-02, v0  }
0x2b5: {  	v2 =	vadd.f32 v7, v2;
	v1 =	vmul.f32 $1.999999960e-02, v1  }
0x2b6: {  	[tilespmem:s14+$0x1E300] =	vst v0;
	v0 =	vmul.f32 $1.999999960e-02, v3  }
0x2b7: {  	[tilespmem:s14+$0x1E310] =	vst v1;
	v1 =	vmul.f32 $1.999999960e-02, v2  }
0x2b8: {  	[tilespmem:s14+$0x1E320] =	vst v0  }
0x2b9: {  	s16 =	simm.s32 $0x0;
	[tilespmem:s14+$0x1E330] =	vst v1  }
0x2ba: {  	v0 =	vld [tilespmem:s16+$0x1AA40]  }
0x2bb: {  	v1 =	vld [tilespmem:s16+$0x1AA50]  }
0x2bc: {  	v2 =	vld [tilespmem:s16+$0x1A9C0]  }
0x2bd: {  	v3 =	vld [tilespmem:s16+$0x1A9D0]  }
0x2be: {  	v4 =	vld [tilespmem:s16+$0x1A940]  }
0x2bf: {  	v5 =	vld [tilespmem:s16+$0x1A950]  }
0x2c0: {  	v6 =	vld [tilespmem:s16+$0x1A8C0]  }
0x2c1: {  	v7 =	vld [tilespmem:s16+$0x1A8D0]  }
0x2c2: {  	v13 =	vld [tilespmem:s16+$0x1A840]  }
0x2c3: {  	v10 =	vimm.f32 $0.0e+00;
	v14 =	vld [tilespmem:s16+$0x1A850]  }
0x2c4: {  	s17 =	simm.s32 $0xA00;
	v9 =	vimm.f32 $0.0e+00;
	v11 =	vimm.f32 $0.0e+00;
	v8 =	vimm.f32 $0.0e+00;
	v12 =	vld [tilespmem:s16+$0x1A860]  }
.LBB2_29:
0x2c5: {  	p1 =	sne.s32 s17, $0x5A00;
	v15 =	vld [tilespmem:s16+$0x1A870]  }
0x2c6: {  	v16 =	vld [tilespmem:s16+$0x1A8E0]  }
0x2c7: {  	v17 =	vld [tilespmem:s16+$0x1A8F0]  }
0x2c8: {  	v18 =	vld [tilespmem:s16+$0x1A960]  }
0x2c9: {  	v8 =	vadd.f32 v13, v8;
	v11 =	vadd.f32 v14, v11;
	v13 =	vld [tilespmem:s16+$0x1A970]  }
0x2ca: {  	v10 =	vadd.f32 v12, v10;
	v9 =	vadd.f32 v15, v9;
	v12 =	vld [tilespmem:s16+$0x1A9E0]  }
0x2cb: {  	v6 =	vadd.f32 v6, v8;
	v7 =	vadd.f32 v7, v11;
	v8 =	vld [tilespmem:s16+$0x1A9F0]  }
0x2cc: {  	v10 =	vadd.f32 v16, v10;
	v9 =	vadd.f32 v17, v9;
	v14 =	vld [tilespmem:s16+$0x1AA60]  }
0x2cd: {  	v4 =	vadd.f32 v4, v6;
	v5 =	vadd.f32 v5, v7;
	v6 =	vld [tilespmem:s16+$0x1AA70];
	s16 =	sshra.s32 s17, $0x2  }
0x2ce: {  	v10 =	vadd.f32 v18, v10;
	v7 =	vld [tilespmem:s16+$0x1AA40];
	v9 =	vadd.f32 v13, v9  }
0x2cf: {  	v4 =	vadd.f32 v2, v4;
	v5 =	vadd.f32 v3, v5;
	v13 =	vld [tilespmem:s16+$0x1AA50]  }
0x2d0: {  	v10 =	vadd.f32 v12, v10;
	v2 =	vld [tilespmem:s16+$0x1A9C0];
	v9 =	vadd.f32 v8, v9  }
0x2d1: {  	v8 =	vadd.f32 v0, v4;
	v11 =	vadd.f32 v1, v5;
	v3 =	vld [tilespmem:s16+$0x1A9D0]  }
0x2d2: {  	v10 =	vadd.f32 v14, v10;
	v4 =	vld [tilespmem:s16+$0x1A940];
	v9 =	vadd.f32 v6, v9  }
0x2d3: {  	v5 =	vld [tilespmem:s16+$0x1A950];
	v0 =	vmov v7  }
.Ltmp13:
0x2d4: {  	v6 =	vld [tilespmem:s16+$0x1A8C0];
	v1 =	vmov v13;
	(pc) =	sbr.rel @p1 .LBB2_29-.Ltmp13, $4  }
0x2d5: {  	v7 =	vld [tilespmem:s16+$0x1A8D0]  }
0x2d6: {  	v13 =	vld [tilespmem:s16+$0x1A840]  }
0x2d7: {  	v14 =	vld [tilespmem:s16+$0x1A850]  }
0x2d8: {  	s17 =	sadd.s32 $0xA00, s17;
	v12 =	vld [tilespmem:s16+$0x1A860]  }
0x2d9: {  	v15 =	vld [tilespmem:s16+$0x1A870]  }
0x2da: {  	v16 =	vld [tilespmem:s16+$0x1A8E0]  }
0x2db: {  	v17 =	vld [tilespmem:s16+$0x1A8F0];
	v8 =	vadd.f32 v13, v8  }
0x2dc: {  	v13 =	vld [tilespmem:s16+$0x1A960];
	v11 =	vadd.f32 v14, v11  }
0x2dd: {  	v14 =	vld [tilespmem:s16+$0x1A970];
	v10 =	vadd.f32 v12, v10;
	v6 =	vadd.f32 v6, v8  }
0x2de: {  	v8 =	vadd.f32 v15, v9;
	v9 =	vld [tilespmem:s16+$0x1A9E0];
	v7 =	vadd.f32 v7, v11  }
0x2df: {  	v11 =	vld [tilespmem:s16+$0x1A9F0];
	v10 =	vadd.f32 v16, v10;
	v4 =	vadd.f32 v4, v6  }
0x2e0: {  	v6 =	vadd.f32 v17, v8;
	v8 =	vld [tilespmem:s16+$0x1AA60];
	v5 =	vadd.f32 v5, v7  }
0x2e1: {  	v7 =	vld [tilespmem:s16+$0x1AA70];
	v10 =	vadd.f32 v13, v10;
	v2 =	vadd.f32 v2, v4  }
0x2e2: {  	v4 =	vadd.f32 v14, v6;
	v3 =	vadd.f32 v3, v5  }
0x2e3: {  	v5 =	vadd.f32 v9, v10;
	v0 =	vadd.f32 v0, v2  }
0x2e4: {  	v2 =	vadd.f32 v11, v4;
	v1 =	vadd.f32 v1, v3  }
0x2e5: {  	v3 =	vadd.f32 v8, v5;
	v0 =	vmul.f32 $1.999999960e-02, v0  }
0x2e6: {  	v2 =	vadd.f32 v7, v2;
	v1 =	vmul.f32 $1.999999960e-02, v1  }
0x2e7: {  	[tilespmem:s14+$0x1E340] =	vst v0;
	v0 =	vmul.f32 $1.999999960e-02, v3  }
0x2e8: {  	[tilespmem:s14+$0x1E350] =	vst v1;
	v1 =	vmul.f32 $1.999999960e-02, v2  }
0x2e9: {  	[tilespmem:s14+$0x1E360] =	vst v0  }
0x2ea: {  	s17 =	simm.s32 @!p0 $0x32;
	s18 =	simm.s32 @!p0 $0x1A800;
	s16 =	sadd.s32 @!p0 $0x700, s15;
	[tilespmem:s14+$0x1E370] =	vst v1  }
0x2eb: {  	[tilespmem:s18], [sflag:$0x7] =	stream.indirect.gather @!p0 [hbm4b:s2+s17], $0x80, s16, s17, $0xb8;
	[tilespmem:$0x1F000] =	vst v63  }
0x2ec: {  	_ =	swait.ge [sflag:s0], $0x1900  }
0x2ed: {  	[sflag:s0] =	ssyncset.done $0x0  }
0x2ee: {  	s16 =	simm.s32 $0x0;
	[sflag:s0] =	ssyncadd.s32 $0xFFFFE700  }
0x2ef: {  	v0 =	vld [tilespmem:s16+$0x1C600]  }
0x2f0: {  	v1 =	vld [tilespmem:s16+$0x1C610]  }
0x2f1: {  	v2 =	vld [tilespmem:s16+$0x1C580]  }
0x2f2: {  	v3 =	vld [tilespmem:s16+$0x1C590]  }
0x2f3: {  	v4 =	vld [tilespmem:s16+$0x1C500]  }
0x2f4: {  	v5 =	vld [tilespmem:s16+$0x1C510]  }
0x2f5: {  	v6 =	vld [tilespmem:s16+$0x1C480]  }
0x2f6: {  	v7 =	vld [tilespmem:s16+$0x1C490]  }
0x2f7: {  	v13 =	vld [tilespmem:s16+$0x1C400]  }
0x2f8: {  	v10 =	vimm.f32 $0.0e+00;
	v14 =	vld [tilespmem:s16+$0x1C410]  }
0x2f9: {  	v9 =	vimm.f32 $0.0e+00;
	v11 =	vimm.f32 $0.0e+00;
	v8 =	vimm.f32 $0.0e+00;
	s17 =	simm.s32 $0xA00;
	v12 =	vld [tilespmem:s16+$0x1C420]  }
.LBB2_31:
0x2fa: {  	p1 =	sne.s32 s17, $0x5A00;
	v15 =	vld [tilespmem:s16+$0x1C430]  }
0x2fb: {  	v16 =	vld [tilespmem:s16+$0x1C4A0]  }
0x2fc: {  	v17 =	vld [tilespmem:s16+$0x1C4B0]  }
0x2fd: {  	v18 =	vld [tilespmem:s16+$0x1C520]  }
0x2fe: {  	v8 =	vadd.f32 v13, v8;
	v11 =	vadd.f32 v14, v11;
	v13 =	vld [tilespmem:s16+$0x1C530]  }
0x2ff: {  	v10 =	vadd.f32 v12, v10;
	v9 =	vadd.f32 v15, v9;
	v12 =	vld [tilespmem:s16+$0x1C5A0]  }
0x300: {  	v6 =	vadd.f32 v6, v8;
	v7 =	vadd.f32 v7, v11;
	v8 =	vld [tilespmem:s16+$0x1C5B0]  }
0x301: {  	v10 =	vadd.f32 v16, v10;
	v9 =	vadd.f32 v17, v9;
	v14 =	vld [tilespmem:s16+$0x1C620]  }
0x302: {  	v4 =	vadd.f32 v4, v6;
	v5 =	vadd.f32 v5, v7;
	v6 =	vld [tilespmem:s16+$0x1C630];
	s16 =	sshra.s32 s17, $0x2  }
0x303: {  	v10 =	vadd.f32 v18, v10;
	v7 =	vld [tilespmem:s16+$0x1C600];
	v9 =	vadd.f32 v13, v9  }
0x304: {  	v4 =	vadd.f32 v2, v4;
	v5 =	vadd.f32 v3, v5;
	v13 =	vld [tilespmem:s16+$0x1C610]  }
0x305: {  	v10 =	vadd.f32 v12, v10;
	v2 =	vld [tilespmem:s16+$0x1C580];
	v9 =	vadd.f32 v8, v9  }
0x306: {  	v8 =	vadd.f32 v0, v4;
	v11 =	vadd.f32 v1, v5;
	v3 =	vld [tilespmem:s16+$0x1C590]  }
0x307: {  	v10 =	vadd.f32 v14, v10;
	v4 =	vld [tilespmem:s16+$0x1C500];
	v9 =	vadd.f32 v6, v9  }
0x308: {  	v5 =	vld [tilespmem:s16+$0x1C510];
	v0 =	vmov v7  }
.Ltmp14:
0x309: {  	v6 =	vld [tilespmem:s16+$0x1C480];
	v1 =	vmov v13;
	(pc) =	sbr.rel @p1 .LBB2_31-.Ltmp14, $4  }
0x30a: {  	v7 =	vld [tilespmem:s16+$0x1C490]  }
0x30b: {  	v13 =	vld [tilespmem:s16+$0x1C400]  }
0x30c: {  	v14 =	vld [tilespmem:s16+$0x1C410]  }
0x30d: {  	s17 =	sadd.s32 $0xA00, s17;
	v12 =	vld [tilespmem:s16+$0x1C420]  }
0x30e: {  	v15 =	vld [tilespmem:s16+$0x1C430]  }
0x30f: {  	v16 =	vld [tilespmem:s16+$0x1C4A0]  }
0x310: {  	v17 =	vld [tilespmem:s16+$0x1C4B0];
	v8 =	vadd.f32 v13, v8  }
0x311: {  	v13 =	vld [tilespmem:s16+$0x1C520];
	v11 =	vadd.f32 v14, v11  }
0x312: {  	v14 =	vld [tilespmem:s16+$0x1C530];
	v10 =	vadd.f32 v12, v10;
	v6 =	vadd.f32 v6, v8  }
0x313: {  	v8 =	vadd.f32 v15, v9;
	v9 =	vld [tilespmem:s16+$0x1C5A0];
	v7 =	vadd.f32 v7, v11  }
0x314: {  	v11 =	vld [tilespmem:s16+$0x1C5B0];
	v10 =	vadd.f32 v16, v10;
	v4 =	vadd.f32 v4, v6  }
0x315: {  	v6 =	vadd.f32 v17, v8;
	v8 =	vld [tilespmem:s16+$0x1C620];
	v5 =	vadd.f32 v5, v7  }
0x316: {  	v7 =	vld [tilespmem:s16+$0x1C630];
	v10 =	vadd.f32 v13, v10;
	v2 =	vadd.f32 v2, v4  }
0x317: {  	v4 =	vadd.f32 v14, v6;
	v3 =	vadd.f32 v3, v5  }
0x318: {  	v5 =	vadd.f32 v9, v10;
	v0 =	vadd.f32 v0, v2  }
0x319: {  	v2 =	vadd.f32 v11, v4;
	v1 =	vadd.f32 v1, v3  }
0x31a: {  	v3 =	vadd.f32 v8, v5;
	v0 =	vmul.f32 $1.999999960e-02, v0  }
0x31b: {  	v2 =	vadd.f32 v7, v2;
	v1 =	vmul.f32 $1.999999960e-02, v1  }
0x31c: {  	[tilespmem:s14+$0x1E380] =	vst v0;
	v0 =	vmul.f32 $1.999999960e-02, v3  }
0x31d: {  	[tilespmem:s14+$0x1E390] =	vst v1;
	v1 =	vmul.f32 $1.999999960e-02, v2  }
0x31e: {  	[tilespmem:s14+$0x1E3A0] =	vst v0  }
0x31f: {  	s16 =	simm.s32 $0x0;
	[tilespmem:s14+$0x1E3B0] =	vst v1  }
0x320: {  	v0 =	vld [tilespmem:s16+$0x1C640]  }
0x321: {  	v1 =	vld [tilespmem:s16+$0x1C650]  }
0x322: {  	v2 =	vld [tilespmem:s16+$0x1C5C0]  }
0x323: {  	v3 =	vld [tilespmem:s16+$0x1C5D0]  }
0x324: {  	v4 =	vld [tilespmem:s16+$0x1C540]  }
0x325: {  	v5 =	vld [tilespmem:s16+$0x1C550]  }
0x326: {  	v6 =	vld [tilespmem:s16+$0x1C4C0]  }
0x327: {  	v7 =	vld [tilespmem:s16+$0x1C4D0]  }
0x328: {  	v13 =	vld [tilespmem:s16+$0x1C440]  }
0x329: {  	v10 =	vimm.f32 $0.0e+00;
	v14 =	vld [tilespmem:s16+$0x1C450]  }
0x32a: {  	s17 =	simm.s32 $0xA00;
	v9 =	vimm.f32 $0.0e+00;
	v11 =	vimm.f32 $0.0e+00;
	v8 =	vimm.f32 $0.0e+00;
	v12 =	vld [tilespmem:s16+$0x1C460]  }
.LBB2_33:
0x32b: {  	p1 =	sne.s32 s17, $0x5A00;
	v15 =	vld [tilespmem:s16+$0x1C470]  }
0x32c: {  	v16 =	vld [tilespmem:s16+$0x1C4E0]  }
0x32d: {  	v17 =	vld [tilespmem:s16+$0x1C4F0]  }
0x32e: {  	v18 =	vld [tilespmem:s16+$0x1C560]  }
0x32f: {  	v8 =	vadd.f32 v13, v8;
	v11 =	vadd.f32 v14, v11;
	v13 =	vld [tilespmem:s16+$0x1C570]  }
0x330: {  	v10 =	vadd.f32 v12, v10;
	v9 =	vadd.f32 v15, v9;
	v12 =	vld [tilespmem:s16+$0x1C5E0]  }
0x331: {  	v6 =	vadd.f32 v6, v8;
	v7 =	vadd.f32 v7, v11;
	v8 =	vld [tilespmem:s16+$0x1C5F0]  }
0x332: {  	v10 =	vadd.f32 v16, v10;
	v9 =	vadd.f32 v17, v9;
	v14 =	vld [tilespmem:s16+$0x1C660]  }
0x333: {  	v4 =	vadd.f32 v4, v6;
	v5 =	vadd.f32 v5, v7;
	v6 =	vld [tilespmem:s16+$0x1C670];
	s16 =	sshra.s32 s17, $0x2  }
0x334: {  	v10 =	vadd.f32 v18, v10;
	v7 =	vld [tilespmem:s16+$0x1C640];
	v9 =	vadd.f32 v13, v9  }
0x335: {  	v4 =	vadd.f32 v2, v4;
	v5 =	vadd.f32 v3, v5;
	v13 =	vld [tilespmem:s16+$0x1C650]  }
0x336: {  	v10 =	vadd.f32 v12, v10;
	v2 =	vld [tilespmem:s16+$0x1C5C0];
	v9 =	vadd.f32 v8, v9  }
0x337: {  	v8 =	vadd.f32 v0, v4;
	v11 =	vadd.f32 v1, v5;
	v3 =	vld [tilespmem:s16+$0x1C5D0]  }
0x338: {  	v10 =	vadd.f32 v14, v10;
	v4 =	vld [tilespmem:s16+$0x1C540];
	v9 =	vadd.f32 v6, v9  }
0x339: {  	v5 =	vld [tilespmem:s16+$0x1C550];
	v0 =	vmov v7  }
.Ltmp15:
0x33a: {  	v6 =	vld [tilespmem:s16+$0x1C4C0];
	v1 =	vmov v13;
	(pc) =	sbr.rel @p1 .LBB2_33-.Ltmp15, $4  }
0x33b: {  	v7 =	vld [tilespmem:s16+$0x1C4D0]  }
0x33c: {  	v13 =	vld [tilespmem:s16+$0x1C440]  }
0x33d: {  	v14 =	vld [tilespmem:s16+$0x1C450]  }
0x33e: {  	s17 =	sadd.s32 $0xA00, s17;
	v12 =	vld [tilespmem:s16+$0x1C460]  }
0x33f: {  	v15 =	vld [tilespmem:s16+$0x1C470]  }
0x340: {  	v16 =	vld [tilespmem:s16+$0x1C4E0]  }
0x341: {  	v17 =	vld [tilespmem:s16+$0x1C4F0];
	v8 =	vadd.f32 v13, v8  }
0x342: {  	v50 =	vld [tilespmem:s16+$0x1C560];
	v11 =	vadd.f32 v14, v11  }
0x343: {  	v51 =	vld [tilespmem:s16+$0x1C570];
	v10 =	vadd.f32 v12, v10;
	v6 =	vadd.f32 v6, v8  }
0x344: {  	v53 =	vld [tilespmem:s16+$0x1C5E0];
	v52 =	vadd.f32 v15, v9;
	v7 =	vadd.f32 v7, v11  }
0x345: {  	v54 =	vld [tilespmem:s16+$0x1C5F0];
	v10 =	vadd.f32 v16, v10;
	v4 =	vadd.f32 v4, v6  }
0x346: {  	v56 =	vld [tilespmem:s16+$0x1C660];
	v55 =	vadd.f32 v17, v52;
	v5 =	vadd.f32 v5, v7  }
0x347: {  	v57 =	vld [tilespmem:s16+$0x1C670];
	v10 =	vadd.f32 v50, v10;
	v2 =	vadd.f32 v2, v4  }
0x348: {  	v58 =	vadd.f32 v51, v55;
	v3 =	vadd.f32 v3, v5  }
0x349: {  	v59 =	vadd.f32 v53, v10;
	v0 =	vadd.f32 v0, v2  }
0x34a: {  	v60 =	vadd.f32 v54, v58;
	v1 =	vadd.f32 v1, v3  }
0x34b: {  	v61 =	vadd.f32 v56, v59;
	v0 =	vmul.f32 $1.999999960e-02, v0  }
0x34c: {  	v2 =	vadd.f32 v57, v60;
	v1 =	vmul.f32 $1.999999960e-02, v1  }
0x34d: {  	[tilespmem:s14+$0x1E3C0] =	vst v0;
	v62 =	vmul.f32 $1.999999960e-02, v61  }
0x34e: {  	[tilespmem:s14+$0x1E3D0] =	vst v1;
	v63 =	vmul.f32 $1.999999960e-02, v2  }
0x34f: {  	[tilespmem:s14+$0x1E3E0] =	vst v62  }
0x350: {  	s16 =	simm.s32 @!p0 $0x1C400;
	[tilespmem:s14+$0x1E3F0] =	vst v63;
	s14 =	sadd.s32 @!p0 $0x780, s15;
	s15 =	simm.s32 @!p0 $0x32  }
0x351: {  	[tilespmem:s16], [sflag:$0x8] =	stream.indirect.gather @!p0 [hbm4b:s2+s15], $0x80, s14, s15, $0xb8;
	[tilespmem:$0x1F000] =	vst v63  }
0x352: {  	s14 =	sand.u32 @!p0 $0x3, s12  }
0x353: {  	p1 =	sne.s32 @!p0 s14, $0x3  }
0x354: {  	p0 =	por p0, !p1  }
0x355: {  	s13 =	sadd.s32 @p0 s7, s13  }
0x356: {  	s13 =	sshrl.u32 @p0 s13, $0x3  }
0x357: {  	s13 =	sadd.s32 @p0 s4, s13  }
0x358: {  	[hbm4b:s13+s3] =	stream.linear.scatter @p0 [tilespmem:s10], [sflag:$0x9], $0x1000, $0x38;
	[tilespmem:$0x1F000] =	vst v63  }
0x359: {  	_ =	swait.ge @p0 [sflag:s8], $0x1000  }
0x35a: {  	s12 =	sadd.s32 $0x1, s12;
	[sflag:s8] =	ssyncset.done @p0 $0x0  }
0x35b: {  	[sflag:s8] =	ssyncadd.s32 @p0 $0xFFFFF000;
	p0 =	sne.s32 s12, $0x40  }
.Ltmp16:
0x35c: {  	_ = 	snop;
	(pc) =	sbr.rel @p0 .LBB2_2-.Ltmp16, $1  }
0x35d: {  	_ =	sdelay $0x3  }
0x35e: {  	s11 =	sadd.s32 $0x1, s11  }
0x35f: {  	p0 =	sne.s32 s11, s6  }
.Ltmp17:
0x360: {  	_ = 	snop;
	(pc) =	sbr.rel @p0 .LBB2_1-.Ltmp17, $1  }
0x361: {  	_ =	sdelay $0x3  }
0x362: {  	_ =	sfence.sel $0x180000  }
0x363: {  	[bflag:$0x0] =	sbarrier.arrive $0xFFFF  }
0x364: {  	_ =	strace $0x90000047  }
0x365: {  	s0 =	stileid.u32;
	[bflag:$0x2] =	sbarrier.arrive $0xFFFF  }
0x366: {  	p0 =	sne.s32 s0, $0x0;
	s0 =	rddreg [dreg:$0x2]  }
0x367: {  	s0 =	sadd.s32 @!p0 $0x100000, s0  }
0x368: {  	[sflag:s0] =	ssyncadd.tile.s32 @!p0 $0x1;
	_ =	shalt  }
.Lfunc_end2:
_tile_overlayer_lowered:
.L_overlay_start_2:
0x369: {  	(tag) =	ssettag $0x2  }
0x36a: {  	s0 =	rddreg [dreg:$0x0];
	s2 =	stileid.u32  }
0x36b: {  	s1 =	rddreg [dreg:$0x1];
	p0 =	sne.s32 s2, $0x0  }
0x36c: {  	s3 =	rddreg [dreg:$0x2];
	[bflag:$0x3] =	sbarrier.arrive $0xFFFF;
	s2 =	simm.s32 @!p0 $0x1C09  }
0x36d: {  	[timem:s3], [sflag:s2] =	dma.local @!p0 [hbm:s0], s1  }
0x36e: {  	s0 =	simm.s32 @!p0 $0x9  }
0x36f: {  	_ =	swait.ge @!p0 [sflag:s0], s1  }
0x370: {  	s1 =	ssub.s32 @!p0 $0x0, s1;
	[sflag:s0] =	ssyncset.done @!p0 $0x0  }
0x371: {  	[sflag:s0] =	ssyncadd.s32 @!p0 s1  }
0x372: {  	[bflag:$0x3] =	sbarrier.arrive $0xFFFF  }
0x373: {  	_ =	shalt  }

</sc_bundles>
